<compile_context>
chip_gen: v7x
topology: tpu7x:2x2x1
jax: 0.10.2.dev20260603
libtpu: 0.0.44.dev20260713+nightly
codegen_flags: <defaults>
</compile_context>

<pallas_src>
import jax
import jax.numpy as jnp
from jax import lax
from jax.experimental import pallas as pl
from jax.experimental.pallas import tpu as pltpu
from jax.experimental.pallas import tpu_sc as plsc

D = 32
N = 1000000
B = 16384
LAM = 1e-5

NC = 2
NS = 16
NW = NC * NS
PER_W = B // NW
SUB = 64
NSUB = PER_W // SUB
IG = PER_W // 16

QB = 4096
NBLK = 62
QCAP = NBLK * QB
QSTART = (0, 62, 124, 183)
B1 = QSTART[1] * QB
B2 = QSTART[2] * QB
B3 = QSTART[3] * QB


def _tp_body(a0, a1, a2, a3, b0, b1, b2, b3, oa_ref, ob_ref):
    for q, xq in enumerate((a0, a1, a2, a3)):
        oa_ref[:, q * D:(q + 1) * D] = xq[...].T
    for q, xq in enumerate((b0, b1, b2, b3)):
        ob_ref[:, q * D:(q + 1) * D] = xq[...].T


def _tp_call(ta, tb):
    spec = [
        pl.BlockSpec((D, QB), lambda b, q=q: (0, QSTART[q] + b))
        for q in range(4)
    ]
    ospec = pl.BlockSpec((QB, 4 * D), lambda b: (b, 0))
    oshape = jax.ShapeDtypeStruct((QCAP, 4 * D), jnp.float32)
    return pl.pallas_call(
        _tp_body,
        grid=(NBLK,),
        in_specs=spec + spec,
        out_specs=[ospec, ospec],
        out_shape=[oshape, oshape],
    )(ta, ta, ta, ta, tb, tb, tb, tb)


def _rowoff(e):
    q1 = jnp.where(e >= B1, 1, 0)
    q2 = jnp.where(e >= B2, 1, 0)
    q3 = jnp.where(e >= B3, 1, 0)
    row = e - q1 * B1 - q2 * (B2 - B1) - q3 * (B3 - B2)
    off = (q1 + q2 + q3) * D
    return row, off


def _sc_body(h_hbm, r_hbm, pos_hbm, neg_hbm, tb_re, tb_im, rel_re, rel_im,
             part_out, l2_out,
             h_v, r_v, p_v, n_v,
             hrow, prow, nrow, hoff, poff, noff,
             hrb, hib, prb, pib, nrb, nib, rrb, rib,
             part_v, l2_v, sem):
    wid = lax.axis_index("s") * NC + lax.axis_index("c")
    base = wid * PER_W

    icps = [
        pltpu.async_copy(h_hbm.at[pl.ds(base, PER_W)], h_v, sem),
        pltpu.async_copy(r_hbm.at[pl.ds(base, PER_W)], r_v, sem),
        pltpu.async_copy(pos_hbm.at[pl.ds(base, PER_W)], p_v, sem),
        pltpu.async_copy(neg_hbm.at[pl.ds(base, PER_W)], n_v, sem),
    ]
    for cp in icps:
        cp.wait()

    def prep_body(g, carry):
        sl = pl.ds(g * 16, 16)
        row, off = _rowoff(h_v[sl])
        hrow[sl] = row
        hoff[sl] = off
        row, off = _rowoff(p_v[sl])
        prow[sl] = row
        poff[sl] = off
        row, off = _rowoff(n_v[sl])
        nrow[sl] = row
        noff[sl] = off
        return carry

    lax.fori_loop(0, IG, prep_body, 0)

    def subchunk_body(s, l2acc):
        sl = pl.ds(s * SUB, SUB)
        cps = [
            pltpu.async_copy(tb_re.at[hrow.at[sl]], hrb, sem),
            pltpu.async_copy(tb_im.at[hrow.at[sl]], hib, sem),
            pltpu.async_copy(rel_re.at[r_v.at[sl]], rrb, sem),
            pltpu.async_copy(rel_im.at[r_v.at[sl]], rib, sem),
            pltpu.async_copy(tb_re.at[prow.at[sl]], prb, sem),
            pltpu.async_copy(tb_im.at[prow.at[sl]], pib, sem),
            pltpu.async_copy(tb_re.at[nrow.at[sl]], nrb, sem),
            pltpu.async_copy(tb_im.at[nrow.at[sl]], nib, sem),
        ]
        for cp in cps:
            cp.wait()

        def group_body(g, l2a):
            i0 = s * SUB + g * 16
            hof = hoff[pl.ds(i0, 16)]
            pof = poff[pl.ds(i0, 16)]
            nof = noff[pl.ds(i0, 16)]
            for k in range(16):
                j = g * 16 + k
                ho = hof[k]
                po = pof[k]
                no = nof[k]
                h0 = hrb[j, pl.ds(ho, 16)]
                h1 = hrb[j, pl.ds(ho + 16, 16)]
                hi0 = hib[j, pl.ds(ho, 16)]
                hi1 = hib[j, pl.ds(ho + 16, 16)]
                r0 = rrb[j, pl.ds(0, 16)]
                r1 = rrb[j, pl.ds(16, 16)]
                ri0 = rib[j, pl.ds(0, 16)]
                ri1 = rib[j, pl.ds(16, 16)]
                p0 = prb[j, pl.ds(po, 16)]
                p1 = prb[j, pl.ds(po + 16, 16)]
                pi0 = pib[j, pl.ds(po, 16)]
                pi1 = pib[j, pl.ds(po + 16, 16)]
                n0 = nrb[j, pl.ds(no, 16)]
                n1 = nrb[j, pl.ds(no + 16, 16)]
                ni0 = nib[j, pl.ds(no, 16)]
                ni1 = nib[j, pl.ds(no + 16, 16)]
                a0 = h0 * r0 - hi0 * ri0
                b0 = hi0 * r0 + h0 * ri0
                a1 = h1 * r1 - hi1 * ri1
                b1 = hi1 * r1 + h1 * ri1
                part = (a0 * (n0 - p0) + b0 * (ni0 - pi0)
                        + a1 * (n1 - p1) + b1 * (ni1 - pi1))
                part_v[s * SUB + j, :] = part
                l2a = (l2a + h0 * h0 + h1 * h1 + hi0 * hi0 + hi1 * hi1
                       + r0 * r0 + r1 * r1 + ri0 * ri0 + ri1 * ri1
                       + p0 * p0 + p1 * p1 + pi0 * pi0 + pi1 * pi1
                       + n0 * n0 + n1 * n1 + ni0 * ni0 + ni1 * ni1)
            return l2a

        return lax.fori_loop(0, SUB // 16, group_body, l2acc)

    l2acc = lax.fori_loop(0, NSUB, subchunk_body, jnp.zeros((16,), jnp.float32))
    l2_v[...] = l2acc
    pltpu.sync_copy(part_v, part_out.at[pl.ds(base, PER_W)])
    pltpu.sync_copy(l2_v, l2_out.at[wid])


_sc_call = pl.kernel(
    _sc_body,
    mesh=plsc.VectorSubcoreMesh(core_axis_name="c", subcore_axis_name="s"),
    compiler_params=pltpu.CompilerParams(use_tc_tiling_on_sc=False),
    out_type=[
        jax.ShapeDtypeStruct((B, 16), jnp.float32),
        jax.ShapeDtypeStruct((NW, 16), jnp.float32),
    ],
    scratch_types=[
        pltpu.VMEM((PER_W,), jnp.int32),
        pltpu.VMEM((PER_W,), jnp.int32),
        pltpu.VMEM((PER_W,), jnp.int32),
        pltpu.VMEM((PER_W,), jnp.int32),
        pltpu.VMEM((PER_W,), jnp.int32),
        pltpu.VMEM((PER_W,), jnp.int32),
        pltpu.VMEM((PER_W,), jnp.int32),
        pltpu.VMEM((PER_W,), jnp.int32),
        pltpu.VMEM((PER_W,), jnp.int32),
        pltpu.VMEM((PER_W,), jnp.int32),
        pltpu.VMEM((SUB, 4 * D), jnp.float32),
        pltpu.VMEM((SUB, 4 * D), jnp.float32),
        pltpu.VMEM((SUB, 4 * D), jnp.float32),
        pltpu.VMEM((SUB, 4 * D), jnp.float32),
        pltpu.VMEM((SUB, 4 * D), jnp.float32),
        pltpu.VMEM((SUB, 4 * D), jnp.float32),
        pltpu.VMEM((SUB, D), jnp.float32),
        pltpu.VMEM((SUB, D), jnp.float32),
        pltpu.VMEM((PER_W, 16), jnp.float32),
        pltpu.VMEM((16,), jnp.float32),
        pltpu.SemaphoreType.DMA,
    ],
)


def _tc_body(part_ref, l2_ref, out_ref):
    x = part_ref[...]
    lane = lax.broadcasted_iota(jnp.int32, (128, 8), 0)
    col = lax.broadcasted_iota(jnp.int32, (128, 8), 1)
    m = jnp.where(lane // 16 == col, 1.0, 0.0)
    d = jax.lax.dot_general(x, m, (((1,), (0,)), ((), ())),
                            preferred_element_type=jnp.float32)
    nls = jnp.log1p(jnp.exp(-jnp.abs(d))) - jnp.minimum(d, 0.0)
    out_ref[0, 0] = jnp.sum(nls) / B + (LAM * 0.5 / B) * jnp.sum(l2_ref[...])


def kernel(h, r, pos_t, neg_t, ent_re, ent_im, rel_re, rel_im):
    tb_re, tb_im = _tp_call(ent_re.T, ent_im.T)
    part, l2p = _sc_call(h, r, pos_t, neg_t, tb_re, tb_im, rel_re, rel_im)
    loss = pl.pallas_call(
        _tc_body,
        out_shape=jax.ShapeDtypeStruct((1, 1), jnp.float32),
        out_specs=pl.BlockSpec(memory_space=pltpu.SMEM),
    )(part.reshape(B // 8, 128), l2p)
    return loss[0, 0]

# --- scband reference (transcript-rebuilt; emitter-appended) ---
"""Pipeline reference for scband-compl-ex-11304353923485 (READ-ONLY COPY).

The authoritative reference and input builder live on the scoring server;
editing this copy changes nothing except your own understanding.
"""

import jax, jax.numpy as jnp
import numpy as np

N_ENT = 1000000
N_REL = 1000
EMBED_DIM = 32
REL_DIM = 32
BATCH = 16384
KG_L2_LAMBDA = 1e-05


def _xavier_uniform(key, shape):
    fan_in, fan_out = shape[0], shape[1]
    limit = np.sqrt(6.0 / (fan_in + fan_out))
    return jax.random.uniform(key, shape, dtype=jnp.float32, minval=-limit, maxval=limit)


def _l2_loss_mean(x):
    return jnp.mean(jnp.sum(jnp.power(x, 2), axis=1) / 2.0)


def setup_inputs(seed: int = 0):
    key = jax.random.key(seed)
    ks = jax.random.split(key, 8)
    h = jax.random.randint(ks[0], (BATCH,), 0, N_ENT, dtype=jnp.int64 if jax.config.jax_enable_x64 else jnp.int32).astype(jnp.int32)
    r = jax.random.randint(ks[1], (BATCH,), 0, N_REL).astype(jnp.int32)
    pos_t = jax.random.randint(ks[2], (BATCH,), 0, N_ENT).astype(jnp.int32)
    neg_t = jax.random.randint(ks[3], (BATCH,), 0, N_ENT).astype(jnp.int32)
    ent_re = _xavier_uniform(ks[4], (N_ENT, EMBED_DIM))
    ent_im = _xavier_uniform(ks[5], (N_ENT, EMBED_DIM))
    rel_re = _xavier_uniform(ks[6], (N_REL, REL_DIM))
    rel_im = _xavier_uniform(ks[7], (N_REL, REL_DIM))
    return {"h": h, "r": r, "pos_t": pos_t, "neg_t": neg_t,
            "ent_re": ent_re, "ent_im": ent_im, "rel_re": rel_re, "rel_im": rel_im}


def _calculate_score(h_re, h_im, t_re, t_im, r_re, r_im):
    return jnp.sum(h_re * t_re * r_re + h_im * t_im * r_re + h_re * t_im * r_im - h_im * t_re * r_im, axis=-1)


def reference(h, r, pos_t, neg_t, ent_re, ent_im, rel_re, rel_im):
    r_re_embed = jnp.take(rel_re, r, axis=0)
    r_im_embed = jnp.take(rel_im, r, axis=0)
    head_re_embed = jnp.take(ent_re, h, axis=0)
    head_im_embed = jnp.take(ent_im, h, axis=0)
    tail_re_pos = jnp.take(ent_re, pos_t, axis=0)
    tail_im_pos = jnp.take(ent_im, pos_t, axis=0)
    tail_re_neg = jnp.take(ent_re, neg_t, axis=0)
    tail_im_neg = jnp.take(ent_im, neg_t, axis=0)
    pos_score = _calculate_score(head_re_embed, head_im_embed, tail_re_pos, tail_im_pos, r_re_embed, r_im_embed)
    neg_score = _calculate_score(head_re_embed, head_im_embed, tail_re_neg, tail_im_neg, r_re_embed, r_im_embed)
    triplet_loss = jnp.mean(-1.0 * jax.nn.log_sigmoid(neg_score - pos_score))
    l2_loss = (_l2_loss_mean(head_re_embed) + _l2_loss_mean(head_im_embed)
               + _l2_loss_mean(tail_re_pos) + _l2_loss_mean(tail_im_pos)
               + _l2_loss_mean(tail_re_neg) + _l2_loss_mean(tail_im_neg)
               + _l2_loss_mean(r_re_embed) + _l2_loss_mean(r_im_embed))
    loss = triplet_loss + KG_L2_LAMBDA * l2_loss
    return loss

if __name__ == "__main__":
    import jax
    _d = setup_inputs()
    print(jax.jit(kernel)(*tuple(_d.values())))

</pallas_src>

<mosaic_0001>
#map = affine_map<(d0, d1) -> (0)>
#map1 = affine_map<(d0, d1) -> (0, 0)>
module attributes {stable_mosaic.version = 14 : i64} {
  func.func @_sc_body(%arg0: i32, %arg1: i32, %arg2: memref<16384xi32, #tpu.memory_space<hbm>>, %arg3: memref<16384xi32, #tpu.memory_space<hbm>>, %arg4: memref<16384xi32, #tpu.memory_space<hbm>>, %arg5: memref<16384xi32, #tpu.memory_space<hbm>>, %arg6: memref<253952x128xf32, #tpu.memory_space<hbm>>, %arg7: memref<253952x128xf32, #tpu.memory_space<hbm>>, %arg8: memref<1000x32xf32, #tpu.memory_space<hbm>>, %arg9: memref<1000x32xf32, #tpu.memory_space<hbm>>, %arg10: memref<16384x16xf32, #tpu.memory_space<hbm>>, %arg11: memref<32x16xf32, #tpu.memory_space<hbm>>, %arg12: memref<512xi32, #tpu.memory_space<vmem>>, %arg13: memref<512xi32, #tpu.memory_space<vmem>>, %arg14: memref<512xi32, #tpu.memory_space<vmem>>, %arg15: memref<512xi32, #tpu.memory_space<vmem>>, %arg16: memref<512xi32, #tpu.memory_space<vmem>>, %arg17: memref<512xi32, #tpu.memory_space<vmem>>, %arg18: memref<512xi32, #tpu.memory_space<vmem>>, %arg19: memref<512xi32, #tpu.memory_space<vmem>>, %arg20: memref<512xi32, #tpu.memory_space<vmem>>, %arg21: memref<512xi32, #tpu.memory_space<vmem>>, %arg22: memref<64x128xf32, #tpu.memory_space<vmem>>, %arg23: memref<64x128xf32, #tpu.memory_space<vmem>>, %arg24: memref<64x128xf32, #tpu.memory_space<vmem>>, %arg25: memref<64x128xf32, #tpu.memory_space<vmem>>, %arg26: memref<64x128xf32, #tpu.memory_space<vmem>>, %arg27: memref<64x128xf32, #tpu.memory_space<vmem>>, %arg28: memref<64x32xf32, #tpu.memory_space<vmem>>, %arg29: memref<64x32xf32, #tpu.memory_space<vmem>>, %arg30: memref<512x16xf32, #tpu.memory_space<vmem>>, %arg31: memref<16xf32, #tpu.memory_space<vmem>>, %arg32: memref<!tpu.dma_semaphore, #tpu.memory_space<semaphore_mem>>) attributes {dimension_semantics = [#tpu.dimension_semantics<core_parallel>, #tpu.dimension_semantics<subcore_parallel>], iteration_bounds = array<i64: 2, 16>, scalar_prefetch = 0 : i64, scratch_operands = 21 : i64, tpu.core_type = #tpu.core_type<sc_vector_subcore>, window_params = [{transform_indices = #map}, {transform_indices = #map}, {transform_indices = #map}, {transform_indices = #map}, {transform_indices = #map1}, {transform_indices = #map1}, {transform_indices = #map1}, {transform_indices = #map1}, {transform_indices = #map1}, {transform_indices = #map1}]} {
    %mul3A = arith.constant 2 : i32
    %mul3A_0 = arith.muli %arg1, %mul3A : i32
    %add3A = arith.addi %mul3A_0, %arg0 : i32
    %mul3A_1 = arith.constant 512 : i32
    %mul3A_2 = arith.muli %add3A, %mul3A_1 : i32
    %dma_start3A = tpu.memref_slice %arg2[%mul3A_2] : memref<16384xi32, #tpu.memory_space<hbm>> -> memref<512xi32, #tpu.memory_space<hbm>>
    %dma_start3A_3 = tpu.memref_slice %arg2[%mul3A_2] : memref<16384xi32, #tpu.memory_space<hbm>> -> memref<512xi32, #tpu.memory_space<hbm>>
    tpu.enqueue_dma source(%dma_start3A_3 : memref<512xi32, #tpu.memory_space<hbm>>) target(%arg12 : memref<512xi32, #tpu.memory_space<vmem>>) target_semaphore(%arg32 : memref<!tpu.dma_semaphore, #tpu.memory_space<semaphore_mem>>)
    %dma_start3A_4 = tpu.memref_slice %arg3[%mul3A_2] : memref<16384xi32, #tpu.memory_space<hbm>> -> memref<512xi32, #tpu.memory_space<hbm>>
    %dma_start3A_5 = tpu.memref_slice %arg3[%mul3A_2] : memref<16384xi32, #tpu.memory_space<hbm>> -> memref<512xi32, #tpu.memory_space<hbm>>
    tpu.enqueue_dma source(%dma_start3A_5 : memref<512xi32, #tpu.memory_space<hbm>>) target(%arg13 : memref<512xi32, #tpu.memory_space<vmem>>) target_semaphore(%arg32 : memref<!tpu.dma_semaphore, #tpu.memory_space<semaphore_mem>>)
    %dma_start3A_6 = tpu.memref_slice %arg4[%mul3A_2] : memref<16384xi32, #tpu.memory_space<hbm>> -> memref<512xi32, #tpu.memory_space<hbm>>
    %dma_start3A_7 = tpu.memref_slice %arg4[%mul3A_2] : memref<16384xi32, #tpu.memory_space<hbm>> -> memref<512xi32, #tpu.memory_space<hbm>>
    tpu.enqueue_dma source(%dma_start3A_7 : memref<512xi32, #tpu.memory_space<hbm>>) target(%arg14 : memref<512xi32, #tpu.memory_space<vmem>>) target_semaphore(%arg32 : memref<!tpu.dma_semaphore, #tpu.memory_space<semaphore_mem>>)
    %dma_start3A_8 = tpu.memref_slice %arg5[%mul3A_2] : memref<16384xi32, #tpu.memory_space<hbm>> -> memref<512xi32, #tpu.memory_space<hbm>>
    %dma_start3A_9 = tpu.memref_slice %arg5[%mul3A_2] : memref<16384xi32, #tpu.memory_space<hbm>> -> memref<512xi32, #tpu.memory_space<hbm>>
    tpu.enqueue_dma source(%dma_start3A_9 : memref<512xi32, #tpu.memory_space<hbm>>) target(%arg15 : memref<512xi32, #tpu.memory_space<vmem>>) target_semaphore(%arg32 : memref<!tpu.dma_semaphore, #tpu.memory_space<semaphore_mem>>)
    %dma_wait3A = tpu.memref_slice %arg2[%mul3A_2] : memref<16384xi32, #tpu.memory_space<hbm>> -> memref<512xi32, #tpu.memory_space<hbm>>
    %dma_wait3A_10 = tpu.memref_slice %arg2[%mul3A_2] : memref<16384xi32, #tpu.memory_space<hbm>> -> memref<512xi32, #tpu.memory_space<hbm>>
    tpu.wait_dma2 semaphore(%arg32 : memref<!tpu.dma_semaphore, #tpu.memory_space<semaphore_mem>>) src(%dma_wait3A_10 : memref<512xi32, #tpu.memory_space<hbm>>) dst(%arg12 : memref<512xi32, #tpu.memory_space<vmem>>)
    %dma_wait3A_11 = tpu.memref_slice %arg3[%mul3A_2] : memref<16384xi32, #tpu.memory_space<hbm>> -> memref<512xi32, #tpu.memory_space<hbm>>
    %dma_wait3A_12 = tpu.memref_slice %arg3[%mul3A_2] : memref<16384xi32, #tpu.memory_space<hbm>> -> memref<512xi32, #tpu.memory_space<hbm>>
    tpu.wait_dma2 semaphore(%arg32 : memref<!tpu.dma_semaphore, #tpu.memory_space<semaphore_mem>>) src(%dma_wait3A_12 : memref<512xi32, #tpu.memory_space<hbm>>) dst(%arg13 : memref<512xi32, #tpu.memory_space<vmem>>)
    %dma_wait3A_13 = tpu.memref_slice %arg4[%mul3A_2] : memref<16384xi32, #tpu.memory_space<hbm>> -> memref<512xi32, #tpu.memory_space<hbm>>
    %dma_wait3A_14 = tpu.memref_slice %arg4[%mul3A_2] : memref<16384xi32, #tpu.memory_space<hbm>> -> memref<512xi32, #tpu.memory_space<hbm>>
    tpu.wait_dma2 semaphore(%arg32 : memref<!tpu.dma_semaphore, #tpu.memory_space<semaphore_mem>>) src(%dma_wait3A_14 : memref<512xi32, #tpu.memory_space<hbm>>) dst(%arg14 : memref<512xi32, #tpu.memory_space<vmem>>)
    %dma_wait3A_15 = tpu.memref_slice %arg5[%mul3A_2] : memref<16384xi32, #tpu.memory_space<hbm>> -> memref<512xi32, #tpu.memory_space<hbm>>
    %dma_wait3A_16 = tpu.memref_slice %arg5[%mul3A_2] : memref<16384xi32, #tpu.memory_space<hbm>> -> memref<512xi32, #tpu.memory_space<hbm>>
    tpu.wait_dma2 semaphore(%arg32 : memref<!tpu.dma_semaphore, #tpu.memory_space<semaphore_mem>>) src(%dma_wait3A_16 : memref<512xi32, #tpu.memory_space<hbm>>) dst(%arg15 : memref<512xi32, #tpu.memory_space<vmem>>)
    %scan3A = arith.constant 0 : i32
    %scan3A_17 = arith.constant 0 : i32
    %scan3A_18 = arith.constant 32 : i32
    %scan3A_19 = arith.addi %scan3A_17, %scan3A_18 : i32
    %scan3A_20 = arith.constant 1 : i32
    scf.for %scan3A_32 = %scan3A_17 to %scan3A_19 step %scan3A_20  : i32 {
      %mul3A_33 = arith.constant 16 : i32
      %mul3A_34 = arith.muli %scan3A_32, %mul3A_33 : i32
      %get3A = arith.index_cast %mul3A_34 : i32 to index
      %get3A_35 = tpu.vector_load %arg12[%get3A] {strides = array<i32>} : memref<512xi32, #tpu.memory_space<vmem>>, vector<16xi32>,
      %get3A_36 = vector.shape_cast %get3A_35 : vector<16xi32> to vector<16xi32>
      %ge3A = arith.constant 253952 : i32
      %ge3A_37 = vector.broadcast %ge3A : i32 to vector<16xi32>
      %ge3A_38 = arith.cmpi sge, %get3A_36, %ge3A_37 : vector<16xi32>
      %jit3A = arith.constant 1 : i32
      %jit3A_39 = arith.constant 0 : i32
      %broadcast_in_dim3A_40 = vector.broadcast %jit3A : i32 to vector<16xi32>
      %broadcast_in_dim3A_41 = vector.broadcast %jit3A_39 : i32 to vector<16xi32>
      %select_n3A = arith.select %ge3A_38, %broadcast_in_dim3A_40, %broadcast_in_dim3A_41 : vector<16xi1>, vector<16xi32>
      %ge3A_42 = arith.constant 507904 : i32
      %ge3A_43 = vector.broadcast %ge3A_42 : i32 to vector<16xi32>
      %ge3A_44 = arith.cmpi sge, %get3A_36, %ge3A_43 : vector<16xi32>
      %jit3A_45 = arith.constant 1 : i32
      %jit3A_46 = arith.constant 0 : i32
      %broadcast_in_dim3A_47 = vector.broadcast %jit3A_45 : i32 to vector<16xi32>
      %broadcast_in_dim3A_48 = vector.broadcast %jit3A_46 : i32 to vector<16xi32>
      %select_n3A_49 = arith.select %ge3A_44, %broadcast_in_dim3A_47, %broadcast_in_dim3A_48 : vector<16xi1>, vector<16xi32>
      %ge3A_50 = arith.constant 749568 : i32
      %ge3A_51 = vector.broadcast %ge3A_50 : i32 to vector<16xi32>
      %ge3A_52 = arith.cmpi sge, %get3A_36, %ge3A_51 : vector<16xi32>
      %jit3A_53 = arith.constant 1 : i32
      %jit3A_54 = arith.constant 0 : i32
      %broadcast_in_dim3A_55 = vector.broadcast %jit3A_53 : i32 to vector<16xi32>
      %broadcast_in_dim3A_56 = vector.broadcast %jit3A_54 : i32 to vector<16xi32>
      %select_n3A_57 = arith.select %ge3A_52, %broadcast_in_dim3A_55, %broadcast_in_dim3A_56 : vector<16xi1>, vector<16xi32>
      %mul3A_58 = arith.constant 253952 : i32
      %mul3A_59 = vector.broadcast %mul3A_58 : i32 to vector<16xi32>
      %mul3A_60 = arith.muli %select_n3A, %mul3A_59 : vector<16xi32>
      %sub3A = arith.subi %get3A_36, %mul3A_60 : vector<16xi32>
      %mul3A_61 = arith.constant 253952 : i32
      %mul3A_62 = vector.broadcast %mul3A_61 : i32 to vector<16xi32>
      %mul3A_63 = arith.muli %select_n3A_49, %mul3A_62 : vector<16xi32>
      %sub3A_64 = arith.subi %sub3A, %mul3A_63 : vector<16xi32>
      %mul3A_65 = arith.constant 241664 : i32
      %mul3A_66 = vector.broadcast %mul3A_65 : i32 to vector<16xi32>
      %mul3A_67 = arith.muli %select_n3A_57, %mul3A_66 : vector<16xi32>
      %sub3A_68 = arith.subi %sub3A_64, %mul3A_67 : vector<16xi32>
      %add3A_69 = arith.addi %select_n3A, %select_n3A_49 : vector<16xi32>
      %add3A_70 = arith.addi %add3A_69, %select_n3A_57 : vector<16xi32>
      %mul3A_71 = arith.constant 32 : i32
      %mul3A_72 = vector.broadcast %mul3A_71 : i32 to vector<16xi32>
      %mul3A_73 = arith.muli %add3A_70, %mul3A_72 : vector<16xi32>
      %swap3A_74 = arith.index_cast %mul3A_34 : i32 to index
      %swap3A_75 = tpu.vector_load %arg16[%swap3A_74] {strides = array<i32>} : memref<512xi32, #tpu.memory_space<vmem>>, vector<16xi32>,
      %swap3A_76 = vector.shape_cast %swap3A_75 : vector<16xi32> to vector<16xi32>
      %swap3A_77 = vector.shape_cast %sub3A_68 : vector<16xi32> to vector<16xi32>
      tpu.vector_store %arg16[%swap3A_74], %swap3A_77 {strides = array<i32>} : memref<512xi32, #tpu.memory_space<vmem>>, vector<16xi32>,
      %swap3A_78 = arith.index_cast %mul3A_34 : i32 to index
      %swap3A_79 = tpu.vector_load %arg19[%swap3A_78] {strides = array<i32>} : memref<512xi32, #tpu.memory_space<vmem>>, vector<16xi32>,
      %swap3A_80 = vector.shape_cast %swap3A_79 : vector<16xi32> to vector<16xi32>
      %swap3A_81 = vector.shape_cast %mul3A_73 : vector<16xi32> to vector<16xi32>
      tpu.vector_store %arg19[%swap3A_78], %swap3A_81 {strides = array<i32>} : memref<512xi32, #tpu.memory_space<vmem>>, vector<16xi32>,
      %get3A_82 = arith.index_cast %mul3A_34 : i32 to index
      %get3A_83 = tpu.vector_load %arg14[%get3A_82] {strides = array<i32>} : memref<512xi32, #tpu.memory_space<vmem>>, vector<16xi32>,
      %get3A_84 = vector.shape_cast %get3A_83 : vector<16xi32> to vector<16xi32>
      %ge3A_85 = arith.constant 253952 : i32
      %ge3A_86 = vector.broadcast %ge3A_85 : i32 to vector<16xi32>
      %ge3A_87 = arith.cmpi sge, %get3A_84, %ge3A_86 : vector<16xi32>
      %jit3A_88 = arith.constant 1 : i32
      %jit3A_89 = arith.constant 0 : i32
      %broadcast_in_dim3A_90 = vector.broadcast %jit3A_88 : i32 to vector<16xi32>
      %broadcast_in_dim3A_91 = vector.broadcast %jit3A_89 : i32 to vector<16xi32>
      %select_n3A_92 = arith.select %ge3A_87, %broadcast_in_dim3A_90, %broadcast_in_dim3A_91 : vector<16xi1>, vector<16xi32>
      %ge3A_93 = arith.constant 507904 : i32
      %ge3A_94 = vector.broadcast %ge3A_93 : i32 to vector<16xi32>
      %ge3A_95 = arith.cmpi sge, %get3A_84, %ge3A_94 : vector<16xi32>
      %jit3A_96 = arith.constant 1 : i32
      %jit3A_97 = arith.constant 0 : i32
      %broadcast_in_dim3A_98 = vector.broadcast %jit3A_96 : i32 to vector<16xi32>
      %broadcast_in_dim3A_99 = vector.broadcast %jit3A_97 : i32 to vector<16xi32>
      %select_n3A_100 = arith.select %ge3A_95, %broadcast_in_dim3A_98, %broadcast_in_dim3A_99 : vector<16xi1>, vector<16xi32>
      %ge3A_101 = arith.constant 749568 : i32
      %ge3A_102 = vector.broadcast %ge3A_101 : i32 to vector<16xi32>
      %ge3A_103 = arith.cmpi sge, %get3A_84, %ge3A_102 : vector<16xi32>
      %jit3A_104 = arith.constant 1 : i32
      %jit3A_105 = arith.constant 0 : i32
      %broadcast_in_dim3A_106 = vector.broadcast %jit3A_104 : i32 to vector<16xi32>
      %broadcast_in_dim3A_107 = vector.broadcast %jit3A_105 : i32 to vector<16xi32>
      %select_n3A_108 = arith.select %ge3A_103, %broadcast_in_dim3A_106, %broadcast_in_dim3A_107 : vector<16xi1>, vector<16xi32>
      %mul3A_109 = arith.constant 253952 : i32
      %mul3A_110 = vector.broadcast %mul3A_109 : i32 to vector<16xi32>
      %mul3A_111 = arith.muli %select_n3A_92, %mul3A_110 : vector<16xi32>
      %sub3A_112 = arith.subi %get3A_84, %mul3A_111 : vector<16xi32>
      %mul3A_113 = arith.constant 253952 : i32
      %mul3A_114 = vector.broadcast %mul3A_113 : i32 to vector<16xi32>
      %mul3A_115 = arith.muli %select_n3A_100, %mul3A_114 : vector<16xi32>
      %sub3A_116 = arith.subi %sub3A_112, %mul3A_115 : vector<16xi32>
      %mul3A_117 = arith.constant 241664 : i32
      %mul3A_118 = vector.broadcast %mul3A_117 : i32 to vector<16xi32>
      %mul3A_119 = arith.muli %select_n3A_108, %mul3A_118 : vector<16xi32>
      %sub3A_120 = arith.subi %sub3A_116, %mul3A_119 : vector<16xi32>
      %add3A_121 = arith.addi %select_n3A_92, %select_n3A_100 : vector<16xi32>
      %add3A_122 = arith.addi %add3A_121, %select_n3A_108 : vector<16xi32>
      %mul3A_123 = arith.constant 32 : i32
      %mul3A_124 = vector.broadcast %mul3A_123 : i32 to vector<16xi32>
      %mul3A_125 = arith.muli %add3A_122, %mul3A_124 : vector<16xi32>
      %swap3A_126 = arith.index_cast %mul3A_34 : i32 to index
      %swap3A_127 = tpu.vector_load %arg17[%swap3A_126] {strides = array<i32>} : memref<512xi32, #tpu.memory_space<vmem>>, vector<16xi32>,
      %swap3A_128 = vector.shape_cast %swap3A_127 : vector<16xi32> to vector<16xi32>
      %swap3A_129 = vector.shape_cast %sub3A_120 : vector<16xi32> to vector<16xi32>
      tpu.vector_store %arg17[%swap3A_126], %swap3A_129 {strides = array<i32>} : memref<512xi32, #tpu.memory_space<vmem>>, vector<16xi32>,
      %swap3A_130 = arith.index_cast %mul3A_34 : i32 to index
      %swap3A_131 = tpu.vector_load %arg20[%swap3A_130] {strides = array<i32>} : memref<512xi32, #tpu.memory_space<vmem>>, vector<16xi32>,
      %swap3A_132 = vector.shape_cast %swap3A_131 : vector<16xi32> to vector<16xi32>
      %swap3A_133 = vector.shape_cast %mul3A_125 : vector<16xi32> to vector<16xi32>
      tpu.vector_store %arg20[%swap3A_130], %swap3A_133 {strides = array<i32>} : memref<512xi32, #tpu.memory_space<vmem>>, vector<16xi32>,
      %get3A_134 = arith.index_cast %mul3A_34 : i32 to index
      %get3A_135 = tpu.vector_load %arg15[%get3A_134] {strides = array<i32>} : memref<512xi32, #tpu.memory_space<vmem>>, vector<16xi32>,
      %get3A_136 = vector.shape_cast %get3A_135 : vector<16xi32> to vector<16xi32>
      %ge3A_137 = arith.constant 253952 : i32
      %ge3A_138 = vector.broadcast %ge3A_137 : i32 to vector<16xi32>
      %ge3A_139 = arith.cmpi sge, %get3A_136, %ge3A_138 : vector<16xi32>
      %jit3A_140 = arith.constant 1 : i32
      %jit3A_141 = arith.constant 0 : i32
      %broadcast_in_dim3A_142 = vector.broadcast %jit3A_140 : i32 to vector<16xi32>
      %broadcast_in_dim3A_143 = vector.broadcast %jit3A_141 : i32 to vector<16xi32>
      %select_n3A_144 = arith.select %ge3A_139, %broadcast_in_dim3A_142, %broadcast_in_dim3A_143 : vector<16xi1>, vector<16xi32>
      %ge3A_145 = arith.constant 507904 : i32
      %ge3A_146 = vector.broadcast %ge3A_145 : i32 to vector<16xi32>
      %ge3A_147 = arith.cmpi sge, %get3A_136, %ge3A_146 : vector<16xi32>
      %jit3A_148 = arith.constant 1 : i32
      %jit3A_149 = arith.constant 0 : i32
      %broadcast_in_dim3A_150 = vector.broadcast %jit3A_148 : i32 to vector<16xi32>
      %broadcast_in_dim3A_151 = vector.broadcast %jit3A_149 : i32 to vector<16xi32>
      %select_n3A_152 = arith.select %ge3A_147, %broadcast_in_dim3A_150, %broadcast_in_dim3A_151 : vector<16xi1>, vector<16xi32>
      %ge3A_153 = arith.constant 749568 : i32
      %ge3A_154 = vector.broadcast %ge3A_153 : i32 to vector<16xi32>
      %ge3A_155 = arith.cmpi sge, %get3A_136, %ge3A_154 : vector<16xi32>
      %jit3A_156 = arith.constant 1 : i32
      %jit3A_157 = arith.constant 0 : i32
      %broadcast_in_dim3A_158 = vector.broadcast %jit3A_156 : i32 to vector<16xi32>
      %broadcast_in_dim3A_159 = vector.broadcast %jit3A_157 : i32 to vector<16xi32>
      %select_n3A_160 = arith.select %ge3A_155, %broadcast_in_dim3A_158, %broadcast_in_dim3A_159 : vector<16xi1>, vector<16xi32>
      %mul3A_161 = arith.constant 253952 : i32
      %mul3A_162 = vector.broadcast %mul3A_161 : i32 to vector<16xi32>
      %mul3A_163 = arith.muli %select_n3A_144, %mul3A_162 : vector<16xi32>
      %sub3A_164 = arith.subi %get3A_136, %mul3A_163 : vector<16xi32>
      %mul3A_165 = arith.constant 253952 : i32
      %mul3A_166 = vector.broadcast %mul3A_165 : i32 to vector<16xi32>
      %mul3A_167 = arith.muli %select_n3A_152, %mul3A_166 : vector<16xi32>
      %sub3A_168 = arith.subi %sub3A_164, %mul3A_167 : vector<16xi32>
      %mul3A_169 = arith.constant 241664 : i32
      %mul3A_170 = vector.broadcast %mul3A_169 : i32 to vector<16xi32>
      %mul3A_171 = arith.muli %select_n3A_160, %mul3A_170 : vector<16xi32>
      %sub3A_172 = arith.subi %sub3A_168, %mul3A_171 : vector<16xi32>
      %add3A_173 = arith.addi %select_n3A_144, %select_n3A_152 : vector<16xi32>
      %add3A_174 = arith.addi %add3A_173, %select_n3A_160 : vector<16xi32>
      %mul3A_175 = arith.constant 32 : i32
      %mul3A_176 = vector.broadcast %mul3A_175 : i32 to vector<16xi32>
      %mul3A_177 = arith.muli %add3A_174, %mul3A_176 : vector<16xi32>
      %swap3A_178 = arith.index_cast %mul3A_34 : i32 to index
      %swap3A_179 = tpu.vector_load %arg18[%swap3A_178] {strides = array<i32>} : memref<512xi32, #tpu.memory_space<vmem>>, vector<16xi32>,
      %swap3A_180 = vector.shape_cast %swap3A_179 : vector<16xi32> to vector<16xi32>
      %swap3A_181 = vector.shape_cast %sub3A_172 : vector<16xi32> to vector<16xi32>
      tpu.vector_store %arg18[%swap3A_178], %swap3A_181 {strides = array<i32>} : memref<512xi32, #tpu.memory_space<vmem>>, vector<16xi32>,
      %swap3A_182 = arith.index_cast %mul3A_34 : i32 to index
      %swap3A_183 = tpu.vector_load %arg21[%swap3A_182] {strides = array<i32>} : memref<512xi32, #tpu.memory_space<vmem>>, vector<16xi32>,
      %swap3A_184 = vector.shape_cast %swap3A_183 : vector<16xi32> to vector<16xi32>
      %swap3A_185 = vector.shape_cast %mul3A_177 : vector<16xi32> to vector<16xi32>
      tpu.vector_store %arg21[%swap3A_182], %swap3A_185 {strides = array<i32>} : memref<512xi32, #tpu.memory_space<vmem>>, vector<16xi32>,
    }
    %scan3A_21 = arith.constant 32 : i32
    %broadcast_in_dim3A = arith.constant 0.000000e+00 : f32
    %broadcast_in_dim3A_22 = vector.broadcast %broadcast_in_dim3A : f32 to vector<16xf32>
    %scan3A_23 = arith.constant 0 : i32
    %scan3A_24 = arith.constant 8 : i32
    %scan3A_25 = arith.addi %scan3A_23, %scan3A_24 : i32
    %scan3A_26 = arith.constant 1 : i32
    %scan3A_27 = scf.for %scan3A_32 = %scan3A_23 to %scan3A_25 step %scan3A_26 iter_args(%scan3A_33 = %broadcast_in_dim3A_22) -> (vector<16xf32>)  : i32 {
      %mul3A_34 = arith.constant 64 : i32
      %mul3A_35 = arith.muli %scan3A_32, %mul3A_34 : i32
      %dma_start3A_36 = tpu.memref_slice %arg16[%mul3A_35] : memref<512xi32, #tpu.memory_space<vmem>> -> memref<64xi32, #tpu.memory_space<vmem>>
      %dma_start3A_37 = arith.constant 0 : i32
      %dma_start3A_38 = arith.constant 0 : i32
      %dma_start3A_39 = tpu.memref_slice %arg6[%dma_start3A_37, %dma_start3A_38] : memref<253952x128xf32, #tpu.memory_space<hbm>> -> memref<253952x128xf32, #tpu.memory_space<hbm>>
      tpu.enqueue_indirect_dma source(%dma_start3A_39 : memref<253952x128xf32, #tpu.memory_space<hbm>>) target(%arg22 : memref<64x128xf32, #tpu.memory_space<vmem>>) offsets(%dma_start3A_36 : memref<64xi32, #tpu.memory_space<vmem>>) semaphore(%arg32 : memref<!tpu.dma_semaphore, #tpu.memory_space<semaphore_mem>>)
      %dma_start3A_40 = tpu.memref_slice %arg16[%mul3A_35] : memref<512xi32, #tpu.memory_space<vmem>> -> memref<64xi32, #tpu.memory_space<vmem>>
      %dma_start3A_41 = arith.constant 0 : i32
      %dma_start3A_42 = arith.constant 0 : i32
      %dma_start3A_43 = tpu.memref_slice %arg7[%dma_start3A_41, %dma_start3A_42] : memref<253952x128xf32, #tpu.memory_space<hbm>> -> memref<253952x128xf32, #tpu.memory_space<hbm>>
      tpu.enqueue_indirect_dma source(%dma_start3A_43 : memref<253952x128xf32, #tpu.memory_space<hbm>>) target(%arg23 : memref<64x128xf32, #tpu.memory_space<vmem>>) offsets(%dma_start3A_40 : memref<64xi32, #tpu.memory_space<vmem>>) semaphore(%arg32 : memref<!tpu.dma_semaphore, #tpu.memory_space<semaphore_mem>>)
      %dma_start3A_44 = tpu.memref_slice %arg13[%mul3A_35] : memref<512xi32, #tpu.memory_space<vmem>> -> memref<64xi32, #tpu.memory_space<vmem>>
      %dma_start3A_45 = arith.constant 0 : i32
      %dma_start3A_46 = arith.constant 0 : i32
      %dma_start3A_47 = tpu.memref_slice %arg8[%dma_start3A_45, %dma_start3A_46] : memref<1000x32xf32, #tpu.memory_space<hbm>> -> memref<1000x32xf32, #tpu.memory_space<hbm>>
      tpu.enqueue_indirect_dma source(%dma_start3A_47 : memref<1000x32xf32, #tpu.memory_space<hbm>>) target(%arg28 : memref<64x32xf32, #tpu.memory_space<vmem>>) offsets(%dma_start3A_44 : memref<64xi32, #tpu.memory_space<vmem>>) semaphore(%arg32 : memref<!tpu.dma_semaphore, #tpu.memory_space<semaphore_mem>>)
      %dma_start3A_48 = tpu.memref_slice %arg13[%mul3A_35] : memref<512xi32, #tpu.memory_space<vmem>> -> memref<64xi32, #tpu.memory_space<vmem>>
      %dma_start3A_49 = arith.constant 0 : i32
      %dma_start3A_50 = arith.constant 0 : i32
      %dma_start3A_51 = tpu.memref_slice %arg9[%dma_start3A_49, %dma_start3A_50] : memref<1000x32xf32, #tpu.memory_space<hbm>> -> memref<1000x32xf32, #tpu.memory_space<hbm>>
      tpu.enqueue_indirect_dma source(%dma_start3A_51 : memref<1000x32xf32, #tpu.memory_space<hbm>>) target(%arg29 : memref<64x32xf32, #tpu.memory_space<vmem>>) offsets(%dma_start3A_48 : memref<64xi32, #tpu.memory_space<vmem>>) semaphore(%arg32 : memref<!tpu.dma_semaphore, #tpu.memory_space<semaphore_mem>>)
      %dma_start3A_52 = tpu.memref_slice %arg17[%mul3A_35] : memref<512xi32, #tpu.memory_space<vmem>> -> memref<64xi32, #tpu.memory_space<vmem>>
      %dma_start3A_53 = arith.constant 0 : i32
      %dma_start3A_54 = arith.constant 0 : i32
      %dma_start3A_55 = tpu.memref_slice %arg6[%dma_start3A_53, %dma_start3A_54] : memref<253952x128xf32, #tpu.memory_space<hbm>> -> memref<253952x128xf32, #tpu.memory_space<hbm>>
      tpu.enqueue_indirect_dma source(%dma_start3A_55 : memref<253952x128xf32, #tpu.memory_space<hbm>>) target(%arg24 : memref<64x128xf32, #tpu.memory_space<vmem>>) offsets(%dma_start3A_52 : memref<64xi32, #tpu.memory_space<vmem>>) semaphore(%arg32 : memref<!tpu.dma_semaphore, #tpu.memory_space<semaphore_mem>>)
      %dma_start3A_56 = tpu.memref_slice %arg17[%mul3A_35] : memref<512xi32, #tpu.memory_space<vmem>> -> memref<64xi32, #tpu.memory_space<vmem>>
      %dma_start3A_57 = arith.constant 0 : i32
      %dma_start3A_58 = arith.constant 0 : i32
      %dma_start3A_59 = tpu.memref_slice %arg7[%dma_start3A_57, %dma_start3A_58] : memref<253952x128xf32, #tpu.memory_space<hbm>> -> memref<253952x128xf32, #tpu.memory_space<hbm>>
      tpu.enqueue_indirect_dma source(%dma_start3A_59 : memref<253952x128xf32, #tpu.memory_space<hbm>>) target(%arg25 : memref<64x128xf32, #tpu.memory_space<vmem>>) offsets(%dma_start3A_56 : memref<64xi32, #tpu.memory_space<vmem>>) semaphore(%arg32 : memref<!tpu.dma_semaphore, #tpu.memory_space<semaphore_mem>>)
      %dma_start3A_60 = tpu.memref_slice %arg18[%mul3A_35] : memref<512xi32, #tpu.memory_space<vmem>> -> memref<64xi32, #tpu.memory_space<vmem>>
      %dma_start3A_61 = arith.constant 0 : i32
      %dma_start3A_62 = arith.constant 0 : i32
      %dma_start3A_63 = tpu.memref_slice %arg6[%dma_start3A_61, %dma_start3A_62] : memref<253952x128xf32, #tpu.memory_space<hbm>> -> memref<253952x128xf32, #tpu.memory_space<hbm>>
      tpu.enqueue_indirect_dma source(%dma_start3A_63 : memref<253952x128xf32, #tpu.memory_space<hbm>>) target(%arg26 : memref<64x128xf32, #tpu.memory_space<vmem>>) offsets(%dma_start3A_60 : memref<64xi32, #tpu.memory_space<vmem>>) semaphore(%arg32 : memref<!tpu.dma_semaphore, #tpu.memory_space<semaphore_mem>>)
      %dma_start3A_64 = tpu.memref_slice %arg18[%mul3A_35] : memref<512xi32, #tpu.memory_space<vmem>> -> memref<64xi32, #tpu.memory_space<vmem>>
      %dma_start3A_65 = arith.constant 0 : i32
      %dma_start3A_66 = arith.constant 0 : i32
      %dma_start3A_67 = tpu.memref_slice %arg7[%dma_start3A_65, %dma_start3A_66] : memref<253952x128xf32, #tpu.memory_space<hbm>> -> memref<253952x128xf32, #tpu.memory_space<hbm>>
      tpu.enqueue_indirect_dma source(%dma_start3A_67 : memref<253952x128xf32, #tpu.memory_space<hbm>>) target(%arg27 : memref<64x128xf32, #tpu.memory_space<vmem>>) offsets(%dma_start3A_64 : memref<64xi32, #tpu.memory_space<vmem>>) semaphore(%arg32 : memref<!tpu.dma_semaphore, #tpu.memory_space<semaphore_mem>>)
      %dma_wait3A_68 = tpu.memref_slice %arg16[%mul3A_35] : memref<512xi32, #tpu.memory_space<vmem>> -> memref<64xi32, #tpu.memory_space<vmem>>
      %dma_wait3A_69 = arith.constant 0 : i32
      %dma_wait3A_70 = arith.constant 0 : i32
      %dma_wait3A_71 = tpu.memref_slice %arg6[%dma_wait3A_69, %dma_wait3A_70] : memref<253952x128xf32, #tpu.memory_space<hbm>> -> memref<253952x128xf32, #tpu.memory_space<hbm>>
      tpu.wait_indirect_dma semaphore(%arg32 : memref<!tpu.dma_semaphore, #tpu.memory_space<semaphore_mem>>) src(%dma_wait3A_71 : memref<253952x128xf32, #tpu.memory_space<hbm>>) dst(%arg22 : memref<64x128xf32, #tpu.memory_space<vmem>>)
      %dma_wait3A_72 = tpu.memref_slice %arg16[%mul3A_35] : memref<512xi32, #tpu.memory_space<vmem>> -> memref<64xi32, #tpu.memory_space<vmem>>
      %dma_wait3A_73 = arith.constant 0 : i32
      %dma_wait3A_74 = arith.constant 0 : i32
      %dma_wait3A_75 = tpu.memref_slice %arg7[%dma_wait3A_73, %dma_wait3A_74] : memref<253952x128xf32, #tpu.memory_space<hbm>> -> memref<253952x128xf32, #tpu.memory_space<hbm>>
      tpu.wait_indirect_dma semaphore(%arg32 : memref<!tpu.dma_semaphore, #tpu.memory_space<semaphore_mem>>) src(%dma_wait3A_75 : memref<253952x128xf32, #tpu.memory_space<hbm>>) dst(%arg23 : memref<64x128xf32, #tpu.memory_space<vmem>>)
      %dma_wait3A_76 = tpu.memref_slice %arg13[%mul3A_35] : memref<512xi32, #tpu.memory_space<vmem>> -> memref<64xi32, #tpu.memory_space<vmem>>
      %dma_wait3A_77 = arith.constant 0 : i32
      %dma_wait3A_78 = arith.constant 0 : i32
      %dma_wait3A_79 = tpu.memref_slice %arg8[%dma_wait3A_77, %dma_wait3A_78] : memref<1000x32xf32, #tpu.memory_space<hbm>> -> memref<1000x32xf32, #tpu.memory_space<hbm>>
      tpu.wait_indirect_dma semaphore(%arg32 : memref<!tpu.dma_semaphore, #tpu.memory_space<semaphore_mem>>) src(%dma_wait3A_79 : memref<1000x32xf32, #tpu.memory_space<hbm>>) dst(%arg28 : memref<64x32xf32, #tpu.memory_space<vmem>>)
      %dma_wait3A_80 = tpu.memref_slice %arg13[%mul3A_35] : memref<512xi32, #tpu.memory_space<vmem>> -> memref<64xi32, #tpu.memory_space<vmem>>
      %dma_wait3A_81 = arith.constant 0 : i32
      %dma_wait3A_82 = arith.constant 0 : i32
      %dma_wait3A_83 = tpu.memref_slice %arg9[%dma_wait3A_81, %dma_wait3A_82] : memref<1000x32xf32, #tpu.memory_space<hbm>> -> memref<1000x32xf32, #tpu.memory_space<hbm>>
      tpu.wait_indirect_dma semaphore(%arg32 : memref<!tpu.dma_semaphore, #tpu.memory_space<semaphore_mem>>) src(%dma_wait3A_83 : memref<1000x32xf32, #tpu.memory_space<hbm>>) dst(%arg29 : memref<64x32xf32, #tpu.memory_space<vmem>>)
      %dma_wait3A_84 = tpu.memref_slice %arg17[%mul3A_35] : memref<512xi32, #tpu.memory_space<vmem>> -> memref<64xi32, #tpu.memory_space<vmem>>
      %dma_wait3A_85 = arith.constant 0 : i32
      %dma_wait3A_86 = arith.constant 0 : i32
      %dma_wait3A_87 = tpu.memref_slice %arg6[%dma_wait3A_85, %dma_wait3A_86] : memref<253952x128xf32, #tpu.memory_space<hbm>> -> memref<253952x128xf32, #tpu.memory_space<hbm>>
      tpu.wait_indirect_dma semaphore(%arg32 : memref<!tpu.dma_semaphore, #tpu.memory_space<semaphore_mem>>) src(%dma_wait3A_87 : memref<253952x128xf32, #tpu.memory_space<hbm>>) dst(%arg24 : memref<64x128xf32, #tpu.memory_space<vmem>>)
      %dma_wait3A_88 = tpu.memref_slice %arg17[%mul3A_35] : memref<512xi32, #tpu.memory_space<vmem>> -> memref<64xi32, #tpu.memory_space<vmem>>
      %dma_wait3A_89 = arith.constant 0 : i32
      %dma_wait3A_90 = arith.constant 0 : i32
      %dma_wait3A_91 = tpu.memref_slice %arg7[%dma_wait3A_89, %dma_wait3A_90] : memref<253952x128xf32, #tpu.memory_space<hbm>> -> memref<253952x128xf32, #tpu.memory_space<hbm>>
      tpu.wait_indirect_dma semaphore(%arg32 : memref<!tpu.dma_semaphore, #tpu.memory_space<semaphore_mem>>) src(%dma_wait3A_91 : memref<253952x128xf32, #tpu.memory_space<hbm>>) dst(%arg25 : memref<64x128xf32, #tpu.memory_space<vmem>>)
      %dma_wait3A_92 = tpu.memref_slice %arg18[%mul3A_35] : memref<512xi32, #tpu.memory_space<vmem>> -> memref<64xi32, #tpu.memory_space<vmem>>
      %dma_wait3A_93 = arith.constant 0 : i32
      %dma_wait3A_94 = arith.constant 0 : i32
      %dma_wait3A_95 = tpu.memref_slice %arg6[%dma_wait3A_93, %dma_wait3A_94] : memref<253952x128xf32, #tpu.memory_space<hbm>> -> memref<253952x128xf32, #tpu.memory_space<hbm>>
      tpu.wait_indirect_dma semaphore(%arg32 : memref<!tpu.dma_semaphore, #tpu.memory_space<semaphore_mem>>) src(%dma_wait3A_95 : memref<253952x128xf32, #tpu.memory_space<hbm>>) dst(%arg26 : memref<64x128xf32, #tpu.memory_space<vmem>>)
      %dma_wait3A_96 = tpu.memref_slice %arg18[%mul3A_35] : memref<512xi32, #tpu.memory_space<vmem>> -> memref<64xi32, #tpu.memory_space<vmem>>
      %dma_wait3A_97 = arith.constant 0 : i32
      %dma_wait3A_98 = arith.constant 0 : i32
      %dma_wait3A_99 = tpu.memref_slice %arg7[%dma_wait3A_97, %dma_wait3A_98] : memref<253952x128xf32, #tpu.memory_space<hbm>> -> memref<253952x128xf32, #tpu.memory_space<hbm>>
      tpu.wait_indirect_dma semaphore(%arg32 : memref<!tpu.dma_semaphore, #tpu.memory_space<semaphore_mem>>) src(%dma_wait3A_99 : memref<253952x128xf32, #tpu.memory_space<hbm>>) dst(%arg27 : memref<64x128xf32, #tpu.memory_space<vmem>>)
      %scan3A_100 = arith.constant 0 : i32
      %scan3A_101 = arith.constant 4 : i32
      %scan3A_102 = arith.addi %scan3A_100, %scan3A_101 : i32
      %scan3A_103 = arith.constant 1 : i32
      %scan3A_104 = scf.for %scan3A_106 = %scan3A_100 to %scan3A_102 step %scan3A_103 iter_args(%scan3A_107 = %scan3A_33) -> (vector<16xf32>)  : i32 {
        %mul3A_108 = arith.constant 64 : i32
        %mul3A_109 = arith.muli %scan3A_32, %mul3A_108 : i32
        %mul3A_110 = arith.constant 16 : i32
        %mul3A_111 = arith.muli %scan3A_106, %mul3A_110 : i32
        %add3A_112 = arith.addi %mul3A_109, %mul3A_111 : i32
        %get3A = arith.index_cast %add3A_112 : i32 to index
        %get3A_113 = tpu.vector_load %arg19[%get3A] {strides = array<i32>} : memref<512xi32, #tpu.memory_space<vmem>>, vector<16xi32>,
        %get3A_114 = vector.shape_cast %get3A_113 : vector<16xi32> to vector<16xi32>
        %get3A_115 = arith.index_cast %add3A_112 : i32 to index
        %get3A_116 = tpu.vector_load %arg20[%get3A_115] {strides = array<i32>} : memref<512xi32, #tpu.memory_space<vmem>>, vector<16xi32>,
        %get3A_117 = vector.shape_cast %get3A_116 : vector<16xi32> to vector<16xi32>
        %get3A_118 = arith.index_cast %add3A_112 : i32 to index
        %get3A_119 = tpu.vector_load %arg21[%get3A_118] {strides = array<i32>} : memref<512xi32, #tpu.memory_space<vmem>>, vector<16xi32>,
        %get3A_120 = vector.shape_cast %get3A_119 : vector<16xi32> to vector<16xi32>
        %mul3A_121 = arith.constant 16 : i32
        %mul3A_122 = arith.muli %scan3A_106, %mul3A_121 : i32
        %add3A_123 = arith.constant 0 : i32
        %add3A_124 = arith.addi %mul3A_122, %add3A_123 : i32
        %slice3A = vector.extract_strided_slice %get3A_114 {offsets = [0], sizes = [1], strides = [1]} : vector<16xi32> to vector<1xi32>
        %squeeze3A = vector.extract %slice3A[0] : i32 from vector<1xi32>
        %slice3A_125 = vector.extract_strided_slice %get3A_117 {offsets = [0], sizes = [1], strides = [1]} : vector<16xi32> to vector<1xi32>
        %squeeze3A_126 = vector.extract %slice3A_125[0] : i32 from vector<1xi32>
        %slice3A_127 = vector.extract_strided_slice %get3A_120 {offsets = [0], sizes = [1], strides = [1]} : vector<16xi32> to vector<1xi32>
        %squeeze3A_128 = vector.extract %slice3A_127[0] : i32 from vector<1xi32>
        %get3A_129 = arith.index_cast %add3A_124 : i32 to index
        %get3A_130 = arith.index_cast %squeeze3A : i32 to index
        %get3A_131 = tpu.vector_load %arg22[%get3A_129, %get3A_130] {strides = array<i32>} : memref<64x128xf32, #tpu.memory_space<vmem>>, vector<1x16xf32>,
        %get3A_132 = vector.shape_cast %get3A_131 : vector<1x16xf32> to vector<16xf32>
        %add3A_133 = arith.constant 16 : i32
        %add3A_134 = arith.addi %squeeze3A, %add3A_133 : i32
        %get3A_135 = arith.index_cast %add3A_124 : i32 to index
        %get3A_136 = arith.index_cast %add3A_134 : i32 to index
        %get3A_137 = tpu.vector_load %arg22[%get3A_135, %get3A_136] {strides = array<i32>} : memref<64x128xf32, #tpu.memory_space<vmem>>, vector<1x16xf32>,
        %get3A_138 = vector.shape_cast %get3A_137 : vector<1x16xf32> to vector<16xf32>
        %get3A_139 = arith.index_cast %add3A_124 : i32 to index
        %get3A_140 = arith.index_cast %squeeze3A : i32 to index
        %get3A_141 = tpu.vector_load %arg23[%get3A_139, %get3A_140] {strides = array<i32>} : memref<64x128xf32, #tpu.memory_space<vmem>>, vector<1x16xf32>,
        %get3A_142 = vector.shape_cast %get3A_141 : vector<1x16xf32> to vector<16xf32>
        %add3A_143 = arith.constant 16 : i32
        %add3A_144 = arith.addi %squeeze3A, %add3A_143 : i32
        %get3A_145 = arith.index_cast %add3A_124 : i32 to index
        %get3A_146 = arith.index_cast %add3A_144 : i32 to index
        %get3A_147 = tpu.vector_load %arg23[%get3A_145, %get3A_146] {strides = array<i32>} : memref<64x128xf32, #tpu.memory_space<vmem>>, vector<1x16xf32>,
        %get3A_148 = vector.shape_cast %get3A_147 : vector<1x16xf32> to vector<16xf32>
        %get3A_149 = arith.index_cast %add3A_124 : i32 to index
        %get3A_150 = arith.constant 0 : index
        %get3A_151 = tpu.vector_load %arg28[%get3A_149, %get3A_150] {strides = array<i32>} : memref<64x32xf32, #tpu.memory_space<vmem>>, vector<1x16xf32>,
        %get3A_152 = vector.shape_cast %get3A_151 : vector<1x16xf32> to vector<16xf32>
        %get3A_153 = arith.index_cast %add3A_124 : i32 to index
        %get3A_154 = arith.constant 16 : index
        %get3A_155 = tpu.vector_load %arg28[%get3A_153, %get3A_154] {strides = array<i32>} : memref<64x32xf32, #tpu.memory_space<vmem>>, vector<1x16xf32>,
        %get3A_156 = vector.shape_cast %get3A_155 : vector<1x16xf32> to vector<16xf32>
        %get3A_157 = arith.index_cast %add3A_124 : i32 to index
        %get3A_158 = arith.constant 0 : index
        %get3A_159 = tpu.vector_load %arg29[%get3A_157, %get3A_158] {strides = array<i32>} : memref<64x32xf32, #tpu.memory_space<vmem>>, vector<1x16xf32>,
        %get3A_160 = vector.shape_cast %get3A_159 : vector<1x16xf32> to vector<16xf32>
        %get3A_161 = arith.index_cast %add3A_124 : i32 to index
        %get3A_162 = arith.constant 16 : index
        %get3A_163 = tpu.vector_load %arg29[%get3A_161, %get3A_162] {strides = array<i32>} : memref<64x32xf32, #tpu.memory_space<vmem>>, vector<1x16xf32>,
        %get3A_164 = vector.shape_cast %get3A_163 : vector<1x16xf32> to vector<16xf32>
        %get3A_165 = arith.index_cast %add3A_124 : i32 to index
        %get3A_166 = arith.index_cast %squeeze3A_126 : i32 to index
        %get3A_167 = tpu.vector_load %arg24[%get3A_165, %get3A_166] {strides = array<i32>} : memref<64x128xf32, #tpu.memory_space<vmem>>, vector<1x16xf32>,
        %get3A_168 = vector.shape_cast %get3A_167 : vector<1x16xf32> to vector<16xf32>
        %add3A_169 = arith.constant 16 : i32
        %add3A_170 = arith.addi %squeeze3A_126, %add3A_169 : i32
        %get3A_171 = arith.index_cast %add3A_124 : i32 to index
        %get3A_172 = arith.index_cast %add3A_170 : i32 to index
        %get3A_173 = tpu.vector_load %arg24[%get3A_171, %get3A_172] {strides = array<i32>} : memref<64x128xf32, #tpu.memory_space<vmem>>, vector<1x16xf32>,
        %get3A_174 = vector.shape_cast %get3A_173 : vector<1x16xf32> to vector<16xf32>
        %get3A_175 = arith.index_cast %add3A_124 : i32 to index
        %get3A_176 = arith.index_cast %squeeze3A_126 : i32 to index
        %get3A_177 = tpu.vector_load %arg25[%get3A_175, %get3A_176] {strides = array<i32>} : memref<64x128xf32, #tpu.memory_space<vmem>>, vector<1x16xf32>,
        %get3A_178 = vector.shape_cast %get3A_177 : vector<1x16xf32> to vector<16xf32>
        %add3A_179 = arith.constant 16 : i32
        %add3A_180 = arith.addi %squeeze3A_126, %add3A_179 : i32
        %get3A_181 = arith.index_cast %add3A_124 : i32 to index
        %get3A_182 = arith.index_cast %add3A_180 : i32 to index
        %get3A_183 = tpu.vector_load %arg25[%get3A_181, %get3A_182] {strides = array<i32>} : memref<64x128xf32, #tpu.memory_space<vmem>>, vector<1x16xf32>,
        %get3A_184 = vector.shape_cast %get3A_183 : vector<1x16xf32> to vector<16xf32>
        %get3A_185 = arith.index_cast %add3A_124 : i32 to index
        %get3A_186 = arith.index_cast %squeeze3A_128 : i32 to index
        %get3A_187 = tpu.vector_load %arg26[%get3A_185, %get3A_186] {strides = array<i32>} : memref<64x128xf32, #tpu.memory_space<vmem>>, vector<1x16xf32>,
        %get3A_188 = vector.shape_cast %get3A_187 : vector<1x16xf32> to vector<16xf32>
        %add3A_189 = arith.constant 16 : i32
        %add3A_190 = arith.addi %squeeze3A_128, %add3A_189 : i32
        %get3A_191 = arith.index_cast %add3A_124 : i32 to index
        %get3A_192 = arith.index_cast %add3A_190 : i32 to index
        %get3A_193 = tpu.vector_load %arg26[%get3A_191, %get3A_192] {strides = array<i32>} : memref<64x128xf32, #tpu.memory_space<vmem>>, vector<1x16xf32>,
        %get3A_194 = vector.shape_cast %get3A_193 : vector<1x16xf32> to vector<16xf32>
        %get3A_195 = arith.index_cast %add3A_124 : i32 to index
        %get3A_196 = arith.index_cast %squeeze3A_128 : i32 to index
        %get3A_197 = tpu.vector_load %arg27[%get3A_195, %get3A_196] {strides = array<i32>} : memref<64x128xf32, #tpu.memory_space<vmem>>, vector<1x16xf32>,
        %get3A_198 = vector.shape_cast %get3A_197 : vector<1x16xf32> to vector<16xf32>
        %add3A_199 = arith.constant 16 : i32
        %add3A_200 = arith.addi %squeeze3A_128, %add3A_199 : i32
        %get3A_201 = arith.index_cast %add3A_124 : i32 to index
        %get3A_202 = arith.index_cast %add3A_200 : i32 to index
        %get3A_203 = tpu.vector_load %arg27[%get3A_201, %get3A_202] {strides = array<i32>} : memref<64x128xf32, #tpu.memory_space<vmem>>, vector<1x16xf32>,
        %get3A_204 = vector.shape_cast %get3A_203 : vector<1x16xf32> to vector<16xf32>
        %mul3A_205 = arith.mulf %get3A_132, %get3A_152 : vector<16xf32>
        %mul3A_206 = arith.mulf %get3A_142, %get3A_160 : vector<16xf32>
        %sub3A = arith.subf %mul3A_205, %mul3A_206 : vector<16xf32>
        %mul3A_207 = arith.mulf %get3A_142, %get3A_152 : vector<16xf32>
        %mul3A_208 = arith.mulf %get3A_132, %get3A_160 : vector<16xf32>
        %add3A_209 = arith.addf %mul3A_207, %mul3A_208 : vector<16xf32>
        %mul3A_210 = arith.mulf %get3A_138, %get3A_156 : vector<16xf32>
        %mul3A_211 = arith.mulf %get3A_148, %get3A_164 : vector<16xf32>
        %sub3A_212 = arith.subf %mul3A_210, %mul3A_211 : vector<16xf32>
        %mul3A_213 = arith.mulf %get3A_148, %get3A_156 : vector<16xf32>
        %mul3A_214 = arith.mulf %get3A_138, %get3A_164 : vector<16xf32>
        %add3A_215 = arith.addf %mul3A_213, %mul3A_214 : vector<16xf32>
        %sub3A_216 = arith.subf %get3A_188, %get3A_168 : vector<16xf32>
        %mul3A_217 = arith.mulf %sub3A, %sub3A_216 : vector<16xf32>
        %sub3A_218 = arith.subf %get3A_198, %get3A_178 : vector<16xf32>
        %mul3A_219 = arith.mulf %add3A_209, %sub3A_218 : vector<16xf32>
        %add3A_220 = arith.addf %mul3A_217, %mul3A_219 : vector<16xf32>
        %sub3A_221 = arith.subf %get3A_194, %get3A_174 : vector<16xf32>
        %mul3A_222 = arith.mulf %sub3A_212, %sub3A_221 : vector<16xf32>
        %add3A_223 = arith.addf %add3A_220, %mul3A_222 : vector<16xf32>
        %sub3A_224 = arith.subf %get3A_204, %get3A_184 : vector<16xf32>
        %mul3A_225 = arith.mulf %add3A_215, %sub3A_224 : vector<16xf32>
        %add3A_226 = arith.addf %add3A_223, %mul3A_225 : vector<16xf32>
        %mul3A_227 = arith.constant 64 : i32
        %mul3A_228 = arith.muli %scan3A_32, %mul3A_227 : i32
        %add3A_229 = arith.addi %mul3A_228, %add3A_124 : i32
        %swap3A_230 = arith.index_cast %add3A_229 : i32 to index
        %swap3A_231 = arith.constant 0 : index
        %swap3A_232 = tpu.vector_load %arg30[%swap3A_230, %swap3A_231] {strides = array<i32>} : memref<512x16xf32, #tpu.memory_space<vmem>>, vector<1x16xf32>,
        %swap3A_233 = vector.shape_cast %swap3A_232 : vector<1x16xf32> to vector<16xf32>
        %swap3A_234 = vector.shape_cast %add3A_226 : vector<16xf32> to vector<1x16xf32>
        tpu.vector_store %arg30[%swap3A_230, %swap3A_231], %swap3A_234 {strides = array<i32>} : memref<512x16xf32, #tpu.memory_space<vmem>>, vector<1x16xf32>,
        %mul3A_235 = arith.mulf %get3A_132, %get3A_132 : vector<16xf32>
        %add3A_236 = arith.addf %scan3A_107, %mul3A_235 : vector<16xf32>
        %mul3A_237 = arith.mulf %get3A_138, %get3A_138 : vector<16xf32>
        %add3A_238 = arith.addf %add3A_236, %mul3A_237 : vector<16xf32>
        %mul3A_239 = arith.mulf %get3A_142, %get3A_142 : vector<16xf32>
        %add3A_240 = arith.addf %add3A_238, %mul3A_239 : vector<16xf32>
        %mul3A_241 = arith.mulf %get3A_148, %get3A_148 : vector<16xf32>
        %add3A_242 = arith.addf %add3A_240, %mul3A_241 : vector<16xf32>
        %mul3A_243 = arith.mulf %get3A_152, %get3A_152 : vector<16xf32>
        %add3A_244 = arith.addf %add3A_242, %mul3A_243 : vector<16xf32>
        %mul3A_245 = arith.mulf %get3A_156, %get3A_156 : vector<16xf32>
        %add3A_246 = arith.addf %add3A_244, %mul3A_245 : vector<16xf32>
        %mul3A_247 = arith.mulf %get3A_160, %get3A_160 : vector<16xf32>
        %add3A_248 = arith.addf %add3A_246, %mul3A_247 : vector<16xf32>
        %mul3A_249 = arith.mulf %get3A_164, %get3A_164 : vector<16xf32>
        %add3A_250 = arith.addf %add3A_248, %mul3A_249 : vector<16xf32>
        %mul3A_251 = arith.mulf %get3A_168, %get3A_168 : vector<16xf32>
        %add3A_252 = arith.addf %add3A_250, %mul3A_251 : vector<16xf32>
        %mul3A_253 = arith.mulf %get3A_174, %get3A_174 : vector<16xf32>
        %add3A_254 = arith.addf %add3A_252, %mul3A_253 : vector<16xf32>
        %mul3A_255 = arith.mulf %get3A_178, %get3A_178 : vector<16xf32>
        %add3A_256 = arith.addf %add3A_254, %mul3A_255 : vector<16xf32>
        %mul3A_257 = arith.mulf %get3A_184, %get3A_184 : vector<16xf32>
        %add3A_258 = arith.addf %add3A_256, %mul3A_257 : vector<16xf32>
        %mul3A_259 = arith.mulf %get3A_188, %get3A_188 : vector<16xf32>
        %add3A_260 = arith.addf %add3A_258, %mul3A_259 : vector<16xf32>
        %mul3A_261 = arith.mulf %get3A_194, %get3A_194 : vector<16xf32>
        %add3A_262 = arith.addf %add3A_260, %mul3A_261 : vector<16xf32>
        %mul3A_263 = arith.mulf %get3A_198, %get3A_198 : vector<16xf32>
        %add3A_264 = arith.addf %add3A_262, %mul3A_263 : vector<16xf32>
        %mul3A_265 = arith.mulf %get3A_204, %get3A_204 : vector<16xf32>
        %add3A_266 = arith.addf %add3A_264, %mul3A_265 : vector<16xf32>
        %mul3A_267 = arith.constant 16 : i32
        %mul3A_268 = arith.muli %scan3A_106, %mul3A_267 : i32
        %add3A_269 = arith.constant 1 : i32
        %add3A_270 = arith.addi %mul3A_268, %add3A_269 : i32
        %slice3A_271 = vector.extract_strided_slice %get3A_114 {offsets = [1], sizes = [1], strides = [1]} : vector<16xi32> to vector<1xi32>
        %squeeze3A_272 = vector.extract %slice3A_271[0] : i32 from vector<1xi32>
        %slice3A_273 = vector.extract_strided_slice %get3A_117 {offsets = [1], sizes = [1], strides = [1]} : vector<16xi32> to vector<1xi32>
        %squeeze3A_274 = vector.extract %slice3A_273[0] : i32 from vector<1xi32>
        %slice3A_275 = vector.extract_strided_slice %get3A_120 {offsets = [1], sizes = [1], strides = [1]} : vector<16xi32> to vector<1xi32>
        %squeeze3A_276 = vector.extract %slice3A_275[0] : i32 from vector<1xi32>
        %get3A_277 = arith.index_cast %add3A_270 : i32 to index
        %get3A_278 = arith.index_cast %squeeze3A_272 : i32 to index
        %get3A_279 = tpu.vector_load %arg22[%get3A_277, %get3A_278] {strides = array<i32>} : memref<64x128xf32, #tpu.memory_space<vmem>>, vector<1x16xf32>,
        %get3A_280 = vector.shape_cast %get3A_279 : vector<1x16xf32> to vector<16xf32>
        %add3A_281 = arith.constant 16 : i32
        %add3A_282 = arith.addi %squeeze3A_272, %add3A_281 : i32
        %get3A_283 = arith.index_cast %add3A_270 : i32 to index
        %get3A_284 = arith.index_cast %add3A_282 : i32 to index
        %get3A_285 = tpu.vector_load %arg22[%get3A_283, %get3A_284] {strides = array<i32>} : memref<64x128xf32, #tpu.memory_space<vmem>>, vector<1x16xf32>,
        %get3A_286 = vector.shape_cast %get3A_285 : vector<1x16xf32> to vector<16xf32>
        %get3A_287 = arith.index_cast %add3A_270 : i32 to index
        %get3A_288 = arith.index_cast %squeeze3A_272 : i32 to index
        %get3A_289 = tpu.vector_load %arg23[%get3A_287, %get3A_288] {strides = array<i32>} : memref<64x128xf32, #tpu.memory_space<vmem>>, vector<1x16xf32>,
        %get3A_290 = vector.shape_cast %get3A_289 : vector<1x16xf32> to vector<16xf32>
        %add3A_291 = arith.constant 16 : i32
        %add3A_292 = arith.addi %squeeze3A_272, %add3A_291 : i32
        %get3A_293 = arith.index_cast %add3A_270 : i32 to index
        %get3A_294 = arith.index_cast %add3A_292 : i32 to index
        %get3A_295 = tpu.vector_load %arg23[%get3A_293, %get3A_294] {strides = array<i32>} : memref<64x128xf32, #tpu.memory_space<vmem>>, vector<1x16xf32>,
        %get3A_296 = vector.shape_cast %get3A_295 : vector<1x16xf32> to vector<16xf32>
        %get3A_297 = arith.index_cast %add3A_270 : i32 to index
        %get3A_298 = arith.constant 0 : index
        %get3A_299 = tpu.vector_load %arg28[%get3A_297, %get3A_298] {strides = array<i32>} : memref<64x32xf32, #tpu.memory_space<vmem>>, vector<1x16xf32>,
        %get3A_300 = vector.shape_cast %get3A_299 : vector<1x16xf32> to vector<16xf32>
        %get3A_301 = arith.index_cast %add3A_270 : i32 to index
        %get3A_302 = arith.constant 16 : index
        %get3A_303 = tpu.vector_load %arg28[%get3A_301, %get3A_302] {strides = array<i32>} : memref<64x32xf32, #tpu.memory_space<vmem>>, vector<1x16xf32>,
        %get3A_304 = vector.shape_cast %get3A_303 : vector<1x16xf32> to vector<16xf32>
        %get3A_305 = arith.index_cast %add3A_270 : i32 to index
        %get3A_306 = arith.constant 0 : index
        %get3A_307 = tpu.vector_load %arg29[%get3A_305, %get3A_306] {strides = array<i32>} : memref<64x32xf32, #tpu.memory_space<vmem>>, vector<1x16xf32>,
        %get3A_308 = vector.shape_cast %get3A_307 : vector<1x16xf32> to vector<16xf32>
        %get3A_309 = arith.index_cast %add3A_270 : i32 to index
        %get3A_310 = arith.constant 16 : index
        %get3A_311 = tpu.vector_load %arg29[%get3A_309, %get3A_310] {strides = array<i32>} : memref<64x32xf32, #tpu.memory_space<vmem>>, vector<1x16xf32>,
        %get3A_312 = vector.shape_cast %get3A_311 : vector<1x16xf32> to vector<16xf32>
        %get3A_313 = arith.index_cast %add3A_270 : i32 to index
        %get3A_314 = arith.index_cast %squeeze3A_274 : i32 to index
        %get3A_315 = tpu.vector_load %arg24[%get3A_313, %get3A_314] {strides = array<i32>} : memref<64x128xf32, #tpu.memory_space<vmem>>, vector<1x16xf32>,
        %get3A_316 = vector.shape_cast %get3A_315 : vector<1x16xf32> to vector<16xf32>
        %add3A_317 = arith.constant 16 : i32
        %add3A_318 = arith.addi %squeeze3A_274, %add3A_317 : i32
        %get3A_319 = arith.index_cast %add3A_270 : i32 to index
        %get3A_320 = arith.index_cast %add3A_318 : i32 to index
        %get3A_321 = tpu.vector_load %arg24[%get3A_319, %get3A_320] {strides = array<i32>} : memref<64x128xf32, #tpu.memory_space<vmem>>, vector<1x16xf32>,
        %get3A_322 = vector.shape_cast %get3A_321 : vector<1x16xf32> to vector<16xf32>
        %get3A_323 = arith.index_cast %add3A_270 : i32 to index
        %get3A_324 = arith.index_cast %squeeze3A_274 : i32 to index
        %get3A_325 = tpu.vector_load %arg25[%get3A_323, %get3A_324] {strides = array<i32>} : memref<64x128xf32, #tpu.memory_space<vmem>>, vector<1x16xf32>,
        %get3A_326 = vector.shape_cast %get3A_325 : vector<1x16xf32> to vector<16xf32>
        %add3A_327 = arith.constant 16 : i32
        %add3A_328 = arith.addi %squeeze3A_274, %add3A_327 : i32
        %get3A_329 = arith.index_cast %add3A_270 : i32 to index
        %get3A_330 = arith.index_cast %add3A_328 : i32 to index
        %get3A_331 = tpu.vector_load %arg25[%get3A_329, %get3A_330] {strides = array<i32>} : memref<64x128xf32, #tpu.memory_space<vmem>>, vector<1x16xf32>,
        %get3A_332 = vector.shape_cast %get3A_331 : vector<1x16xf32> to vector<16xf32>
        %get3A_333 = arith.index_cast %add3A_270 : i32 to index
        %get3A_334 = arith.index_cast %squeeze3A_276 : i32 to index
        %get3A_335 = tpu.vector_load %arg26[%get3A_333, %get3A_334] {strides = array<i32>} : memref<64x128xf32, #tpu.memory_space<vmem>>, vector<1x16xf32>,
        %get3A_336 = vector.shape_cast %get3A_335 : vector<1x16xf32> to vector<16xf32>
        %add3A_337 = arith.constant 16 : i32
        %add3A_338 = arith.addi %squeeze3A_276, %add3A_337 : i32
        %get3A_339 = arith.index_cast %add3A_270 : i32 to index
        %get3A_340 = arith.index_cast %add3A_338 : i32 to index
        %get3A_341 = tpu.vector_load %arg26[%get3A_339, %get3A_340] {strides = array<i32>} : memref<64x128xf32, #tpu.memory_space<vmem>>, vector<1x16xf32>,
        %get3A_342 = vector.shape_cast %get3A_341 : vector<1x16xf32> to vector<16xf32>
        %get3A_343 = arith.index_cast %add3A_270 : i32 to index
        %get3A_344 = arith.index_cast %squeeze3A_276 : i32 to index
        %get3A_345 = tpu.vector_load %arg27[%get3A_343, %get3A_344] {strides = array<i32>} : memref<64x128xf32, #tpu.memory_space<vmem>>, vector<1x16xf32>,
        %get3A_346 = vector.shape_cast %get3A_345 : vector<1x16xf32> to vector<16xf32>
        %add3A_347 = arith.constant 16 : i32
        %add3A_348 = arith.addi %squeeze3A_276, %add3A_347 : i32
        %get3A_349 = arith.index_cast %add3A_270 : i32 to index
        %get3A_350 = arith.index_cast %add3A_348 : i32 to index
        %get3A_351 = tpu.vector_load %arg27[%get3A_349, %get3A_350] {strides = array<i32>} : memref<64x128xf32, #tpu.memory_space<vmem>>, vector<1x16xf32>,
        %get3A_352 = vector.shape_cast %get3A_351 : vector<1x16xf32> to vector<16xf32>
        %mul3A_353 = arith.mulf %get3A_280, %get3A_300 : vector<16xf32>
        %mul3A_354 = arith.mulf %get3A_290, %get3A_308 : vector<16xf32>
        %sub3A_355 = arith.subf %mul3A_353, %mul3A_354 : vector<16xf32>
        %mul3A_356 = arith.mulf %get3A_290, %get3A_300 : vector<16xf32>
        %mul3A_357 = arith.mulf %get3A_280, %get3A_308 : vector<16xf32>
        %add3A_358 = arith.addf %mul3A_356, %mul3A_357 : vector<16xf32>
        %mul3A_359 = arith.mulf %get3A_286, %get3A_304 : vector<16xf32>
        %mul3A_360 = arith.mulf %get3A_296, %get3A_312 : vector<16xf32>
        %sub3A_361 = arith.subf %mul3A_359, %mul3A_360 : vector<16xf32>
        %mul3A_362 = arith.mulf %get3A_296, %get3A_304 : vector<16xf32>
        %mul3A_363 = arith.mulf %get3A_286, %get3A_312 : vector<16xf32>
        %add3A_364 = arith.addf %mul3A_362, %mul3A_363 : vector<16xf32>
        %sub3A_365 = arith.subf %get3A_336, %get3A_316 : vector<16xf32>
        %mul3A_366 = arith.mulf %sub3A_355, %sub3A_365 : vector<16xf32>
        %sub3A_367 = arith.subf %get3A_346, %get3A_326 : vector<16xf32>
        %mul3A_368 = arith.mulf %add3A_358, %sub3A_367 : vector<16xf32>
        %add3A_369 = arith.addf %mul3A_366, %mul3A_368 : vector<16xf32>
        %sub3A_370 = arith.subf %get3A_342, %get3A_322 : vector<16xf32>
        %mul3A_371 = arith.mulf %sub3A_361, %sub3A_370 : vector<16xf32>
        %add3A_372 = arith.addf %add3A_369, %mul3A_371 : vector<16xf32>
        %sub3A_373 = arith.subf %get3A_352, %get3A_332 : vector<16xf32>
        %mul3A_374 = arith.mulf %add3A_364, %sub3A_373 : vector<16xf32>
        %add3A_375 = arith.addf %add3A_372, %mul3A_374 : vector<16xf32>
        %mul3A_376 = arith.constant 64 : i32
        %mul3A_377 = arith.muli %scan3A_32, %mul3A_376 : i32
        %add3A_378 = arith.addi %mul3A_377, %add3A_270 : i32
        %swap3A_379 = arith.index_cast %add3A_378 : i32 to index
        %swap3A_380 = arith.constant 0 : index
        %swap3A_381 = tpu.vector_load %arg30[%swap3A_379, %swap3A_380] {strides = array<i32>} : memref<512x16xf32, #tpu.memory_space<vmem>>, vector<1x16xf32>,
        %swap3A_382 = vector.shape_cast %swap3A_381 : vector<1x16xf32> to vector<16xf32>
        %swap3A_383 = vector.shape_cast %add3A_375 : vector<16xf32> to vector<1x16xf32>
        tpu.vector_store %arg30[%swap3A_379, %swap3A_380], %swap3A_383 {strides = array<i32>} : memref<512x16xf32, #tpu.memory_space<vmem>>, vector<1x16xf32>,
        %mul3A_384 = arith.mulf %get3A_280, %get3A_280 : vector<16xf32>
        %add3A_385 = arith.addf %add3A_266, %mul3A_384 : vector<16xf32>
        %mul3A_386 = arith.mulf %get3A_286, %get3A_286 : vector<16xf32>
        %add3A_387 = arith.addf %add3A_385, %mul3A_386 : vector<16xf32>
        %mul3A_388 = arith.mulf %get3A_290, %get3A_290 : vector<16xf32>
        %add3A_389 = arith.addf %add3A_387, %mul3A_388 : vector<16xf32>
        %mul3A_390 = arith.mulf %get3A_296, %get3A_296 : vector<16xf32>
        %add3A_391 = arith.addf %add3A_389, %mul3A_390 : vector<16xf32>
        %mul3A_392 = arith.mulf %get3A_300, %get3A_300 : vector<16xf32>
        %add3A_393 = arith.addf %add3A_391, %mul3A_392 : vector<16xf32>
        %mul3A_394 = arith.mulf %get3A_304, %get3A_304 : vector<16xf32>
        %add3A_395 = arith.addf %add3A_393, %mul3A_394 : vector<16xf32>
        %mul3A_396 = arith.mulf %get3A_308, %get3A_308 : vector<16xf32>
        %add3A_397 = arith.addf %add3A_395, %mul3A_396 : vector<16xf32>
        %mul3A_398 = arith.mulf %get3A_312, %get3A_312 : vector<16xf32>
        %add3A_399 = arith.addf %add3A_397, %mul3A_398 : vector<16xf32>
        %mul3A_400 = arith.mulf %get3A_316, %get3A_316 : vector<16xf32>
        %add3A_401 = arith.addf %add3A_399, %mul3A_400 : vector<16xf32>
        %mul3A_402 = arith.mulf %get3A_322, %get3A_322 : vector<16xf32>
        %add3A_403 = arith.addf %add3A_401, %mul3A_402 : vector<16xf32>
        %mul3A_404 = arith.mulf %get3A_326, %get3A_326 : vector<16xf32>
        %add3A_405 = arith.addf %add3A_403, %mul3A_404 : vector<16xf32>
        %mul3A_406 = arith.mulf %get3A_332, %get3A_332 : vector<16xf32>
        %add3A_407 = arith.addf %add3A_405, %mul3A_406 : vector<16xf32>
        %mul3A_408 = arith.mulf %get3A_336, %get3A_336 : vector<16xf32>
        %add3A_409 = arith.addf %add3A_407, %mul3A_408 : vector<16xf32>
        %mul3A_410 = arith.mulf %get3A_342, %get3A_342 : vector<16xf32>
        %add3A_411 = arith.addf %add3A_409, %mul3A_410 : vector<16xf32>
        %mul3A_412 = arith.mulf %get3A_346, %get3A_346 : vector<16xf32>
        %add3A_413 = arith.addf %add3A_411, %mul3A_412 : vector<16xf32>
        %mul3A_414 = arith.mulf %get3A_352, %get3A_352 : vector<16xf32>
        %add3A_415 = arith.addf %add3A_413, %mul3A_414 : vector<16xf32>
        %mul3A_416 = arith.constant 16 : i32
        %mul3A_417 = arith.muli %scan3A_106, %mul3A_416 : i32
        %add3A_418 = arith.constant 2 : i32
        %add3A_419 = arith.addi %mul3A_417, %add3A_418 : i32
        %slice3A_420 = vector.extract_strided_slice %get3A_114 {offsets = [2], sizes = [1], strides = [1]} : vector<16xi32> to vector<1xi32>
        %squeeze3A_421 = vector.extract %slice3A_420[0] : i32 from vector<1xi32>
        %slice3A_422 = vector.extract_strided_slice %get3A_117 {offsets = [2], sizes = [1], strides = [1]} : vector<16xi32> to vector<1xi32>
        %squeeze3A_423 = vector.extract %slice3A_422[0] : i32 from vector<1xi32>
        %slice3A_424 = vector.extract_strided_slice %get3A_120 {offsets = [2], sizes = [1], strides = [1]} : vector<16xi32> to vector<1xi32>
        %squeeze3A_425 = vector.extract %slice3A_424[0] : i32 from vector<1xi32>
        %get3A_426 = arith.index_cast %add3A_419 : i32 to index
        %get3A_427 = arith.index_cast %squeeze3A_421 : i32 to index
        %get3A_428 = tpu.vector_load %arg22[%get3A_426, %get3A_427] {strides = array<i32>} : memref<64x128xf32, #tpu.memory_space<vmem>>, vector<1x16xf32>,
        %get3A_429 = vector.shape_cast %get3A_428 : vector<1x16xf32> to vector<16xf32>
        %add3A_430 = arith.constant 16 : i32
        %add3A_431 = arith.addi %squeeze3A_421, %add3A_430 : i32
        %get3A_432 = arith.index_cast %add3A_419 : i32 to index
        %get3A_433 = arith.index_cast %add3A_431 : i32 to index
        %get3A_434 = tpu.vector_load %arg22[%get3A_432, %get3A_433] {strides = array<i32>} : memref<64x128xf32, #tpu.memory_space<vmem>>, vector<1x16xf32>,
        %get3A_435 = vector.shape_cast %get3A_434 : vector<1x16xf32> to vector<16xf32>
        %get3A_436 = arith.index_cast %add3A_419 : i32 to index
        %get3A_437 = arith.index_cast %squeeze3A_421 : i32 to index
        %get3A_438 = tpu.vector_load %arg23[%get3A_436, %get3A_437] {strides = array<i32>} : memref<64x128xf32, #tpu.memory_space<vmem>>, vector<1x16xf32>,
        %get3A_439 = vector.shape_cast %get3A_438 : vector<1x16xf32> to vector<16xf32>
        %add3A_440 = arith.constant 16 : i32
        %add3A_441 = arith.addi %squeeze3A_421, %add3A_440 : i32
        %get3A_442 = arith.index_cast %add3A_419 : i32 to index
        %get3A_443 = arith.index_cast %add3A_441 : i32 to index
        %get3A_444 = tpu.vector_load %arg23[%get3A_442, %get3A_443] {strides = array<i32>} : memref<64x128xf32, #tpu.memory_space<vmem>>, vector<1x16xf32>,
        %get3A_445 = vector.shape_cast %get3A_444 : vector<1x16xf32> to vector<16xf32>
        %get3A_446 = arith.index_cast %add3A_419 : i32 to index
        %get3A_447 = arith.constant 0 : index
        %get3A_448 = tpu.vector_load %arg28[%get3A_446, %get3A_447] {strides = array<i32>} : memref<64x32xf32, #tpu.memory_space<vmem>>, vector<1x16xf32>,
        %get3A_449 = vector.shape_cast %get3A_448 : vector<1x16xf32> to vector<16xf32>
        %get3A_450 = arith.index_cast %add3A_419 : i32 to index
        %get3A_451 = arith.constant 16 : index
        %get3A_452 = tpu.vector_load %arg28[%get3A_450, %get3A_451] {strides = array<i32>} : memref<64x32xf32, #tpu.memory_space<vmem>>, vector<1x16xf32>,
        %get3A_453 = vector.shape_cast %get3A_452 : vector<1x16xf32> to vector<16xf32>
        %get3A_454 = arith.index_cast %add3A_419 : i32 to index
        %get3A_455 = arith.constant 0 : index
        %get3A_456 = tpu.vector_load %arg29[%get3A_454, %get3A_455] {strides = array<i32>} : memref<64x32xf32, #tpu.memory_space<vmem>>, vector<1x16xf32>,
        %get3A_457 = vector.shape_cast %get3A_456 : vector<1x16xf32> to vector<16xf32>
        %get3A_458 = arith.index_cast %add3A_419 : i32 to index
        %get3A_459 = arith.constant 16 : index
        %get3A_460 = tpu.vector_load %arg29[%get3A_458, %get3A_459] {strides = array<i32>} : memref<64x32xf32, #tpu.memory_space<vmem>>, vector<1x16xf32>,
        %get3A_461 = vector.shape_cast %get3A_460 : vector<1x16xf32> to vector<16xf32>
        %get3A_462 = arith.index_cast %add3A_419 : i32 to index
        %get3A_463 = arith.index_cast %squeeze3A_423 : i32 to index
        %get3A_464 = tpu.vector_load %arg24[%get3A_462, %get3A_463] {strides = array<i32>} : memref<64x128xf32, #tpu.memory_space<vmem>>, vector<1x16xf32>,
        %get3A_465 = vector.shape_cast %get3A_464 : vector<1x16xf32> to vector<16xf32>
        %add3A_466 = arith.constant 16 : i32
        %add3A_467 = arith.addi %squeeze3A_423, %add3A_466 : i32
        %get3A_468 = arith.index_cast %add3A_419 : i32 to index
        %get3A_469 = arith.index_cast %add3A_467 : i32 to index
        %get3A_470 = tpu.vector_load %arg24[%get3A_468, %get3A_469] {strides = array<i32>} : memref<64x128xf32, #tpu.memory_space<vmem>>, vector<1x16xf32>,
        %get3A_471 = vector.shape_cast %get3A_470 : vector<1x16xf32> to vector<16xf32>
        %get3A_472 = arith.index_cast %add3A_419 : i32 to index
        %get3A_473 = arith.index_cast %squeeze3A_423 : i32 to index
        %get3A_474 = tpu.vector_load %arg25[%get3A_472, %get3A_473] {strides = array<i32>} : memref<64x128xf32, #tpu.memory_space<vmem>>, vector<1x16xf32>,
        %get3A_475 = vector.shape_cast %get3A_474 : vector<1x16xf32> to vector<16xf32>
        %add3A_476 = arith.constant 16 : i32
        %add3A_477 = arith.addi %squeeze3A_423, %add3A_476 : i32
        %get3A_478 = arith.index_cast %add3A_419 : i32 to index
        %get3A_479 = arith.index_cast %add3A_477 : i32 to index
        %get3A_480 = tpu.vector_load %arg25[%get3A_478, %get3A_479] {strides = array<i32>} : memref<64x128xf32, #tpu.memory_space<vmem>>, vector<1x16xf32>,
        %get3A_481 = vector.shape_cast %get3A_480 : vector<1x16xf32> to vector<16xf32>
        %get3A_482 = arith.index_cast %add3A_419 : i32 to index
        %get3A_483 = arith.index_cast %squeeze3A_425 : i32 to index
        %get3A_484 = tpu.vector_load %arg26[%get3A_482, %get3A_483] {strides = array<i32>} : memref<64x128xf32, #tpu.memory_space<vmem>>, vector<1x16xf32>,
        %get3A_485 = vector.shape_cast %get3A_484 : vector<1x16xf32> to vector<16xf32>
        %add3A_486 = arith.constant 16 : i32
        %add3A_487 = arith.addi %squeeze3A_425, %add3A_486 : i32
        %get3A_488 = arith.index_cast %add3A_419 : i32 to index
        %get3A_489 = arith.index_cast %add3A_487 : i32 to index
        %get3A_490 = tpu.vector_load %arg26[%get3A_488, %get3A_489] {strides = array<i32>} : memref<64x128xf32, #tpu.memory_space<vmem>>, vector<1x16xf32>,
        %get3A_491 = vector.shape_cast %get3A_490 : vector<1x16xf32> to vector<16xf32>
        %get3A_492 = arith.index_cast %add3A_419 : i32 to index
        %get3A_493 = arith.index_cast %squeeze3A_425 : i32 to index
        %get3A_494 = tpu.vector_load %arg27[%get3A_492, %get3A_493] {strides = array<i32>} : memref<64x128xf32, #tpu.memory_space<vmem>>, vector<1x16xf32>,
        %get3A_495 = vector.shape_cast %get3A_494 : vector<1x16xf32> to vector<16xf32>
        %add3A_496 = arith.constant 16 : i32
        %add3A_497 = arith.addi %squeeze3A_425, %add3A_496 : i32
        %get3A_498 = arith.index_cast %add3A_419 : i32 to index
        %get3A_499 = arith.index_cast %add3A_497 : i32 to index
        %get3A_500 = tpu.vector_load %arg27[%get3A_498, %get3A_499] {strides = array<i32>} : memref<64x128xf32, #tpu.memory_space<vmem>>, vector<1x16xf32>,
        %get3A_501 = vector.shape_cast %get3A_500 : vector<1x16xf32> to vector<16xf32>
        %mul3A_502 = arith.mulf %get3A_429, %get3A_449 : vector<16xf32>
        %mul3A_503 = arith.mulf %get3A_439, %get3A_457 : vector<16xf32>
        %sub3A_504 = arith.subf %mul3A_502, %mul3A_503 : vector<16xf32>
        %mul3A_505 = arith.mulf %get3A_439, %get3A_449 : vector<16xf32>
        %mul3A_506 = arith.mulf %get3A_429, %get3A_457 : vector<16xf32>
        %add3A_507 = arith.addf %mul3A_505, %mul3A_506 : vector<16xf32>
        %mul3A_508 = arith.mulf %get3A_435, %get3A_453 : vector<16xf32>
        %mul3A_509 = arith.mulf %get3A_445, %get3A_461 : vector<16xf32>
        %sub3A_510 = arith.subf %mul3A_508, %mul3A_509 : vector<16xf32>
        %mul3A_511 = arith.mulf %get3A_445, %get3A_453 : vector<16xf32>
        %mul3A_512 = arith.mulf %get3A_435, %get3A_461 : vector<16xf32>
        %add3A_513 = arith.addf %mul3A_511, %mul3A_512 : vector<16xf32>
        %sub3A_514 = arith.subf %get3A_485, %get3A_465 : vector<16xf32>
        %mul3A_515 = arith.mulf %sub3A_504, %sub3A_514 : vector<16xf32>
        %sub3A_516 = arith.subf %get3A_495, %get3A_475 : vector<16xf32>
        %mul3A_517 = arith.mulf %add3A_507, %sub3A_516 : vector<16xf32>
        %add3A_518 = arith.addf %mul3A_515, %mul3A_517 : vector<16xf32>
        %sub3A_519 = arith.subf %get3A_491, %get3A_471 : vector<16xf32>
        %mul3A_520 = arith.mulf %sub3A_510, %sub3A_519 : vector<16xf32>
        %add3A_521 = arith.addf %add3A_518, %mul3A_520 : vector<16xf32>
        %sub3A_522 = arith.subf %get3A_501, %get3A_481 : vector<16xf32>
        %mul3A_523 = arith.mulf %add3A_513, %sub3A_522 : vector<16xf32>
        %add3A_524 = arith.addf %add3A_521, %mul3A_523 : vector<16xf32>
        %mul3A_525 = arith.constant 64 : i32
        %mul3A_526 = arith.muli %scan3A_32, %mul3A_525 : i32
        %add3A_527 = arith.addi %mul3A_526, %add3A_419 : i32
        %swap3A_528 = arith.index_cast %add3A_527 : i32 to index
        %swap3A_529 = arith.constant 0 : index
        %swap3A_530 = tpu.vector_load %arg30[%swap3A_528, %swap3A_529] {strides = array<i32>} : memref<512x16xf32, #tpu.memory_space<vmem>>, vector<1x16xf32>,
        %swap3A_531 = vector.shape_cast %swap3A_530 : vector<1x16xf32> to vector<16xf32>
        %swap3A_532 = vector.shape_cast %add3A_524 : vector<16xf32> to vector<1x16xf32>
        tpu.vector_store %arg30[%swap3A_528, %swap3A_529], %swap3A_532 {strides = array<i32>} : memref<512x16xf32, #tpu.memory_space<vmem>>, vector<1x16xf32>,
        %mul3A_533 = arith.mulf %get3A_429, %get3A_429 : vector<16xf32>
        %add3A_534 = arith.addf %add3A_415, %mul3A_533 : vector<16xf32>
        %mul3A_535 = arith.mulf %get3A_435, %get3A_435 : vector<16xf32>
        %add3A_536 = arith.addf %add3A_534, %mul3A_535 : vector<16xf32>
        %mul3A_537 = arith.mulf %get3A_439, %get3A_439 : vector<16xf32>
        %add3A_538 = arith.addf %add3A_536, %mul3A_537 : vector<16xf32>
        %mul3A_539 = arith.mulf %get3A_445, %get3A_445 : vector<16xf32>
        %add3A_540 = arith.addf %add3A_538, %mul3A_539 : vector<16xf32>
        %mul3A_541 = arith.mulf %get3A_449, %get3A_449 : vector<16xf32>
        %add3A_542 = arith.addf %add3A_540, %mul3A_541 : vector<16xf32>
        %mul3A_543 = arith.mulf %get3A_453, %get3A_453 : vector<16xf32>
        %add3A_544 = arith.addf %add3A_542, %mul3A_543 : vector<16xf32>
        %mul3A_545 = arith.mulf %get3A_457, %get3A_457 : vector<16xf32>
        %add3A_546 = arith.addf %add3A_544, %mul3A_545 : vector<16xf32>
        %mul3A_547 = arith.mulf %get3A_461, %get3A_461 : vector<16xf32>
        %add3A_548 = arith.addf %add3A_546, %mul3A_547 : vector<16xf32>
        %mul3A_549 = arith.mulf %get3A_465, %get3A_465 : vector<16xf32>
        %add3A_550 = arith.addf %add3A_548, %mul3A_549 : vector<16xf32>
        %mul3A_551 = arith.mulf %get3A_471, %get3A_471 : vector<16xf32>
        %add3A_552 = arith.addf %add3A_550, %mul3A_551 : vector<16xf32>
        %mul3A_553 = arith.mulf %get3A_475, %get3A_475 : vector<16xf32>
        %add3A_554 = arith.addf %add3A_552, %mul3A_553 : vector<16xf32>
        %mul3A_555 = arith.mulf %get3A_481, %get3A_481 : vector<16xf32>
        %add3A_556 = arith.addf %add3A_554, %mul3A_555 : vector<16xf32>
        %mul3A_557 = arith.mulf %get3A_485, %get3A_485 : vector<16xf32>
        %add3A_558 = arith.addf %add3A_556, %mul3A_557 : vector<16xf32>
        %mul3A_559 = arith.mulf %get3A_491, %get3A_491 : vector<16xf32>
        %add3A_560 = arith.addf %add3A_558, %mul3A_559 : vector<16xf32>
        %mul3A_561 = arith.mulf %get3A_495, %get3A_495 : vector<16xf32>
        %add3A_562 = arith.addf %add3A_560, %mul3A_561 : vector<16xf32>
        %mul3A_563 = arith.mulf %get3A_501, %get3A_501 : vector<16xf32>
        %add3A_564 = arith.addf %add3A_562, %mul3A_563 : vector<16xf32>
        %mul3A_565 = arith.constant 16 : i32
        %mul3A_566 = arith.muli %scan3A_106, %mul3A_565 : i32
        %add3A_567 = arith.constant 3 : i32
        %add3A_568 = arith.addi %mul3A_566, %add3A_567 : i32
        %slice3A_569 = vector.extract_strided_slice %get3A_114 {offsets = [3], sizes = [1], strides = [1]} : vector<16xi32> to vector<1xi32>
        %squeeze3A_570 = vector.extract %slice3A_569[0] : i32 from vector<1xi32>
        %slice3A_571 = vector.extract_strided_slice %get3A_117 {offsets = [3], sizes = [1], strides = [1]} : vector<16xi32> to vector<1xi32>
        %squeeze3A_572 = vector.extract %slice3A_571[0] : i32 from vector<1xi32>
        %slice3A_573 = vector.extract_strided_slice %get3A_120 {offsets = [3], sizes = [1], strides = [1]} : vector<16xi32> to vector<1xi32>
        %squeeze3A_574 = vector.extract %slice3A_573[0] : i32 from vector<1xi32>
        %get3A_575 = arith.index_cast %add3A_568 : i32 to index
        %get3A_576 = arith.index_cast %squeeze3A_570 : i32 to index
        %get3A_577 = tpu.vector_load %arg22[%get3A_575, %get3A_576] {strides = array<i32>} : memref<64x128xf32, #tpu.memory_space<vmem>>, vector<1x16xf32>,
        %get3A_578 = vector.shape_cast %get3A_577 : vector<1x16xf32> to vector<16xf32>
        %add3A_579 = arith.constant 16 : i32
        %add3A_580 = arith.addi %squeeze3A_570, %add3A_579 : i32
        %get3A_581 = arith.index_cast %add3A_568 : i32 to index
        %get3A_582 = arith.index_cast %add3A_580 : i32 to index
        %get3A_583 = tpu.vector_load %arg22[%get3A_581, %get3A_582] {strides = array<i32>} : memref<64x128xf32, #tpu.memory_space<vmem>>, vector<1x16xf32>,
        %get3A_584 = vector.shape_cast %get3A_583 : vector<1x16xf32> to vector<16xf32>
        %get3A_585 = arith.index_cast %add3A_568 : i32 to index
        %get3A_586 = arith.index_cast %squeeze3A_570 : i32 to index
        %get3A_587 = tpu.vector_load %arg23[%get3A_585, %get3A_586] {strides = array<i32>} : memref<64x128xf32, #tpu.memory_space<vmem>>, vector<1x16xf32>,
        %get3A_588 = vector.shape_cast %get3A_587 : vector<1x16xf32> to vector<16xf32>
        %add3A_589 = arith.constant 16 : i32
        %add3A_590 = arith.addi %squeeze3A_570, %add3A_589 : i32
        %get3A_591 = arith.index_cast %add3A_568 : i32 to index
        %get3A_592 = arith.index_cast %add3A_590 : i32 to index
        %get3A_593 = tpu.vector_load %arg23[%get3A_591, %get3A_592] {strides = array<i32>} : memref<64x128xf32, #tpu.memory_space<vmem>>, vector<1x16xf32>,
        %get3A_594 = vector.shape_cast %get3A_593 : vector<1x16xf32> to vector<16xf32>
        %get3A_595 = arith.index_cast %add3A_568 : i32 to index
        %get3A_596 = arith.constant 0 : index
        %get3A_597 = tpu.vector_load %arg28[%get3A_595, %get3A_596] {strides = array<i32>} : memref<64x32xf32, #tpu.memory_space<vmem>>, vector<1x16xf32>,
        %get3A_598 = vector.shape_cast %get3A_597 : vector<1x16xf32> to vector<16xf32>
        %get3A_599 = arith.index_cast %add3A_568 : i32 to index
        %get3A_600 = arith.constant 16 : index
        %get3A_601 = tpu.vector_load %arg28[%get3A_599, %get3A_600] {strides = array<i32>} : memref<64x32xf32, #tpu.memory_space<vmem>>, vector<1x16xf32>,
        %get3A_602 = vector.shape_cast %get3A_601 : vector<1x16xf32> to vector<16xf32>
        %get3A_603 = arith.index_cast %add3A_568 : i32 to index
        %get3A_604 = arith.constant 0 : index
        %get3A_605 = tpu.vector_load %arg29[%get3A_603, %get3A_604] {strides = array<i32>} : memref<64x32xf32, #tpu.memory_space<vmem>>, vector<1x16xf32>,
        %get3A_606 = vector.shape_cast %get3A_605 : vector<1x16xf32> to vector<16xf32>
        %get3A_607 = arith.index_cast %add3A_568 : i32 to index
        %get3A_608 = arith.constant 16 : index
        %get3A_609 = tpu.vector_load %arg29[%get3A_607, %get3A_608] {strides = array<i32>} : memref<64x32xf32, #tpu.memory_space<vmem>>, vector<1x16xf32>,
        %get3A_610 = vector.shape_cast %get3A_609 : vector<1x16xf32> to vector<16xf32>
        %get3A_611 = arith.index_cast %add3A_568 : i32 to index
        %get3A_612 = arith.index_cast %squeeze3A_572 : i32 to index
        %get3A_613 = tpu.vector_load %arg24[%get3A_611, %get3A_612] {strides = array<i32>} : memref<64x128xf32, #tpu.memory_space<vmem>>, vector<1x16xf32>,
        %get3A_614 = vector.shape_cast %get3A_613 : vector<1x16xf32> to vector<16xf32>
        %add3A_615 = arith.constant 16 : i32
        %add3A_616 = arith.addi %squeeze3A_572, %add3A_615 : i32
        %get3A_617 = arith.index_cast %add3A_568 : i32 to index
        %get3A_618 = arith.index_cast %add3A_616 : i32 to index
        %get3A_619 = tpu.vector_load %arg24[%get3A_617, %get3A_618] {strides = array<i32>} : memref<64x128xf32, #tpu.memory_space<vmem>>, vector<1x16xf32>,
        %get3A_620 = vector.shape_cast %get3A_619 : vector<1x16xf32> to vector<16xf32>
        %get3A_621 = arith.index_cast %add3A_568 : i32 to index
        %get3A_622 = arith.index_cast %squeeze3A_572 : i32 to index
        %get3A_623 = tpu.vector_load %arg25[%get3A_621, %get3A_622] {strides = array<i32>} : memref<64x128xf32, #tpu.memory_space<vmem>>, vector<1x16xf32>,
        %get3A_624 = vector.shape_cast %get3A_623 : vector<1x16xf32> to vector<16xf32>
        %add3A_625 = arith.constant 16 : i32
        %add3A_626 = arith.addi %squeeze3A_572, %add3A_625 : i32
        %get3A_627 = arith.index_cast %add3A_568 : i32 to index
        %get3A_628 = arith.index_cast %add3A_626 : i32 to index
        %get3A_629 = tpu.vector_load %arg25[%get3A_627, %get3A_628] {strides = array<i32>} : memref<64x128xf32, #tpu.memory_space<vmem>>, vector<1x16xf32>,
        %get3A_630 = vector.shape_cast %get3A_629 : vector<1x16xf32> to vector<16xf32>
        %get3A_631 = arith.index_cast %add3A_568 : i32 to index
        %get3A_632 = arith.index_cast %squeeze3A_574 : i32 to index
        %get3A_633 = tpu.vector_load %arg26[%get3A_631, %get3A_632] {strides = array<i32>} : memref<64x128xf32, #tpu.memory_space<vmem>>, vector<1x16xf32>,
        %get3A_634 = vector.shape_cast %get3A_633 : vector<1x16xf32> to vector<16xf32>
        %add3A_635 = arith.constant 16 : i32
        %add3A_636 = arith.addi %squeeze3A_574, %add3A_635 : i32
        %get3A_637 = arith.index_cast %add3A_568 : i32 to index
        %get3A_638 = arith.index_cast %add3A_636 : i32 to index
        %get3A_639 = tpu.vector_load %arg26[%get3A_637, %get3A_638] {strides = array<i32>} : memref<64x128xf32, #tpu.memory_space<vmem>>, vector<1x16xf32>,
        %get3A_640 = vector.shape_cast %get3A_639 : vector<1x16xf32> to vector<16xf32>
        %get3A_641 = arith.index_cast %add3A_568 : i32 to index
        %get3A_642 = arith.index_cast %squeeze3A_574 : i32 to index
        %get3A_643 = tpu.vector_load %arg27[%get3A_641, %get3A_642] {strides = array<i32>} : memref<64x128xf32, #tpu.memory_space<vmem>>, vector<1x16xf32>,
        %get3A_644 = vector.shape_cast %get3A_643 : vector<1x16xf32> to vector<16xf32>
        %add3A_645 = arith.constant 16 : i32
        %add3A_646 = arith.addi %squeeze3A_574, %add3A_645 : i32
        %get3A_647 = arith.index_cast %add3A_568 : i32 to index
        %get3A_648 = arith.index_cast %add3A_646 : i32 to index
        %get3A_649 = tpu.vector_load %arg27[%get3A_647, %get3A_648] {strides = array<i32>} : memref<64x128xf32, #tpu.memory_space<vmem>>, vector<1x16xf32>,
        %get3A_650 = vector.shape_cast %get3A_649 : vector<1x16xf32> to vector<16xf32>
        %mul3A_651 = arith.mulf %get3A_578, %get3A_598 : vector<16xf32>
        %mul3A_652 = arith.mulf %get3A_588, %get3A_606 : vector<16xf32>
        %sub3A_653 = arith.subf %mul3A_651, %mul3A_652 : vector<16xf32>
        %mul3A_654 = arith.mulf %get3A_588, %get3A_598 : vector<16xf32>
        %mul3A_655 = arith.mulf %get3A_578, %get3A_606 : vector<16xf32>
        %add3A_656 = arith.addf %mul3A_654, %mul3A_655 : vector<16xf32>
        %mul3A_657 = arith.mulf %get3A_584, %get3A_602 : vector<16xf32>
        %mul3A_658 = arith.mulf %get3A_594, %get3A_610 : vector<16xf32>
        %sub3A_659 = arith.subf %mul3A_657, %mul3A_658 : vector<16xf32>
        %mul3A_660 = arith.mulf %get3A_594, %get3A_602 : vector<16xf32>
        %mul3A_661 = arith.mulf %get3A_584, %get3A_610 : vector<16xf32>
        %add3A_662 = arith.addf %mul3A_660, %mul3A_661 : vector<16xf32>
        %sub3A_663 = arith.subf %get3A_634, %get3A_614 : vector<16xf32>
        %mul3A_664 = arith.mulf %sub3A_653, %sub3A_663 : vector<16xf32>
        %sub3A_665 = arith.subf %get3A_644, %get3A_624 : vector<16xf32>
        %mul3A_666 = arith.mulf %add3A_656, %sub3A_665 : vector<16xf32>
        %add3A_667 = arith.addf %mul3A_664, %mul3A_666 : vector<16xf32>
        %sub3A_668 = arith.subf %get3A_640, %get3A_620 : vector<16xf32>
        %mul3A_669 = arith.mulf %sub3A_659, %sub3A_668 : vector<16xf32>
        %add3A_670 = arith.addf %add3A_667, %mul3A_669 : vector<16xf32>
        %sub3A_671 = arith.subf %get3A_650, %get3A_630 : vector<16xf32>
        %mul3A_672 = arith.mulf %add3A_662, %sub3A_671 : vector<16xf32>
        %add3A_673 = arith.addf %add3A_670, %mul3A_672 : vector<16xf32>
        %mul3A_674 = arith.constant 64 : i32
        %mul3A_675 = arith.muli %scan3A_32, %mul3A_674 : i32
        %add3A_676 = arith.addi %mul3A_675, %add3A_568 : i32
        %swap3A_677 = arith.index_cast %add3A_676 : i32 to index
        %swap3A_678 = arith.constant 0 : index
        %swap3A_679 = tpu.vector_load %arg30[%swap3A_677, %swap3A_678] {strides = array<i32>} : memref<512x16xf32, #tpu.memory_space<vmem>>, vector<1x16xf32>,
        %swap3A_680 = vector.shape_cast %swap3A_679 : vector<1x16xf32> to vector<16xf32>
        %swap3A_681 = vector.shape_cast %add3A_673 : vector<16xf32> to vector<1x16xf32>
        tpu.vector_store %arg30[%swap3A_677, %swap3A_678], %swap3A_681 {strides = array<i32>} : memref<512x16xf32, #tpu.memory_space<vmem>>, vector<1x16xf32>,
        %mul3A_682 = arith.mulf %get3A_578, %get3A_578 : vector<16xf32>
        %add3A_683 = arith.addf %add3A_564, %mul3A_682 : vector<16xf32>
        %mul3A_684 = arith.mulf %get3A_584, %get3A_584 : vector<16xf32>
        %add3A_685 = arith.addf %add3A_683, %mul3A_684 : vector<16xf32>
        %mul3A_686 = arith.mulf %get3A_588, %get3A_588 : vector<16xf32>
        %add3A_687 = arith.addf %add3A_685, %mul3A_686 : vector<16xf32>
        %mul3A_688 = arith.mulf %get3A_594, %get3A_594 : vector<16xf32>
        %add3A_689 = arith.addf %add3A_687, %mul3A_688 : vector<16xf32>
        %mul3A_690 = arith.mulf %get3A_598, %get3A_598 : vector<16xf32>
        %add3A_691 = arith.addf %add3A_689, %mul3A_690 : vector<16xf32>
        %mul3A_692 = arith.mulf %get3A_602, %get3A_602 : vector<16xf32>
        %add3A_693 = arith.addf %add3A_691, %mul3A_692 : vector<16xf32>
        %mul3A_694 = arith.mulf %get3A_606, %get3A_606 : vector<16xf32>
        %add3A_695 = arith.addf %add3A_693, %mul3A_694 : vector<16xf32>
        %mul3A_696 = arith.mulf %get3A_610, %get3A_610 : vector<16xf32>
        %add3A_697 = arith.addf %add3A_695, %mul3A_696 : vector<16xf32>
        %mul3A_698 = arith.mulf %get3A_614, %get3A_614 : vector<16xf32>
        %add3A_699 = arith.addf %add3A_697, %mul3A_698 : vector<16xf32>
        %mul3A_700 = arith.mulf %get3A_620, %get3A_620 : vector<16xf32>
        %add3A_701 = arith.addf %add3A_699, %mul3A_700 : vector<16xf32>
        %mul3A_702 = arith.mulf %get3A_624, %get3A_624 : vector<16xf32>
        %add3A_703 = arith.addf %add3A_701, %mul3A_702 : vector<16xf32>
        %mul3A_704 = arith.mulf %get3A_630, %get3A_630 : vector<16xf32>
        %add3A_705 = arith.addf %add3A_703, %mul3A_704 : vector<16xf32>
        %mul3A_706 = arith.mulf %get3A_634, %get3A_634 : vector<16xf32>
        %add3A_707 = arith.addf %add3A_705, %mul3A_706 : vector<16xf32>
        %mul3A_708 = arith.mulf %get3A_640, %get3A_640 : vector<16xf32>
        %add3A_709 = arith.addf %add3A_707, %mul3A_708 : vector<16xf32>
        %mul3A_710 = arith.mulf %get3A_644, %get3A_644 : vector<16xf32>
        %add3A_711 = arith.addf %add3A_709, %mul3A_710 : vector<16xf32>
        %mul3A_712 = arith.mulf %get3A_650, %get3A_650 : vector<16xf32>
        %add3A_713 = arith.addf %add3A_711, %mul3A_712 : vector<16xf32>
        %mul3A_714 = arith.constant 16 : i32
        %mul3A_715 = arith.muli %scan3A_106, %mul3A_714 : i32
        %add3A_716 = arith.constant 4 : i32
        %add3A_717 = arith.addi %mul3A_715, %add3A_716 : i32
        %slice3A_718 = vector.extract_strided_slice %get3A_114 {offsets = [4], sizes = [1], strides = [1]} : vector<16xi32> to vector<1xi32>
        %squeeze3A_719 = vector.extract %slice3A_718[0] : i32 from vector<1xi32>
        %slice3A_720 = vector.extract_strided_slice %get3A_117 {offsets = [4], sizes = [1], strides = [1]} : vector<16xi32> to vector<1xi32>
        %squeeze3A_721 = vector.extract %slice3A_720[0] : i32 from vector<1xi32>
        %slice3A_722 = vector.extract_strided_slice %get3A_120 {offsets = [4], sizes = [1], strides = [1]} : vector<16xi32> to vector<1xi32>
        %squeeze3A_723 = vector.extract %slice3A_722[0] : i32 from vector<1xi32>
        %get3A_724 = arith.index_cast %add3A_717 : i32 to index
        %get3A_725 = arith.index_cast %squeeze3A_719 : i32 to index
        %get3A_726 = tpu.vector_load %arg22[%get3A_724, %get3A_725] {strides = array<i32>} : memref<64x128xf32, #tpu.memory_space<vmem>>, vector<1x16xf32>,
        %get3A_727 = vector.shape_cast %get3A_726 : vector<1x16xf32> to vector<16xf32>
        %add3A_728 = arith.constant 16 : i32
        %add3A_729 = arith.addi %squeeze3A_719, %add3A_728 : i32
        %get3A_730 = arith.index_cast %add3A_717 : i32 to index
        %get3A_731 = arith.index_cast %add3A_729 : i32 to index
        %get3A_732 = tpu.vector_load %arg22[%get3A_730, %get3A_731] {strides = array<i32>} : memref<64x128xf32, #tpu.memory_space<vmem>>, vector<1x16xf32>,
        %get3A_733 = vector.shape_cast %get3A_732 : vector<1x16xf32> to vector<16xf32>
        %get3A_734 = arith.index_cast %add3A_717 : i32 to index
        %get3A_735 = arith.index_cast %squeeze3A_719 : i32 to index
        %get3A_736 = tpu.vector_load %arg23[%get3A_734, %get3A_735] {strides = array<i32>} : memref<64x128xf32, #tpu.memory_space<vmem>>, vector<1x16xf32>,
        %get3A_737 = vector.shape_cast %get3A_736 : vector<1x16xf32> to vector<16xf32>
        %add3A_738 = arith.constant 16 : i32
        %add3A_739 = arith.addi %squeeze3A_719, %add3A_738 : i32
        %get3A_740 = arith.index_cast %add3A_717 : i32 to index
        %get3A_741 = arith.index_cast %add3A_739 : i32 to index
        %get3A_742 = tpu.vector_load %arg23[%get3A_740, %get3A_741] {strides = array<i32>} : memref<64x128xf32, #tpu.memory_space<vmem>>, vector<1x16xf32>,
        %get3A_743 = vector.shape_cast %get3A_742 : vector<1x16xf32> to vector<16xf32>
        %get3A_744 = arith.index_cast %add3A_717 : i32 to index
        %get3A_745 = arith.constant 0 : index
        %get3A_746 = tpu.vector_load %arg28[%get3A_744, %get3A_745] {strides = array<i32>} : memref<64x32xf32, #tpu.memory_space<vmem>>, vector<1x16xf32>,
        %get3A_747 = vector.shape_cast %get3A_746 : vector<1x16xf32> to vector<16xf32>
        %get3A_748 = arith.index_cast %add3A_717 : i32 to index
        %get3A_749 = arith.constant 16 : index
        %get3A_750 = tpu.vector_load %arg28[%get3A_748, %get3A_749] {strides = array<i32>} : memref<64x32xf32, #tpu.memory_space<vmem>>, vector<1x16xf32>,
        %get3A_751 = vector.shape_cast %get3A_750 : vector<1x16xf32> to vector<16xf32>
        %get3A_752 = arith.index_cast %add3A_717 : i32 to index
        %get3A_753 = arith.constant 0 : index
        %get3A_754 = tpu.vector_load %arg29[%get3A_752, %get3A_753] {strides = array<i32>} : memref<64x32xf32, #tpu.memory_space<vmem>>, vector<1x16xf32>,
        %get3A_755 = vector.shape_cast %get3A_754 : vector<1x16xf32> to vector<16xf32>
        %get3A_756 = arith.index_cast %add3A_717 : i32 to index
        %get3A_757 = arith.constant 16 : index
        %get3A_758 = tpu.vector_load %arg29[%get3A_756, %get3A_757] {strides = array<i32>} : memref<64x32xf32, #tpu.memory_space<vmem>>, vector<1x16xf32>,
        %get3A_759 = vector.shape_cast %get3A_758 : vector<1x16xf32> to vector<16xf32>
        %get3A_760 = arith.index_cast %add3A_717 : i32 to index
        %get3A_761 = arith.index_cast %squeeze3A_721 : i32 to index
        %get3A_762 = tpu.vector_load %arg24[%get3A_760, %get3A_761] {strides = array<i32>} : memref<64x128xf32, #tpu.memory_space<vmem>>, vector<1x16xf32>,
        %get3A_763 = vector.shape_cast %get3A_762 : vector<1x16xf32> to vector<16xf32>
        %add3A_764 = arith.constant 16 : i32
        %add3A_765 = arith.addi %squeeze3A_721, %add3A_764 : i32
        %get3A_766 = arith.index_cast %add3A_717 : i32 to index
        %get3A_767 = arith.index_cast %add3A_765 : i32 to index
        %get3A_768 = tpu.vector_load %arg24[%get3A_766, %get3A_767] {strides = array<i32>} : memref<64x128xf32, #tpu.memory_space<vmem>>, vector<1x16xf32>,
        %get3A_769 = vector.shape_cast %get3A_768 : vector<1x16xf32> to vector<16xf32>
        %get3A_770 = arith.index_cast %add3A_717 : i32 to index
        %get3A_771 = arith.index_cast %squeeze3A_721 : i32 to index
        %get3A_772 = tpu.vector_load %arg25[%get3A_770, %get3A_771] {strides = array<i32>} : memref<64x128xf32, #tpu.memory_space<vmem>>, vector<1x16xf32>,
        %get3A_773 = vector.shape_cast %get3A_772 : vector<1x16xf32> to vector<16xf32>
        %add3A_774 = arith.constant 16 : i32
        %add3A_775 = arith.addi %squeeze3A_721, %add3A_774 : i32
        %get3A_776 = arith.index_cast %add3A_717 : i32 to index
        %get3A_777 = arith.index_cast %add3A_775 : i32 to index
        %get3A_778 = tpu.vector_load %arg25[%get3A_776, %get3A_777] {strides = array<i32>} : memref<64x128xf32, #tpu.memory_space<vmem>>, vector<1x16xf32>,
        %get3A_779 = vector.shape_cast %get3A_778 : vector<1x16xf32> to vector<16xf32>
        %get3A_780 = arith.index_cast %add3A_717 : i32 to index
        %get3A_781 = arith.index_cast %squeeze3A_723 : i32 to index
        %get3A_782 = tpu.vector_load %arg26[%get3A_780, %get3A_781] {strides = array<i32>} : memref<64x128xf32, #tpu.memory_space<vmem>>, vector<1x16xf32>,
        %get3A_783 = vector.shape_cast %get3A_782 : vector<1x16xf32> to vector<16xf32>
        %add3A_784 = arith.constant 16 : i32
        %add3A_785 = arith.addi %squeeze3A_723, %add3A_784 : i32
        %get3A_786 = arith.index_cast %add3A_717 : i32 to index
        %get3A_787 = arith.index_cast %add3A_785 : i32 to index
        %get3A_788 = tpu.vector_load %arg26[%get3A_786, %get3A_787] {strides = array<i32>} : memref<64x128xf32, #tpu.memory_space<vmem>>, vector<1x16xf32>,
        %get3A_789 = vector.shape_cast %get3A_788 : vector<1x16xf32> to vector<16xf32>
        %get3A_790 = arith.index_cast %add3A_717 : i32 to index
        %get3A_791 = arith.index_cast %squeeze3A_723 : i32 to index
        %get3A_792 = tpu.vector_load %arg27[%get3A_790, %get3A_791] {strides = array<i32>} : memref<64x128xf32, #tpu.memory_space<vmem>>, vector<1x16xf32>,
        %get3A_793 = vector.shape_cast %get3A_792 : vector<1x16xf32> to vector<16xf32>
        %add3A_794 = arith.constant 16 : i32
        %add3A_795 = arith.addi %squeeze3A_723, %add3A_794 : i32
        %get3A_796 = arith.index_cast %add3A_717 : i32 to index
        %get3A_797 = arith.index_cast %add3A_795 : i32 to index
        %get3A_798 = tpu.vector_load %arg27[%get3A_796, %get3A_797] {strides = array<i32>} : memref<64x128xf32, #tpu.memory_space<vmem>>, vector<1x16xf32>,
        %get3A_799 = vector.shape_cast %get3A_798 : vector<1x16xf32> to vector<16xf32>
        %mul3A_800 = arith.mulf %get3A_727, %get3A_747 : vector<16xf32>
        %mul3A_801 = arith.mulf %get3A_737, %get3A_755 : vector<16xf32>
        %sub3A_802 = arith.subf %mul3A_800, %mul3A_801 : vector<16xf32>
        %mul3A_803 = arith.mulf %get3A_737, %get3A_747 : vector<16xf32>
        %mul3A_804 = arith.mulf %get3A_727, %get3A_755 : vector<16xf32>
        %add3A_805 = arith.addf %mul3A_803, %mul3A_804 : vector<16xf32>
        %mul3A_806 = arith.mulf %get3A_733, %get3A_751 : vector<16xf32>
        %mul3A_807 = arith.mulf %get3A_743, %get3A_759 : vector<16xf32>
        %sub3A_808 = arith.subf %mul3A_806, %mul3A_807 : vector<16xf32>
        %mul3A_809 = arith.mulf %get3A_743, %get3A_751 : vector<16xf32>
        %mul3A_810 = arith.mulf %get3A_733, %get3A_759 : vector<16xf32>
        %add3A_811 = arith.addf %mul3A_809, %mul3A_810 : vector<16xf32>
        %sub3A_812 = arith.subf %get3A_783, %get3A_763 : vector<16xf32>
        %mul3A_813 = arith.mulf %sub3A_802, %sub3A_812 : vector<16xf32>
        %sub3A_814 = arith.subf %get3A_793, %get3A_773 : vector<16xf32>
        %mul3A_815 = arith.mulf %add3A_805, %sub3A_814 : vector<16xf32>
        %add3A_816 = arith.addf %mul3A_813, %mul3A_815 : vector<16xf32>
        %sub3A_817 = arith.subf %get3A_789, %get3A_769 : vector<16xf32>
        %mul3A_818 = arith.mulf %sub3A_808, %sub3A_817 : vector<16xf32>
        %add3A_819 = arith.addf %add3A_816, %mul3A_818 : vector<16xf32>
        %sub3A_820 = arith.subf %get3A_799, %get3A_779 : vector<16xf32>
        %mul3A_821 = arith.mulf %add3A_811, %sub3A_820 : vector<16xf32>
        %add3A_822 = arith.addf %add3A_819, %mul3A_821 : vector<16xf32>
        %mul3A_823 = arith.constant 64 : i32
        %mul3A_824 = arith.muli %scan3A_32, %mul3A_823 : i32
        %add3A_825 = arith.addi %mul3A_824, %add3A_717 : i32
        %swap3A_826 = arith.index_cast %add3A_825 : i32 to index
        %swap3A_827 = arith.constant 0 : index
        %swap3A_828 = tpu.vector_load %arg30[%swap3A_826, %swap3A_827] {strides = array<i32>} : memref<512x16xf32, #tpu.memory_space<vmem>>, vector<1x16xf32>,
        %swap3A_829 = vector.shape_cast %swap3A_828 : vector<1x16xf32> to vector<16xf32>
        %swap3A_830 = vector.shape_cast %add3A_822 : vector<16xf32> to vector<1x16xf32>
        tpu.vector_store %arg30[%swap3A_826, %swap3A_827], %swap3A_830 {strides = array<i32>} : memref<512x16xf32, #tpu.memory_space<vmem>>, vector<1x16xf32>,
        %mul3A_831 = arith.mulf %get3A_727, %get3A_727 : vector<16xf32>
        %add3A_832 = arith.addf %add3A_713, %mul3A_831 : vector<16xf32>
        %mul3A_833 = arith.mulf %get3A_733, %get3A_733 : vector<16xf32>
        %add3A_834 = arith.addf %add3A_832, %mul3A_833 : vector<16xf32>
        %mul3A_835 = arith.mulf %get3A_737, %get3A_737 : vector<16xf32>
        %add3A_836 = arith.addf %add3A_834, %mul3A_835 : vector<16xf32>
        %mul3A_837 = arith.mulf %get3A_743, %get3A_743 : vector<16xf32>
        %add3A_838 = arith.addf %add3A_836, %mul3A_837 : vector<16xf32>
        %mul3A_839 = arith.mulf %get3A_747, %get3A_747 : vector<16xf32>
        %add3A_840 = arith.addf %add3A_838, %mul3A_839 : vector<16xf32>
        %mul3A_841 = arith.mulf %get3A_751, %get3A_751 : vector<16xf32>
        %add3A_842 = arith.addf %add3A_840, %mul3A_841 : vector<16xf32>
        %mul3A_843 = arith.mulf %get3A_755, %get3A_755 : vector<16xf32>
        %add3A_844 = arith.addf %add3A_842, %mul3A_843 : vector<16xf32>
        %mul3A_845 = arith.mulf %get3A_759, %get3A_759 : vector<16xf32>
        %add3A_846 = arith.addf %add3A_844, %mul3A_845 : vector<16xf32>
        %mul3A_847 = arith.mulf %get3A_763, %get3A_763 : vector<16xf32>
        %add3A_848 = arith.addf %add3A_846, %mul3A_847 : vector<16xf32>
        %mul3A_849 = arith.mulf %get3A_769, %get3A_769 : vector<16xf32>
        %add3A_850 = arith.addf %add3A_848, %mul3A_849 : vector<16xf32>
        %mul3A_851 = arith.mulf %get3A_773, %get3A_773 : vector<16xf32>
        %add3A_852 = arith.addf %add3A_850, %mul3A_851 : vector<16xf32>
        %mul3A_853 = arith.mulf %get3A_779, %get3A_779 : vector<16xf32>
        %add3A_854 = arith.addf %add3A_852, %mul3A_853 : vector<16xf32>
        %mul3A_855 = arith.mulf %get3A_783, %get3A_783 : vector<16xf32>
        %add3A_856 = arith.addf %add3A_854, %mul3A_855 : vector<16xf32>
        %mul3A_857 = arith.mulf %get3A_789, %get3A_789 : vector<16xf32>
        %add3A_858 = arith.addf %add3A_856, %mul3A_857 : vector<16xf32>
        %mul3A_859 = arith.mulf %get3A_793, %get3A_793 : vector<16xf32>
        %add3A_860 = arith.addf %add3A_858, %mul3A_859 : vector<16xf32>
        %mul3A_861 = arith.mulf %get3A_799, %get3A_799 : vector<16xf32>
        %add3A_862 = arith.addf %add3A_860, %mul3A_861 : vector<16xf32>
        %mul3A_863 = arith.constant 16 : i32
        %mul3A_864 = arith.muli %scan3A_106, %mul3A_863 : i32
        %add3A_865 = arith.constant 5 : i32
        %add3A_866 = arith.addi %mul3A_864, %add3A_865 : i32
        %slice3A_867 = vector.extract_strided_slice %get3A_114 {offsets = [5], sizes = [1], strides = [1]} : vector<16xi32> to vector<1xi32>
        %squeeze3A_868 = vector.extract %slice3A_867[0] : i32 from vector<1xi32>
        %slice3A_869 = vector.extract_strided_slice %get3A_117 {offsets = [5], sizes = [1], strides = [1]} : vector<16xi32> to vector<1xi32>
        %squeeze3A_870 = vector.extract %slice3A_869[0] : i32 from vector<1xi32>
        %slice3A_871 = vector.extract_strided_slice %get3A_120 {offsets = [5], sizes = [1], strides = [1]} : vector<16xi32> to vector<1xi32>
        %squeeze3A_872 = vector.extract %slice3A_871[0] : i32 from vector<1xi32>
        %get3A_873 = arith.index_cast %add3A_866 : i32 to index
        %get3A_874 = arith.index_cast %squeeze3A_868 : i32 to index
        %get3A_875 = tpu.vector_load %arg22[%get3A_873, %get3A_874] {strides = array<i32>} : memref<64x128xf32, #tpu.memory_space<vmem>>, vector<1x16xf32>,
        %get3A_876 = vector.shape_cast %get3A_875 : vector<1x16xf32> to vector<16xf32>
        %add3A_877 = arith.constant 16 : i32
        %add3A_878 = arith.addi %squeeze3A_868, %add3A_877 : i32
        %get3A_879 = arith.index_cast %add3A_866 : i32 to index
        %get3A_880 = arith.index_cast %add3A_878 : i32 to index
        %get3A_881 = tpu.vector_load %arg22[%get3A_879, %get3A_880] {strides = array<i32>} : memref<64x128xf32, #tpu.memory_space<vmem>>, vector<1x16xf32>,
        %get3A_882 = vector.shape_cast %get3A_881 : vector<1x16xf32> to vector<16xf32>
        %get3A_883 = arith.index_cast %add3A_866 : i32 to index
        %get3A_884 = arith.index_cast %squeeze3A_868 : i32 to index
        %get3A_885 = tpu.vector_load %arg23[%get3A_883, %get3A_884] {strides = array<i32>} : memref<64x128xf32, #tpu.memory_space<vmem>>, vector<1x16xf32>,
        %get3A_886 = vector.shape_cast %get3A_885 : vector<1x16xf32> to vector<16xf32>
        %add3A_887 = arith.constant 16 : i32
        %add3A_888 = arith.addi %squeeze3A_868, %add3A_887 : i32
        %get3A_889 = arith.index_cast %add3A_866 : i32 to index
        %get3A_890 = arith.index_cast %add3A_888 : i32 to index
        %get3A_891 = tpu.vector_load %arg23[%get3A_889, %get3A_890] {strides = array<i32>} : memref<64x128xf32, #tpu.memory_space<vmem>>, vector<1x16xf32>,
        %get3A_892 = vector.shape_cast %get3A_891 : vector<1x16xf32> to vector<16xf32>
        %get3A_893 = arith.index_cast %add3A_866 : i32 to index
        %get3A_894 = arith.constant 0 : index
        %get3A_895 = tpu.vector_load %arg28[%get3A_893, %get3A_894] {strides = array<i32>} : memref<64x32xf32, #tpu.memory_space<vmem>>, vector<1x16xf32>,
        %get3A_896 = vector.shape_cast %get3A_895 : vector<1x16xf32> to vector<16xf32>
        %get3A_897 = arith.index_cast %add3A_866 : i32 to index
        %get3A_898 = arith.constant 16 : index
        %get3A_899 = tpu.vector_load %arg28[%get3A_897, %get3A_898] {strides = array<i32>} : memref<64x32xf32, #tpu.memory_space<vmem>>, vector<1x16xf32>,
        %get3A_900 = vector.shape_cast %get3A_899 : vector<1x16xf32> to vector<16xf32>
        %get3A_901 = arith.index_cast %add3A_866 : i32 to index
        %get3A_902 = arith.constant 0 : index
        %get3A_903 = tpu.vector_load %arg29[%get3A_901, %get3A_902] {strides = array<i32>} : memref<64x32xf32, #tpu.memory_space<vmem>>, vector<1x16xf32>,
        %get3A_904 = vector.shape_cast %get3A_903 : vector<1x16xf32> to vector<16xf32>
        %get3A_905 = arith.index_cast %add3A_866 : i32 to index
        %get3A_906 = arith.constant 16 : index
        %get3A_907 = tpu.vector_load %arg29[%get3A_905, %get3A_906] {strides = array<i32>} : memref<64x32xf32, #tpu.memory_space<vmem>>, vector<1x16xf32>,
        %get3A_908 = vector.shape_cast %get3A_907 : vector<1x16xf32> to vector<16xf32>
        %get3A_909 = arith.index_cast %add3A_866 : i32 to index
        %get3A_910 = arith.index_cast %squeeze3A_870 : i32 to index
        %get3A_911 = tpu.vector_load %arg24[%get3A_909, %get3A_910] {strides = array<i32>} : memref<64x128xf32, #tpu.memory_space<vmem>>, vector<1x16xf32>,
        %get3A_912 = vector.shape_cast %get3A_911 : vector<1x16xf32> to vector<16xf32>
        %add3A_913 = arith.constant 16 : i32
        %add3A_914 = arith.addi %squeeze3A_870, %add3A_913 : i32
        %get3A_915 = arith.index_cast %add3A_866 : i32 to index
        %get3A_916 = arith.index_cast %add3A_914 : i32 to index
        %get3A_917 = tpu.vector_load %arg24[%get3A_915, %get3A_916] {strides = array<i32>} : memref<64x128xf32, #tpu.memory_space<vmem>>, vector<1x16xf32>,
        %get3A_918 = vector.shape_cast %get3A_917 : vector<1x16xf32> to vector<16xf32>
        %get3A_919 = arith.index_cast %add3A_866 : i32 to index
        %get3A_920 = arith.index_cast %squeeze3A_870 : i32 to index
        %get3A_921 = tpu.vector_load %arg25[%get3A_919, %get3A_920] {strides = array<i32>} : memref<64x128xf32, #tpu.memory_space<vmem>>, vector<1x16xf32>,
        %get3A_922 = vector.shape_cast %get3A_921 : vector<1x16xf32> to vector<16xf32>
        %add3A_923 = arith.constant 16 : i32
        %add3A_924 = arith.addi %squeeze3A_870, %add3A_923 : i32
        %get3A_925 = arith.index_cast %add3A_866 : i32 to index
        %get3A_926 = arith.index_cast %add3A_924 : i32 to index
        %get3A_927 = tpu.vector_load %arg25[%get3A_925, %get3A_926] {strides = array<i32>} : memref<64x128xf32, #tpu.memory_space<vmem>>, vector<1x16xf32>,
        %get3A_928 = vector.shape_cast %get3A_927 : vector<1x16xf32> to vector<16xf32>
        %get3A_929 = arith.index_cast %add3A_866 : i32 to index
        %get3A_930 = arith.index_cast %squeeze3A_872 : i32 to index
        %get3A_931 = tpu.vector_load %arg26[%get3A_929, %get3A_930] {strides = array<i32>} : memref<64x128xf32, #tpu.memory_space<vmem>>, vector<1x16xf32>,
        %get3A_932 = vector.shape_cast %get3A_931 : vector<1x16xf32> to vector<16xf32>
        %add3A_933 = arith.constant 16 : i32
        %add3A_934 = arith.addi %squeeze3A_872, %add3A_933 : i32
        %get3A_935 = arith.index_cast %add3A_866 : i32 to index
        %get3A_936 = arith.index_cast %add3A_934 : i32 to index
        %get3A_937 = tpu.vector_load %arg26[%get3A_935, %get3A_936] {strides = array<i32>} : memref<64x128xf32, #tpu.memory_space<vmem>>, vector<1x16xf32>,
        %get3A_938 = vector.shape_cast %get3A_937 : vector<1x16xf32> to vector<16xf32>
        %get3A_939 = arith.index_cast %add3A_866 : i32 to index
        %get3A_940 = arith.index_cast %squeeze3A_872 : i32 to index
        %get3A_941 = tpu.vector_load %arg27[%get3A_939, %get3A_940] {strides = array<i32>} : memref<64x128xf32, #tpu.memory_space<vmem>>, vector<1x16xf32>,
        %get3A_942 = vector.shape_cast %get3A_941 : vector<1x16xf32> to vector<16xf32>
        %add3A_943 = arith.constant 16 : i32
        %add3A_944 = arith.addi %squeeze3A_872, %add3A_943 : i32
        %get3A_945 = arith.index_cast %add3A_866 : i32 to index
        %get3A_946 = arith.index_cast %add3A_944 : i32 to index
        %get3A_947 = tpu.vector_load %arg27[%get3A_945, %get3A_946] {strides = array<i32>} : memref<64x128xf32, #tpu.memory_space<vmem>>, vector<1x16xf32>,
        %get3A_948 = vector.shape_cast %get3A_947 : vector<1x16xf32> to vector<16xf32>
        %mul3A_949 = arith.mulf %get3A_876, %get3A_896 : vector<16xf32>
        %mul3A_950 = arith.mulf %get3A_886, %get3A_904 : vector<16xf32>
        %sub3A_951 = arith.subf %mul3A_949, %mul3A_950 : vector<16xf32>
        %mul3A_952 = arith.mulf %get3A_886, %get3A_896 : vector<16xf32>
        %mul3A_953 = arith.mulf %get3A_876, %get3A_904 : vector<16xf32>
        %add3A_954 = arith.addf %mul3A_952, %mul3A_953 : vector<16xf32>
        %mul3A_955 = arith.mulf %get3A_882, %get3A_900 : vector<16xf32>
        %mul3A_956 = arith.mulf %get3A_892, %get3A_908 : vector<16xf32>
        %sub3A_957 = arith.subf %mul3A_955, %mul3A_956 : vector<16xf32>
        %mul3A_958 = arith.mulf %get3A_892, %get3A_900 : vector<16xf32>
        %mul3A_959 = arith.mulf %get3A_882, %get3A_908 : vector<16xf32>
        %add3A_960 = arith.addf %mul3A_958, %mul3A_959 : vector<16xf32>
        %sub3A_961 = arith.subf %get3A_932, %get3A_912 : vector<16xf32>
        %mul3A_962 = arith.mulf %sub3A_951, %sub3A_961 : vector<16xf32>
        %sub3A_963 = arith.subf %get3A_942, %get3A_922 : vector<16xf32>
        %mul3A_964 = arith.mulf %add3A_954, %sub3A_963 : vector<16xf32>
        %add3A_965 = arith.addf %mul3A_962, %mul3A_964 : vector<16xf32>
        %sub3A_966 = arith.subf %get3A_938, %get3A_918 : vector<16xf32>
        %mul3A_967 = arith.mulf %sub3A_957, %sub3A_966 : vector<16xf32>
        %add3A_968 = arith.addf %add3A_965, %mul3A_967 : vector<16xf32>
        %sub3A_969 = arith.subf %get3A_948, %get3A_928 : vector<16xf32>
        %mul3A_970 = arith.mulf %add3A_960, %sub3A_969 : vector<16xf32>
        %add3A_971 = arith.addf %add3A_968, %mul3A_970 : vector<16xf32>
        %mul3A_972 = arith.constant 64 : i32
        %mul3A_973 = arith.muli %scan3A_32, %mul3A_972 : i32
        %add3A_974 = arith.addi %mul3A_973, %add3A_866 : i32
        %swap3A_975 = arith.index_cast %add3A_974 : i32 to index
        %swap3A_976 = arith.constant 0 : index
        %swap3A_977 = tpu.vector_load %arg30[%swap3A_975, %swap3A_976] {strides = array<i32>} : memref<512x16xf32, #tpu.memory_space<vmem>>, vector<1x16xf32>,
        %swap3A_978 = vector.shape_cast %swap3A_977 : vector<1x16xf32> to vector<16xf32>
        %swap3A_979 = vector.shape_cast %add3A_971 : vector<16xf32> to vector<1x16xf32>
        tpu.vector_store %arg30[%swap3A_975, %swap3A_976], %swap3A_979 {strides = array<i32>} : memref<512x16xf32, #tpu.memory_space<vmem>>, vector<1x16xf32>,
        %mul3A_980 = arith.mulf %get3A_876, %get3A_876 : vector<16xf32>
        %add3A_981 = arith.addf %add3A_862, %mul3A_980 : vector<16xf32>
        %mul3A_982 = arith.mulf %get3A_882, %get3A_882 : vector<16xf32>
        %add3A_983 = arith.addf %add3A_981, %mul3A_982 : vector<16xf32>
        %mul3A_984 = arith.mulf %get3A_886, %get3A_886 : vector<16xf32>
        %add3A_985 = arith.addf %add3A_983, %mul3A_984 : vector<16xf32>
        %mul3A_986 = arith.mulf %get3A_892, %get3A_892 : vector<16xf32>
        %add3A_987 = arith.addf %add3A_985, %mul3A_986 : vector<16xf32>
        %mul3A_988 = arith.mulf %get3A_896, %get3A_896 : vector<16xf32>
        %add3A_989 = arith.addf %add3A_987, %mul3A_988 : vector<16xf32>
        %mul3A_990 = arith.mulf %get3A_900, %get3A_900 : vector<16xf32>
        %add3A_991 = arith.addf %add3A_989, %mul3A_990 : vector<16xf32>
        %mul3A_992 = arith.mulf %get3A_904, %get3A_904 : vector<16xf32>
        %add3A_993 = arith.addf %add3A_991, %mul3A_992 : vector<16xf32>
        %mul3A_994 = arith.mulf %get3A_908, %get3A_908 : vector<16xf32>
        %add3A_995 = arith.addf %add3A_993, %mul3A_994 : vector<16xf32>
        %mul3A_996 = arith.mulf %get3A_912, %get3A_912 : vector<16xf32>
        %add3A_997 = arith.addf %add3A_995, %mul3A_996 : vector<16xf32>
        %mul3A_998 = arith.mulf %get3A_918, %get3A_918 : vector<16xf32>
        %add3A_999 = arith.addf %add3A_997, %mul3A_998 : vector<16xf32>
        %mul3A_1000 = arith.mulf %get3A_922, %get3A_922 : vector<16xf32>
        %add3A_1001 = arith.addf %add3A_999, %mul3A_1000 : vector<16xf32>
        %mul3A_1002 = arith.mulf %get3A_928, %get3A_928 : vector<16xf32>
        %add3A_1003 = arith.addf %add3A_1001, %mul3A_1002 : vector<16xf32>
        %mul3A_1004 = arith.mulf %get3A_932, %get3A_932 : vector<16xf32>
        %add3A_1005 = arith.addf %add3A_1003, %mul3A_1004 : vector<16xf32>
        %mul3A_1006 = arith.mulf %get3A_938, %get3A_938 : vector<16xf32>
        %add3A_1007 = arith.addf %add3A_1005, %mul3A_1006 : vector<16xf32>
        %mul3A_1008 = arith.mulf %get3A_942, %get3A_942 : vector<16xf32>
        %add3A_1009 = arith.addf %add3A_1007, %mul3A_1008 : vector<16xf32>
        %mul3A_1010 = arith.mulf %get3A_948, %get3A_948 : vector<16xf32>
        %add3A_1011 = arith.addf %add3A_1009, %mul3A_1010 : vector<16xf32>
        %mul3A_1012 = arith.constant 16 : i32
        %mul3A_1013 = arith.muli %scan3A_106, %mul3A_1012 : i32
        %add3A_1014 = arith.constant 6 : i32
        %add3A_1015 = arith.addi %mul3A_1013, %add3A_1014 : i32
        %slice3A_1016 = vector.extract_strided_slice %get3A_114 {offsets = [6], sizes = [1], strides = [1]} : vector<16xi32> to vector<1xi32>
        %squeeze3A_1017 = vector.extract %slice3A_1016[0] : i32 from vector<1xi32>
        %slice3A_1018 = vector.extract_strided_slice %get3A_117 {offsets = [6], sizes = [1], strides = [1]} : vector<16xi32> to vector<1xi32>
        %squeeze3A_1019 = vector.extract %slice3A_1018[0] : i32 from vector<1xi32>
        %slice3A_1020 = vector.extract_strided_slice %get3A_120 {offsets = [6], sizes = [1], strides = [1]} : vector<16xi32> to vector<1xi32>
        %squeeze3A_1021 = vector.extract %slice3A_1020[0] : i32 from vector<1xi32>
        %get3A_1022 = arith.index_cast %add3A_1015 : i32 to index
        %get3A_1023 = arith.index_cast %squeeze3A_1017 : i32 to index
        %get3A_1024 = tpu.vector_load %arg22[%get3A_1022, %get3A_1023] {strides = array<i32>} : memref<64x128xf32, #tpu.memory_space<vmem>>, vector<1x16xf32>,
        %get3A_1025 = vector.shape_cast %get3A_1024 : vector<1x16xf32> to vector<16xf32>
        %add3A_1026 = arith.constant 16 : i32
        %add3A_1027 = arith.addi %squeeze3A_1017, %add3A_1026 : i32
        %get3A_1028 = arith.index_cast %add3A_1015 : i32 to index
        %get3A_1029 = arith.index_cast %add3A_1027 : i32 to index
        %get3A_1030 = tpu.vector_load %arg22[%get3A_1028, %get3A_1029] {strides = array<i32>} : memref<64x128xf32, #tpu.memory_space<vmem>>, vector<1x16xf32>,
        %get3A_1031 = vector.shape_cast %get3A_1030 : vector<1x16xf32> to vector<16xf32>
        %get3A_1032 = arith.index_cast %add3A_1015 : i32 to index
        %get3A_1033 = arith.index_cast %squeeze3A_1017 : i32 to index
        %get3A_1034 = tpu.vector_load %arg23[%get3A_1032, %get3A_1033] {strides = array<i32>} : memref<64x128xf32, #tpu.memory_space<vmem>>, vector<1x16xf32>,
        %get3A_1035 = vector.shape_cast %get3A_1034 : vector<1x16xf32> to vector<16xf32>
        %add3A_1036 = arith.constant 16 : i32
        %add3A_1037 = arith.addi %squeeze3A_1017, %add3A_1036 : i32
        %get3A_1038 = arith.index_cast %add3A_1015 : i32 to index
        %get3A_1039 = arith.index_cast %add3A_1037 : i32 to index
        %get3A_1040 = tpu.vector_load %arg23[%get3A_1038, %get3A_1039] {strides = array<i32>} : memref<64x128xf32, #tpu.memory_space<vmem>>, vector<1x16xf32>,
        %get3A_1041 = vector.shape_cast %get3A_1040 : vector<1x16xf32> to vector<16xf32>
        %get3A_1042 = arith.index_cast %add3A_1015 : i32 to index
        %get3A_1043 = arith.constant 0 : index
        %get3A_1044 = tpu.vector_load %arg28[%get3A_1042, %get3A_1043] {strides = array<i32>} : memref<64x32xf32, #tpu.memory_space<vmem>>, vector<1x16xf32>,
        %get3A_1045 = vector.shape_cast %get3A_1044 : vector<1x16xf32> to vector<16xf32>
        %get3A_1046 = arith.index_cast %add3A_1015 : i32 to index
        %get3A_1047 = arith.constant 16 : index
        %get3A_1048 = tpu.vector_load %arg28[%get3A_1046, %get3A_1047] {strides = array<i32>} : memref<64x32xf32, #tpu.memory_space<vmem>>, vector<1x16xf32>,
        %get3A_1049 = vector.shape_cast %get3A_1048 : vector<1x16xf32> to vector<16xf32>
        %get3A_1050 = arith.index_cast %add3A_1015 : i32 to index
        %get3A_1051 = arith.constant 0 : index
        %get3A_1052 = tpu.vector_load %arg29[%get3A_1050, %get3A_1051] {strides = array<i32>} : memref<64x32xf32, #tpu.memory_space<vmem>>, vector<1x16xf32>,
        %get3A_1053 = vector.shape_cast %get3A_1052 : vector<1x16xf32> to vector<16xf32>
        %get3A_1054 = arith.index_cast %add3A_1015 : i32 to index
        %get3A_1055 = arith.constant 16 : index
        %get3A_1056 = tpu.vector_load %arg29[%get3A_1054, %get3A_1055] {strides = array<i32>} : memref<64x32xf32, #tpu.memory_space<vmem>>, vector<1x16xf32>,
        %get3A_1057 = vector.shape_cast %get3A_1056 : vector<1x16xf32> to vector<16xf32>
        %get3A_1058 = arith.index_cast %add3A_1015 : i32 to index
        %get3A_1059 = arith.index_cast %squeeze3A_1019 : i32 to index
        %get3A_1060 = tpu.vector_load %arg24[%get3A_1058, %get3A_1059] {strides = array<i32>} : memref<64x128xf32, #tpu.memory_space<vmem>>, vector<1x16xf32>,
        %get3A_1061 = vector.shape_cast %get3A_1060 : vector<1x16xf32> to vector<16xf32>
        %add3A_1062 = arith.constant 16 : i32
        %add3A_1063 = arith.addi %squeeze3A_1019, %add3A_1062 : i32
        %get3A_1064 = arith.index_cast %add3A_1015 : i32 to index
        %get3A_1065 = arith.index_cast %add3A_1063 : i32 to index
        %get3A_1066 = tpu.vector_load %arg24[%get3A_1064, %get3A_1065] {strides = array<i32>} : memref<64x128xf32, #tpu.memory_space<vmem>>, vector<1x16xf32>,
        %get3A_1067 = vector.shape_cast %get3A_1066 : vector<1x16xf32> to vector<16xf32>
        %get3A_1068 = arith.index_cast %add3A_1015 : i32 to index
        %get3A_1069 = arith.index_cast %squeeze3A_1019 : i32 to index
        %get3A_1070 = tpu.vector_load %arg25[%get3A_1068, %get3A_1069] {strides = array<i32>} : memref<64x128xf32, #tpu.memory_space<vmem>>, vector<1x16xf32>,
        %get3A_1071 = vector.shape_cast %get3A_1070 : vector<1x16xf32> to vector<16xf32>
        %add3A_1072 = arith.constant 16 : i32
        %add3A_1073 = arith.addi %squeeze3A_1019, %add3A_1072 : i32
        %get3A_1074 = arith.index_cast %add3A_1015 : i32 to index
        %get3A_1075 = arith.index_cast %add3A_1073 : i32 to index
        %get3A_1076 = tpu.vector_load %arg25[%get3A_1074, %get3A_1075] {strides = array<i32>} : memref<64x128xf32, #tpu.memory_space<vmem>>, vector<1x16xf32>,
        %get3A_1077 = vector.shape_cast %get3A_1076 : vector<1x16xf32> to vector<16xf32>
        %get3A_1078 = arith.index_cast %add3A_1015 : i32 to index
        %get3A_1079 = arith.index_cast %squeeze3A_1021 : i32 to index
        %get3A_1080 = tpu.vector_load %arg26[%get3A_1078, %get3A_1079] {strides = array<i32>} : memref<64x128xf32, #tpu.memory_space<vmem>>, vector<1x16xf32>,
        %get3A_1081 = vector.shape_cast %get3A_1080 : vector<1x16xf32> to vector<16xf32>
        %add3A_1082 = arith.constant 16 : i32
        %add3A_1083 = arith.addi %squeeze3A_1021, %add3A_1082 : i32
        %get3A_1084 = arith.index_cast %add3A_1015 : i32 to index
        %get3A_1085 = arith.index_cast %add3A_1083 : i32 to index
        %get3A_1086 = tpu.vector_load %arg26[%get3A_1084, %get3A_1085] {strides = array<i32>} : memref<64x128xf32, #tpu.memory_space<vmem>>, vector<1x16xf32>,
        %get3A_1087 = vector.shape_cast %get3A_1086 : vector<1x16xf32> to vector<16xf32>
        %get3A_1088 = arith.index_cast %add3A_1015 : i32 to index
        %get3A_1089 = arith.index_cast %squeeze3A_1021 : i32 to index
        %get3A_1090 = tpu.vector_load %arg27[%get3A_1088, %get3A_1089] {strides = array<i32>} : memref<64x128xf32, #tpu.memory_space<vmem>>, vector<1x16xf32>,
        %get3A_1091 = vector.shape_cast %get3A_1090 : vector<1x16xf32> to vector<16xf32>
        %add3A_1092 = arith.constant 16 : i32
        %add3A_1093 = arith.addi %squeeze3A_1021, %add3A_1092 : i32
        %get3A_1094 = arith.index_cast %add3A_1015 : i32 to index
        %get3A_1095 = arith.index_cast %add3A_1093 : i32 to index
        %get3A_1096 = tpu.vector_load %arg27[%get3A_1094, %get3A_1095] {strides = array<i32>} : memref<64x128xf32, #tpu.memory_space<vmem>>, vector<1x16xf32>,
        %get3A_1097 = vector.shape_cast %get3A_1096 : vector<1x16xf32> to vector<16xf32>
        %mul3A_1098 = arith.mulf %get3A_1025, %get3A_1045 : vector<16xf32>
        %mul3A_1099 = arith.mulf %get3A_1035, %get3A_1053 : vector<16xf32>
        %sub3A_1100 = arith.subf %mul3A_1098, %mul3A_1099 : vector<16xf32>
        %mul3A_1101 = arith.mulf %get3A_1035, %get3A_1045 : vector<16xf32>
        %mul3A_1102 = arith.mulf %get3A_1025, %get3A_1053 : vector<16xf32>
        %add3A_1103 = arith.addf %mul3A_1101, %mul3A_1102 : vector<16xf32>
        %mul3A_1104 = arith.mulf %get3A_1031, %get3A_1049 : vector<16xf32>
        %mul3A_1105 = arith.mulf %get3A_1041, %get3A_1057 : vector<16xf32>
        %sub3A_1106 = arith.subf %mul3A_1104, %mul3A_1105 : vector<16xf32>
        %mul3A_1107 = arith.mulf %get3A_1041, %get3A_1049 : vector<16xf32>
        %mul3A_1108 = arith.mulf %get3A_1031, %get3A_1057 : vector<16xf32>
        %add3A_1109 = arith.addf %mul3A_1107, %mul3A_1108 : vector<16xf32>
        %sub3A_1110 = arith.subf %get3A_1081, %get3A_1061 : vector<16xf32>
        %mul3A_1111 = arith.mulf %sub3A_1100, %sub3A_1110 : vector<16xf32>
        %sub3A_1112 = arith.subf %get3A_1091, %get3A_1071 : vector<16xf32>
        %mul3A_1113 = arith.mulf %add3A_1103, %sub3A_1112 : vector<16xf32>
        %add3A_1114 = arith.addf %mul3A_1111, %mul3A_1113 : vector<16xf32>
        %sub3A_1115 = arith.subf %get3A_1087, %get3A_1067 : vector<16xf32>
        %mul3A_1116 = arith.mulf %sub3A_1106, %sub3A_1115 : vector<16xf32>
        %add3A_1117 = arith.addf %add3A_1114, %mul3A_1116 : vector<16xf32>
        %sub3A_1118 = arith.subf %get3A_1097, %get3A_1077 : vector<16xf32>
        %mul3A_1119 = arith.mulf %add3A_1109, %sub3A_1118 : vector<16xf32>
        %add3A_1120 = arith.addf %add3A_1117, %mul3A_1119 : vector<16xf32>
        %mul3A_1121 = arith.constant 64 : i32
        %mul3A_1122 = arith.muli %scan3A_32, %mul3A_1121 : i32
        %add3A_1123 = arith.addi %mul3A_1122, %add3A_1015 : i32
        %swap3A_1124 = arith.index_cast %add3A_1123 : i32 to index
        %swap3A_1125 = arith.constant 0 : index
        %swap3A_1126 = tpu.vector_load %arg30[%swap3A_1124, %swap3A_1125] {strides = array<i32>} : memref<512x16xf32, #tpu.memory_space<vmem>>, vector<1x16xf32>,
        %swap3A_1127 = vector.shape_cast %swap3A_1126 : vector<1x16xf32> to vector<16xf32>
        %swap3A_1128 = vector.shape_cast %add3A_1120 : vector<16xf32> to vector<1x16xf32>
        tpu.vector_store %arg30[%swap3A_1124, %swap3A_1125], %swap3A_1128 {strides = array<i32>} : memref<512x16xf32, #tpu.memory_space<vmem>>, vector<1x16xf32>,
        %mul3A_1129 = arith.mulf %get3A_1025, %get3A_1025 : vector<16xf32>
        %add3A_1130 = arith.addf %add3A_1011, %mul3A_1129 : vector<16xf32>
        %mul3A_1131 = arith.mulf %get3A_1031, %get3A_1031 : vector<16xf32>
        %add3A_1132 = arith.addf %add3A_1130, %mul3A_1131 : vector<16xf32>
        %mul3A_1133 = arith.mulf %get3A_1035, %get3A_1035 : vector<16xf32>
        %add3A_1134 = arith.addf %add3A_1132, %mul3A_1133 : vector<16xf32>
        %mul3A_1135 = arith.mulf %get3A_1041, %get3A_1041 : vector<16xf32>
        %add3A_1136 = arith.addf %add3A_1134, %mul3A_1135 : vector<16xf32>
        %mul3A_1137 = arith.mulf %get3A_1045, %get3A_1045 : vector<16xf32>
        %add3A_1138 = arith.addf %add3A_1136, %mul3A_1137 : vector<16xf32>
        %mul3A_1139 = arith.mulf %get3A_1049, %get3A_1049 : vector<16xf32>
        %add3A_1140 = arith.addf %add3A_1138, %mul3A_1139 : vector<16xf32>
        %mul3A_1141 = arith.mulf %get3A_1053, %get3A_1053 : vector<16xf32>
        %add3A_1142 = arith.addf %add3A_1140, %mul3A_1141 : vector<16xf32>
        %mul3A_1143 = arith.mulf %get3A_1057, %get3A_1057 : vector<16xf32>
        %add3A_1144 = arith.addf %add3A_1142, %mul3A_1143 : vector<16xf32>
        %mul3A_1145 = arith.mulf %get3A_1061, %get3A_1061 : vector<16xf32>
        %add3A_1146 = arith.addf %add3A_1144, %mul3A_1145 : vector<16xf32>
        %mul3A_1147 = arith.mulf %get3A_1067, %get3A_1067 : vector<16xf32>
        %add3A_1148 = arith.addf %add3A_1146, %mul3A_1147 : vector<16xf32>
        %mul3A_1149 = arith.mulf %get3A_1071, %get3A_1071 : vector<16xf32>
        %add3A_1150 = arith.addf %add3A_1148, %mul3A_1149 : vector<16xf32>
        %mul3A_1151 = arith.mulf %get3A_1077, %get3A_1077 : vector<16xf32>
        %add3A_1152 = arith.addf %add3A_1150, %mul3A_1151 : vector<16xf32>
        %mul3A_1153 = arith.mulf %get3A_1081, %get3A_1081 : vector<16xf32>
        %add3A_1154 = arith.addf %add3A_1152, %mul3A_1153 : vector<16xf32>
        %mul3A_1155 = arith.mulf %get3A_1087, %get3A_1087 : vector<16xf32>
        %add3A_1156 = arith.addf %add3A_1154, %mul3A_1155 : vector<16xf32>
        %mul3A_1157 = arith.mulf %get3A_1091, %get3A_1091 : vector<16xf32>
        %add3A_1158 = arith.addf %add3A_1156, %mul3A_1157 : vector<16xf32>
        %mul3A_1159 = arith.mulf %get3A_1097, %get3A_1097 : vector<16xf32>
        %add3A_1160 = arith.addf %add3A_1158, %mul3A_1159 : vector<16xf32>
        %mul3A_1161 = arith.constant 16 : i32
        %mul3A_1162 = arith.muli %scan3A_106, %mul3A_1161 : i32
        %add3A_1163 = arith.constant 7 : i32
        %add3A_1164 = arith.addi %mul3A_1162, %add3A_1163 : i32
        %slice3A_1165 = vector.extract_strided_slice %get3A_114 {offsets = [7], sizes = [1], strides = [1]} : vector<16xi32> to vector<1xi32>
        %squeeze3A_1166 = vector.extract %slice3A_1165[0] : i32 from vector<1xi32>
        %slice3A_1167 = vector.extract_strided_slice %get3A_117 {offsets = [7], sizes = [1], strides = [1]} : vector<16xi32> to vector<1xi32>
        %squeeze3A_1168 = vector.extract %slice3A_1167[0] : i32 from vector<1xi32>
        %slice3A_1169 = vector.extract_strided_slice %get3A_120 {offsets = [7], sizes = [1], strides = [1]} : vector<16xi32> to vector<1xi32>
        %squeeze3A_1170 = vector.extract %slice3A_1169[0] : i32 from vector<1xi32>
        %get3A_1171 = arith.index_cast %add3A_1164 : i32 to index
        %get3A_1172 = arith.index_cast %squeeze3A_1166 : i32 to index
        %get3A_1173 = tpu.vector_load %arg22[%get3A_1171, %get3A_1172] {strides = array<i32>} : memref<64x128xf32, #tpu.memory_space<vmem>>, vector<1x16xf32>,
        %get3A_1174 = vector.shape_cast %get3A_1173 : vector<1x16xf32> to vector<16xf32>
        %add3A_1175 = arith.constant 16 : i32
        %add3A_1176 = arith.addi %squeeze3A_1166, %add3A_1175 : i32
        %get3A_1177 = arith.index_cast %add3A_1164 : i32 to index
        %get3A_1178 = arith.index_cast %add3A_1176 : i32 to index
        %get3A_1179 = tpu.vector_load %arg22[%get3A_1177, %get3A_1178] {strides = array<i32>} : memref<64x128xf32, #tpu.memory_space<vmem>>, vector<1x16xf32>,
        %get3A_1180 = vector.shape_cast %get3A_1179 : vector<1x16xf32> to vector<16xf32>
        %get3A_1181 = arith.index_cast %add3A_1164 : i32 to index
        %get3A_1182 = arith.index_cast %squeeze3A_1166 : i32 to index
        %get3A_1183 = tpu.vector_load %arg23[%get3A_1181, %get3A_1182] {strides = array<i32>} : memref<64x128xf32, #tpu.memory_space<vmem>>, vector<1x16xf32>,
        %get3A_1184 = vector.shape_cast %get3A_1183 : vector<1x16xf32> to vector<16xf32>
        %add3A_1185 = arith.constant 16 : i32
        %add3A_1186 = arith.addi %squeeze3A_1166, %add3A_1185 : i32
        %get3A_1187 = arith.index_cast %add3A_1164 : i32 to index
        %get3A_1188 = arith.index_cast %add3A_1186 : i32 to index
        %get3A_1189 = tpu.vector_load %arg23[%get3A_1187, %get3A_1188] {strides = array<i32>} : memref<64x128xf32, #tpu.memory_space<vmem>>, vector<1x16xf32>,
        %get3A_1190 = vector.shape_cast %get3A_1189 : vector<1x16xf32> to vector<16xf32>
        %get3A_1191 = arith.index_cast %add3A_1164 : i32 to index
        %get3A_1192 = arith.constant 0 : index
        %get3A_1193 = tpu.vector_load %arg28[%get3A_1191, %get3A_1192] {strides = array<i32>} : memref<64x32xf32, #tpu.memory_space<vmem>>, vector<1x16xf32>,
        %get3A_1194 = vector.shape_cast %get3A_1193 : vector<1x16xf32> to vector<16xf32>
        %get3A_1195 = arith.index_cast %add3A_1164 : i32 to index
        %get3A_1196 = arith.constant 16 : index
        %get3A_1197 = tpu.vector_load %arg28[%get3A_1195, %get3A_1196] {strides = array<i32>} : memref<64x32xf32, #tpu.memory_space<vmem>>, vector<1x16xf32>,
        %get3A_1198 = vector.shape_cast %get3A_1197 : vector<1x16xf32> to vector<16xf32>
        %get3A_1199 = arith.index_cast %add3A_1164 : i32 to index
        %get3A_1200 = arith.constant 0 : index
        %get3A_1201 = tpu.vector_load %arg29[%get3A_1199, %get3A_1200] {strides = array<i32>} : memref<64x32xf32, #tpu.memory_space<vmem>>, vector<1x16xf32>,
        %get3A_1202 = vector.shape_cast %get3A_1201 : vector<1x16xf32> to vector<16xf32>
        %get3A_1203 = arith.index_cast %add3A_1164 : i32 to index
        %get3A_1204 = arith.constant 16 : index
        %get3A_1205 = tpu.vector_load %arg29[%get3A_1203, %get3A_1204] {strides = array<i32>} : memref<64x32xf32, #tpu.memory_space<vmem>>, vector<1x16xf32>,
        %get3A_1206 = vector.shape_cast %get3A_1205 : vector<1x16xf32> to vector<16xf32>
        %get3A_1207 = arith.index_cast %add3A_1164 : i32 to index
        %get3A_1208 = arith.index_cast %squeeze3A_1168 : i32 to index
        %get3A_1209 = tpu.vector_load %arg24[%get3A_1207, %get3A_1208] {strides = array<i32>} : memref<64x128xf32, #tpu.memory_space<vmem>>, vector<1x16xf32>,
        %get3A_1210 = vector.shape_cast %get3A_1209 : vector<1x16xf32> to vector<16xf32>
        %add3A_1211 = arith.constant 16 : i32
        %add3A_1212 = arith.addi %squeeze3A_1168, %add3A_1211 : i32
        %get3A_1213 = arith.index_cast %add3A_1164 : i32 to index
        %get3A_1214 = arith.index_cast %add3A_1212 : i32 to index
        %get3A_1215 = tpu.vector_load %arg24[%get3A_1213, %get3A_1214] {strides = array<i32>} : memref<64x128xf32, #tpu.memory_space<vmem>>, vector<1x16xf32>,
        %get3A_1216 = vector.shape_cast %get3A_1215 : vector<1x16xf32> to vector<16xf32>
        %get3A_1217 = arith.index_cast %add3A_1164 : i32 to index
        %get3A_1218 = arith.index_cast %squeeze3A_1168 : i32 to index
        %get3A_1219 = tpu.vector_load %arg25[%get3A_1217, %get3A_1218] {strides = array<i32>} : memref<64x128xf32, #tpu.memory_space<vmem>>, vector<1x16xf32>,
        %get3A_1220 = vector.shape_cast %get3A_1219 : vector<1x16xf32> to vector<16xf32>
        %add3A_1221 = arith.constant 16 : i32
        %add3A_1222 = arith.addi %squeeze3A_1168, %add3A_1221 : i32
        %get3A_1223 = arith.index_cast %add3A_1164 : i32 to index
        %get3A_1224 = arith.index_cast %add3A_1222 : i32 to index
        %get3A_1225 = tpu.vector_load %arg25[%get3A_1223, %get3A_1224] {strides = array<i32>} : memref<64x128xf32, #tpu.memory_space<vmem>>, vector<1x16xf32>,
        %get3A_1226 = vector.shape_cast %get3A_1225 : vector<1x16xf32> to vector<16xf32>
        %get3A_1227 = arith.index_cast %add3A_1164 : i32 to index
        %get3A_1228 = arith.index_cast %squeeze3A_1170 : i32 to index
        %get3A_1229 = tpu.vector_load %arg26[%get3A_1227, %get3A_1228] {strides = array<i32>} : memref<64x128xf32, #tpu.memory_space<vmem>>, vector<1x16xf32>,
        %get3A_1230 = vector.shape_cast %get3A_1229 : vector<1x16xf32> to vector<16xf32>
        %add3A_1231 = arith.constant 16 : i32
        %add3A_1232 = arith.addi %squeeze3A_1170, %add3A_1231 : i32
        %get3A_1233 = arith.index_cast %add3A_1164 : i32 to index
        %get3A_1234 = arith.index_cast %add3A_1232 : i32 to index
        %get3A_1235 = tpu.vector_load %arg26[%get3A_1233, %get3A_1234] {strides = array<i32>} : memref<64x128xf32, #tpu.memory_space<vmem>>, vector<1x16xf32>,
        %get3A_1236 = vector.shape_cast %get3A_1235 : vector<1x16xf32> to vector<16xf32>
        %get3A_1237 = arith.index_cast %add3A_1164 : i32 to index
        %get3A_1238 = arith.index_cast %squeeze3A_1170 : i32 to index
        %get3A_1239 = tpu.vector_load %arg27[%get3A_1237, %get3A_1238] {strides = array<i32>} : memref<64x128xf32, #tpu.memory_space<vmem>>, vector<1x16xf32>,
        %get3A_1240 = vector.shape_cast %get3A_1239 : vector<1x16xf32> to vector<16xf32>
        %add3A_1241 = arith.constant 16 : i32
        %add3A_1242 = arith.addi %squeeze3A_1170, %add3A_1241 : i32
        %get3A_1243 = arith.index_cast %add3A_1164 : i32 to index
        %get3A_1244 = arith.index_cast %add3A_1242 : i32 to index
        %get3A_1245 = tpu.vector_load %arg27[%get3A_1243, %get3A_1244] {strides = array<i32>} : memref<64x128xf32, #tpu.memory_space<vmem>>, vector<1x16xf32>,
        %get3A_1246 = vector.shape_cast %get3A_1245 : vector<1x16xf32> to vector<16xf32>
        %mul3A_1247 = arith.mulf %get3A_1174, %get3A_1194 : vector<16xf32>
        %mul3A_1248 = arith.mulf %get3A_1184, %get3A_1202 : vector<16xf32>
        %sub3A_1249 = arith.subf %mul3A_1247, %mul3A_1248 : vector<16xf32>
        %mul3A_1250 = arith.mulf %get3A_1184, %get3A_1194 : vector<16xf32>
        %mul3A_1251 = arith.mulf %get3A_1174, %get3A_1202 : vector<16xf32>
        %add3A_1252 = arith.addf %mul3A_1250, %mul3A_1251 : vector<16xf32>
        %mul3A_1253 = arith.mulf %get3A_1180, %get3A_1198 : vector<16xf32>
        %mul3A_1254 = arith.mulf %get3A_1190, %get3A_1206 : vector<16xf32>
        %sub3A_1255 = arith.subf %mul3A_1253, %mul3A_1254 : vector<16xf32>
        %mul3A_1256 = arith.mulf %get3A_1190, %get3A_1198 : vector<16xf32>
        %mul3A_1257 = arith.mulf %get3A_1180, %get3A_1206 : vector<16xf32>
        %add3A_1258 = arith.addf %mul3A_1256, %mul3A_1257 : vector<16xf32>
        %sub3A_1259 = arith.subf %get3A_1230, %get3A_1210 : vector<16xf32>
        %mul3A_1260 = arith.mulf %sub3A_1249, %sub3A_1259 : vector<16xf32>
        %sub3A_1261 = arith.subf %get3A_1240, %get3A_1220 : vector<16xf32>
        %mul3A_1262 = arith.mulf %add3A_1252, %sub3A_1261 : vector<16xf32>
        %add3A_1263 = arith.addf %mul3A_1260, %mul3A_1262 : vector<16xf32>
        %sub3A_1264 = arith.subf %get3A_1236, %get3A_1216 : vector<16xf32>
        %mul3A_1265 = arith.mulf %sub3A_1255, %sub3A_1264 : vector<16xf32>
        %add3A_1266 = arith.addf %add3A_1263, %mul3A_1265 : vector<16xf32>
        %sub3A_1267 = arith.subf %get3A_1246, %get3A_1226 : vector<16xf32>
        %mul3A_1268 = arith.mulf %add3A_1258, %sub3A_1267 : vector<16xf32>
        %add3A_1269 = arith.addf %add3A_1266, %mul3A_1268 : vector<16xf32>
        %mul3A_1270 = arith.constant 64 : i32
        %mul3A_1271 = arith.muli %scan3A_32, %mul3A_1270 : i32
        %add3A_1272 = arith.addi %mul3A_1271, %add3A_1164 : i32
        %swap3A_1273 = arith.index_cast %add3A_1272 : i32 to index
        %swap3A_1274 = arith.constant 0 : index
        %swap3A_1275 = tpu.vector_load %arg30[%swap3A_1273, %swap3A_1274] {strides = array<i32>} : memref<512x16xf32, #tpu.memory_space<vmem>>, vector<1x16xf32>,
        %swap3A_1276 = vector.shape_cast %swap3A_1275 : vector<1x16xf32> to vector<16xf32>
        %swap3A_1277 = vector.shape_cast %add3A_1269 : vector<16xf32> to vector<1x16xf32>
        tpu.vector_store %arg30[%swap3A_1273, %swap3A_1274], %swap3A_1277 {strides = array<i32>} : memref<512x16xf32, #tpu.memory_space<vmem>>, vector<1x16xf32>,
        %mul3A_1278 = arith.mulf %get3A_1174, %get3A_1174 : vector<16xf32>
        %add3A_1279 = arith.addf %add3A_1160, %mul3A_1278 : vector<16xf32>
        %mul3A_1280 = arith.mulf %get3A_1180, %get3A_1180 : vector<16xf32>
        %add3A_1281 = arith.addf %add3A_1279, %mul3A_1280 : vector<16xf32>
        %mul3A_1282 = arith.mulf %get3A_1184, %get3A_1184 : vector<16xf32>
        %add3A_1283 = arith.addf %add3A_1281, %mul3A_1282 : vector<16xf32>
        %mul3A_1284 = arith.mulf %get3A_1190, %get3A_1190 : vector<16xf32>
        %add3A_1285 = arith.addf %add3A_1283, %mul3A_1284 : vector<16xf32>
        %mul3A_1286 = arith.mulf %get3A_1194, %get3A_1194 : vector<16xf32>
        %add3A_1287 = arith.addf %add3A_1285, %mul3A_1286 : vector<16xf32>
        %mul3A_1288 = arith.mulf %get3A_1198, %get3A_1198 : vector<16xf32>
        %add3A_1289 = arith.addf %add3A_1287, %mul3A_1288 : vector<16xf32>
        %mul3A_1290 = arith.mulf %get3A_1202, %get3A_1202 : vector<16xf32>
        %add3A_1291 = arith.addf %add3A_1289, %mul3A_1290 : vector<16xf32>
        %mul3A_1292 = arith.mulf %get3A_1206, %get3A_1206 : vector<16xf32>
        %add3A_1293 = arith.addf %add3A_1291, %mul3A_1292 : vector<16xf32>
        %mul3A_1294 = arith.mulf %get3A_1210, %get3A_1210 : vector<16xf32>
        %add3A_1295 = arith.addf %add3A_1293, %mul3A_1294 : vector<16xf32>
        %mul3A_1296 = arith.mulf %get3A_1216, %get3A_1216 : vector<16xf32>
        %add3A_1297 = arith.addf %add3A_1295, %mul3A_1296 : vector<16xf32>
        %mul3A_1298 = arith.mulf %get3A_1220, %get3A_1220 : vector<16xf32>
        %add3A_1299 = arith.addf %add3A_1297, %mul3A_1298 : vector<16xf32>
        %mul3A_1300 = arith.mulf %get3A_1226, %get3A_1226 : vector<16xf32>
        %add3A_1301 = arith.addf %add3A_1299, %mul3A_1300 : vector<16xf32>
        %mul3A_1302 = arith.mulf %get3A_1230, %get3A_1230 : vector<16xf32>
        %add3A_1303 = arith.addf %add3A_1301, %mul3A_1302 : vector<16xf32>
        %mul3A_1304 = arith.mulf %get3A_1236, %get3A_1236 : vector<16xf32>
        %add3A_1305 = arith.addf %add3A_1303, %mul3A_1304 : vector<16xf32>
        %mul3A_1306 = arith.mulf %get3A_1240, %get3A_1240 : vector<16xf32>
        %add3A_1307 = arith.addf %add3A_1305, %mul3A_1306 : vector<16xf32>
        %mul3A_1308 = arith.mulf %get3A_1246, %get3A_1246 : vector<16xf32>
        %add3A_1309 = arith.addf %add3A_1307, %mul3A_1308 : vector<16xf32>
        %mul3A_1310 = arith.constant 16 : i32
        %mul3A_1311 = arith.muli %scan3A_106, %mul3A_1310 : i32
        %add3A_1312 = arith.constant 8 : i32
        %add3A_1313 = arith.addi %mul3A_1311, %add3A_1312 : i32
        %slice3A_1314 = vector.extract_strided_slice %get3A_114 {offsets = [8], sizes = [1], strides = [1]} : vector<16xi32> to vector<1xi32>
        %squeeze3A_1315 = vector.extract %slice3A_1314[0] : i32 from vector<1xi32>
        %slice3A_1316 = vector.extract_strided_slice %get3A_117 {offsets = [8], sizes = [1], strides = [1]} : vector<16xi32> to vector<1xi32>
        %squeeze3A_1317 = vector.extract %slice3A_1316[0] : i32 from vector<1xi32>
        %slice3A_1318 = vector.extract_strided_slice %get3A_120 {offsets = [8], sizes = [1], strides = [1]} : vector<16xi32> to vector<1xi32>
        %squeeze3A_1319 = vector.extract %slice3A_1318[0] : i32 from vector<1xi32>
        %get3A_1320 = arith.index_cast %add3A_1313 : i32 to index
        %get3A_1321 = arith.index_cast %squeeze3A_1315 : i32 to index
        %get3A_1322 = tpu.vector_load %arg22[%get3A_1320, %get3A_1321] {strides = array<i32>} : memref<64x128xf32, #tpu.memory_space<vmem>>, vector<1x16xf32>,
        %get3A_1323 = vector.shape_cast %get3A_1322 : vector<1x16xf32> to vector<16xf32>
        %add3A_1324 = arith.constant 16 : i32
        %add3A_1325 = arith.addi %squeeze3A_1315, %add3A_1324 : i32
        %get3A_1326 = arith.index_cast %add3A_1313 : i32 to index
        %get3A_1327 = arith.index_cast %add3A_1325 : i32 to index
        %get3A_1328 = tpu.vector_load %arg22[%get3A_1326, %get3A_1327] {strides = array<i32>} : memref<64x128xf32, #tpu.memory_space<vmem>>, vector<1x16xf32>,
        %get3A_1329 = vector.shape_cast %get3A_1328 : vector<1x16xf32> to vector<16xf32>
        %get3A_1330 = arith.index_cast %add3A_1313 : i32 to index
        %get3A_1331 = arith.index_cast %squeeze3A_1315 : i32 to index
        %get3A_1332 = tpu.vector_load %arg23[%get3A_1330, %get3A_1331] {strides = array<i32>} : memref<64x128xf32, #tpu.memory_space<vmem>>, vector<1x16xf32>,
        %get3A_1333 = vector.shape_cast %get3A_1332 : vector<1x16xf32> to vector<16xf32>
        %add3A_1334 = arith.constant 16 : i32
        %add3A_1335 = arith.addi %squeeze3A_1315, %add3A_1334 : i32
        %get3A_1336 = arith.index_cast %add3A_1313 : i32 to index
        %get3A_1337 = arith.index_cast %add3A_1335 : i32 to index
        %get3A_1338 = tpu.vector_load %arg23[%get3A_1336, %get3A_1337] {strides = array<i32>} : memref<64x128xf32, #tpu.memory_space<vmem>>, vector<1x16xf32>,
        %get3A_1339 = vector.shape_cast %get3A_1338 : vector<1x16xf32> to vector<16xf32>
        %get3A_1340 = arith.index_cast %add3A_1313 : i32 to index
        %get3A_1341 = arith.constant 0 : index
        %get3A_1342 = tpu.vector_load %arg28[%get3A_1340, %get3A_1341] {strides = array<i32>} : memref<64x32xf32, #tpu.memory_space<vmem>>, vector<1x16xf32>,
        %get3A_1343 = vector.shape_cast %get3A_1342 : vector<1x16xf32> to vector<16xf32>
        %get3A_1344 = arith.index_cast %add3A_1313 : i32 to index
        %get3A_1345 = arith.constant 16 : index
        %get3A_1346 = tpu.vector_load %arg28[%get3A_1344, %get3A_1345] {strides = array<i32>} : memref<64x32xf32, #tpu.memory_space<vmem>>, vector<1x16xf32>,
        %get3A_1347 = vector.shape_cast %get3A_1346 : vector<1x16xf32> to vector<16xf32>
        %get3A_1348 = arith.index_cast %add3A_1313 : i32 to index
        %get3A_1349 = arith.constant 0 : index
        %get3A_1350 = tpu.vector_load %arg29[%get3A_1348, %get3A_1349] {strides = array<i32>} : memref<64x32xf32, #tpu.memory_space<vmem>>, vector<1x16xf32>,
        %get3A_1351 = vector.shape_cast %get3A_1350 : vector<1x16xf32> to vector<16xf32>
        %get3A_1352 = arith.index_cast %add3A_1313 : i32 to index
        %get3A_1353 = arith.constant 16 : index
        %get3A_1354 = tpu.vector_load %arg29[%get3A_1352, %get3A_1353] {strides = array<i32>} : memref<64x32xf32, #tpu.memory_space<vmem>>, vector<1x16xf32>,
        %get3A_1355 = vector.shape_cast %get3A_1354 : vector<1x16xf32> to vector<16xf32>
        %get3A_1356 = arith.index_cast %add3A_1313 : i32 to index
        %get3A_1357 = arith.index_cast %squeeze3A_1317 : i32 to index
        %get3A_1358 = tpu.vector_load %arg24[%get3A_1356, %get3A_1357] {strides = array<i32>} : memref<64x128xf32, #tpu.memory_space<vmem>>, vector<1x16xf32>,
        %get3A_1359 = vector.shape_cast %get3A_1358 : vector<1x16xf32> to vector<16xf32>
        %add3A_1360 = arith.constant 16 : i32
        %add3A_1361 = arith.addi %squeeze3A_1317, %add3A_1360 : i32
        %get3A_1362 = arith.index_cast %add3A_1313 : i32 to index
        %get3A_1363 = arith.index_cast %add3A_1361 : i32 to index
        %get3A_1364 = tpu.vector_load %arg24[%get3A_1362, %get3A_1363] {strides = array<i32>} : memref<64x128xf32, #tpu.memory_space<vmem>>, vector<1x16xf32>,
        %get3A_1365 = vector.shape_cast %get3A_1364 : vector<1x16xf32> to vector<16xf32>
        %get3A_1366 = arith.index_cast %add3A_1313 : i32 to index
        %get3A_1367 = arith.index_cast %squeeze3A_1317 : i32 to index
        %get3A_1368 = tpu.vector_load %arg25[%get3A_1366, %get3A_1367] {strides = array<i32>} : memref<64x128xf32, #tpu.memory_space<vmem>>, vector<1x16xf32>,
        %get3A_1369 = vector.shape_cast %get3A_1368 : vector<1x16xf32> to vector<16xf32>
        %add3A_1370 = arith.constant 16 : i32
        %add3A_1371 = arith.addi %squeeze3A_1317, %add3A_1370 : i32
        %get3A_1372 = arith.index_cast %add3A_1313 : i32 to index
        %get3A_1373 = arith.index_cast %add3A_1371 : i32 to index
        %get3A_1374 = tpu.vector_load %arg25[%get3A_1372, %get3A_1373] {strides = array<i32>} : memref<64x128xf32, #tpu.memory_space<vmem>>, vector<1x16xf32>,
        %get3A_1375 = vector.shape_cast %get3A_1374 : vector<1x16xf32> to vector<16xf32>
        %get3A_1376 = arith.index_cast %add3A_1313 : i32 to index
        %get3A_1377 = arith.index_cast %squeeze3A_1319 : i32 to index
        %get3A_1378 = tpu.vector_load %arg26[%get3A_1376, %get3A_1377] {strides = array<i32>} : memref<64x128xf32, #tpu.memory_space<vmem>>, vector<1x16xf32>,
        %get3A_1379 = vector.shape_cast %get3A_1378 : vector<1x16xf32> to vector<16xf32>
        %add3A_1380 = arith.constant 16 : i32
        %add3A_1381 = arith.addi %squeeze3A_1319, %add3A_1380 : i32
        %get3A_1382 = arith.index_cast %add3A_1313 : i32 to index
        %get3A_1383 = arith.index_cast %add3A_1381 : i32 to index
        %get3A_1384 = tpu.vector_load %arg26[%get3A_1382, %get3A_1383] {strides = array<i32>} : memref<64x128xf32, #tpu.memory_space<vmem>>, vector<1x16xf32>,
        %get3A_1385 = vector.shape_cast %get3A_1384 : vector<1x16xf32> to vector<16xf32>
        %get3A_1386 = arith.index_cast %add3A_1313 : i32 to index
        %get3A_1387 = arith.index_cast %squeeze3A_1319 : i32 to index
        %get3A_1388 = tpu.vector_load %arg27[%get3A_1386, %get3A_1387] {strides = array<i32>} : memref<64x128xf32, #tpu.memory_space<vmem>>, vector<1x16xf32>,
        %get3A_1389 = vector.shape_cast %get3A_1388 : vector<1x16xf32> to vector<16xf32>
        %add3A_1390 = arith.constant 16 : i32
        %add3A_1391 = arith.addi %squeeze3A_1319, %add3A_1390 : i32
        %get3A_1392 = arith.index_cast %add3A_1313 : i32 to index
        %get3A_1393 = arith.index_cast %add3A_1391 : i32 to index
        %get3A_1394 = tpu.vector_load %arg27[%get3A_1392, %get3A_1393] {strides = array<i32>} : memref<64x128xf32, #tpu.memory_space<vmem>>, vector<1x16xf32>,
        %get3A_1395 = vector.shape_cast %get3A_1394 : vector<1x16xf32> to vector<16xf32>
        %mul3A_1396 = arith.mulf %get3A_1323, %get3A_1343 : vector<16xf32>
        %mul3A_1397 = arith.mulf %get3A_1333, %get3A_1351 : vector<16xf32>
        %sub3A_1398 = arith.subf %mul3A_1396, %mul3A_1397 : vector<16xf32>
        %mul3A_1399 = arith.mulf %get3A_1333, %get3A_1343 : vector<16xf32>
        %mul3A_1400 = arith.mulf %get3A_1323, %get3A_1351 : vector<16xf32>
        %add3A_1401 = arith.addf %mul3A_1399, %mul3A_1400 : vector<16xf32>
        %mul3A_1402 = arith.mulf %get3A_1329, %get3A_1347 : vector<16xf32>
        %mul3A_1403 = arith.mulf %get3A_1339, %get3A_1355 : vector<16xf32>
        %sub3A_1404 = arith.subf %mul3A_1402, %mul3A_1403 : vector<16xf32>
        %mul3A_1405 = arith.mulf %get3A_1339, %get3A_1347 : vector<16xf32>
        %mul3A_1406 = arith.mulf %get3A_1329, %get3A_1355 : vector<16xf32>
        %add3A_1407 = arith.addf %mul3A_1405, %mul3A_1406 : vector<16xf32>
        %sub3A_1408 = arith.subf %get3A_1379, %get3A_1359 : vector<16xf32>
        %mul3A_1409 = arith.mulf %sub3A_1398, %sub3A_1408 : vector<16xf32>
        %sub3A_1410 = arith.subf %get3A_1389, %get3A_1369 : vector<16xf32>
        %mul3A_1411 = arith.mulf %add3A_1401, %sub3A_1410 : vector<16xf32>
        %add3A_1412 = arith.addf %mul3A_1409, %mul3A_1411 : vector<16xf32>
        %sub3A_1413 = arith.subf %get3A_1385, %get3A_1365 : vector<16xf32>
        %mul3A_1414 = arith.mulf %sub3A_1404, %sub3A_1413 : vector<16xf32>
        %add3A_1415 = arith.addf %add3A_1412, %mul3A_1414 : vector<16xf32>
        %sub3A_1416 = arith.subf %get3A_1395, %get3A_1375 : vector<16xf32>
        %mul3A_1417 = arith.mulf %add3A_1407, %sub3A_1416 : vector<16xf32>
        %add3A_1418 = arith.addf %add3A_1415, %mul3A_1417 : vector<16xf32>
        %mul3A_1419 = arith.constant 64 : i32
        %mul3A_1420 = arith.muli %scan3A_32, %mul3A_1419 : i32
        %add3A_1421 = arith.addi %mul3A_1420, %add3A_1313 : i32
        %swap3A_1422 = arith.index_cast %add3A_1421 : i32 to index
        %swap3A_1423 = arith.constant 0 : index
        %swap3A_1424 = tpu.vector_load %arg30[%swap3A_1422, %swap3A_1423] {strides = array<i32>} : memref<512x16xf32, #tpu.memory_space<vmem>>, vector<1x16xf32>,
        %swap3A_1425 = vector.shape_cast %swap3A_1424 : vector<1x16xf32> to vector<16xf32>
        %swap3A_1426 = vector.shape_cast %add3A_1418 : vector<16xf32> to vector<1x16xf32>
        tpu.vector_store %arg30[%swap3A_1422, %swap3A_1423], %swap3A_1426 {strides = array<i32>} : memref<512x16xf32, #tpu.memory_space<vmem>>, vector<1x16xf32>,
        %mul3A_1427 = arith.mulf %get3A_1323, %get3A_1323 : vector<16xf32>
        %add3A_1428 = arith.addf %add3A_1309, %mul3A_1427 : vector<16xf32>
        %mul3A_1429 = arith.mulf %get3A_1329, %get3A_1329 : vector<16xf32>
        %add3A_1430 = arith.addf %add3A_1428, %mul3A_1429 : vector<16xf32>
        %mul3A_1431 = arith.mulf %get3A_1333, %get3A_1333 : vector<16xf32>
        %add3A_1432 = arith.addf %add3A_1430, %mul3A_1431 : vector<16xf32>
        %mul3A_1433 = arith.mulf %get3A_1339, %get3A_1339 : vector<16xf32>
        %add3A_1434 = arith.addf %add3A_1432, %mul3A_1433 : vector<16xf32>
        %mul3A_1435 = arith.mulf %get3A_1343, %get3A_1343 : vector<16xf32>
        %add3A_1436 = arith.addf %add3A_1434, %mul3A_1435 : vector<16xf32>
        %mul3A_1437 = arith.mulf %get3A_1347, %get3A_1347 : vector<16xf32>
        %add3A_1438 = arith.addf %add3A_1436, %mul3A_1437 : vector<16xf32>
        %mul3A_1439 = arith.mulf %get3A_1351, %get3A_1351 : vector<16xf32>
        %add3A_1440 = arith.addf %add3A_1438, %mul3A_1439 : vector<16xf32>
        %mul3A_1441 = arith.mulf %get3A_1355, %get3A_1355 : vector<16xf32>
        %add3A_1442 = arith.addf %add3A_1440, %mul3A_1441 : vector<16xf32>
        %mul3A_1443 = arith.mulf %get3A_1359, %get3A_1359 : vector<16xf32>
        %add3A_1444 = arith.addf %add3A_1442, %mul3A_1443 : vector<16xf32>
        %mul3A_1445 = arith.mulf %get3A_1365, %get3A_1365 : vector<16xf32>
        %add3A_1446 = arith.addf %add3A_1444, %mul3A_1445 : vector<16xf32>
        %mul3A_1447 = arith.mulf %get3A_1369, %get3A_1369 : vector<16xf32>
        %add3A_1448 = arith.addf %add3A_1446, %mul3A_1447 : vector<16xf32>
        %mul3A_1449 = arith.mulf %get3A_1375, %get3A_1375 : vector<16xf32>
        %add3A_1450 = arith.addf %add3A_1448, %mul3A_1449 : vector<16xf32>
        %mul3A_1451 = arith.mulf %get3A_1379, %get3A_1379 : vector<16xf32>
        %add3A_1452 = arith.addf %add3A_1450, %mul3A_1451 : vector<16xf32>
        %mul3A_1453 = arith.mulf %get3A_1385, %get3A_1385 : vector<16xf32>
        %add3A_1454 = arith.addf %add3A_1452, %mul3A_1453 : vector<16xf32>
        %mul3A_1455 = arith.mulf %get3A_1389, %get3A_1389 : vector<16xf32>
        %add3A_1456 = arith.addf %add3A_1454, %mul3A_1455 : vector<16xf32>
        %mul3A_1457 = arith.mulf %get3A_1395, %get3A_1395 : vector<16xf32>
        %add3A_1458 = arith.addf %add3A_1456, %mul3A_1457 : vector<16xf32>
        %mul3A_1459 = arith.constant 16 : i32
        %mul3A_1460 = arith.muli %scan3A_106, %mul3A_1459 : i32
        %add3A_1461 = arith.constant 9 : i32
        %add3A_1462 = arith.addi %mul3A_1460, %add3A_1461 : i32
        %slice3A_1463 = vector.extract_strided_slice %get3A_114 {offsets = [9], sizes = [1], strides = [1]} : vector<16xi32> to vector<1xi32>
        %squeeze3A_1464 = vector.extract %slice3A_1463[0] : i32 from vector<1xi32>
        %slice3A_1465 = vector.extract_strided_slice %get3A_117 {offsets = [9], sizes = [1], strides = [1]} : vector<16xi32> to vector<1xi32>
        %squeeze3A_1466 = vector.extract %slice3A_1465[0] : i32 from vector<1xi32>
        %slice3A_1467 = vector.extract_strided_slice %get3A_120 {offsets = [9], sizes = [1], strides = [1]} : vector<16xi32> to vector<1xi32>
        %squeeze3A_1468 = vector.extract %slice3A_1467[0] : i32 from vector<1xi32>
        %get3A_1469 = arith.index_cast %add3A_1462 : i32 to index
        %get3A_1470 = arith.index_cast %squeeze3A_1464 : i32 to index
        %get3A_1471 = tpu.vector_load %arg22[%get3A_1469, %get3A_1470] {strides = array<i32>} : memref<64x128xf32, #tpu.memory_space<vmem>>, vector<1x16xf32>,
        %get3A_1472 = vector.shape_cast %get3A_1471 : vector<1x16xf32> to vector<16xf32>
        %add3A_1473 = arith.constant 16 : i32
        %add3A_1474 = arith.addi %squeeze3A_1464, %add3A_1473 : i32
        %get3A_1475 = arith.index_cast %add3A_1462 : i32 to index
        %get3A_1476 = arith.index_cast %add3A_1474 : i32 to index
        %get3A_1477 = tpu.vector_load %arg22[%get3A_1475, %get3A_1476] {strides = array<i32>} : memref<64x128xf32, #tpu.memory_space<vmem>>, vector<1x16xf32>,
        %get3A_1478 = vector.shape_cast %get3A_1477 : vector<1x16xf32> to vector<16xf32>
        %get3A_1479 = arith.index_cast %add3A_1462 : i32 to index
        %get3A_1480 = arith.index_cast %squeeze3A_1464 : i32 to index
        %get3A_1481 = tpu.vector_load %arg23[%get3A_1479, %get3A_1480] {strides = array<i32>} : memref<64x128xf32, #tpu.memory_space<vmem>>, vector<1x16xf32>,
        %get3A_1482 = vector.shape_cast %get3A_1481 : vector<1x16xf32> to vector<16xf32>
        %add3A_1483 = arith.constant 16 : i32
        %add3A_1484 = arith.addi %squeeze3A_1464, %add3A_1483 : i32
        %get3A_1485 = arith.index_cast %add3A_1462 : i32 to index
        %get3A_1486 = arith.index_cast %add3A_1484 : i32 to index
        %get3A_1487 = tpu.vector_load %arg23[%get3A_1485, %get3A_1486] {strides = array<i32>} : memref<64x128xf32, #tpu.memory_space<vmem>>, vector<1x16xf32>,
        %get3A_1488 = vector.shape_cast %get3A_1487 : vector<1x16xf32> to vector<16xf32>
        %get3A_1489 = arith.index_cast %add3A_1462 : i32 to index
        %get3A_1490 = arith.constant 0 : index
        %get3A_1491 = tpu.vector_load %arg28[%get3A_1489, %get3A_1490] {strides = array<i32>} : memref<64x32xf32, #tpu.memory_space<vmem>>, vector<1x16xf32>,
        %get3A_1492 = vector.shape_cast %get3A_1491 : vector<1x16xf32> to vector<16xf32>
        %get3A_1493 = arith.index_cast %add3A_1462 : i32 to index
        %get3A_1494 = arith.constant 16 : index
        %get3A_1495 = tpu.vector_load %arg28[%get3A_1493, %get3A_1494] {strides = array<i32>} : memref<64x32xf32, #tpu.memory_space<vmem>>, vector<1x16xf32>,
        %get3A_1496 = vector.shape_cast %get3A_1495 : vector<1x16xf32> to vector<16xf32>
        %get3A_1497 = arith.index_cast %add3A_1462 : i32 to index
        %get3A_1498 = arith.constant 0 : index
        %get3A_1499 = tpu.vector_load %arg29[%get3A_1497, %get3A_1498] {strides = array<i32>} : memref<64x32xf32, #tpu.memory_space<vmem>>, vector<1x16xf32>,
        %get3A_1500 = vector.shape_cast %get3A_1499 : vector<1x16xf32> to vector<16xf32>
        %get3A_1501 = arith.index_cast %add3A_1462 : i32 to index
        %get3A_1502 = arith.constant 16 : index
        %get3A_1503 = tpu.vector_load %arg29[%get3A_1501, %get3A_1502] {strides = array<i32>} : memref<64x32xf32, #tpu.memory_space<vmem>>, vector<1x16xf32>,
        %get3A_1504 = vector.shape_cast %get3A_1503 : vector<1x16xf32> to vector<16xf32>
        %get3A_1505 = arith.index_cast %add3A_1462 : i32 to index
        %get3A_1506 = arith.index_cast %squeeze3A_1466 : i32 to index
        %get3A_1507 = tpu.vector_load %arg24[%get3A_1505, %get3A_1506] {strides = array<i32>} : memref<64x128xf32, #tpu.memory_space<vmem>>, vector<1x16xf32>,
        %get3A_1508 = vector.shape_cast %get3A_1507 : vector<1x16xf32> to vector<16xf32>
        %add3A_1509 = arith.constant 16 : i32
        %add3A_1510 = arith.addi %squeeze3A_1466, %add3A_1509 : i32
        %get3A_1511 = arith.index_cast %add3A_1462 : i32 to index
        %get3A_1512 = arith.index_cast %add3A_1510 : i32 to index
        %get3A_1513 = tpu.vector_load %arg24[%get3A_1511, %get3A_1512] {strides = array<i32>} : memref<64x128xf32, #tpu.memory_space<vmem>>, vector<1x16xf32>,
        %get3A_1514 = vector.shape_cast %get3A_1513 : vector<1x16xf32> to vector<16xf32>
        %get3A_1515 = arith.index_cast %add3A_1462 : i32 to index
        %get3A_1516 = arith.index_cast %squeeze3A_1466 : i32 to index
        %get3A_1517 = tpu.vector_load %arg25[%get3A_1515, %get3A_1516] {strides = array<i32>} : memref<64x128xf32, #tpu.memory_space<vmem>>, vector<1x16xf32>,
        %get3A_1518 = vector.shape_cast %get3A_1517 : vector<1x16xf32> to vector<16xf32>
        %add3A_1519 = arith.constant 16 : i32
        %add3A_1520 = arith.addi %squeeze3A_1466, %add3A_1519 : i32
        %get3A_1521 = arith.index_cast %add3A_1462 : i32 to index
        %get3A_1522 = arith.index_cast %add3A_1520 : i32 to index
        %get3A_1523 = tpu.vector_load %arg25[%get3A_1521, %get3A_1522] {strides = array<i32>} : memref<64x128xf32, #tpu.memory_space<vmem>>, vector<1x16xf32>,
        %get3A_1524 = vector.shape_cast %get3A_1523 : vector<1x16xf32> to vector<16xf32>
        %get3A_1525 = arith.index_cast %add3A_1462 : i32 to index
        %get3A_1526 = arith.index_cast %squeeze3A_1468 : i32 to index
        %get3A_1527 = tpu.vector_load %arg26[%get3A_1525, %get3A_1526] {strides = array<i32>} : memref<64x128xf32, #tpu.memory_space<vmem>>, vector<1x16xf32>,
        %get3A_1528 = vector.shape_cast %get3A_1527 : vector<1x16xf32> to vector<16xf32>
        %add3A_1529 = arith.constant 16 : i32
        %add3A_1530 = arith.addi %squeeze3A_1468, %add3A_1529 : i32
        %get3A_1531 = arith.index_cast %add3A_1462 : i32 to index
        %get3A_1532 = arith.index_cast %add3A_1530 : i32 to index
        %get3A_1533 = tpu.vector_load %arg26[%get3A_1531, %get3A_1532] {strides = array<i32>} : memref<64x128xf32, #tpu.memory_space<vmem>>, vector<1x16xf32>,
        %get3A_1534 = vector.shape_cast %get3A_1533 : vector<1x16xf32> to vector<16xf32>
        %get3A_1535 = arith.index_cast %add3A_1462 : i32 to index
        %get3A_1536 = arith.index_cast %squeeze3A_1468 : i32 to index
        %get3A_1537 = tpu.vector_load %arg27[%get3A_1535, %get3A_1536] {strides = array<i32>} : memref<64x128xf32, #tpu.memory_space<vmem>>, vector<1x16xf32>,
        %get3A_1538 = vector.shape_cast %get3A_1537 : vector<1x16xf32> to vector<16xf32>
        %add3A_1539 = arith.constant 16 : i32
        %add3A_1540 = arith.addi %squeeze3A_1468, %add3A_1539 : i32
        %get3A_1541 = arith.index_cast %add3A_1462 : i32 to index
        %get3A_1542 = arith.index_cast %add3A_1540 : i32 to index
        %get3A_1543 = tpu.vector_load %arg27[%get3A_1541, %get3A_1542] {strides = array<i32>} : memref<64x128xf32, #tpu.memory_space<vmem>>, vector<1x16xf32>,
        %get3A_1544 = vector.shape_cast %get3A_1543 : vector<1x16xf32> to vector<16xf32>
        %mul3A_1545 = arith.mulf %get3A_1472, %get3A_1492 : vector<16xf32>
        %mul3A_1546 = arith.mulf %get3A_1482, %get3A_1500 : vector<16xf32>
        %sub3A_1547 = arith.subf %mul3A_1545, %mul3A_1546 : vector<16xf32>
        %mul3A_1548 = arith.mulf %get3A_1482, %get3A_1492 : vector<16xf32>
        %mul3A_1549 = arith.mulf %get3A_1472, %get3A_1500 : vector<16xf32>
        %add3A_1550 = arith.addf %mul3A_1548, %mul3A_1549 : vector<16xf32>
        %mul3A_1551 = arith.mulf %get3A_1478, %get3A_1496 : vector<16xf32>
        %mul3A_1552 = arith.mulf %get3A_1488, %get3A_1504 : vector<16xf32>
        %sub3A_1553 = arith.subf %mul3A_1551, %mul3A_1552 : vector<16xf32>
        %mul3A_1554 = arith.mulf %get3A_1488, %get3A_1496 : vector<16xf32>
        %mul3A_1555 = arith.mulf %get3A_1478, %get3A_1504 : vector<16xf32>
        %add3A_1556 = arith.addf %mul3A_1554, %mul3A_1555 : vector<16xf32>
        %sub3A_1557 = arith.subf %get3A_1528, %get3A_1508 : vector<16xf32>
        %mul3A_1558 = arith.mulf %sub3A_1547, %sub3A_1557 : vector<16xf32>
        %sub3A_1559 = arith.subf %get3A_1538, %get3A_1518 : vector<16xf32>
        %mul3A_1560 = arith.mulf %add3A_1550, %sub3A_1559 : vector<16xf32>
        %add3A_1561 = arith.addf %mul3A_1558, %mul3A_1560 : vector<16xf32>
        %sub3A_1562 = arith.subf %get3A_1534, %get3A_1514 : vector<16xf32>
        %mul3A_1563 = arith.mulf %sub3A_1553, %sub3A_1562 : vector<16xf32>
        %add3A_1564 = arith.addf %add3A_1561, %mul3A_1563 : vector<16xf32>
        %sub3A_1565 = arith.subf %get3A_1544, %get3A_1524 : vector<16xf32>
        %mul3A_1566 = arith.mulf %add3A_1556, %sub3A_1565 : vector<16xf32>
        %add3A_1567 = arith.addf %add3A_1564, %mul3A_1566 : vector<16xf32>
        %mul3A_1568 = arith.constant 64 : i32
        %mul3A_1569 = arith.muli %scan3A_32, %mul3A_1568 : i32
        %add3A_1570 = arith.addi %mul3A_1569, %add3A_1462 : i32
        %swap3A_1571 = arith.index_cast %add3A_1570 : i32 to index
        %swap3A_1572 = arith.constant 0 : index
        %swap3A_1573 = tpu.vector_load %arg30[%swap3A_1571, %swap3A_1572] {strides = array<i32>} : memref<512x16xf32, #tpu.memory_space<vmem>>, vector<1x16xf32>,
        %swap3A_1574 = vector.shape_cast %swap3A_1573 : vector<1x16xf32> to vector<16xf32>
        %swap3A_1575 = vector.shape_cast %add3A_1567 : vector<16xf32> to vector<1x16xf32>
        tpu.vector_store %arg30[%swap3A_1571, %swap3A_1572], %swap3A_1575 {strides = array<i32>} : memref<512x16xf32, #tpu.memory_space<vmem>>, vector<1x16xf32>,
        %mul3A_1576 = arith.mulf %get3A_1472, %get3A_1472 : vector<16xf32>
        %add3A_1577 = arith.addf %add3A_1458, %mul3A_1576 : vector<16xf32>
        %mul3A_1578 = arith.mulf %get3A_1478, %get3A_1478 : vector<16xf32>
        %add3A_1579 = arith.addf %add3A_1577, %mul3A_1578 : vector<16xf32>
        %mul3A_1580 = arith.mulf %get3A_1482, %get3A_1482 : vector<16xf32>
        %add3A_1581 = arith.addf %add3A_1579, %mul3A_1580 : vector<16xf32>
        %mul3A_1582 = arith.mulf %get3A_1488, %get3A_1488 : vector<16xf32>
        %add3A_1583 = arith.addf %add3A_1581, %mul3A_1582 : vector<16xf32>
        %mul3A_1584 = arith.mulf %get3A_1492, %get3A_1492 : vector<16xf32>
        %add3A_1585 = arith.addf %add3A_1583, %mul3A_1584 : vector<16xf32>
        %mul3A_1586 = arith.mulf %get3A_1496, %get3A_1496 : vector<16xf32>
        %add3A_1587 = arith.addf %add3A_1585, %mul3A_1586 : vector<16xf32>
        %mul3A_1588 = arith.mulf %get3A_1500, %get3A_1500 : vector<16xf32>
        %add3A_1589 = arith.addf %add3A_1587, %mul3A_1588 : vector<16xf32>
        %mul3A_1590 = arith.mulf %get3A_1504, %get3A_1504 : vector<16xf32>
        %add3A_1591 = arith.addf %add3A_1589, %mul3A_1590 : vector<16xf32>
        %mul3A_1592 = arith.mulf %get3A_1508, %get3A_1508 : vector<16xf32>
        %add3A_1593 = arith.addf %add3A_1591, %mul3A_1592 : vector<16xf32>
        %mul3A_1594 = arith.mulf %get3A_1514, %get3A_1514 : vector<16xf32>
        %add3A_1595 = arith.addf %add3A_1593, %mul3A_1594 : vector<16xf32>
        %mul3A_1596 = arith.mulf %get3A_1518, %get3A_1518 : vector<16xf32>
        %add3A_1597 = arith.addf %add3A_1595, %mul3A_1596 : vector<16xf32>
        %mul3A_1598 = arith.mulf %get3A_1524, %get3A_1524 : vector<16xf32>
        %add3A_1599 = arith.addf %add3A_1597, %mul3A_1598 : vector<16xf32>
        %mul3A_1600 = arith.mulf %get3A_1528, %get3A_1528 : vector<16xf32>
        %add3A_1601 = arith.addf %add3A_1599, %mul3A_1600 : vector<16xf32>
        %mul3A_1602 = arith.mulf %get3A_1534, %get3A_1534 : vector<16xf32>
        %add3A_1603 = arith.addf %add3A_1601, %mul3A_1602 : vector<16xf32>
        %mul3A_1604 = arith.mulf %get3A_1538, %get3A_1538 : vector<16xf32>
        %add3A_1605 = arith.addf %add3A_1603, %mul3A_1604 : vector<16xf32>
        %mul3A_1606 = arith.mulf %get3A_1544, %get3A_1544 : vector<16xf32>
        %add3A_1607 = arith.addf %add3A_1605, %mul3A_1606 : vector<16xf32>
        %mul3A_1608 = arith.constant 16 : i32
        %mul3A_1609 = arith.muli %scan3A_106, %mul3A_1608 : i32
        %add3A_1610 = arith.constant 10 : i32
        %add3A_1611 = arith.addi %mul3A_1609, %add3A_1610 : i32
        %slice3A_1612 = vector.extract_strided_slice %get3A_114 {offsets = [10], sizes = [1], strides = [1]} : vector<16xi32> to vector<1xi32>
        %squeeze3A_1613 = vector.extract %slice3A_1612[0] : i32 from vector<1xi32>
        %slice3A_1614 = vector.extract_strided_slice %get3A_117 {offsets = [10], sizes = [1], strides = [1]} : vector<16xi32> to vector<1xi32>
        %squeeze3A_1615 = vector.extract %slice3A_1614[0] : i32 from vector<1xi32>
        %slice3A_1616 = vector.extract_strided_slice %get3A_120 {offsets = [10], sizes = [1], strides = [1]} : vector<16xi32> to vector<1xi32>
        %squeeze3A_1617 = vector.extract %slice3A_1616[0] : i32 from vector<1xi32>
        %get3A_1618 = arith.index_cast %add3A_1611 : i32 to index
        %get3A_1619 = arith.index_cast %squeeze3A_1613 : i32 to index
        %get3A_1620 = tpu.vector_load %arg22[%get3A_1618, %get3A_1619] {strides = array<i32>} : memref<64x128xf32, #tpu.memory_space<vmem>>, vector<1x16xf32>,
        %get3A_1621 = vector.shape_cast %get3A_1620 : vector<1x16xf32> to vector<16xf32>
        %add3A_1622 = arith.constant 16 : i32
        %add3A_1623 = arith.addi %squeeze3A_1613, %add3A_1622 : i32
        %get3A_1624 = arith.index_cast %add3A_1611 : i32 to index
        %get3A_1625 = arith.index_cast %add3A_1623 : i32 to index
        %get3A_1626 = tpu.vector_load %arg22[%get3A_1624, %get3A_1625] {strides = array<i32>} : memref<64x128xf32, #tpu.memory_space<vmem>>, vector<1x16xf32>,
        %get3A_1627 = vector.shape_cast %get3A_1626 : vector<1x16xf32> to vector<16xf32>
        %get3A_1628 = arith.index_cast %add3A_1611 : i32 to index
        %get3A_1629 = arith.index_cast %squeeze3A_1613 : i32 to index
        %get3A_1630 = tpu.vector_load %arg23[%get3A_1628, %get3A_1629] {strides = array<i32>} : memref<64x128xf32, #tpu.memory_space<vmem>>, vector<1x16xf32>,
        %get3A_1631 = vector.shape_cast %get3A_1630 : vector<1x16xf32> to vector<16xf32>
        %add3A_1632 = arith.constant 16 : i32
        %add3A_1633 = arith.addi %squeeze3A_1613, %add3A_1632 : i32
        %get3A_1634 = arith.index_cast %add3A_1611 : i32 to index
        %get3A_1635 = arith.index_cast %add3A_1633 : i32 to index
        %get3A_1636 = tpu.vector_load %arg23[%get3A_1634, %get3A_1635] {strides = array<i32>} : memref<64x128xf32, #tpu.memory_space<vmem>>, vector<1x16xf32>,
        %get3A_1637 = vector.shape_cast %get3A_1636 : vector<1x16xf32> to vector<16xf32>
        %get3A_1638 = arith.index_cast %add3A_1611 : i32 to index
        %get3A_1639 = arith.constant 0 : index
        %get3A_1640 = tpu.vector_load %arg28[%get3A_1638, %get3A_1639] {strides = array<i32>} : memref<64x32xf32, #tpu.memory_space<vmem>>, vector<1x16xf32>,
        %get3A_1641 = vector.shape_cast %get3A_1640 : vector<1x16xf32> to vector<16xf32>
        %get3A_1642 = arith.index_cast %add3A_1611 : i32 to index
        %get3A_1643 = arith.constant 16 : index
        %get3A_1644 = tpu.vector_load %arg28[%get3A_1642, %get3A_1643] {strides = array<i32>} : memref<64x32xf32, #tpu.memory_space<vmem>>, vector<1x16xf32>,
        %get3A_1645 = vector.shape_cast %get3A_1644 : vector<1x16xf32> to vector<16xf32>
        %get3A_1646 = arith.index_cast %add3A_1611 : i32 to index
        %get3A_1647 = arith.constant 0 : index
        %get3A_1648 = tpu.vector_load %arg29[%get3A_1646, %get3A_1647] {strides = array<i32>} : memref<64x32xf32, #tpu.memory_space<vmem>>, vector<1x16xf32>,
        %get3A_1649 = vector.shape_cast %get3A_1648 : vector<1x16xf32> to vector<16xf32>
        %get3A_1650 = arith.index_cast %add3A_1611 : i32 to index
        %get3A_1651 = arith.constant 16 : index
        %get3A_1652 = tpu.vector_load %arg29[%get3A_1650, %get3A_1651] {strides = array<i32>} : memref<64x32xf32, #tpu.memory_space<vmem>>, vector<1x16xf32>,
        %get3A_1653 = vector.shape_cast %get3A_1652 : vector<1x16xf32> to vector<16xf32>
        %get3A_1654 = arith.index_cast %add3A_1611 : i32 to index
        %get3A_1655 = arith.index_cast %squeeze3A_1615 : i32 to index
        %get3A_1656 = tpu.vector_load %arg24[%get3A_1654, %get3A_1655] {strides = array<i32>} : memref<64x128xf32, #tpu.memory_space<vmem>>, vector<1x16xf32>,
        %get3A_1657 = vector.shape_cast %get3A_1656 : vector<1x16xf32> to vector<16xf32>
        %add3A_1658 = arith.constant 16 : i32
        %add3A_1659 = arith.addi %squeeze3A_1615, %add3A_1658 : i32
        %get3A_1660 = arith.index_cast %add3A_1611 : i32 to index
        %get3A_1661 = arith.index_cast %add3A_1659 : i32 to index
        %get3A_1662 = tpu.vector_load %arg24[%get3A_1660, %get3A_1661] {strides = array<i32>} : memref<64x128xf32, #tpu.memory_space<vmem>>, vector<1x16xf32>,
        %get3A_1663 = vector.shape_cast %get3A_1662 : vector<1x16xf32> to vector<16xf32>
        %get3A_1664 = arith.index_cast %add3A_1611 : i32 to index
        %get3A_1665 = arith.index_cast %squeeze3A_1615 : i32 to index
        %get3A_1666 = tpu.vector_load %arg25[%get3A_1664, %get3A_1665] {strides = array<i32>} : memref<64x128xf32, #tpu.memory_space<vmem>>, vector<1x16xf32>,
        %get3A_1667 = vector.shape_cast %get3A_1666 : vector<1x16xf32> to vector<16xf32>
        %add3A_1668 = arith.constant 16 : i32
        %add3A_1669 = arith.addi %squeeze3A_1615, %add3A_1668 : i32
        %get3A_1670 = arith.index_cast %add3A_1611 : i32 to index
        %get3A_1671 = arith.index_cast %add3A_1669 : i32 to index
        %get3A_1672 = tpu.vector_load %arg25[%get3A_1670, %get3A_1671] {strides = array<i32>} : memref<64x128xf32, #tpu.memory_space<vmem>>, vector<1x16xf32>,
        %get3A_1673 = vector.shape_cast %get3A_1672 : vector<1x16xf32> to vector<16xf32>
        %get3A_1674 = arith.index_cast %add3A_1611 : i32 to index
        %get3A_1675 = arith.index_cast %squeeze3A_1617 : i32 to index
        %get3A_1676 = tpu.vector_load %arg26[%get3A_1674, %get3A_1675] {strides = array<i32>} : memref<64x128xf32, #tpu.memory_space<vmem>>, vector<1x16xf32>,
        %get3A_1677 = vector.shape_cast %get3A_1676 : vector<1x16xf32> to vector<16xf32>
        %add3A_1678 = arith.constant 16 : i32
        %add3A_1679 = arith.addi %squeeze3A_1617, %add3A_1678 : i32
        %get3A_1680 = arith.index_cast %add3A_1611 : i32 to index
        %get3A_1681 = arith.index_cast %add3A_1679 : i32 to index
        %get3A_1682 = tpu.vector_load %arg26[%get3A_1680, %get3A_1681] {strides = array<i32>} : memref<64x128xf32, #tpu.memory_space<vmem>>, vector<1x16xf32>,
        %get3A_1683 = vector.shape_cast %get3A_1682 : vector<1x16xf32> to vector<16xf32>
        %get3A_1684 = arith.index_cast %add3A_1611 : i32 to index
        %get3A_1685 = arith.index_cast %squeeze3A_1617 : i32 to index
        %get3A_1686 = tpu.vector_load %arg27[%get3A_1684, %get3A_1685] {strides = array<i32>} : memref<64x128xf32, #tpu.memory_space<vmem>>, vector<1x16xf32>,
        %get3A_1687 = vector.shape_cast %get3A_1686 : vector<1x16xf32> to vector<16xf32>
        %add3A_1688 = arith.constant 16 : i32
        %add3A_1689 = arith.addi %squeeze3A_1617, %add3A_1688 : i32
        %get3A_1690 = arith.index_cast %add3A_1611 : i32 to index
        %get3A_1691 = arith.index_cast %add3A_1689 : i32 to index
        %get3A_1692 = tpu.vector_load %arg27[%get3A_1690, %get3A_1691] {strides = array<i32>} : memref<64x128xf32, #tpu.memory_space<vmem>>, vector<1x16xf32>,
        %get3A_1693 = vector.shape_cast %get3A_1692 : vector<1x16xf32> to vector<16xf32>
        %mul3A_1694 = arith.mulf %get3A_1621, %get3A_1641 : vector<16xf32>
        %mul3A_1695 = arith.mulf %get3A_1631, %get3A_1649 : vector<16xf32>
        %sub3A_1696 = arith.subf %mul3A_1694, %mul3A_1695 : vector<16xf32>
        %mul3A_1697 = arith.mulf %get3A_1631, %get3A_1641 : vector<16xf32>
        %mul3A_1698 = arith.mulf %get3A_1621, %get3A_1649 : vector<16xf32>
        %add3A_1699 = arith.addf %mul3A_1697, %mul3A_1698 : vector<16xf32>
        %mul3A_1700 = arith.mulf %get3A_1627, %get3A_1645 : vector<16xf32>
        %mul3A_1701 = arith.mulf %get3A_1637, %get3A_1653 : vector<16xf32>
        %sub3A_1702 = arith.subf %mul3A_1700, %mul3A_1701 : vector<16xf32>
        %mul3A_1703 = arith.mulf %get3A_1637, %get3A_1645 : vector<16xf32>
        %mul3A_1704 = arith.mulf %get3A_1627, %get3A_1653 : vector<16xf32>
        %add3A_1705 = arith.addf %mul3A_1703, %mul3A_1704 : vector<16xf32>
        %sub3A_1706 = arith.subf %get3A_1677, %get3A_1657 : vector<16xf32>
        %mul3A_1707 = arith.mulf %sub3A_1696, %sub3A_1706 : vector<16xf32>
        %sub3A_1708 = arith.subf %get3A_1687, %get3A_1667 : vector<16xf32>
        %mul3A_1709 = arith.mulf %add3A_1699, %sub3A_1708 : vector<16xf32>
        %add3A_1710 = arith.addf %mul3A_1707, %mul3A_1709 : vector<16xf32>
        %sub3A_1711 = arith.subf %get3A_1683, %get3A_1663 : vector<16xf32>
        %mul3A_1712 = arith.mulf %sub3A_1702, %sub3A_1711 : vector<16xf32>
        %add3A_1713 = arith.addf %add3A_1710, %mul3A_1712 : vector<16xf32>
        %sub3A_1714 = arith.subf %get3A_1693, %get3A_1673 : vector<16xf32>
        %mul3A_1715 = arith.mulf %add3A_1705, %sub3A_1714 : vector<16xf32>
        %add3A_1716 = arith.addf %add3A_1713, %mul3A_1715 : vector<16xf32>
        %mul3A_1717 = arith.constant 64 : i32
        %mul3A_1718 = arith.muli %scan3A_32, %mul3A_1717 : i32
        %add3A_1719 = arith.addi %mul3A_1718, %add3A_1611 : i32
        %swap3A_1720 = arith.index_cast %add3A_1719 : i32 to index
        %swap3A_1721 = arith.constant 0 : index
        %swap3A_1722 = tpu.vector_load %arg30[%swap3A_1720, %swap3A_1721] {strides = array<i32>} : memref<512x16xf32, #tpu.memory_space<vmem>>, vector<1x16xf32>,
        %swap3A_1723 = vector.shape_cast %swap3A_1722 : vector<1x16xf32> to vector<16xf32>
        %swap3A_1724 = vector.shape_cast %add3A_1716 : vector<16xf32> to vector<1x16xf32>
        tpu.vector_store %arg30[%swap3A_1720, %swap3A_1721], %swap3A_1724 {strides = array<i32>} : memref<512x16xf32, #tpu.memory_space<vmem>>, vector<1x16xf32>,
        %mul3A_1725 = arith.mulf %get3A_1621, %get3A_1621 : vector<16xf32>
        %add3A_1726 = arith.addf %add3A_1607, %mul3A_1725 : vector<16xf32>
        %mul3A_1727 = arith.mulf %get3A_1627, %get3A_1627 : vector<16xf32>
        %add3A_1728 = arith.addf %add3A_1726, %mul3A_1727 : vector<16xf32>
        %mul3A_1729 = arith.mulf %get3A_1631, %get3A_1631 : vector<16xf32>
        %add3A_1730 = arith.addf %add3A_1728, %mul3A_1729 : vector<16xf32>
        %mul3A_1731 = arith.mulf %get3A_1637, %get3A_1637 : vector<16xf32>
        %add3A_1732 = arith.addf %add3A_1730, %mul3A_1731 : vector<16xf32>
        %mul3A_1733 = arith.mulf %get3A_1641, %get3A_1641 : vector<16xf32>
        %add3A_1734 = arith.addf %add3A_1732, %mul3A_1733 : vector<16xf32>
        %mul3A_1735 = arith.mulf %get3A_1645, %get3A_1645 : vector<16xf32>
        %add3A_1736 = arith.addf %add3A_1734, %mul3A_1735 : vector<16xf32>
        %mul3A_1737 = arith.mulf %get3A_1649, %get3A_1649 : vector<16xf32>
        %add3A_1738 = arith.addf %add3A_1736, %mul3A_1737 : vector<16xf32>
        %mul3A_1739 = arith.mulf %get3A_1653, %get3A_1653 : vector<16xf32>
        %add3A_1740 = arith.addf %add3A_1738, %mul3A_1739 : vector<16xf32>
        %mul3A_1741 = arith.mulf %get3A_1657, %get3A_1657 : vector<16xf32>
        %add3A_1742 = arith.addf %add3A_1740, %mul3A_1741 : vector<16xf32>
        %mul3A_1743 = arith.mulf %get3A_1663, %get3A_1663 : vector<16xf32>
        %add3A_1744 = arith.addf %add3A_1742, %mul3A_1743 : vector<16xf32>
        %mul3A_1745 = arith.mulf %get3A_1667, %get3A_1667 : vector<16xf32>
        %add3A_1746 = arith.addf %add3A_1744, %mul3A_1745 : vector<16xf32>
        %mul3A_1747 = arith.mulf %get3A_1673, %get3A_1673 : vector<16xf32>
        %add3A_1748 = arith.addf %add3A_1746, %mul3A_1747 : vector<16xf32>
        %mul3A_1749 = arith.mulf %get3A_1677, %get3A_1677 : vector<16xf32>
        %add3A_1750 = arith.addf %add3A_1748, %mul3A_1749 : vector<16xf32>
        %mul3A_1751 = arith.mulf %get3A_1683, %get3A_1683 : vector<16xf32>
        %add3A_1752 = arith.addf %add3A_1750, %mul3A_1751 : vector<16xf32>
        %mul3A_1753 = arith.mulf %get3A_1687, %get3A_1687 : vector<16xf32>
        %add3A_1754 = arith.addf %add3A_1752, %mul3A_1753 : vector<16xf32>
        %mul3A_1755 = arith.mulf %get3A_1693, %get3A_1693 : vector<16xf32>
        %add3A_1756 = arith.addf %add3A_1754, %mul3A_1755 : vector<16xf32>
        %mul3A_1757 = arith.constant 16 : i32
        %mul3A_1758 = arith.muli %scan3A_106, %mul3A_1757 : i32
        %add3A_1759 = arith.constant 11 : i32
        %add3A_1760 = arith.addi %mul3A_1758, %add3A_1759 : i32
        %slice3A_1761 = vector.extract_strided_slice %get3A_114 {offsets = [11], sizes = [1], strides = [1]} : vector<16xi32> to vector<1xi32>
        %squeeze3A_1762 = vector.extract %slice3A_1761[0] : i32 from vector<1xi32>
        %slice3A_1763 = vector.extract_strided_slice %get3A_117 {offsets = [11], sizes = [1], strides = [1]} : vector<16xi32> to vector<1xi32>
        %squeeze3A_1764 = vector.extract %slice3A_1763[0] : i32 from vector<1xi32>
        %slice3A_1765 = vector.extract_strided_slice %get3A_120 {offsets = [11], sizes = [1], strides = [1]} : vector<16xi32> to vector<1xi32>
        %squeeze3A_1766 = vector.extract %slice3A_1765[0] : i32 from vector<1xi32>
        %get3A_1767 = arith.index_cast %add3A_1760 : i32 to index
        %get3A_1768 = arith.index_cast %squeeze3A_1762 : i32 to index
        %get3A_1769 = tpu.vector_load %arg22[%get3A_1767, %get3A_1768] {strides = array<i32>} : memref<64x128xf32, #tpu.memory_space<vmem>>, vector<1x16xf32>,
        %get3A_1770 = vector.shape_cast %get3A_1769 : vector<1x16xf32> to vector<16xf32>
        %add3A_1771 = arith.constant 16 : i32
        %add3A_1772 = arith.addi %squeeze3A_1762, %add3A_1771 : i32
        %get3A_1773 = arith.index_cast %add3A_1760 : i32 to index
        %get3A_1774 = arith.index_cast %add3A_1772 : i32 to index
        %get3A_1775 = tpu.vector_load %arg22[%get3A_1773, %get3A_1774] {strides = array<i32>} : memref<64x128xf32, #tpu.memory_space<vmem>>, vector<1x16xf32>,
        %get3A_1776 = vector.shape_cast %get3A_1775 : vector<1x16xf32> to vector<16xf32>
        %get3A_1777 = arith.index_cast %add3A_1760 : i32 to index
        %get3A_1778 = arith.index_cast %squeeze3A_1762 : i32 to index
        %get3A_1779 = tpu.vector_load %arg23[%get3A_1777, %get3A_1778] {strides = array<i32>} : memref<64x128xf32, #tpu.memory_space<vmem>>, vector<1x16xf32>,
        %get3A_1780 = vector.shape_cast %get3A_1779 : vector<1x16xf32> to vector<16xf32>
        %add3A_1781 = arith.constant 16 : i32
        %add3A_1782 = arith.addi %squeeze3A_1762, %add3A_1781 : i32
        %get3A_1783 = arith.index_cast %add3A_1760 : i32 to index
        %get3A_1784 = arith.index_cast %add3A_1782 : i32 to index
        %get3A_1785 = tpu.vector_load %arg23[%get3A_1783, %get3A_1784] {strides = array<i32>} : memref<64x128xf32, #tpu.memory_space<vmem>>, vector<1x16xf32>,
        %get3A_1786 = vector.shape_cast %get3A_1785 : vector<1x16xf32> to vector<16xf32>
        %get3A_1787 = arith.index_cast %add3A_1760 : i32 to index
        %get3A_1788 = arith.constant 0 : index
        %get3A_1789 = tpu.vector_load %arg28[%get3A_1787, %get3A_1788] {strides = array<i32>} : memref<64x32xf32, #tpu.memory_space<vmem>>, vector<1x16xf32>,
        %get3A_1790 = vector.shape_cast %get3A_1789 : vector<1x16xf32> to vector<16xf32>
        %get3A_1791 = arith.index_cast %add3A_1760 : i32 to index
        %get3A_1792 = arith.constant 16 : index
        %get3A_1793 = tpu.vector_load %arg28[%get3A_1791, %get3A_1792] {strides = array<i32>} : memref<64x32xf32, #tpu.memory_space<vmem>>, vector<1x16xf32>,
        %get3A_1794 = vector.shape_cast %get3A_1793 : vector<1x16xf32> to vector<16xf32>
        %get3A_1795 = arith.index_cast %add3A_1760 : i32 to index
        %get3A_1796 = arith.constant 0 : index
        %get3A_1797 = tpu.vector_load %arg29[%get3A_1795, %get3A_1796] {strides = array<i32>} : memref<64x32xf32, #tpu.memory_space<vmem>>, vector<1x16xf32>,
        %get3A_1798 = vector.shape_cast %get3A_1797 : vector<1x16xf32> to vector<16xf32>
        %get3A_1799 = arith.index_cast %add3A_1760 : i32 to index
        %get3A_1800 = arith.constant 16 : index
        %get3A_1801 = tpu.vector_load %arg29[%get3A_1799, %get3A_1800] {strides = array<i32>} : memref<64x32xf32, #tpu.memory_space<vmem>>, vector<1x16xf32>,
        %get3A_1802 = vector.shape_cast %get3A_1801 : vector<1x16xf32> to vector<16xf32>
        %get3A_1803 = arith.index_cast %add3A_1760 : i32 to index
        %get3A_1804 = arith.index_cast %squeeze3A_1764 : i32 to index
        %get3A_1805 = tpu.vector_load %arg24[%get3A_1803, %get3A_1804] {strides = array<i32>} : memref<64x128xf32, #tpu.memory_space<vmem>>, vector<1x16xf32>,
        %get3A_1806 = vector.shape_cast %get3A_1805 : vector<1x16xf32> to vector<16xf32>
        %add3A_1807 = arith.constant 16 : i32
        %add3A_1808 = arith.addi %squeeze3A_1764, %add3A_1807 : i32
        %get3A_1809 = arith.index_cast %add3A_1760 : i32 to index
        %get3A_1810 = arith.index_cast %add3A_1808 : i32 to index
        %get3A_1811 = tpu.vector_load %arg24[%get3A_1809, %get3A_1810] {strides = array<i32>} : memref<64x128xf32, #tpu.memory_space<vmem>>, vector<1x16xf32>,
        %get3A_1812 = vector.shape_cast %get3A_1811 : vector<1x16xf32> to vector<16xf32>
        %get3A_1813 = arith.index_cast %add3A_1760 : i32 to index
        %get3A_1814 = arith.index_cast %squeeze3A_1764 : i32 to index
        %get3A_1815 = tpu.vector_load %arg25[%get3A_1813, %get3A_1814] {strides = array<i32>} : memref<64x128xf32, #tpu.memory_space<vmem>>, vector<1x16xf32>,
        %get3A_1816 = vector.shape_cast %get3A_1815 : vector<1x16xf32> to vector<16xf32>
        %add3A_1817 = arith.constant 16 : i32
        %add3A_1818 = arith.addi %squeeze3A_1764, %add3A_1817 : i32
        %get3A_1819 = arith.index_cast %add3A_1760 : i32 to index
        %get3A_1820 = arith.index_cast %add3A_1818 : i32 to index
        %get3A_1821 = tpu.vector_load %arg25[%get3A_1819, %get3A_1820] {strides = array<i32>} : memref<64x128xf32, #tpu.memory_space<vmem>>, vector<1x16xf32>,
        %get3A_1822 = vector.shape_cast %get3A_1821 : vector<1x16xf32> to vector<16xf32>
        %get3A_1823 = arith.index_cast %add3A_1760 : i32 to index
        %get3A_1824 = arith.index_cast %squeeze3A_1766 : i32 to index
        %get3A_1825 = tpu.vector_load %arg26[%get3A_1823, %get3A_1824] {strides = array<i32>} : memref<64x128xf32, #tpu.memory_space<vmem>>, vector<1x16xf32>,
        %get3A_1826 = vector.shape_cast %get3A_1825 : vector<1x16xf32> to vector<16xf32>
        %add3A_1827 = arith.constant 16 : i32
        %add3A_1828 = arith.addi %squeeze3A_1766, %add3A_1827 : i32
        %get3A_1829 = arith.index_cast %add3A_1760 : i32 to index
        %get3A_1830 = arith.index_cast %add3A_1828 : i32 to index
        %get3A_1831 = tpu.vector_load %arg26[%get3A_1829, %get3A_1830] {strides = array<i32>} : memref<64x128xf32, #tpu.memory_space<vmem>>, vector<1x16xf32>,
        %get3A_1832 = vector.shape_cast %get3A_1831 : vector<1x16xf32> to vector<16xf32>
        %get3A_1833 = arith.index_cast %add3A_1760 : i32 to index
        %get3A_1834 = arith.index_cast %squeeze3A_1766 : i32 to index
        %get3A_1835 = tpu.vector_load %arg27[%get3A_1833, %get3A_1834] {strides = array<i32>} : memref<64x128xf32, #tpu.memory_space<vmem>>, vector<1x16xf32>,
        %get3A_1836 = vector.shape_cast %get3A_1835 : vector<1x16xf32> to vector<16xf32>
        %add3A_1837 = arith.constant 16 : i32
        %add3A_1838 = arith.addi %squeeze3A_1766, %add3A_1837 : i32
        %get3A_1839 = arith.index_cast %add3A_1760 : i32 to index
        %get3A_1840 = arith.index_cast %add3A_1838 : i32 to index
        %get3A_1841 = tpu.vector_load %arg27[%get3A_1839, %get3A_1840] {strides = array<i32>} : memref<64x128xf32, #tpu.memory_space<vmem>>, vector<1x16xf32>,
        %get3A_1842 = vector.shape_cast %get3A_1841 : vector<1x16xf32> to vector<16xf32>
        %mul3A_1843 = arith.mulf %get3A_1770, %get3A_1790 : vector<16xf32>
        %mul3A_1844 = arith.mulf %get3A_1780, %get3A_1798 : vector<16xf32>
        %sub3A_1845 = arith.subf %mul3A_1843, %mul3A_1844 : vector<16xf32>
        %mul3A_1846 = arith.mulf %get3A_1780, %get3A_1790 : vector<16xf32>
        %mul3A_1847 = arith.mulf %get3A_1770, %get3A_1798 : vector<16xf32>
        %add3A_1848 = arith.addf %mul3A_1846, %mul3A_1847 : vector<16xf32>
        %mul3A_1849 = arith.mulf %get3A_1776, %get3A_1794 : vector<16xf32>
        %mul3A_1850 = arith.mulf %get3A_1786, %get3A_1802 : vector<16xf32>
        %sub3A_1851 = arith.subf %mul3A_1849, %mul3A_1850 : vector<16xf32>
        %mul3A_1852 = arith.mulf %get3A_1786, %get3A_1794 : vector<16xf32>
        %mul3A_1853 = arith.mulf %get3A_1776, %get3A_1802 : vector<16xf32>
        %add3A_1854 = arith.addf %mul3A_1852, %mul3A_1853 : vector<16xf32>
        %sub3A_1855 = arith.subf %get3A_1826, %get3A_1806 : vector<16xf32>
        %mul3A_1856 = arith.mulf %sub3A_1845, %sub3A_1855 : vector<16xf32>
        %sub3A_1857 = arith.subf %get3A_1836, %get3A_1816 : vector<16xf32>
        %mul3A_1858 = arith.mulf %add3A_1848, %sub3A_1857 : vector<16xf32>
        %add3A_1859 = arith.addf %mul3A_1856, %mul3A_1858 : vector<16xf32>
        %sub3A_1860 = arith.subf %get3A_1832, %get3A_1812 : vector<16xf32>
        %mul3A_1861 = arith.mulf %sub3A_1851, %sub3A_1860 : vector<16xf32>
        %add3A_1862 = arith.addf %add3A_1859, %mul3A_1861 : vector<16xf32>
        %sub3A_1863 = arith.subf %get3A_1842, %get3A_1822 : vector<16xf32>
        %mul3A_1864 = arith.mulf %add3A_1854, %sub3A_1863 : vector<16xf32>
        %add3A_1865 = arith.addf %add3A_1862, %mul3A_1864 : vector<16xf32>
        %mul3A_1866 = arith.constant 64 : i32
        %mul3A_1867 = arith.muli %scan3A_32, %mul3A_1866 : i32
        %add3A_1868 = arith.addi %mul3A_1867, %add3A_1760 : i32
        %swap3A_1869 = arith.index_cast %add3A_1868 : i32 to index
        %swap3A_1870 = arith.constant 0 : index
        %swap3A_1871 = tpu.vector_load %arg30[%swap3A_1869, %swap3A_1870] {strides = array<i32>} : memref<512x16xf32, #tpu.memory_space<vmem>>, vector<1x16xf32>,
        %swap3A_1872 = vector.shape_cast %swap3A_1871 : vector<1x16xf32> to vector<16xf32>
        %swap3A_1873 = vector.shape_cast %add3A_1865 : vector<16xf32> to vector<1x16xf32>
        tpu.vector_store %arg30[%swap3A_1869, %swap3A_1870], %swap3A_1873 {strides = array<i32>} : memref<512x16xf32, #tpu.memory_space<vmem>>, vector<1x16xf32>,
        %mul3A_1874 = arith.mulf %get3A_1770, %get3A_1770 : vector<16xf32>
        %add3A_1875 = arith.addf %add3A_1756, %mul3A_1874 : vector<16xf32>
        %mul3A_1876 = arith.mulf %get3A_1776, %get3A_1776 : vector<16xf32>
        %add3A_1877 = arith.addf %add3A_1875, %mul3A_1876 : vector<16xf32>
        %mul3A_1878 = arith.mulf %get3A_1780, %get3A_1780 : vector<16xf32>
        %add3A_1879 = arith.addf %add3A_1877, %mul3A_1878 : vector<16xf32>
        %mul3A_1880 = arith.mulf %get3A_1786, %get3A_1786 : vector<16xf32>
        %add3A_1881 = arith.addf %add3A_1879, %mul3A_1880 : vector<16xf32>
        %mul3A_1882 = arith.mulf %get3A_1790, %get3A_1790 : vector<16xf32>
        %add3A_1883 = arith.addf %add3A_1881, %mul3A_1882 : vector<16xf32>
        %mul3A_1884 = arith.mulf %get3A_1794, %get3A_1794 : vector<16xf32>
        %add3A_1885 = arith.addf %add3A_1883, %mul3A_1884 : vector<16xf32>
        %mul3A_1886 = arith.mulf %get3A_1798, %get3A_1798 : vector<16xf32>
        %add3A_1887 = arith.addf %add3A_1885, %mul3A_1886 : vector<16xf32>
        %mul3A_1888 = arith.mulf %get3A_1802, %get3A_1802 : vector<16xf32>
        %add3A_1889 = arith.addf %add3A_1887, %mul3A_1888 : vector<16xf32>
        %mul3A_1890 = arith.mulf %get3A_1806, %get3A_1806 : vector<16xf32>
        %add3A_1891 = arith.addf %add3A_1889, %mul3A_1890 : vector<16xf32>
        %mul3A_1892 = arith.mulf %get3A_1812, %get3A_1812 : vector<16xf32>
        %add3A_1893 = arith.addf %add3A_1891, %mul3A_1892 : vector<16xf32>
        %mul3A_1894 = arith.mulf %get3A_1816, %get3A_1816 : vector<16xf32>
        %add3A_1895 = arith.addf %add3A_1893, %mul3A_1894 : vector<16xf32>
        %mul3A_1896 = arith.mulf %get3A_1822, %get3A_1822 : vector<16xf32>
        %add3A_1897 = arith.addf %add3A_1895, %mul3A_1896 : vector<16xf32>
        %mul3A_1898 = arith.mulf %get3A_1826, %get3A_1826 : vector<16xf32>
        %add3A_1899 = arith.addf %add3A_1897, %mul3A_1898 : vector<16xf32>
        %mul3A_1900 = arith.mulf %get3A_1832, %get3A_1832 : vector<16xf32>
        %add3A_1901 = arith.addf %add3A_1899, %mul3A_1900 : vector<16xf32>
        %mul3A_1902 = arith.mulf %get3A_1836, %get3A_1836 : vector<16xf32>
        %add3A_1903 = arith.addf %add3A_1901, %mul3A_1902 : vector<16xf32>
        %mul3A_1904 = arith.mulf %get3A_1842, %get3A_1842 : vector<16xf32>
        %add3A_1905 = arith.addf %add3A_1903, %mul3A_1904 : vector<16xf32>
        %mul3A_1906 = arith.constant 16 : i32
        %mul3A_1907 = arith.muli %scan3A_106, %mul3A_1906 : i32
        %add3A_1908 = arith.constant 12 : i32
        %add3A_1909 = arith.addi %mul3A_1907, %add3A_1908 : i32
        %slice3A_1910 = vector.extract_strided_slice %get3A_114 {offsets = [12], sizes = [1], strides = [1]} : vector<16xi32> to vector<1xi32>
        %squeeze3A_1911 = vector.extract %slice3A_1910[0] : i32 from vector<1xi32>
        %slice3A_1912 = vector.extract_strided_slice %get3A_117 {offsets = [12], sizes = [1], strides = [1]} : vector<16xi32> to vector<1xi32>
        %squeeze3A_1913 = vector.extract %slice3A_1912[0] : i32 from vector<1xi32>
        %slice3A_1914 = vector.extract_strided_slice %get3A_120 {offsets = [12], sizes = [1], strides = [1]} : vector<16xi32> to vector<1xi32>
        %squeeze3A_1915 = vector.extract %slice3A_1914[0] : i32 from vector<1xi32>
        %get3A_1916 = arith.index_cast %add3A_1909 : i32 to index
        %get3A_1917 = arith.index_cast %squeeze3A_1911 : i32 to index
        %get3A_1918 = tpu.vector_load %arg22[%get3A_1916, %get3A_1917] {strides = array<i32>} : memref<64x128xf32, #tpu.memory_space<vmem>>, vector<1x16xf32>,
        %get3A_1919 = vector.shape_cast %get3A_1918 : vector<1x16xf32> to vector<16xf32>
        %add3A_1920 = arith.constant 16 : i32
        %add3A_1921 = arith.addi %squeeze3A_1911, %add3A_1920 : i32
        %get3A_1922 = arith.index_cast %add3A_1909 : i32 to index
        %get3A_1923 = arith.index_cast %add3A_1921 : i32 to index
        %get3A_1924 = tpu.vector_load %arg22[%get3A_1922, %get3A_1923] {strides = array<i32>} : memref<64x128xf32, #tpu.memory_space<vmem>>, vector<1x16xf32>,
        %get3A_1925 = vector.shape_cast %get3A_1924 : vector<1x16xf32> to vector<16xf32>
        %get3A_1926 = arith.index_cast %add3A_1909 : i32 to index
        %get3A_1927 = arith.index_cast %squeeze3A_1911 : i32 to index
        %get3A_1928 = tpu.vector_load %arg23[%get3A_1926, %get3A_1927] {strides = array<i32>} : memref<64x128xf32, #tpu.memory_space<vmem>>, vector<1x16xf32>,
        %get3A_1929 = vector.shape_cast %get3A_1928 : vector<1x16xf32> to vector<16xf32>
        %add3A_1930 = arith.constant 16 : i32
        %add3A_1931 = arith.addi %squeeze3A_1911, %add3A_1930 : i32
        %get3A_1932 = arith.index_cast %add3A_1909 : i32 to index
        %get3A_1933 = arith.index_cast %add3A_1931 : i32 to index
        %get3A_1934 = tpu.vector_load %arg23[%get3A_1932, %get3A_1933] {strides = array<i32>} : memref<64x128xf32, #tpu.memory_space<vmem>>, vector<1x16xf32>,
        %get3A_1935 = vector.shape_cast %get3A_1934 : vector<1x16xf32> to vector<16xf32>
        %get3A_1936 = arith.index_cast %add3A_1909 : i32 to index
        %get3A_1937 = arith.constant 0 : index
        %get3A_1938 = tpu.vector_load %arg28[%get3A_1936, %get3A_1937] {strides = array<i32>} : memref<64x32xf32, #tpu.memory_space<vmem>>, vector<1x16xf32>,
        %get3A_1939 = vector.shape_cast %get3A_1938 : vector<1x16xf32> to vector<16xf32>
        %get3A_1940 = arith.index_cast %add3A_1909 : i32 to index
        %get3A_1941 = arith.constant 16 : index
        %get3A_1942 = tpu.vector_load %arg28[%get3A_1940, %get3A_1941] {strides = array<i32>} : memref<64x32xf32, #tpu.memory_space<vmem>>, vector<1x16xf32>,
        %get3A_1943 = vector.shape_cast %get3A_1942 : vector<1x16xf32> to vector<16xf32>
        %get3A_1944 = arith.index_cast %add3A_1909 : i32 to index
        %get3A_1945 = arith.constant 0 : index
        %get3A_1946 = tpu.vector_load %arg29[%get3A_1944, %get3A_1945] {strides = array<i32>} : memref<64x32xf32, #tpu.memory_space<vmem>>, vector<1x16xf32>,
        %get3A_1947 = vector.shape_cast %get3A_1946 : vector<1x16xf32> to vector<16xf32>
        %get3A_1948 = arith.index_cast %add3A_1909 : i32 to index
        %get3A_1949 = arith.constant 16 : index
        %get3A_1950 = tpu.vector_load %arg29[%get3A_1948, %get3A_1949] {strides = array<i32>} : memref<64x32xf32, #tpu.memory_space<vmem>>, vector<1x16xf32>,
        %get3A_1951 = vector.shape_cast %get3A_1950 : vector<1x16xf32> to vector<16xf32>
        %get3A_1952 = arith.index_cast %add3A_1909 : i32 to index
        %get3A_1953 = arith.index_cast %squeeze3A_1913 : i32 to index
        %get3A_1954 = tpu.vector_load %arg24[%get3A_1952, %get3A_1953] {strides = array<i32>} : memref<64x128xf32, #tpu.memory_space<vmem>>, vector<1x16xf32>,
        %get3A_1955 = vector.shape_cast %get3A_1954 : vector<1x16xf32> to vector<16xf32>
        %add3A_1956 = arith.constant 16 : i32
        %add3A_1957 = arith.addi %squeeze3A_1913, %add3A_1956 : i32
        %get3A_1958 = arith.index_cast %add3A_1909 : i32 to index
        %get3A_1959 = arith.index_cast %add3A_1957 : i32 to index
        %get3A_1960 = tpu.vector_load %arg24[%get3A_1958, %get3A_1959] {strides = array<i32>} : memref<64x128xf32, #tpu.memory_space<vmem>>, vector<1x16xf32>,
        %get3A_1961 = vector.shape_cast %get3A_1960 : vector<1x16xf32> to vector<16xf32>
        %get3A_1962 = arith.index_cast %add3A_1909 : i32 to index
        %get3A_1963 = arith.index_cast %squeeze3A_1913 : i32 to index
        %get3A_1964 = tpu.vector_load %arg25[%get3A_1962, %get3A_1963] {strides = array<i32>} : memref<64x128xf32, #tpu.memory_space<vmem>>, vector<1x16xf32>,
        %get3A_1965 = vector.shape_cast %get3A_1964 : vector<1x16xf32> to vector<16xf32>
        %add3A_1966 = arith.constant 16 : i32
        %add3A_1967 = arith.addi %squeeze3A_1913, %add3A_1966 : i32
        %get3A_1968 = arith.index_cast %add3A_1909 : i32 to index
        %get3A_1969 = arith.index_cast %add3A_1967 : i32 to index
        %get3A_1970 = tpu.vector_load %arg25[%get3A_1968, %get3A_1969] {strides = array<i32>} : memref<64x128xf32, #tpu.memory_space<vmem>>, vector<1x16xf32>,
        %get3A_1971 = vector.shape_cast %get3A_1970 : vector<1x16xf32> to vector<16xf32>
        %get3A_1972 = arith.index_cast %add3A_1909 : i32 to index
        %get3A_1973 = arith.index_cast %squeeze3A_1915 : i32 to index
        %get3A_1974 = tpu.vector_load %arg26[%get3A_1972, %get3A_1973] {strides = array<i32>} : memref<64x128xf32, #tpu.memory_space<vmem>>, vector<1x16xf32>,
        %get3A_1975 = vector.shape_cast %get3A_1974 : vector<1x16xf32> to vector<16xf32>
        %add3A_1976 = arith.constant 16 : i32
        %add3A_1977 = arith.addi %squeeze3A_1915, %add3A_1976 : i32
        %get3A_1978 = arith.index_cast %add3A_1909 : i32 to index
        %get3A_1979 = arith.index_cast %add3A_1977 : i32 to index
        %get3A_1980 = tpu.vector_load %arg26[%get3A_1978, %get3A_1979] {strides = array<i32>} : memref<64x128xf32, #tpu.memory_space<vmem>>, vector<1x16xf32>,
        %get3A_1981 = vector.shape_cast %get3A_1980 : vector<1x16xf32> to vector<16xf32>
        %get3A_1982 = arith.index_cast %add3A_1909 : i32 to index
        %get3A_1983 = arith.index_cast %squeeze3A_1915 : i32 to index
        %get3A_1984 = tpu.vector_load %arg27[%get3A_1982, %get3A_1983] {strides = array<i32>} : memref<64x128xf32, #tpu.memory_space<vmem>>, vector<1x16xf32>,
        %get3A_1985 = vector.shape_cast %get3A_1984 : vector<1x16xf32> to vector<16xf32>
        %add3A_1986 = arith.constant 16 : i32
        %add3A_1987 = arith.addi %squeeze3A_1915, %add3A_1986 : i32
        %get3A_1988 = arith.index_cast %add3A_1909 : i32 to index
        %get3A_1989 = arith.index_cast %add3A_1987 : i32 to index
        %get3A_1990 = tpu.vector_load %arg27[%get3A_1988, %get3A_1989] {strides = array<i32>} : memref<64x128xf32, #tpu.memory_space<vmem>>, vector<1x16xf32>,
        %get3A_1991 = vector.shape_cast %get3A_1990 : vector<1x16xf32> to vector<16xf32>
        %mul3A_1992 = arith.mulf %get3A_1919, %get3A_1939 : vector<16xf32>
        %mul3A_1993 = arith.mulf %get3A_1929, %get3A_1947 : vector<16xf32>
        %sub3A_1994 = arith.subf %mul3A_1992, %mul3A_1993 : vector<16xf32>
        %mul3A_1995 = arith.mulf %get3A_1929, %get3A_1939 : vector<16xf32>
        %mul3A_1996 = arith.mulf %get3A_1919, %get3A_1947 : vector<16xf32>
        %add3A_1997 = arith.addf %mul3A_1995, %mul3A_1996 : vector<16xf32>
        %mul3A_1998 = arith.mulf %get3A_1925, %get3A_1943 : vector<16xf32>
        %mul3A_1999 = arith.mulf %get3A_1935, %get3A_1951 : vector<16xf32>
        %sub3A_2000 = arith.subf %mul3A_1998, %mul3A_1999 : vector<16xf32>
        %mul3A_2001 = arith.mulf %get3A_1935, %get3A_1943 : vector<16xf32>
        %mul3A_2002 = arith.mulf %get3A_1925, %get3A_1951 : vector<16xf32>
        %add3A_2003 = arith.addf %mul3A_2001, %mul3A_2002 : vector<16xf32>
        %sub3A_2004 = arith.subf %get3A_1975, %get3A_1955 : vector<16xf32>
        %mul3A_2005 = arith.mulf %sub3A_1994, %sub3A_2004 : vector<16xf32>
        %sub3A_2006 = arith.subf %get3A_1985, %get3A_1965 : vector<16xf32>
        %mul3A_2007 = arith.mulf %add3A_1997, %sub3A_2006 : vector<16xf32>
        %add3A_2008 = arith.addf %mul3A_2005, %mul3A_2007 : vector<16xf32>
        %sub3A_2009 = arith.subf %get3A_1981, %get3A_1961 : vector<16xf32>
        %mul3A_2010 = arith.mulf %sub3A_2000, %sub3A_2009 : vector<16xf32>
        %add3A_2011 = arith.addf %add3A_2008, %mul3A_2010 : vector<16xf32>
        %sub3A_2012 = arith.subf %get3A_1991, %get3A_1971 : vector<16xf32>
        %mul3A_2013 = arith.mulf %add3A_2003, %sub3A_2012 : vector<16xf32>
        %add3A_2014 = arith.addf %add3A_2011, %mul3A_2013 : vector<16xf32>
        %mul3A_2015 = arith.constant 64 : i32
        %mul3A_2016 = arith.muli %scan3A_32, %mul3A_2015 : i32
        %add3A_2017 = arith.addi %mul3A_2016, %add3A_1909 : i32
        %swap3A_2018 = arith.index_cast %add3A_2017 : i32 to index
        %swap3A_2019 = arith.constant 0 : index
        %swap3A_2020 = tpu.vector_load %arg30[%swap3A_2018, %swap3A_2019] {strides = array<i32>} : memref<512x16xf32, #tpu.memory_space<vmem>>, vector<1x16xf32>,
        %swap3A_2021 = vector.shape_cast %swap3A_2020 : vector<1x16xf32> to vector<16xf32>
        %swap3A_2022 = vector.shape_cast %add3A_2014 : vector<16xf32> to vector<1x16xf32>
        tpu.vector_store %arg30[%swap3A_2018, %swap3A_2019], %swap3A_2022 {strides = array<i32>} : memref<512x16xf32, #tpu.memory_space<vmem>>, vector<1x16xf32>,
        %mul3A_2023 = arith.mulf %get3A_1919, %get3A_1919 : vector<16xf32>
        %add3A_2024 = arith.addf %add3A_1905, %mul3A_2023 : vector<16xf32>
        %mul3A_2025 = arith.mulf %get3A_1925, %get3A_1925 : vector<16xf32>
        %add3A_2026 = arith.addf %add3A_2024, %mul3A_2025 : vector<16xf32>
        %mul3A_2027 = arith.mulf %get3A_1929, %get3A_1929 : vector<16xf32>
        %add3A_2028 = arith.addf %add3A_2026, %mul3A_2027 : vector<16xf32>
        %mul3A_2029 = arith.mulf %get3A_1935, %get3A_1935 : vector<16xf32>
        %add3A_2030 = arith.addf %add3A_2028, %mul3A_2029 : vector<16xf32>
        %mul3A_2031 = arith.mulf %get3A_1939, %get3A_1939 : vector<16xf32>
        %add3A_2032 = arith.addf %add3A_2030, %mul3A_2031 : vector<16xf32>
        %mul3A_2033 = arith.mulf %get3A_1943, %get3A_1943 : vector<16xf32>
        %add3A_2034 = arith.addf %add3A_2032, %mul3A_2033 : vector<16xf32>
        %mul3A_2035 = arith.mulf %get3A_1947, %get3A_1947 : vector<16xf32>
        %add3A_2036 = arith.addf %add3A_2034, %mul3A_2035 : vector<16xf32>
        %mul3A_2037 = arith.mulf %get3A_1951, %get3A_1951 : vector<16xf32>
        %add3A_2038 = arith.addf %add3A_2036, %mul3A_2037 : vector<16xf32>
        %mul3A_2039 = arith.mulf %get3A_1955, %get3A_1955 : vector<16xf32>
        %add3A_2040 = arith.addf %add3A_2038, %mul3A_2039 : vector<16xf32>
        %mul3A_2041 = arith.mulf %get3A_1961, %get3A_1961 : vector<16xf32>
        %add3A_2042 = arith.addf %add3A_2040, %mul3A_2041 : vector<16xf32>
        %mul3A_2043 = arith.mulf %get3A_1965, %get3A_1965 : vector<16xf32>
        %add3A_2044 = arith.addf %add3A_2042, %mul3A_2043 : vector<16xf32>
        %mul3A_2045 = arith.mulf %get3A_1971, %get3A_1971 : vector<16xf32>
        %add3A_2046 = arith.addf %add3A_2044, %mul3A_2045 : vector<16xf32>
        %mul3A_2047 = arith.mulf %get3A_1975, %get3A_1975 : vector<16xf32>
        %add3A_2048 = arith.addf %add3A_2046, %mul3A_2047 : vector<16xf32>
        %mul3A_2049 = arith.mulf %get3A_1981, %get3A_1981 : vector<16xf32>
        %add3A_2050 = arith.addf %add3A_2048, %mul3A_2049 : vector<16xf32>
        %mul3A_2051 = arith.mulf %get3A_1985, %get3A_1985 : vector<16xf32>
        %add3A_2052 = arith.addf %add3A_2050, %mul3A_2051 : vector<16xf32>
        %mul3A_2053 = arith.mulf %get3A_1991, %get3A_1991 : vector<16xf32>
        %add3A_2054 = arith.addf %add3A_2052, %mul3A_2053 : vector<16xf32>
        %mul3A_2055 = arith.constant 16 : i32
        %mul3A_2056 = arith.muli %scan3A_106, %mul3A_2055 : i32
        %add3A_2057 = arith.constant 13 : i32
        %add3A_2058 = arith.addi %mul3A_2056, %add3A_2057 : i32
        %slice3A_2059 = vector.extract_strided_slice %get3A_114 {offsets = [13], sizes = [1], strides = [1]} : vector<16xi32> to vector<1xi32>
        %squeeze3A_2060 = vector.extract %slice3A_2059[0] : i32 from vector<1xi32>
        %slice3A_2061 = vector.extract_strided_slice %get3A_117 {offsets = [13], sizes = [1], strides = [1]} : vector<16xi32> to vector<1xi32>
        %squeeze3A_2062 = vector.extract %slice3A_2061[0] : i32 from vector<1xi32>
        %slice3A_2063 = vector.extract_strided_slice %get3A_120 {offsets = [13], sizes = [1], strides = [1]} : vector<16xi32> to vector<1xi32>
        %squeeze3A_2064 = vector.extract %slice3A_2063[0] : i32 from vector<1xi32>
        %get3A_2065 = arith.index_cast %add3A_2058 : i32 to index
        %get3A_2066 = arith.index_cast %squeeze3A_2060 : i32 to index
        %get3A_2067 = tpu.vector_load %arg22[%get3A_2065, %get3A_2066] {strides = array<i32>} : memref<64x128xf32, #tpu.memory_space<vmem>>, vector<1x16xf32>,
        %get3A_2068 = vector.shape_cast %get3A_2067 : vector<1x16xf32> to vector<16xf32>
        %add3A_2069 = arith.constant 16 : i32
        %add3A_2070 = arith.addi %squeeze3A_2060, %add3A_2069 : i32
        %get3A_2071 = arith.index_cast %add3A_2058 : i32 to index
        %get3A_2072 = arith.index_cast %add3A_2070 : i32 to index
        %get3A_2073 = tpu.vector_load %arg22[%get3A_2071, %get3A_2072] {strides = array<i32>} : memref<64x128xf32, #tpu.memory_space<vmem>>, vector<1x16xf32>,
        %get3A_2074 = vector.shape_cast %get3A_2073 : vector<1x16xf32> to vector<16xf32>
        %get3A_2075 = arith.index_cast %add3A_2058 : i32 to index
        %get3A_2076 = arith.index_cast %squeeze3A_2060 : i32 to index
        %get3A_2077 = tpu.vector_load %arg23[%get3A_2075, %get3A_2076] {strides = array<i32>} : memref<64x128xf32, #tpu.memory_space<vmem>>, vector<1x16xf32>,
        %get3A_2078 = vector.shape_cast %get3A_2077 : vector<1x16xf32> to vector<16xf32>
        %add3A_2079 = arith.constant 16 : i32
        %add3A_2080 = arith.addi %squeeze3A_2060, %add3A_2079 : i32
        %get3A_2081 = arith.index_cast %add3A_2058 : i32 to index
        %get3A_2082 = arith.index_cast %add3A_2080 : i32 to index
        %get3A_2083 = tpu.vector_load %arg23[%get3A_2081, %get3A_2082] {strides = array<i32>} : memref<64x128xf32, #tpu.memory_space<vmem>>, vector<1x16xf32>,
        %get3A_2084 = vector.shape_cast %get3A_2083 : vector<1x16xf32> to vector<16xf32>
        %get3A_2085 = arith.index_cast %add3A_2058 : i32 to index
        %get3A_2086 = arith.constant 0 : index
        %get3A_2087 = tpu.vector_load %arg28[%get3A_2085, %get3A_2086] {strides = array<i32>} : memref<64x32xf32, #tpu.memory_space<vmem>>, vector<1x16xf32>,
        %get3A_2088 = vector.shape_cast %get3A_2087 : vector<1x16xf32> to vector<16xf32>
        %get3A_2089 = arith.index_cast %add3A_2058 : i32 to index
        %get3A_2090 = arith.constant 16 : index
        %get3A_2091 = tpu.vector_load %arg28[%get3A_2089, %get3A_2090] {strides = array<i32>} : memref<64x32xf32, #tpu.memory_space<vmem>>, vector<1x16xf32>,
        %get3A_2092 = vector.shape_cast %get3A_2091 : vector<1x16xf32> to vector<16xf32>
        %get3A_2093 = arith.index_cast %add3A_2058 : i32 to index
        %get3A_2094 = arith.constant 0 : index
        %get3A_2095 = tpu.vector_load %arg29[%get3A_2093, %get3A_2094] {strides = array<i32>} : memref<64x32xf32, #tpu.memory_space<vmem>>, vector<1x16xf32>,
        %get3A_2096 = vector.shape_cast %get3A_2095 : vector<1x16xf32> to vector<16xf32>
        %get3A_2097 = arith.index_cast %add3A_2058 : i32 to index
        %get3A_2098 = arith.constant 16 : index
        %get3A_2099 = tpu.vector_load %arg29[%get3A_2097, %get3A_2098] {strides = array<i32>} : memref<64x32xf32, #tpu.memory_space<vmem>>, vector<1x16xf32>,
        %get3A_2100 = vector.shape_cast %get3A_2099 : vector<1x16xf32> to vector<16xf32>
        %get3A_2101 = arith.index_cast %add3A_2058 : i32 to index
        %get3A_2102 = arith.index_cast %squeeze3A_2062 : i32 to index
        %get3A_2103 = tpu.vector_load %arg24[%get3A_2101, %get3A_2102] {strides = array<i32>} : memref<64x128xf32, #tpu.memory_space<vmem>>, vector<1x16xf32>,
        %get3A_2104 = vector.shape_cast %get3A_2103 : vector<1x16xf32> to vector<16xf32>
        %add3A_2105 = arith.constant 16 : i32
        %add3A_2106 = arith.addi %squeeze3A_2062, %add3A_2105 : i32
        %get3A_2107 = arith.index_cast %add3A_2058 : i32 to index
        %get3A_2108 = arith.index_cast %add3A_2106 : i32 to index
        %get3A_2109 = tpu.vector_load %arg24[%get3A_2107, %get3A_2108] {strides = array<i32>} : memref<64x128xf32, #tpu.memory_space<vmem>>, vector<1x16xf32>,
        %get3A_2110 = vector.shape_cast %get3A_2109 : vector<1x16xf32> to vector<16xf32>
        %get3A_2111 = arith.index_cast %add3A_2058 : i32 to index
        %get3A_2112 = arith.index_cast %squeeze3A_2062 : i32 to index
        %get3A_2113 = tpu.vector_load %arg25[%get3A_2111, %get3A_2112] {strides = array<i32>} : memref<64x128xf32, #tpu.memory_space<vmem>>, vector<1x16xf32>,
        %get3A_2114 = vector.shape_cast %get3A_2113 : vector<1x16xf32> to vector<16xf32>
        %add3A_2115 = arith.constant 16 : i32
        %add3A_2116 = arith.addi %squeeze3A_2062, %add3A_2115 : i32
        %get3A_2117 = arith.index_cast %add3A_2058 : i32 to index
        %get3A_2118 = arith.index_cast %add3A_2116 : i32 to index
        %get3A_2119 = tpu.vector_load %arg25[%get3A_2117, %get3A_2118] {strides = array<i32>} : memref<64x128xf32, #tpu.memory_space<vmem>>, vector<1x16xf32>,
        %get3A_2120 = vector.shape_cast %get3A_2119 : vector<1x16xf32> to vector<16xf32>
        %get3A_2121 = arith.index_cast %add3A_2058 : i32 to index
        %get3A_2122 = arith.index_cast %squeeze3A_2064 : i32 to index
        %get3A_2123 = tpu.vector_load %arg26[%get3A_2121, %get3A_2122] {strides = array<i32>} : memref<64x128xf32, #tpu.memory_space<vmem>>, vector<1x16xf32>,
        %get3A_2124 = vector.shape_cast %get3A_2123 : vector<1x16xf32> to vector<16xf32>
        %add3A_2125 = arith.constant 16 : i32
        %add3A_2126 = arith.addi %squeeze3A_2064, %add3A_2125 : i32
        %get3A_2127 = arith.index_cast %add3A_2058 : i32 to index
        %get3A_2128 = arith.index_cast %add3A_2126 : i32 to index
        %get3A_2129 = tpu.vector_load %arg26[%get3A_2127, %get3A_2128] {strides = array<i32>} : memref<64x128xf32, #tpu.memory_space<vmem>>, vector<1x16xf32>,
        %get3A_2130 = vector.shape_cast %get3A_2129 : vector<1x16xf32> to vector<16xf32>
        %get3A_2131 = arith.index_cast %add3A_2058 : i32 to index
        %get3A_2132 = arith.index_cast %squeeze3A_2064 : i32 to index
        %get3A_2133 = tpu.vector_load %arg27[%get3A_2131, %get3A_2132] {strides = array<i32>} : memref<64x128xf32, #tpu.memory_space<vmem>>, vector<1x16xf32>,
        %get3A_2134 = vector.shape_cast %get3A_2133 : vector<1x16xf32> to vector<16xf32>
        %add3A_2135 = arith.constant 16 : i32
        %add3A_2136 = arith.addi %squeeze3A_2064, %add3A_2135 : i32
        %get3A_2137 = arith.index_cast %add3A_2058 : i32 to index
        %get3A_2138 = arith.index_cast %add3A_2136 : i32 to index
        %get3A_2139 = tpu.vector_load %arg27[%get3A_2137, %get3A_2138] {strides = array<i32>} : memref<64x128xf32, #tpu.memory_space<vmem>>, vector<1x16xf32>,
        %get3A_2140 = vector.shape_cast %get3A_2139 : vector<1x16xf32> to vector<16xf32>
        %mul3A_2141 = arith.mulf %get3A_2068, %get3A_2088 : vector<16xf32>
        %mul3A_2142 = arith.mulf %get3A_2078, %get3A_2096 : vector<16xf32>
        %sub3A_2143 = arith.subf %mul3A_2141, %mul3A_2142 : vector<16xf32>
        %mul3A_2144 = arith.mulf %get3A_2078, %get3A_2088 : vector<16xf32>
        %mul3A_2145 = arith.mulf %get3A_2068, %get3A_2096 : vector<16xf32>
        %add3A_2146 = arith.addf %mul3A_2144, %mul3A_2145 : vector<16xf32>
        %mul3A_2147 = arith.mulf %get3A_2074, %get3A_2092 : vector<16xf32>
        %mul3A_2148 = arith.mulf %get3A_2084, %get3A_2100 : vector<16xf32>
        %sub3A_2149 = arith.subf %mul3A_2147, %mul3A_2148 : vector<16xf32>
        %mul3A_2150 = arith.mulf %get3A_2084, %get3A_2092 : vector<16xf32>
        %mul3A_2151 = arith.mulf %get3A_2074, %get3A_2100 : vector<16xf32>
        %add3A_2152 = arith.addf %mul3A_2150, %mul3A_2151 : vector<16xf32>
        %sub3A_2153 = arith.subf %get3A_2124, %get3A_2104 : vector<16xf32>
        %mul3A_2154 = arith.mulf %sub3A_2143, %sub3A_2153 : vector<16xf32>
        %sub3A_2155 = arith.subf %get3A_2134, %get3A_2114 : vector<16xf32>
        %mul3A_2156 = arith.mulf %add3A_2146, %sub3A_2155 : vector<16xf32>
        %add3A_2157 = arith.addf %mul3A_2154, %mul3A_2156 : vector<16xf32>
        %sub3A_2158 = arith.subf %get3A_2130, %get3A_2110 : vector<16xf32>
        %mul3A_2159 = arith.mulf %sub3A_2149, %sub3A_2158 : vector<16xf32>
        %add3A_2160 = arith.addf %add3A_2157, %mul3A_2159 : vector<16xf32>
        %sub3A_2161 = arith.subf %get3A_2140, %get3A_2120 : vector<16xf32>
        %mul3A_2162 = arith.mulf %add3A_2152, %sub3A_2161 : vector<16xf32>
        %add3A_2163 = arith.addf %add3A_2160, %mul3A_2162 : vector<16xf32>
        %mul3A_2164 = arith.constant 64 : i32
        %mul3A_2165 = arith.muli %scan3A_32, %mul3A_2164 : i32
        %add3A_2166 = arith.addi %mul3A_2165, %add3A_2058 : i32
        %swap3A_2167 = arith.index_cast %add3A_2166 : i32 to index
        %swap3A_2168 = arith.constant 0 : index
        %swap3A_2169 = tpu.vector_load %arg30[%swap3A_2167, %swap3A_2168] {strides = array<i32>} : memref<512x16xf32, #tpu.memory_space<vmem>>, vector<1x16xf32>,
        %swap3A_2170 = vector.shape_cast %swap3A_2169 : vector<1x16xf32> to vector<16xf32>
        %swap3A_2171 = vector.shape_cast %add3A_2163 : vector<16xf32> to vector<1x16xf32>
        tpu.vector_store %arg30[%swap3A_2167, %swap3A_2168], %swap3A_2171 {strides = array<i32>} : memref<512x16xf32, #tpu.memory_space<vmem>>, vector<1x16xf32>,
        %mul3A_2172 = arith.mulf %get3A_2068, %get3A_2068 : vector<16xf32>
        %add3A_2173 = arith.addf %add3A_2054, %mul3A_2172 : vector<16xf32>
        %mul3A_2174 = arith.mulf %get3A_2074, %get3A_2074 : vector<16xf32>
        %add3A_2175 = arith.addf %add3A_2173, %mul3A_2174 : vector<16xf32>
        %mul3A_2176 = arith.mulf %get3A_2078, %get3A_2078 : vector<16xf32>
        %add3A_2177 = arith.addf %add3A_2175, %mul3A_2176 : vector<16xf32>
        %mul3A_2178 = arith.mulf %get3A_2084, %get3A_2084 : vector<16xf32>
        %add3A_2179 = arith.addf %add3A_2177, %mul3A_2178 : vector<16xf32>
        %mul3A_2180 = arith.mulf %get3A_2088, %get3A_2088 : vector<16xf32>
        %add3A_2181 = arith.addf %add3A_2179, %mul3A_2180 : vector<16xf32>
        %mul3A_2182 = arith.mulf %get3A_2092, %get3A_2092 : vector<16xf32>
        %add3A_2183 = arith.addf %add3A_2181, %mul3A_2182 : vector<16xf32>
        %mul3A_2184 = arith.mulf %get3A_2096, %get3A_2096 : vector<16xf32>
        %add3A_2185 = arith.addf %add3A_2183, %mul3A_2184 : vector<16xf32>
        %mul3A_2186 = arith.mulf %get3A_2100, %get3A_2100 : vector<16xf32>
        %add3A_2187 = arith.addf %add3A_2185, %mul3A_2186 : vector<16xf32>
        %mul3A_2188 = arith.mulf %get3A_2104, %get3A_2104 : vector<16xf32>
        %add3A_2189 = arith.addf %add3A_2187, %mul3A_2188 : vector<16xf32>
        %mul3A_2190 = arith.mulf %get3A_2110, %get3A_2110 : vector<16xf32>
        %add3A_2191 = arith.addf %add3A_2189, %mul3A_2190 : vector<16xf32>
        %mul3A_2192 = arith.mulf %get3A_2114, %get3A_2114 : vector<16xf32>
        %add3A_2193 = arith.addf %add3A_2191, %mul3A_2192 : vector<16xf32>
        %mul3A_2194 = arith.mulf %get3A_2120, %get3A_2120 : vector<16xf32>
        %add3A_2195 = arith.addf %add3A_2193, %mul3A_2194 : vector<16xf32>
        %mul3A_2196 = arith.mulf %get3A_2124, %get3A_2124 : vector<16xf32>
        %add3A_2197 = arith.addf %add3A_2195, %mul3A_2196 : vector<16xf32>
        %mul3A_2198 = arith.mulf %get3A_2130, %get3A_2130 : vector<16xf32>
        %add3A_2199 = arith.addf %add3A_2197, %mul3A_2198 : vector<16xf32>
        %mul3A_2200 = arith.mulf %get3A_2134, %get3A_2134 : vector<16xf32>
        %add3A_2201 = arith.addf %add3A_2199, %mul3A_2200 : vector<16xf32>
        %mul3A_2202 = arith.mulf %get3A_2140, %get3A_2140 : vector<16xf32>
        %add3A_2203 = arith.addf %add3A_2201, %mul3A_2202 : vector<16xf32>
        %mul3A_2204 = arith.constant 16 : i32
        %mul3A_2205 = arith.muli %scan3A_106, %mul3A_2204 : i32
        %add3A_2206 = arith.constant 14 : i32
        %add3A_2207 = arith.addi %mul3A_2205, %add3A_2206 : i32
        %slice3A_2208 = vector.extract_strided_slice %get3A_114 {offsets = [14], sizes = [1], strides = [1]} : vector<16xi32> to vector<1xi32>
        %squeeze3A_2209 = vector.extract %slice3A_2208[0] : i32 from vector<1xi32>
        %slice3A_2210 = vector.extract_strided_slice %get3A_117 {offsets = [14], sizes = [1], strides = [1]} : vector<16xi32> to vector<1xi32>
        %squeeze3A_2211 = vector.extract %slice3A_2210[0] : i32 from vector<1xi32>
        %slice3A_2212 = vector.extract_strided_slice %get3A_120 {offsets = [14], sizes = [1], strides = [1]} : vector<16xi32> to vector<1xi32>
        %squeeze3A_2213 = vector.extract %slice3A_2212[0] : i32 from vector<1xi32>
        %get3A_2214 = arith.index_cast %add3A_2207 : i32 to index
        %get3A_2215 = arith.index_cast %squeeze3A_2209 : i32 to index
        %get3A_2216 = tpu.vector_load %arg22[%get3A_2214, %get3A_2215] {strides = array<i32>} : memref<64x128xf32, #tpu.memory_space<vmem>>, vector<1x16xf32>,
        %get3A_2217 = vector.shape_cast %get3A_2216 : vector<1x16xf32> to vector<16xf32>
        %add3A_2218 = arith.constant 16 : i32
        %add3A_2219 = arith.addi %squeeze3A_2209, %add3A_2218 : i32
        %get3A_2220 = arith.index_cast %add3A_2207 : i32 to index
        %get3A_2221 = arith.index_cast %add3A_2219 : i32 to index
        %get3A_2222 = tpu.vector_load %arg22[%get3A_2220, %get3A_2221] {strides = array<i32>} : memref<64x128xf32, #tpu.memory_space<vmem>>, vector<1x16xf32>,
        %get3A_2223 = vector.shape_cast %get3A_2222 : vector<1x16xf32> to vector<16xf32>
        %get3A_2224 = arith.index_cast %add3A_2207 : i32 to index
        %get3A_2225 = arith.index_cast %squeeze3A_2209 : i32 to index
        %get3A_2226 = tpu.vector_load %arg23[%get3A_2224, %get3A_2225] {strides = array<i32>} : memref<64x128xf32, #tpu.memory_space<vmem>>, vector<1x16xf32>,
        %get3A_2227 = vector.shape_cast %get3A_2226 : vector<1x16xf32> to vector<16xf32>
        %add3A_2228 = arith.constant 16 : i32
        %add3A_2229 = arith.addi %squeeze3A_2209, %add3A_2228 : i32
        %get3A_2230 = arith.index_cast %add3A_2207 : i32 to index
        %get3A_2231 = arith.index_cast %add3A_2229 : i32 to index
        %get3A_2232 = tpu.vector_load %arg23[%get3A_2230, %get3A_2231] {strides = array<i32>} : memref<64x128xf32, #tpu.memory_space<vmem>>, vector<1x16xf32>,
        %get3A_2233 = vector.shape_cast %get3A_2232 : vector<1x16xf32> to vector<16xf32>
        %get3A_2234 = arith.index_cast %add3A_2207 : i32 to index
        %get3A_2235 = arith.constant 0 : index
        %get3A_2236 = tpu.vector_load %arg28[%get3A_2234, %get3A_2235] {strides = array<i32>} : memref<64x32xf32, #tpu.memory_space<vmem>>, vector<1x16xf32>,
        %get3A_2237 = vector.shape_cast %get3A_2236 : vector<1x16xf32> to vector<16xf32>
        %get3A_2238 = arith.index_cast %add3A_2207 : i32 to index
        %get3A_2239 = arith.constant 16 : index
        %get3A_2240 = tpu.vector_load %arg28[%get3A_2238, %get3A_2239] {strides = array<i32>} : memref<64x32xf32, #tpu.memory_space<vmem>>, vector<1x16xf32>,
        %get3A_2241 = vector.shape_cast %get3A_2240 : vector<1x16xf32> to vector<16xf32>
        %get3A_2242 = arith.index_cast %add3A_2207 : i32 to index
        %get3A_2243 = arith.constant 0 : index
        %get3A_2244 = tpu.vector_load %arg29[%get3A_2242, %get3A_2243] {strides = array<i32>} : memref<64x32xf32, #tpu.memory_space<vmem>>, vector<1x16xf32>,
        %get3A_2245 = vector.shape_cast %get3A_2244 : vector<1x16xf32> to vector<16xf32>
        %get3A_2246 = arith.index_cast %add3A_2207 : i32 to index
        %get3A_2247 = arith.constant 16 : index
        %get3A_2248 = tpu.vector_load %arg29[%get3A_2246, %get3A_2247] {strides = array<i32>} : memref<64x32xf32, #tpu.memory_space<vmem>>, vector<1x16xf32>,
        %get3A_2249 = vector.shape_cast %get3A_2248 : vector<1x16xf32> to vector<16xf32>
        %get3A_2250 = arith.index_cast %add3A_2207 : i32 to index
        %get3A_2251 = arith.index_cast %squeeze3A_2211 : i32 to index
        %get3A_2252 = tpu.vector_load %arg24[%get3A_2250, %get3A_2251] {strides = array<i32>} : memref<64x128xf32, #tpu.memory_space<vmem>>, vector<1x16xf32>,
        %get3A_2253 = vector.shape_cast %get3A_2252 : vector<1x16xf32> to vector<16xf32>
        %add3A_2254 = arith.constant 16 : i32
        %add3A_2255 = arith.addi %squeeze3A_2211, %add3A_2254 : i32
        %get3A_2256 = arith.index_cast %add3A_2207 : i32 to index
        %get3A_2257 = arith.index_cast %add3A_2255 : i32 to index
        %get3A_2258 = tpu.vector_load %arg24[%get3A_2256, %get3A_2257] {strides = array<i32>} : memref<64x128xf32, #tpu.memory_space<vmem>>, vector<1x16xf32>,
        %get3A_2259 = vector.shape_cast %get3A_2258 : vector<1x16xf32> to vector<16xf32>
        %get3A_2260 = arith.index_cast %add3A_2207 : i32 to index
        %get3A_2261 = arith.index_cast %squeeze3A_2211 : i32 to index
        %get3A_2262 = tpu.vector_load %arg25[%get3A_2260, %get3A_2261] {strides = array<i32>} : memref<64x128xf32, #tpu.memory_space<vmem>>, vector<1x16xf32>,
        %get3A_2263 = vector.shape_cast %get3A_2262 : vector<1x16xf32> to vector<16xf32>
        %add3A_2264 = arith.constant 16 : i32
        %add3A_2265 = arith.addi %squeeze3A_2211, %add3A_2264 : i32
        %get3A_2266 = arith.index_cast %add3A_2207 : i32 to index
        %get3A_2267 = arith.index_cast %add3A_2265 : i32 to index
        %get3A_2268 = tpu.vector_load %arg25[%get3A_2266, %get3A_2267] {strides = array<i32>} : memref<64x128xf32, #tpu.memory_space<vmem>>, vector<1x16xf32>,
        %get3A_2269 = vector.shape_cast %get3A_2268 : vector<1x16xf32> to vector<16xf32>
        %get3A_2270 = arith.index_cast %add3A_2207 : i32 to index
        %get3A_2271 = arith.index_cast %squeeze3A_2213 : i32 to index
        %get3A_2272 = tpu.vector_load %arg26[%get3A_2270, %get3A_2271] {strides = array<i32>} : memref<64x128xf32, #tpu.memory_space<vmem>>, vector<1x16xf32>,
        %get3A_2273 = vector.shape_cast %get3A_2272 : vector<1x16xf32> to vector<16xf32>
        %add3A_2274 = arith.constant 16 : i32
        %add3A_2275 = arith.addi %squeeze3A_2213, %add3A_2274 : i32
        %get3A_2276 = arith.index_cast %add3A_2207 : i32 to index
        %get3A_2277 = arith.index_cast %add3A_2275 : i32 to index
        %get3A_2278 = tpu.vector_load %arg26[%get3A_2276, %get3A_2277] {strides = array<i32>} : memref<64x128xf32, #tpu.memory_space<vmem>>, vector<1x16xf32>,
        %get3A_2279 = vector.shape_cast %get3A_2278 : vector<1x16xf32> to vector<16xf32>
        %get3A_2280 = arith.index_cast %add3A_2207 : i32 to index
        %get3A_2281 = arith.index_cast %squeeze3A_2213 : i32 to index
        %get3A_2282 = tpu.vector_load %arg27[%get3A_2280, %get3A_2281] {strides = array<i32>} : memref<64x128xf32, #tpu.memory_space<vmem>>, vector<1x16xf32>,
        %get3A_2283 = vector.shape_cast %get3A_2282 : vector<1x16xf32> to vector<16xf32>
        %add3A_2284 = arith.constant 16 : i32
        %add3A_2285 = arith.addi %squeeze3A_2213, %add3A_2284 : i32
        %get3A_2286 = arith.index_cast %add3A_2207 : i32 to index
        %get3A_2287 = arith.index_cast %add3A_2285 : i32 to index
        %get3A_2288 = tpu.vector_load %arg27[%get3A_2286, %get3A_2287] {strides = array<i32>} : memref<64x128xf32, #tpu.memory_space<vmem>>, vector<1x16xf32>,
        %get3A_2289 = vector.shape_cast %get3A_2288 : vector<1x16xf32> to vector<16xf32>
        %mul3A_2290 = arith.mulf %get3A_2217, %get3A_2237 : vector<16xf32>
        %mul3A_2291 = arith.mulf %get3A_2227, %get3A_2245 : vector<16xf32>
        %sub3A_2292 = arith.subf %mul3A_2290, %mul3A_2291 : vector<16xf32>
        %mul3A_2293 = arith.mulf %get3A_2227, %get3A_2237 : vector<16xf32>
        %mul3A_2294 = arith.mulf %get3A_2217, %get3A_2245 : vector<16xf32>
        %add3A_2295 = arith.addf %mul3A_2293, %mul3A_2294 : vector<16xf32>
        %mul3A_2296 = arith.mulf %get3A_2223, %get3A_2241 : vector<16xf32>
        %mul3A_2297 = arith.mulf %get3A_2233, %get3A_2249 : vector<16xf32>
        %sub3A_2298 = arith.subf %mul3A_2296, %mul3A_2297 : vector<16xf32>
        %mul3A_2299 = arith.mulf %get3A_2233, %get3A_2241 : vector<16xf32>
        %mul3A_2300 = arith.mulf %get3A_2223, %get3A_2249 : vector<16xf32>
        %add3A_2301 = arith.addf %mul3A_2299, %mul3A_2300 : vector<16xf32>
        %sub3A_2302 = arith.subf %get3A_2273, %get3A_2253 : vector<16xf32>
        %mul3A_2303 = arith.mulf %sub3A_2292, %sub3A_2302 : vector<16xf32>
        %sub3A_2304 = arith.subf %get3A_2283, %get3A_2263 : vector<16xf32>
        %mul3A_2305 = arith.mulf %add3A_2295, %sub3A_2304 : vector<16xf32>
        %add3A_2306 = arith.addf %mul3A_2303, %mul3A_2305 : vector<16xf32>
        %sub3A_2307 = arith.subf %get3A_2279, %get3A_2259 : vector<16xf32>
        %mul3A_2308 = arith.mulf %sub3A_2298, %sub3A_2307 : vector<16xf32>
        %add3A_2309 = arith.addf %add3A_2306, %mul3A_2308 : vector<16xf32>
        %sub3A_2310 = arith.subf %get3A_2289, %get3A_2269 : vector<16xf32>
        %mul3A_2311 = arith.mulf %add3A_2301, %sub3A_2310 : vector<16xf32>
        %add3A_2312 = arith.addf %add3A_2309, %mul3A_2311 : vector<16xf32>
        %mul3A_2313 = arith.constant 64 : i32
        %mul3A_2314 = arith.muli %scan3A_32, %mul3A_2313 : i32
        %add3A_2315 = arith.addi %mul3A_2314, %add3A_2207 : i32
        %swap3A_2316 = arith.index_cast %add3A_2315 : i32 to index
        %swap3A_2317 = arith.constant 0 : index
        %swap3A_2318 = tpu.vector_load %arg30[%swap3A_2316, %swap3A_2317] {strides = array<i32>} : memref<512x16xf32, #tpu.memory_space<vmem>>, vector<1x16xf32>,
        %swap3A_2319 = vector.shape_cast %swap3A_2318 : vector<1x16xf32> to vector<16xf32>
        %swap3A_2320 = vector.shape_cast %add3A_2312 : vector<16xf32> to vector<1x16xf32>
        tpu.vector_store %arg30[%swap3A_2316, %swap3A_2317], %swap3A_2320 {strides = array<i32>} : memref<512x16xf32, #tpu.memory_space<vmem>>, vector<1x16xf32>,
        %mul3A_2321 = arith.mulf %get3A_2217, %get3A_2217 : vector<16xf32>
        %add3A_2322 = arith.addf %add3A_2203, %mul3A_2321 : vector<16xf32>
        %mul3A_2323 = arith.mulf %get3A_2223, %get3A_2223 : vector<16xf32>
        %add3A_2324 = arith.addf %add3A_2322, %mul3A_2323 : vector<16xf32>
        %mul3A_2325 = arith.mulf %get3A_2227, %get3A_2227 : vector<16xf32>
        %add3A_2326 = arith.addf %add3A_2324, %mul3A_2325 : vector<16xf32>
        %mul3A_2327 = arith.mulf %get3A_2233, %get3A_2233 : vector<16xf32>
        %add3A_2328 = arith.addf %add3A_2326, %mul3A_2327 : vector<16xf32>
        %mul3A_2329 = arith.mulf %get3A_2237, %get3A_2237 : vector<16xf32>
        %add3A_2330 = arith.addf %add3A_2328, %mul3A_2329 : vector<16xf32>
        %mul3A_2331 = arith.mulf %get3A_2241, %get3A_2241 : vector<16xf32>
        %add3A_2332 = arith.addf %add3A_2330, %mul3A_2331 : vector<16xf32>
        %mul3A_2333 = arith.mulf %get3A_2245, %get3A_2245 : vector<16xf32>
        %add3A_2334 = arith.addf %add3A_2332, %mul3A_2333 : vector<16xf32>
        %mul3A_2335 = arith.mulf %get3A_2249, %get3A_2249 : vector<16xf32>
        %add3A_2336 = arith.addf %add3A_2334, %mul3A_2335 : vector<16xf32>
        %mul3A_2337 = arith.mulf %get3A_2253, %get3A_2253 : vector<16xf32>
        %add3A_2338 = arith.addf %add3A_2336, %mul3A_2337 : vector<16xf32>
        %mul3A_2339 = arith.mulf %get3A_2259, %get3A_2259 : vector<16xf32>
        %add3A_2340 = arith.addf %add3A_2338, %mul3A_2339 : vector<16xf32>
        %mul3A_2341 = arith.mulf %get3A_2263, %get3A_2263 : vector<16xf32>
        %add3A_2342 = arith.addf %add3A_2340, %mul3A_2341 : vector<16xf32>
        %mul3A_2343 = arith.mulf %get3A_2269, %get3A_2269 : vector<16xf32>
        %add3A_2344 = arith.addf %add3A_2342, %mul3A_2343 : vector<16xf32>
        %mul3A_2345 = arith.mulf %get3A_2273, %get3A_2273 : vector<16xf32>
        %add3A_2346 = arith.addf %add3A_2344, %mul3A_2345 : vector<16xf32>
        %mul3A_2347 = arith.mulf %get3A_2279, %get3A_2279 : vector<16xf32>
        %add3A_2348 = arith.addf %add3A_2346, %mul3A_2347 : vector<16xf32>
        %mul3A_2349 = arith.mulf %get3A_2283, %get3A_2283 : vector<16xf32>
        %add3A_2350 = arith.addf %add3A_2348, %mul3A_2349 : vector<16xf32>
        %mul3A_2351 = arith.mulf %get3A_2289, %get3A_2289 : vector<16xf32>
        %add3A_2352 = arith.addf %add3A_2350, %mul3A_2351 : vector<16xf32>
        %mul3A_2353 = arith.constant 16 : i32
        %mul3A_2354 = arith.muli %scan3A_106, %mul3A_2353 : i32
        %add3A_2355 = arith.constant 15 : i32
        %add3A_2356 = arith.addi %mul3A_2354, %add3A_2355 : i32
        %slice3A_2357 = vector.extract_strided_slice %get3A_114 {offsets = [15], sizes = [1], strides = [1]} : vector<16xi32> to vector<1xi32>
        %squeeze3A_2358 = vector.extract %slice3A_2357[0] : i32 from vector<1xi32>
        %slice3A_2359 = vector.extract_strided_slice %get3A_117 {offsets = [15], sizes = [1], strides = [1]} : vector<16xi32> to vector<1xi32>
        %squeeze3A_2360 = vector.extract %slice3A_2359[0] : i32 from vector<1xi32>
        %slice3A_2361 = vector.extract_strided_slice %get3A_120 {offsets = [15], sizes = [1], strides = [1]} : vector<16xi32> to vector<1xi32>
        %squeeze3A_2362 = vector.extract %slice3A_2361[0] : i32 from vector<1xi32>
        %get3A_2363 = arith.index_cast %add3A_2356 : i32 to index
        %get3A_2364 = arith.index_cast %squeeze3A_2358 : i32 to index
        %get3A_2365 = tpu.vector_load %arg22[%get3A_2363, %get3A_2364] {strides = array<i32>} : memref<64x128xf32, #tpu.memory_space<vmem>>, vector<1x16xf32>,
        %get3A_2366 = vector.shape_cast %get3A_2365 : vector<1x16xf32> to vector<16xf32>
        %add3A_2367 = arith.constant 16 : i32
        %add3A_2368 = arith.addi %squeeze3A_2358, %add3A_2367 : i32
        %get3A_2369 = arith.index_cast %add3A_2356 : i32 to index
        %get3A_2370 = arith.index_cast %add3A_2368 : i32 to index
        %get3A_2371 = tpu.vector_load %arg22[%get3A_2369, %get3A_2370] {strides = array<i32>} : memref<64x128xf32, #tpu.memory_space<vmem>>, vector<1x16xf32>,
        %get3A_2372 = vector.shape_cast %get3A_2371 : vector<1x16xf32> to vector<16xf32>
        %get3A_2373 = arith.index_cast %add3A_2356 : i32 to index
        %get3A_2374 = arith.index_cast %squeeze3A_2358 : i32 to index
        %get3A_2375 = tpu.vector_load %arg23[%get3A_2373, %get3A_2374] {strides = array<i32>} : memref<64x128xf32, #tpu.memory_space<vmem>>, vector<1x16xf32>,
        %get3A_2376 = vector.shape_cast %get3A_2375 : vector<1x16xf32> to vector<16xf32>
        %add3A_2377 = arith.constant 16 : i32
        %add3A_2378 = arith.addi %squeeze3A_2358, %add3A_2377 : i32
        %get3A_2379 = arith.index_cast %add3A_2356 : i32 to index
        %get3A_2380 = arith.index_cast %add3A_2378 : i32 to index
        %get3A_2381 = tpu.vector_load %arg23[%get3A_2379, %get3A_2380] {strides = array<i32>} : memref<64x128xf32, #tpu.memory_space<vmem>>, vector<1x16xf32>,
        %get3A_2382 = vector.shape_cast %get3A_2381 : vector<1x16xf32> to vector<16xf32>
        %get3A_2383 = arith.index_cast %add3A_2356 : i32 to index
        %get3A_2384 = arith.constant 0 : index
        %get3A_2385 = tpu.vector_load %arg28[%get3A_2383, %get3A_2384] {strides = array<i32>} : memref<64x32xf32, #tpu.memory_space<vmem>>, vector<1x16xf32>,
        %get3A_2386 = vector.shape_cast %get3A_2385 : vector<1x16xf32> to vector<16xf32>
        %get3A_2387 = arith.index_cast %add3A_2356 : i32 to index
        %get3A_2388 = arith.constant 16 : index
        %get3A_2389 = tpu.vector_load %arg28[%get3A_2387, %get3A_2388] {strides = array<i32>} : memref<64x32xf32, #tpu.memory_space<vmem>>, vector<1x16xf32>,
        %get3A_2390 = vector.shape_cast %get3A_2389 : vector<1x16xf32> to vector<16xf32>
        %get3A_2391 = arith.index_cast %add3A_2356 : i32 to index
        %get3A_2392 = arith.constant 0 : index
        %get3A_2393 = tpu.vector_load %arg29[%get3A_2391, %get3A_2392] {strides = array<i32>} : memref<64x32xf32, #tpu.memory_space<vmem>>, vector<1x16xf32>,
        %get3A_2394 = vector.shape_cast %get3A_2393 : vector<1x16xf32> to vector<16xf32>
        %get3A_2395 = arith.index_cast %add3A_2356 : i32 to index
        %get3A_2396 = arith.constant 16 : index
        %get3A_2397 = tpu.vector_load %arg29[%get3A_2395, %get3A_2396] {strides = array<i32>} : memref<64x32xf32, #tpu.memory_space<vmem>>, vector<1x16xf32>,
        %get3A_2398 = vector.shape_cast %get3A_2397 : vector<1x16xf32> to vector<16xf32>
        %get3A_2399 = arith.index_cast %add3A_2356 : i32 to index
        %get3A_2400 = arith.index_cast %squeeze3A_2360 : i32 to index
        %get3A_2401 = tpu.vector_load %arg24[%get3A_2399, %get3A_2400] {strides = array<i32>} : memref<64x128xf32, #tpu.memory_space<vmem>>, vector<1x16xf32>,
        %get3A_2402 = vector.shape_cast %get3A_2401 : vector<1x16xf32> to vector<16xf32>
        %add3A_2403 = arith.constant 16 : i32
        %add3A_2404 = arith.addi %squeeze3A_2360, %add3A_2403 : i32
        %get3A_2405 = arith.index_cast %add3A_2356 : i32 to index
        %get3A_2406 = arith.index_cast %add3A_2404 : i32 to index
        %get3A_2407 = tpu.vector_load %arg24[%get3A_2405, %get3A_2406] {strides = array<i32>} : memref<64x128xf32, #tpu.memory_space<vmem>>, vector<1x16xf32>,
        %get3A_2408 = vector.shape_cast %get3A_2407 : vector<1x16xf32> to vector<16xf32>
        %get3A_2409 = arith.index_cast %add3A_2356 : i32 to index
        %get3A_2410 = arith.index_cast %squeeze3A_2360 : i32 to index
        %get3A_2411 = tpu.vector_load %arg25[%get3A_2409, %get3A_2410] {strides = array<i32>} : memref<64x128xf32, #tpu.memory_space<vmem>>, vector<1x16xf32>,
        %get3A_2412 = vector.shape_cast %get3A_2411 : vector<1x16xf32> to vector<16xf32>
        %add3A_2413 = arith.constant 16 : i32
        %add3A_2414 = arith.addi %squeeze3A_2360, %add3A_2413 : i32
        %get3A_2415 = arith.index_cast %add3A_2356 : i32 to index
        %get3A_2416 = arith.index_cast %add3A_2414 : i32 to index
        %get3A_2417 = tpu.vector_load %arg25[%get3A_2415, %get3A_2416] {strides = array<i32>} : memref<64x128xf32, #tpu.memory_space<vmem>>, vector<1x16xf32>,
        %get3A_2418 = vector.shape_cast %get3A_2417 : vector<1x16xf32> to vector<16xf32>
        %get3A_2419 = arith.index_cast %add3A_2356 : i32 to index
        %get3A_2420 = arith.index_cast %squeeze3A_2362 : i32 to index
        %get3A_2421 = tpu.vector_load %arg26[%get3A_2419, %get3A_2420] {strides = array<i32>} : memref<64x128xf32, #tpu.memory_space<vmem>>, vector<1x16xf32>,
        %get3A_2422 = vector.shape_cast %get3A_2421 : vector<1x16xf32> to vector<16xf32>
        %add3A_2423 = arith.constant 16 : i32
        %add3A_2424 = arith.addi %squeeze3A_2362, %add3A_2423 : i32
        %get3A_2425 = arith.index_cast %add3A_2356 : i32 to index
        %get3A_2426 = arith.index_cast %add3A_2424 : i32 to index
        %get3A_2427 = tpu.vector_load %arg26[%get3A_2425, %get3A_2426] {strides = array<i32>} : memref<64x128xf32, #tpu.memory_space<vmem>>, vector<1x16xf32>,
        %get3A_2428 = vector.shape_cast %get3A_2427 : vector<1x16xf32> to vector<16xf32>
        %get3A_2429 = arith.index_cast %add3A_2356 : i32 to index
        %get3A_2430 = arith.index_cast %squeeze3A_2362 : i32 to index
        %get3A_2431 = tpu.vector_load %arg27[%get3A_2429, %get3A_2430] {strides = array<i32>} : memref<64x128xf32, #tpu.memory_space<vmem>>, vector<1x16xf32>,
        %get3A_2432 = vector.shape_cast %get3A_2431 : vector<1x16xf32> to vector<16xf32>
        %add3A_2433 = arith.constant 16 : i32
        %add3A_2434 = arith.addi %squeeze3A_2362, %add3A_2433 : i32
        %get3A_2435 = arith.index_cast %add3A_2356 : i32 to index
        %get3A_2436 = arith.index_cast %add3A_2434 : i32 to index
        %get3A_2437 = tpu.vector_load %arg27[%get3A_2435, %get3A_2436] {strides = array<i32>} : memref<64x128xf32, #tpu.memory_space<vmem>>, vector<1x16xf32>,
        %get3A_2438 = vector.shape_cast %get3A_2437 : vector<1x16xf32> to vector<16xf32>
        %mul3A_2439 = arith.mulf %get3A_2366, %get3A_2386 : vector<16xf32>
        %mul3A_2440 = arith.mulf %get3A_2376, %get3A_2394 : vector<16xf32>
        %sub3A_2441 = arith.subf %mul3A_2439, %mul3A_2440 : vector<16xf32>
        %mul3A_2442 = arith.mulf %get3A_2376, %get3A_2386 : vector<16xf32>
        %mul3A_2443 = arith.mulf %get3A_2366, %get3A_2394 : vector<16xf32>
        %add3A_2444 = arith.addf %mul3A_2442, %mul3A_2443 : vector<16xf32>
        %mul3A_2445 = arith.mulf %get3A_2372, %get3A_2390 : vector<16xf32>
        %mul3A_2446 = arith.mulf %get3A_2382, %get3A_2398 : vector<16xf32>
        %sub3A_2447 = arith.subf %mul3A_2445, %mul3A_2446 : vector<16xf32>
        %mul3A_2448 = arith.mulf %get3A_2382, %get3A_2390 : vector<16xf32>
        %mul3A_2449 = arith.mulf %get3A_2372, %get3A_2398 : vector<16xf32>
        %add3A_2450 = arith.addf %mul3A_2448, %mul3A_2449 : vector<16xf32>
        %sub3A_2451 = arith.subf %get3A_2422, %get3A_2402 : vector<16xf32>
        %mul3A_2452 = arith.mulf %sub3A_2441, %sub3A_2451 : vector<16xf32>
        %sub3A_2453 = arith.subf %get3A_2432, %get3A_2412 : vector<16xf32>
        %mul3A_2454 = arith.mulf %add3A_2444, %sub3A_2453 : vector<16xf32>
        %add3A_2455 = arith.addf %mul3A_2452, %mul3A_2454 : vector<16xf32>
        %sub3A_2456 = arith.subf %get3A_2428, %get3A_2408 : vector<16xf32>
        %mul3A_2457 = arith.mulf %sub3A_2447, %sub3A_2456 : vector<16xf32>
        %add3A_2458 = arith.addf %add3A_2455, %mul3A_2457 : vector<16xf32>
        %sub3A_2459 = arith.subf %get3A_2438, %get3A_2418 : vector<16xf32>
        %mul3A_2460 = arith.mulf %add3A_2450, %sub3A_2459 : vector<16xf32>
        %add3A_2461 = arith.addf %add3A_2458, %mul3A_2460 : vector<16xf32>
        %mul3A_2462 = arith.constant 64 : i32
        %mul3A_2463 = arith.muli %scan3A_32, %mul3A_2462 : i32
        %add3A_2464 = arith.addi %mul3A_2463, %add3A_2356 : i32
        %swap3A_2465 = arith.index_cast %add3A_2464 : i32 to index
        %swap3A_2466 = arith.constant 0 : index
        %swap3A_2467 = tpu.vector_load %arg30[%swap3A_2465, %swap3A_2466] {strides = array<i32>} : memref<512x16xf32, #tpu.memory_space<vmem>>, vector<1x16xf32>,
        %swap3A_2468 = vector.shape_cast %swap3A_2467 : vector<1x16xf32> to vector<16xf32>
        %swap3A_2469 = vector.shape_cast %add3A_2461 : vector<16xf32> to vector<1x16xf32>
        tpu.vector_store %arg30[%swap3A_2465, %swap3A_2466], %swap3A_2469 {strides = array<i32>} : memref<512x16xf32, #tpu.memory_space<vmem>>, vector<1x16xf32>,
        %mul3A_2470 = arith.mulf %get3A_2366, %get3A_2366 : vector<16xf32>
        %add3A_2471 = arith.addf %add3A_2352, %mul3A_2470 : vector<16xf32>
        %mul3A_2472 = arith.mulf %get3A_2372, %get3A_2372 : vector<16xf32>
        %add3A_2473 = arith.addf %add3A_2471, %mul3A_2472 : vector<16xf32>
        %mul3A_2474 = arith.mulf %get3A_2376, %get3A_2376 : vector<16xf32>
        %add3A_2475 = arith.addf %add3A_2473, %mul3A_2474 : vector<16xf32>
        %mul3A_2476 = arith.mulf %get3A_2382, %get3A_2382 : vector<16xf32>
        %add3A_2477 = arith.addf %add3A_2475, %mul3A_2476 : vector<16xf32>
        %mul3A_2478 = arith.mulf %get3A_2386, %get3A_2386 : vector<16xf32>
        %add3A_2479 = arith.addf %add3A_2477, %mul3A_2478 : vector<16xf32>
        %mul3A_2480 = arith.mulf %get3A_2390, %get3A_2390 : vector<16xf32>
        %add3A_2481 = arith.addf %add3A_2479, %mul3A_2480 : vector<16xf32>
        %mul3A_2482 = arith.mulf %get3A_2394, %get3A_2394 : vector<16xf32>
        %add3A_2483 = arith.addf %add3A_2481, %mul3A_2482 : vector<16xf32>
        %mul3A_2484 = arith.mulf %get3A_2398, %get3A_2398 : vector<16xf32>
        %add3A_2485 = arith.addf %add3A_2483, %mul3A_2484 : vector<16xf32>
        %mul3A_2486 = arith.mulf %get3A_2402, %get3A_2402 : vector<16xf32>
        %add3A_2487 = arith.addf %add3A_2485, %mul3A_2486 : vector<16xf32>
        %mul3A_2488 = arith.mulf %get3A_2408, %get3A_2408 : vector<16xf32>
        %add3A_2489 = arith.addf %add3A_2487, %mul3A_2488 : vector<16xf32>
        %mul3A_2490 = arith.mulf %get3A_2412, %get3A_2412 : vector<16xf32>
        %add3A_2491 = arith.addf %add3A_2489, %mul3A_2490 : vector<16xf32>
        %mul3A_2492 = arith.mulf %get3A_2418, %get3A_2418 : vector<16xf32>
        %add3A_2493 = arith.addf %add3A_2491, %mul3A_2492 : vector<16xf32>
        %mul3A_2494 = arith.mulf %get3A_2422, %get3A_2422 : vector<16xf32>
        %add3A_2495 = arith.addf %add3A_2493, %mul3A_2494 : vector<16xf32>
        %mul3A_2496 = arith.mulf %get3A_2428, %get3A_2428 : vector<16xf32>
        %add3A_2497 = arith.addf %add3A_2495, %mul3A_2496 : vector<16xf32>
        %mul3A_2498 = arith.mulf %get3A_2432, %get3A_2432 : vector<16xf32>
        %add3A_2499 = arith.addf %add3A_2497, %mul3A_2498 : vector<16xf32>
        %mul3A_2500 = arith.mulf %get3A_2438, %get3A_2438 : vector<16xf32>
        %add3A_2501 = arith.addf %add3A_2499, %mul3A_2500 : vector<16xf32>
        scf.yield %add3A_2501 : vector<16xf32>
      }
      %scan3A_105 = arith.constant 4 : i32
      scf.yield %scan3A_104 : vector<16xf32>
    }
    %scan3A_28 = arith.constant 8 : i32
    %swap3A = arith.constant 0 : index
    %swap3A_29 = tpu.vector_load %arg31[%swap3A] {strides = array<i32>} : memref<16xf32, #tpu.memory_space<vmem>>, vector<16xf32>,
    %swap3A_30 = vector.shape_cast %swap3A_29 : vector<16xf32> to vector<16xf32>
    %swap3A_31 = vector.shape_cast %scan3A_27 : vector<16xf32> to vector<16xf32>
    tpu.vector_store %arg31[%swap3A], %swap3A_31 {strides = array<i32>} : memref<16xf32, #tpu.memory_space<vmem>>, vector<16xf32>,
    "tpu.region"() ({
      %run_scoped3A = tpu.sem_alloc : memref<!tpu.dma_semaphore, #tpu.memory_space<semaphore_mem>>
      %dma_start3A_32 = arith.constant 0 : i32
      %dma_start3A_33 = tpu.memref_slice %arg10[%mul3A_2, %dma_start3A_32] : memref<16384x16xf32, #tpu.memory_space<hbm>> -> memref<512x16xf32, #tpu.memory_space<hbm>>
      %dma_start3A_34 = arith.constant 0 : i32
      %dma_start3A_35 = tpu.memref_slice %arg10[%mul3A_2, %dma_start3A_34] : memref<16384x16xf32, #tpu.memory_space<hbm>> -> memref<512x16xf32, #tpu.memory_space<hbm>>
      tpu.enqueue_dma source(%arg30 : memref<512x16xf32, #tpu.memory_space<vmem>>) target(%dma_start3A_35 : memref<512x16xf32, #tpu.memory_space<hbm>>) target_semaphore(%run_scoped3A : memref<!tpu.dma_semaphore, #tpu.memory_space<semaphore_mem>>)
      %dma_wait3A_36 = arith.constant 0 : i32
      %dma_wait3A_37 = tpu.memref_slice %arg10[%mul3A_2, %dma_wait3A_36] : memref<16384x16xf32, #tpu.memory_space<hbm>> -> memref<512x16xf32, #tpu.memory_space<hbm>>
      %dma_wait3A_38 = arith.constant 0 : i32
      %dma_wait3A_39 = tpu.memref_slice %arg10[%mul3A_2, %dma_wait3A_38] : memref<16384x16xf32, #tpu.memory_space<hbm>> -> memref<512x16xf32, #tpu.memory_space<hbm>>
      tpu.wait_dma2 semaphore(%run_scoped3A : memref<!tpu.dma_semaphore, #tpu.memory_space<semaphore_mem>>) src(%arg30 : memref<512x16xf32, #tpu.memory_space<vmem>>) dst(%dma_wait3A_39 : memref<512x16xf32, #tpu.memory_space<hbm>>)
      tpu.yield
    }) : () -> ()
    "tpu.region"() ({
      %run_scoped3A = tpu.sem_alloc : memref<!tpu.dma_semaphore, #tpu.memory_space<semaphore_mem>>
      %dma_start3A_32 = arith.constant 0 : i32
      %dma_start3A_33 = tpu.memref_slice %arg11[%add3A, %dma_start3A_32] : memref<32x16xf32, #tpu.memory_space<hbm>> -> memref<1x16xf32, #tpu.memory_space<hbm>>
      %dma_start3A_34 = tpu.memref_squeeze %dma_start3A_33 : memref<1x16xf32, #tpu.memory_space<hbm>> -> memref<16xf32, #tpu.memory_space<hbm>>
      %dma_start3A_35 = arith.constant 0 : i32
      %dma_start3A_36 = tpu.memref_slice %arg11[%add3A, %dma_start3A_35] : memref<32x16xf32, #tpu.memory_space<hbm>> -> memref<1x16xf32, #tpu.memory_space<hbm>>
      %dma_start3A_37 = tpu.memref_squeeze %dma_start3A_36 : memref<1x16xf32, #tpu.memory_space<hbm>> -> memref<16xf32, #tpu.memory_space<hbm>>
      tpu.enqueue_dma source(%arg31 : memref<16xf32, #tpu.memory_space<vmem>>) target(%dma_start3A_37 : memref<16xf32, #tpu.memory_space<hbm>>) target_semaphore(%run_scoped3A : memref<!tpu.dma_semaphore, #tpu.memory_space<semaphore_mem>>)
      %dma_wait3A_38 = arith.constant 0 : i32
      %dma_wait3A_39 = tpu.memref_slice %arg11[%add3A, %dma_wait3A_38] : memref<32x16xf32, #tpu.memory_space<hbm>> -> memref<1x16xf32, #tpu.memory_space<hbm>>
      %dma_wait3A_40 = tpu.memref_squeeze %dma_wait3A_39 : memref<1x16xf32, #tpu.memory_space<hbm>> -> memref<16xf32, #tpu.memory_space<hbm>>
      %dma_wait3A_41 = arith.constant 0 : i32
      %dma_wait3A_42 = tpu.memref_slice %arg11[%add3A, %dma_wait3A_41] : memref<32x16xf32, #tpu.memory_space<hbm>> -> memref<1x16xf32, #tpu.memory_space<hbm>>
      %dma_wait3A_43 = tpu.memref_squeeze %dma_wait3A_42 : memref<1x16xf32, #tpu.memory_space<hbm>> -> memref<16xf32, #tpu.memory_space<hbm>>
      tpu.wait_dma2 semaphore(%run_scoped3A : memref<!tpu.dma_semaphore, #tpu.memory_space<semaphore_mem>>) src(%arg31 : memref<16xf32, #tpu.memory_space<vmem>>) dst(%dma_wait3A_43 : memref<16xf32, #tpu.memory_space<hbm>>)
      tpu.yield
    }) : () -> ()
    return
  }
}

module attributes {stable_mosaic.version = 14 : i64} {
  func.func @_tp_body(%arg0: i32, %arg1: memref<32x4096xf32, #tpu.memory_space<vmem>>, %arg2: memref<32x4096xf32, #tpu.memory_space<vmem>>, %arg3: memref<32x4096xf32, #tpu.memory_space<vmem>>, %arg4: memref<32x4096xf32, #tpu.memory_space<vmem>>, %arg5: memref<32x4096xf32, #tpu.memory_space<vmem>>, %arg6: memref<32x4096xf32, #tpu.memory_space<vmem>>, %arg7: memref<32x4096xf32, #tpu.memory_space<vmem>>, %arg8: memref<32x4096xf32, #tpu.memory_space<vmem>>, %arg9: memref<4096x128xf32, #tpu.memory_space<vmem>>, %arg10: memref<4096x128xf32, #tpu.memory_space<vmem>>) attributes {dimension_semantics = [#tpu.dimension_semantics<arbitrary>], iteration_bounds = array<i64: 62>, scalar_prefetch = 0 : i64, scratch_operands = 0 : i64, tpu.core_type = #tpu.core_type<tc>, window_params = [{transform_indices = @transform_0, window_bounds = array<i64: 32, 4096>}, {transform_indices = @transform_1, window_bounds = array<i64: 32, 4096>}, {transform_indices = @transform_2, window_bounds = array<i64: 32, 4096>}, {transform_indices = @transform_3, window_bounds = array<i64: 32, 4096>}, {transform_indices = @transform_4, window_bounds = array<i64: 32, 4096>}, {transform_indices = @transform_5, window_bounds = array<i64: 32, 4096>}, {transform_indices = @transform_6, window_bounds = array<i64: 32, 4096>}, {transform_indices = @transform_7, window_bounds = array<i64: 32, 4096>}, {transform_indices = @transform_8, window_bounds = array<i64: 4096, 128>}, {transform_indices = @transform_9, window_bounds = array<i64: 4096, 128>}]} {
    %get3A = arith.constant 0 : index
    %get3A_0 = arith.constant 0 : index
    %get3A_1 = vector.load %arg1[%get3A, %get3A_0] : memref<32x4096xf32, #tpu.memory_space<vmem>>, vector<32x4096xf32>
    %transpose3A = tpu.transpose %get3A_1, [1, 0] : vector<32x4096xf32> -> vector<4096x32xf32>
    %swap3A = arith.constant 0 : index
    %swap3A_2 = arith.constant 0 : index
    %swap3A_3 = vector.load %arg9[%swap3A, %swap3A_2] : memref<4096x128xf32, #tpu.memory_space<vmem>>, vector<4096x32xf32>
    tpu.vector_store %arg9[%swap3A, %swap3A_2], %transpose3A {strides = array<i32>} : memref<4096x128xf32, #tpu.memory_space<vmem>>, vector<4096x32xf32>,
    %get3A_4 = arith.constant 0 : index
    %get3A_5 = arith.constant 0 : index
    %get3A_6 = vector.load %arg2[%get3A_4, %get3A_5] : memref<32x4096xf32, #tpu.memory_space<vmem>>, vector<32x4096xf32>
    %transpose3A_7 = tpu.transpose %get3A_6, [1, 0] : vector<32x4096xf32> -> vector<4096x32xf32>
    %swap3A_8 = arith.constant 0 : index
    %swap3A_9 = arith.constant 32 : index
    %swap3A_10 = vector.load %arg9[%swap3A_8, %swap3A_9] : memref<4096x128xf32, #tpu.memory_space<vmem>>, vector<4096x32xf32>
    tpu.vector_store %arg9[%swap3A_8, %swap3A_9], %transpose3A_7 {strides = array<i32>} : memref<4096x128xf32, #tpu.memory_space<vmem>>, vector<4096x32xf32>,
    %get3A_11 = arith.constant 0 : index
    %get3A_12 = arith.constant 0 : index
    %get3A_13 = vector.load %arg3[%get3A_11, %get3A_12] : memref<32x4096xf32, #tpu.memory_space<vmem>>, vector<32x4096xf32>
    %transpose3A_14 = tpu.transpose %get3A_13, [1, 0] : vector<32x4096xf32> -> vector<4096x32xf32>
    %swap3A_15 = arith.constant 0 : index
    %swap3A_16 = arith.constant 64 : index
    %swap3A_17 = vector.load %arg9[%swap3A_15, %swap3A_16] : memref<4096x128xf32, #tpu.memory_space<vmem>>, vector<4096x32xf32>
    tpu.vector_store %arg9[%swap3A_15, %swap3A_16], %transpose3A_14 {strides = array<i32>} : memref<4096x128xf32, #tpu.memory_space<vmem>>, vector<4096x32xf32>,
    %get3A_18 = arith.constant 0 : index
    %get3A_19 = arith.constant 0 : index
    %get3A_20 = vector.load %arg4[%get3A_18, %get3A_19] : memref<32x4096xf32, #tpu.memory_space<vmem>>, vector<32x4096xf32>
    %transpose3A_21 = tpu.transpose %get3A_20, [1, 0] : vector<32x4096xf32> -> vector<4096x32xf32>
    %swap3A_22 = arith.constant 0 : index
    %swap3A_23 = arith.constant 96 : index
    %swap3A_24 = vector.load %arg9[%swap3A_22, %swap3A_23] : memref<4096x128xf32, #tpu.memory_space<vmem>>, vector<4096x32xf32>
    tpu.vector_store %arg9[%swap3A_22, %swap3A_23], %transpose3A_21 {strides = array<i32>} : memref<4096x128xf32, #tpu.memory_space<vmem>>, vector<4096x32xf32>,
    %get3A_25 = arith.constant 0 : index
    %get3A_26 = arith.constant 0 : index
    %get3A_27 = vector.load %arg5[%get3A_25, %get3A_26] : memref<32x4096xf32, #tpu.memory_space<vmem>>, vector<32x4096xf32>
    %transpose3A_28 = tpu.transpose %get3A_27, [1, 0] : vector<32x4096xf32> -> vector<4096x32xf32>
    %swap3A_29 = arith.constant 0 : index
    %swap3A_30 = arith.constant 0 : index
    %swap3A_31 = vector.load %arg10[%swap3A_29, %swap3A_30] : memref<4096x128xf32, #tpu.memory_space<vmem>>, vector<4096x32xf32>
    tpu.vector_store %arg10[%swap3A_29, %swap3A_30], %transpose3A_28 {strides = array<i32>} : memref<4096x128xf32, #tpu.memory_space<vmem>>, vector<4096x32xf32>,
    %get3A_32 = arith.constant 0 : index
    %get3A_33 = arith.constant 0 : index
    %get3A_34 = vector.load %arg6[%get3A_32, %get3A_33] : memref<32x4096xf32, #tpu.memory_space<vmem>>, vector<32x4096xf32>
    %transpose3A_35 = tpu.transpose %get3A_34, [1, 0] : vector<32x4096xf32> -> vector<4096x32xf32>
    %swap3A_36 = arith.constant 0 : index
    %swap3A_37 = arith.constant 32 : index
    %swap3A_38 = vector.load %arg10[%swap3A_36, %swap3A_37] : memref<4096x128xf32, #tpu.memory_space<vmem>>, vector<4096x32xf32>
    tpu.vector_store %arg10[%swap3A_36, %swap3A_37], %transpose3A_35 {strides = array<i32>} : memref<4096x128xf32, #tpu.memory_space<vmem>>, vector<4096x32xf32>,
    %get3A_39 = arith.constant 0 : index
    %get3A_40 = arith.constant 0 : index
    %get3A_41 = vector.load %arg7[%get3A_39, %get3A_40] : memref<32x4096xf32, #tpu.memory_space<vmem>>, vector<32x4096xf32>
    %transpose3A_42 = tpu.transpose %get3A_41, [1, 0] : vector<32x4096xf32> -> vector<4096x32xf32>
    %swap3A_43 = arith.constant 0 : index
    %swap3A_44 = arith.constant 64 : index
    %swap3A_45 = vector.load %arg10[%swap3A_43, %swap3A_44] : memref<4096x128xf32, #tpu.memory_space<vmem>>, vector<4096x32xf32>
    tpu.vector_store %arg10[%swap3A_43, %swap3A_44], %transpose3A_42 {strides = array<i32>} : memref<4096x128xf32, #tpu.memory_space<vmem>>, vector<4096x32xf32>,
    %get3A_46 = arith.constant 0 : index
    %get3A_47 = arith.constant 0 : index
    %get3A_48 = vector.load %arg8[%get3A_46, %get3A_47] : memref<32x4096xf32, #tpu.memory_space<vmem>>, vector<32x4096xf32>
    %transpose3A_49 = tpu.transpose %get3A_48, [1, 0] : vector<32x4096xf32> -> vector<4096x32xf32>
    %swap3A_50 = arith.constant 0 : index
    %swap3A_51 = arith.constant 96 : index
    %swap3A_52 = vector.load %arg10[%swap3A_50, %swap3A_51] : memref<4096x128xf32, #tpu.memory_space<vmem>>, vector<4096x32xf32>
    tpu.vector_store %arg10[%swap3A_50, %swap3A_51], %transpose3A_49 {strides = array<i32>} : memref<4096x128xf32, #tpu.memory_space<vmem>>, vector<4096x32xf32>,
    return
  }
  func.func @transform_0(%arg0: i32) -> (i32, i32) {
    %add3A = arith.constant 0 : i32
    %add3A_0 = arith.addi %add3A, %arg0 : i32
    %c0_i32 = arith.constant 0 : i32
    %c0_i32_1 = arith.constant 0 : i32
    return %c0_i32, %add3A_0 : i32, i32
  }
  func.func @transform_1(%arg0: i32) -> (i32, i32) {
    %add3A = arith.constant 62 : i32
    %add3A_0 = arith.addi %add3A, %arg0 : i32
    %c0_i32 = arith.constant 0 : i32
    %c0_i32_1 = arith.constant 0 : i32
    return %c0_i32, %add3A_0 : i32, i32
  }
  func.func @transform_2(%arg0: i32) -> (i32, i32) {
    %add3A = arith.constant 124 : i32
    %add3A_0 = arith.addi %add3A, %arg0 : i32
    %c0_i32 = arith.constant 0 : i32
    %c0_i32_1 = arith.constant 0 : i32
    return %c0_i32, %add3A_0 : i32, i32
  }
  func.func @transform_3(%arg0: i32) -> (i32, i32) {
    %add3A = arith.constant 183 : i32
    %add3A_0 = arith.addi %add3A, %arg0 : i32
    %c0_i32 = arith.constant 0 : i32
    %c0_i32_1 = arith.constant 0 : i32
    return %c0_i32, %add3A_0 : i32, i32
  }
  func.func @transform_4(%arg0: i32) -> (i32, i32) {
    %add3A = arith.constant 0 : i32
    %add3A_0 = arith.addi %add3A, %arg0 : i32
    %c0_i32 = arith.constant 0 : i32
    %c0_i32_1 = arith.constant 0 : i32
    return %c0_i32, %add3A_0 : i32, i32
  }
  func.func @transform_5(%arg0: i32) -> (i32, i32) {
    %add3A = arith.constant 62 : i32
    %add3A_0 = arith.addi %add3A, %arg0 : i32
    %c0_i32 = arith.constant 0 : i32
    %c0_i32_1 = arith.constant 0 : i32
    return %c0_i32, %add3A_0 : i32, i32
  }
  func.func @transform_6(%arg0: i32) -> (i32, i32) {
    %add3A = arith.constant 124 : i32
    %add3A_0 = arith.addi %add3A, %arg0 : i32
    %c0_i32 = arith.constant 0 : i32
    %c0_i32_1 = arith.constant 0 : i32
    return %c0_i32, %add3A_0 : i32, i32
  }
  func.func @transform_7(%arg0: i32) -> (i32, i32) {
    %add3A = arith.constant 183 : i32
    %add3A_0 = arith.addi %add3A, %arg0 : i32
    %c0_i32 = arith.constant 0 : i32
    %c0_i32_1 = arith.constant 0 : i32
    return %c0_i32, %add3A_0 : i32, i32
  }
  func.func @transform_8(%arg0: i32) -> (i32, i32) {
    %c0_i32 = arith.constant 0 : i32
    %c0_i32_0 = arith.constant 0 : i32
    return %arg0, %c0_i32 : i32, i32
  }
  func.func @transform_9(%arg0: i32) -> (i32, i32) {
    %c0_i32 = arith.constant 0 : i32
    %c0_i32_0 = arith.constant 0 : i32
    return %arg0, %c0_i32 : i32, i32
  }
}

module attributes {stable_mosaic.version = 14 : i64} {
  func.func @_tc_body(%arg0: memref<2048x128xf32, #tpu.memory_space<vmem>>, %arg1: memref<32x16xf32, #tpu.memory_space<vmem>>, %arg2: memref<1x1xf32, #tpu.memory_space<smem>>) attributes {dimension_semantics = [], scalar_prefetch = 0 : i64, scratch_operands = 0 : i64, tpu.core_type = #tpu.core_type<tc>} {
    %get3A = arith.constant 0 : index
    %get3A_0 = arith.constant 0 : index
    %get3A_1 = vector.load %arg0[%get3A, %get3A_0] : memref<2048x128xf32, #tpu.memory_space<vmem>>, vector<2048x128xf32>
    %iota3A = tpu.iota {dimensions = array<i32: 0>} : vector<128x8xi32>
    %iota3A_2 = tpu.iota {dimensions = array<i32: 1>} : vector<128x8xi32>
    %jit3A = arith.constant 16 : i32
    %div3A = vector.broadcast %jit3A : i32 to vector<128x8xi32>
    %div3A_3 = arith.divsi %iota3A, %div3A : vector<128x8xi32>
    %sign3A = arith.constant 0 : i32
    %sign3A_4 = vector.broadcast %sign3A : i32 to vector<128x8xi32>
    %sign3A_5 = arith.cmpi sgt, %iota3A, %sign3A_4 : vector<128x8xi32>
    %sign3A_6 = arith.extui %sign3A_5 : vector<128x8xi1> to vector<128x8xi32>
    %sign3A_7 = arith.constant 0 : i32
    %sign3A_8 = vector.broadcast %sign3A_7 : i32 to vector<128x8xi32>
    %sign3A_9 = arith.cmpi slt, %iota3A, %sign3A_8 : vector<128x8xi32>
    %sign3A_10 = arith.extui %sign3A_9 : vector<128x8xi1> to vector<128x8xi32>
    %sign3A_11 = arith.subi %sign3A_6, %sign3A_10 : vector<128x8xi32>
    %sign3A_12 = arith.constant 0 : i32
    %sign3A_13 = arith.cmpi sgt, %jit3A, %sign3A_12 : i32
    %sign3A_14 = arith.extui %sign3A_13 : i1 to i32
    %sign3A_15 = arith.constant 0 : i32
    %sign3A_16 = arith.cmpi slt, %jit3A, %sign3A_15 : i32
    %sign3A_17 = arith.extui %sign3A_16 : i1 to i32
    %sign3A_18 = arith.subi %sign3A_14, %sign3A_17 : i32
    %ne3A = vector.broadcast %sign3A_18 : i32 to vector<128x8xi32>
    %ne3A_19 = arith.cmpi ne, %sign3A_11, %ne3A : vector<128x8xi32>
    %rem3A = vector.broadcast %jit3A : i32 to vector<128x8xi32>
    %rem3A_20 = arith.remsi %iota3A, %rem3A : vector<128x8xi32>
    %ne3A_21 = arith.constant 0 : i32
    %ne3A_22 = vector.broadcast %ne3A_21 : i32 to vector<128x8xi32>
    %ne3A_23 = arith.cmpi ne, %rem3A_20, %ne3A_22 : vector<128x8xi32>
    %and3A = arith.andi %ne3A_19, %ne3A_23 : vector<128x8xi1>
    %sub3A = arith.constant 1 : i32
    %sub3A_24 = vector.broadcast %sub3A : i32 to vector<128x8xi32>
    %sub3A_25 = arith.subi %div3A_3, %sub3A_24 : vector<128x8xi32>
    %select_n3A = arith.select %and3A, %sub3A_25, %div3A_3 : vector<128x8xi1>, vector<128x8xi32>
    %eq3A = arith.cmpi eq, %select_n3A, %iota3A_2 : vector<128x8xi32>
    %jit3A_26 = arith.constant 1.000000e+00 : f32
    %jit3A_27 = arith.constant 0.000000e+00 : f32
    %broadcast_in_dim3A = vector.broadcast %jit3A_26 : f32 to vector<128x8xf32>
    %broadcast_in_dim3A_28 = vector.broadcast %jit3A_27 : f32 to vector<128x8xf32>
    %select_n3A_29 = arith.select %eq3A, %broadcast_in_dim3A, %broadcast_in_dim3A_28 : vector<128x8xi1>, vector<128x8xf32>
    %dot_general3A = arith.constant dense<0.000000e+00> : vector<2048x8xf32>
    %dot_general3A_30 = tpu.matmul %get3A_1, %select_n3A_29, %dot_general3A {dimension_numbers = #tpu.dot_dimension_numbers<[1], [0], [0], [1], [0, 0, 1, 1], [], []>, transpose_lhs_hint = false} : vector<2048x128xf32>, vector<128x8xf32>, vector<2048x8xf32> -> vector<2048x8xf32>
    %abs3A = math.absf %dot_general3A_30 : vector<2048x8xf32>
    %neg3A = arith.constant 0.000000e+00 : f32
    %neg3A_31 = vector.broadcast %neg3A : f32 to vector<2048x8xf32>
    %neg3A_32 = arith.subf %neg3A_31, %abs3A : vector<2048x8xf32>
    %exp3A = math.exp %neg3A_32 : vector<2048x8xf32>
    %log1p3A = math.log1p %exp3A : vector<2048x8xf32>
    %min3A = arith.constant 0.000000e+00 : f32
    %min3A_33 = vector.broadcast %min3A : f32 to vector<2048x8xf32>
    %min3A_34 = arith.minimumf %dot_general3A_30, %min3A_33 : vector<2048x8xf32>
    %sub3A_35 = arith.subf %log1p3A, %min3A_34 : vector<2048x8xf32>
    %reduce_sum3A = vector.shape_cast %sub3A_35 : vector<2048x8xf32> to vector<1x2048x8xf32>
    %reduce_sum3A_36 = arith.constant dense<0.000000e+00> : vector<1xf32>
    %reduce_sum3A_37 = vector.multi_reduction <add>, %reduce_sum3A, %reduce_sum3A_36 [1, 2] : vector<1x2048x8xf32> to vector<1xf32>
    %reduce_sum3A_38 = vector.shape_cast %reduce_sum3A_37 : vector<1xf32> to vector<1x1x1xf32>
    %reduce_sum3A_39 = vector.extract %reduce_sum3A_38[0, 0, 0] : f32 from vector<1x1x1xf32>
    %div3A_40 = arith.constant 1.638400e+04 : f32
    %div3A_41 = arith.divf %reduce_sum3A_39, %div3A_40 : f32
    %get3A_42 = arith.constant 0 : index
    %get3A_43 = arith.constant 0 : index
    %get3A_44 = vector.load %arg1[%get3A_42, %get3A_43] : memref<32x16xf32, #tpu.memory_space<vmem>>, vector<32x16xf32>
    %reduce_sum3A_45 = vector.shape_cast %get3A_44 : vector<32x16xf32> to vector<1x32x16xf32>
    %reduce_sum3A_46 = arith.constant dense<0.000000e+00> : vector<1xf32>
    %reduce_sum3A_47 = vector.multi_reduction <add>, %reduce_sum3A_45, %reduce_sum3A_46 [1, 2] : vector<1x32x16xf32> to vector<1xf32>
    %reduce_sum3A_48 = vector.shape_cast %reduce_sum3A_47 : vector<1xf32> to vector<1x1x1xf32>
    %reduce_sum3A_49 = vector.extract %reduce_sum3A_48[0, 0, 0] : f32 from vector<1x1x1xf32>
    %mul3A = arith.constant 3.05175774E-10 : f32
    %mul3A_50 = arith.mulf %mul3A, %reduce_sum3A_49 : f32
    %add3A = arith.addf %div3A_41, %mul3A_50 : f32
    %swap3A = arith.constant 0 : index
    %swap3A_51 = arith.constant 0 : index
    %swap3A_52 = memref.load %arg2[%swap3A, %swap3A_51] : memref<1x1xf32, #tpu.memory_space<smem>>
    memref.store %add3A, %arg2[%swap3A, %swap3A_51] : memref<1x1xf32, #tpu.memory_space<smem>>
    return
  }
}

</mosaic_0001>

<sc_bundles>
// kernel: kernel.5.cloned.1.call-start
scs
__scs_entry_jumppad:
0x0: {  	(pc) =	sbr.rel $0x88, $3  }
0x1: {  	(tag) =	ssettag $0x0;
	lr =	simm.s32 $0x1  }
0x2: {  	[smem:$0x3F99] =	sst lr;
	_ =	strace $0xD0000000  }
0x3: {  	_ = 	snop  }
0x4: {  	_ = 	snop  }
0x5: {  	_ = 	snop  }
0x6: {  	_ = 	snop  }
0x7: {  	_ = 	snop  }
__scs_overlays_trampoline_lowered:
0x8: {  	[smem:$0x3FA8] =	sst s0  }
0x9: {  	[smem:$0x3FA9] =	sst s1  }
0xa: {  	[smem:$0x3FAA] =	sst s2  }
0xb: {  	[smem:$0x3FAB] =	sst s3  }
0xc: {  	[smem:$0x3FAC] =	sst s4  }
0xd: {  	[smem:$0x3FAD] =	sst s5  }
0xe: {  	[smem:$0x3FAE] =	sst s6  }
0xf: {  	[smem:$0x3FAF] =	sst s7  }
0x10: {  	[smem:$0x3FB0] =	sst s8  }
0x11: {  	[smem:$0x3FB1] =	sst s9;
	s0 =	simm.s32 @!p0 $0x0  }
0x12: {  	s1 =	sld [smem:$0x3F97];
	s0 =	simm.s32 @p0 $0x1  }
0x13: {  	[smem:$0x3FB2] =	sst s0;
	s0 =	simm.s32 @!p1 $0x0  }
0x14: {  	s2 =	sld [smem:$0x3F96];
	s0 =	simm.s32 @p1 $0x1  }
0x15: {  	[smem:$0x3FB3] =	sst s0;
	s0 =	simm.s32 @!p2 $0x0  }
0x16: {  	s3 =	sld [smem:$0x3FDB];
	s0 =	simm.s32 @p2 $0x1  }
0x17: {  	s4 =	simm.s32 $0x1BF5;
	[smem:$0x3FB5] =	sst s0  }
0x18: {  	s0 =	sld [smem:$0x3F98];
	_ =	swait.ge [sflag:s4], $0x0  }
0x19: {  	s7 =	sld [smem:$0x3F99]  }
0x1a: {  	s8 =	sadd.s32 $0xFFFFE003, lr  }
0x1b: {  	s9 =	sadd.s32 $0xFFFFFEF7, lr;
	s5 =	simm.s32 $0xFFFFFFFF;
	p2 =	slt.u32 s8, $0xFFFFF086  }
0x1c: {  	p1 =	slt.u32 s9, $0xF7A;
	s5 =	simm.s32 @!p2 $0x0  }
0x1d: {  	s5 =	simm.s32 @p1 $0x1;
	p0 =	seq.s32 s7, s2  }
0x1e: {  	s7 =	smul.u32 @!p0 $0xF7A, s2;
	p2 =	seq.s32 @!p0 s5, $0x0  }
0x1f: {  	s9 =	smul.u32 $0xF7A, s1;
	s8 =	simm.s32 @!p0 $0x1BF5;
	p2 =	por !p2, p0  }
0x20: {  	[sflag:s8] =	ssyncset.s32 @!p0 $0xFFFFF086;
	s6 =	sadd.s32 @!p0 s3, s7;
	s7 =	simm.s32 @!p0 $0x108  }
0x21: {  	s3 =	sadd.s32 s3, s9;
	s6 =	sadd.s32 @!p0 $0x88, s6;
	s7 =	simm.s32 @p2 $0x1082  }
0x22: {  	[simem:s7], [sflag:s8] =	dma.local @!p0 [hbm:s6], $0xF7A  }
0x23: {  	s9 =	sor.u32 $0xD0000000, s2;
	s6 =	simm.s32 $0x108;
	_ =	swait.ge @!p0 [sflag:s8], $0x0  }
0x24: {  	s3 =	sadd.s32 $0x88, s3;
	s6 =	simm.s32 @!p1 $0x1082;
	[sflag:s4] =	ssyncset.s32 $0xFFFFF086  }
0x25: {  	[simem:s6], [sflag:s4] =	dma.local [hbm:s3], $0xF7A  }
0x26: {  	[smem:$0x3F99] =	sst s1;
	(tag) =	ssettag s2;
	_ =	strace s9  }
0x27: {  	s1 =	sld [smem:$0x3FA9]  }
0x28: {  	s2 =	sld [smem:$0x3FAA]  }
0x29: {  	s4 =	sld [smem:$0x3FAC]  }
0x2a: {  	p0 =	seq.s32 s5, $0x0;
	s5 =	sld [smem:$0x3FAD]  }
0x2b: {  	s6 =	sld [smem:$0x3FAE]  }
0x2c: {  	s7 =	sld [smem:$0x3FAF]  }
0x2d: {  	s3 =	simm.s32 $0x108;
	s8 =	sld [smem:$0x3FB0]  }
0x2e: {  	s3 =	simm.s32 @!p0 $0x1082;
	s9 =	sld [smem:$0x3FB1]  }
0x2f: {  	lr =	sadd.s32 s0, s3;
	s0 =	sld [smem:$0x3FA8]  }
0x30: {  	s3 =	sld [smem:$0x3FAB]  }
0x31: {  	[smem:$0x3FB4] =	sst s10  }
0x32: {  	s10 =	sld [smem:$0x3FB2];
	_ =	sdelay $0x3  }
0x33: {  	p0 =	seq.s32 s10, $0x1;
	s10 =	sld [smem:$0x3FB4];
	_ =	sdelay $0x3  }
0x34: {  	[smem:$0x3FB4] =	sst s10  }
0x35: {  	s10 =	sld [smem:$0x3FB3];
	_ =	sdelay $0x3  }
0x36: {  	p1 =	seq.s32 s10, $0x1;
	s10 =	sld [smem:$0x3FB4];
	_ =	sdelay $0x3  }
0x37: {  	[smem:$0x3FB4] =	sst s10  }
0x38: {  	s10 =	sld [smem:$0x3FB5]  }
0x39: {  	_ = 	snop;
	(pc) =	sbr.ind lr, $3  }
0x3a: {  	_ = 	snop  }
0x3b: {  	_ = 	snop  }
0x3c: {  	p2 =	seq.s32 s10, $0x1;
	s10 =	sld [smem:$0x3FB4]  }
0x3d: {  	_ =	shalt  }
0x3e: {  	_ =	shalt  }
0x3f: {  	_ =	shalt  }
0x40: {  	_ =	shalt  }
0x41: {  	_ =	shalt  }
0x42: {  	_ =	shalt  }
0x43: {  	_ =	shalt  }
0x44: {  	_ =	shalt  }
0x45: {  	_ =	shalt  }
0x46: {  	_ =	shalt  }
0x47: {  	_ =	shalt  }
0x48: {  	_ =	shalt  }
0x49: {  	_ =	shalt  }
0x4a: {  	_ =	shalt  }
0x4b: {  	_ =	shalt  }
0x4c: {  	_ =	shalt  }
0x4d: {  	_ =	shalt  }
0x4e: {  	_ =	shalt  }
0x4f: {  	_ =	shalt  }
0x50: {  	_ =	shalt  }
0x51: {  	_ =	shalt  }
0x52: {  	_ =	shalt  }
0x53: {  	_ =	shalt  }
0x54: {  	_ =	shalt  }
0x55: {  	_ =	shalt  }
0x56: {  	_ =	shalt  }
0x57: {  	_ =	shalt  }
0x58: {  	_ =	shalt  }
0x59: {  	_ =	shalt  }
0x5a: {  	_ =	shalt  }
0x5b: {  	_ =	shalt  }
0x5c: {  	_ =	shalt  }
0x5d: {  	_ =	shalt  }
0x5e: {  	_ =	shalt  }
0x5f: {  	_ =	shalt  }
0x60: {  	_ =	shalt  }
0x61: {  	_ =	shalt  }
0x62: {  	_ =	shalt  }
0x63: {  	_ =	shalt  }
0x64: {  	_ =	shalt  }
0x65: {  	_ =	shalt  }
0x66: {  	_ =	shalt  }
0x67: {  	_ =	shalt  }
0x68: {  	_ =	shalt  }
0x69: {  	_ =	shalt  }
0x6a: {  	_ =	shalt  }
0x6b: {  	_ =	shalt  }
0x6c: {  	_ =	shalt  }
0x6d: {  	_ =	shalt  }
0x6e: {  	_ =	shalt  }
0x6f: {  	_ =	shalt  }
0x70: {  	_ =	shalt  }
0x71: {  	_ =	shalt  }
0x72: {  	_ =	shalt  }
0x73: {  	_ =	shalt  }
0x74: {  	_ =	shalt  }
0x75: {  	_ =	shalt  }
0x76: {  	_ =	shalt  }
0x77: {  	_ =	shalt  }
0x78: {  	_ =	shalt  }
0x79: {  	_ =	shalt  }
0x7a: {  	_ =	shalt  }
0x7b: {  	_ =	shalt  }
0x7c: {  	_ =	shalt  }
0x7d: {  	_ =	shalt  }
0x7e: {  	_ =	shalt  }
0x7f: {  	_ =	shalt  }
0x80: {  	_ =	shalt  }
0x81: {  	_ =	shalt  }
0x82: {  	_ =	shalt  }
0x83: {  	_ =	shalt  }
0x84: {  	_ =	shalt  }
0x85: {  	_ =	shalt  }
0x86: {  	_ =	shalt  }
0x87: {  	_ =	shalt  }
.Lfunc_end0:
.L_simem_size_0:
called_computation_lowered:
.L_overlay_start_0:
0x88: {  	s2 =	sld [smem:$0x3FD9]  }
0x89: {  	s3 =	sld [smem:$0x3FFE];
	_ =	sdelay $0x1  }
0x8a: {  	s1 =	srdreg.scid  }
0x8b: {  	s0 =	sand.u32 $0x1, s1  }
0x8c: {  	s17 =	sshll.u32 s0, $0xA;
	s2 =	sadd.s32 s3, s2  }
0x8d: {  	s2 =	sadd.s32 s2, s17  }
0x8e: {  	[smem:$0x3FC0] =	sst s2  }
0x8f: {  	_ = 	snop  }
0x90: {  	s2 =	sld [smem:$0x3FC9]  }
0x91: {  	s18 =	sld [smem:$0x3FC8]  }
0x92: {  	s4 =	sld [smem:$0x3FC7]  }
0x93: {  	s5 =	sld [smem:$0x3FC6];
	(tm) =	ssettm $0x1  }
0x94: {  	s6 =	sld [smem:$0x3FFB];
	_ =	sdelay $0x3  }
0x95: {  	_ =	strace s6  }
0x96: {  	s6 =	sld [smem:$0x3FFC];
	_ =	sdelay $0x3  }
0x97: {  	_ =	strace s6  }
0x98: {  	s6 =	sld [smem:$0x3FFD];
	_ =	sdelay $0x3  }
0x99: {  	_ =	strace s6  }
0x9a: {  	_ =	strace $0x8FFFFFFF  }
0x9b: {  	s19 =	sld [smem:$0x3FDB];
	_ =	sdelay $0x1  }
0x9c: {  	s7 =	simm.s32 $_scs_section_size  }
0x9d: {  	s8 =	simm.s32 $_size__tile_overlayer_lowered;
	s9 =	simm.s32 $_tile_overlayer_lowered  }
0x9e: {  	s22 =	simm.s32 $0x1BFF;
	s21 =	sshll.u32 s9, $0x1;
	s6 =	sadd.s32 s7, s19  }
0x9f: {  	s10 =	simm.s32 $0x0;
	s20 =	sshll.u32 s8, $0x1;
	s8 =	sadd.s32 s21, s6  }
0xa0: {  	[timem:s10], [sflag:s22] =	dma.local [hbm:s8], s20  }
0xa1: {  	_ =	swait.ge [sflag:s22], s20  }
0xa2: {  	s7 =	ssub.s32 $0x0, s20;
	[sflag:s22] =	ssyncset.done $0x0  }
0xa3: {  	[sflag:s22] =	ssyncadd.s32 s7;
	_ =	sdelay $0x1  }
0xa4: {  	s23 =	simm.s32 $0x1B8B  }
0xa5: {  	_ =	swait.ge [sflag:s23], $0x1  }
0xa6: {  	[sflag:s23] =	ssyncset.done $0x0  }
0xa7: {  	s25 =	simm.s32 $0x1B8E;
	s24 =	sld [smem:$0x3FFE];
	[sflag:s23] =	ssyncadd.s32 $0xFFFFFFFF  }
0xa8: {  	s26 =	simm.s32 $execute0_lowered;
	[smem:$0x3FD2] =	sst s25  }
0xa9: {  	s8 =	sshll.u32 s26, $0x1;
	_ =	strace $0x80000046;
	[dreg:$0x1] =	wrdreg $0xFFFFFFFF  }
0xaa: {  	s28 =	simm.s32 $_size_execute0_lowered;
	s6 =	sadd.s32 s6, s8;
	[dreg:$0x0] =	wrdreg $0x0  }
0xab: {  	s8 =	sshll.u32 s28, $0x1;
	[dreg:$0x2] =	wrdreg s6  }
0xac: {  	[dreg:$0x3] =	wrdreg s8  }
0xad: {  	[dreg:$0x4] =	wrdreg $0xC0  }
0xae: {  	_ =	task [dreg:s10], $0x5FFFF  }
0xaf: {  	[dreg:$0x1] =	wrdreg $0xFFFFFFFF  }
0xb0: {  	[dreg:$0x0] =	wrdreg $0x60  }
0xb1: {  	[dreg:$0x2] =	wrdreg s2  }
0xb2: {  	[dreg:$0x3] =	wrdreg s18  }
0xb3: {  	[dreg:$0x4] =	wrdreg s4  }
0xb4: {  	[dreg:$0x5] =	wrdreg s5  }
0xb5: {  	[dreg:$0x6] =	wrdreg s24  }
0xb6: {  	[dreg:$0x7] =	wrdreg $0x9  }
0xb7: {  	_ =	task.clear_ibuf [dreg:s10], $0x8FFFF;
	_ =	strace $0x90000046  }
0xb8: {  	s29 =	simm.s32 $0x9;
	_ =	strace $0x80000048  }
0xb9: {  	_ =	swait.ge [sflag:s29], $0x1  }
0xba: {  	[sflag:s29] =	ssyncadd.s32 $0xFFFFFFFF  }
0xbb: {  	_ =	strace $0x90000048  }
0xbc: {  	_ =	sfence  }
0xbd: {  	s30 =	sld [smem:$0x0];
	_ =	sdelay $0x2  }
0xbe: {  	s31 =	sshll.u32 s1, $0xD;
	s1 =	sshrl.u32 s1, $0x2  }
0xbf: {  	s3 =	sand.u32 $0x4000, s31;
	s1 =	sadd.s32 s1, s30  }
0xc0: {  	s0 =	sor.u32 s3, s0;
	s1 =	sshll.u32 s1, $0x11  }
0xc1: {  	s0 =	sor.u32 s1, s0  }
0xc2: {  	s0 =	sadd.s32 $0x8F2B, s0  }
0xc3: {  	[sflag:s0] =	ssyncadd.remote.s32 $0x1  }
0xc4: {  	_ =	sfence.sel $0xFFFF  }
0xc5: {  	[dreg:$0x0] =	wrdreg $0xFFFFFFFF;
	(pc) =	sbr.abs _section_cstart, $3  }
0xc6: {  	[dreg:$0x1] =	wrdreg $0xFFFFFFFF  }
0xc7: {  	_ =	task.clear_ibuf [dreg:s10], $0x2FFFF;
	_ =	strace $0x9FFFFFFF  }
0xc8: {  	(tm) =	ssettm $0x7FFFFFFF  }
0xc9: {  	_ =	shalt  }
tec
execute0_lowered:
.L_overlay_start_1:
0x0: {  	(tag) =	ssettag $0x1  }
0x1: {  	s0 =	rddreg [dreg:$0x0]  }
0x2: {  	s1 =	rddreg [dreg:$0x1]  }
0x3: {  	s9 =	rddreg [dreg:$0x2]  }
0x4: {  	s10 =	rddreg [dreg:$0x3]  }
0x5: {  	s7 =	rddreg [dreg:$0x4];
	s2 =	simm.s32 $0x0;
	s4 =	srdreg.scid  }
0x6: {  	s5 =	stileid.u32;
	s17 =	simm.s32 $0x1;
	s18 =	simm.s32 $0x40  }
0x7: {  	s19 =	simm.s32 $0x1400;
	s20 =	simm.s32 $0x3400;
	s21 =	simm.s32 $0xD400  }
0x8: {  	s22 =	simm.s32 $0xDC00;
	s23 =	simm.s32 $0x5400;
	s24 =	simm.s32 $0x7400  }
0x9: {  	s29 =	simm.s32 $0x2;
	s31 =	simm.s32 $0x0;
	[smem:$0x7FF] =	sst s2  }
0xa: {  	s3 =	sadd.s32 $0x2C00, s7;
	s8 =	sand.u32 $0x1, s4;
	s6 =	sshll.u32 s5, $0x1  }
0xb: {  	s4 =	sadd.s32 $0x3E2C00, s7;
	s5 =	sadd.s32 $0xC00, s7;
	s11 =	sor.u32 s8, s6  }
0xc: {  	s12 =	sshll.u32 s11, $0xA;
	s13 =	sshll.u32 s11, $0x1;
	s11 =	sshll.u32 s11, $0x6  }
0xd: {  	_ =	strace $0x80000047;
	s6 =	sadd.s32 $0x1C00, s7;
	s0 =	sadd.s32 s0, s11  }
0xe: {  	s8 =	ssub.s32 $0x2, s8;
	s25 =	sadd.s32 s1, s11;
	[dreg:$0x6] =	wrdreg s0  }
0xf: {  	s14 =	sshrl.u32 s8, $0x1;
	s26 =	sadd.s32 s9, s11;
	[dreg:$0x7] =	wrdreg s25  }
0x10: {  	s12 =	sadd.s32 s12, s7;
	s28 =	sadd.s32 s10, s11;
	[dreg:$0x8] =	wrdreg s26  }
0x11: {  	s13 =	sadd.s32 s13, s7;
	s14 =	ssub.s32 s8, s14;
	[dreg:$0x9] =	wrdreg s28  }
0x12: {  	s30 =	sadd.s32 $0x7C2E00, s12;
	s12 =	sadd.s32 $0x7C2C00, s13;
	s13 =	smax.u32 s14, $0x1  }
0x13: {  	v0 =	vimm.s32 $0x0;
	s25 =	simm.s32 $0x9400;
	s26 =	simm.s32 $0xB400;
	[dreg:$0xa] =	wrdreg s30  }
.LBB2_1:
0x14: {  	s0 =	rddreg [dreg:$0x6]  }
0x15: {  	[tilespmem:s2], [sflag:$0x1] =	stream.linear.gather [hbm4b:s0+s2], $0x200, $0x38;
	[tilespmem:$0x10410] =	vst v63  }
0x16: {  	s14 =	rddreg [dreg:$0x7];
	s1 =	simm.s32 $0x200  }
0x17: {  	[tilespmem:s1], [sflag:$0x1] =	stream.linear.gather [hbm4b:s14+s2], $0x200, $0x38;
	[tilespmem:$0x10410] =	vst v63  }
0x18: {  	s15 =	rddreg [dreg:$0x8];
	s16 =	simm.s32 $0x400  }
0x19: {  	[tilespmem:s16], [sflag:$0x1] =	stream.linear.gather [hbm4b:s15+s2], $0x200, $0x38;
	[tilespmem:$0x10410] =	vst v63  }
0x1a: {  	s28 =	rddreg [dreg:$0x9];
	s30 =	simm.s32 $0x600  }
0x1b: {  	[tilespmem:s30], [sflag:$0x1] =	stream.linear.gather [hbm4b:s28+s2], $0x200, $0x38;
	[tilespmem:$0x10410] =	vst v63  }
0x1c: {  	_ =	swait.ge [sflag:s17], $0x200  }
0x1d: {  	[sflag:s17] =	ssyncset.done $0x0  }
0x1e: {  	[sflag:s17] =	ssyncadd.s32 $0xFFFFFE00  }
0x1f: {  	_ =	swait.ge [sflag:s17], $0x200  }
0x20: {  	[sflag:s17] =	ssyncset.done $0x0  }
0x21: {  	[sflag:s17] =	ssyncadd.s32 $0xFFFFFE00  }
0x22: {  	_ =	swait.ge [sflag:s17], $0x200  }
0x23: {  	[sflag:s17] =	ssyncset.done $0x0  }
0x24: {  	[sflag:s17] =	ssyncadd.s32 $0xFFFFFE00  }
0x25: {  	_ =	swait.ge [sflag:s17], $0x200  }
0x26: {  	[sflag:s17] =	ssyncset.done $0x0  }
0x27: {  	s0 =	simm.s32 $0x0;
	[sflag:s17] =	ssyncadd.s32 $0xFFFFFE00  }
0x28: {  	v5 =	vld [tilespmem:s0+$0x600]  }
0x29: {  	v2 =	vld [tilespmem:s0+$0x0]  }
0x2a: {  	v4 =	vld [tilespmem:s0+$0x400];
	_ =	sdelay $0x2  }
0x2b: {  	vm2 =	vgt.s32 v5, $0x3DFFF;
	vm1 =	vgt.s32 v5, $0x7BFFF  }
0x2c: {  	vm0 =	vgt.s32 v5, $0xB6FFF;
	vm4 =	vgt.s32 v2, $0x3DFFF;
	vm5 =	vgt.s32 v2, $0x7BFFF  }
0x2d: {  	vm6 =	vgt.s32 v4, $0x3DFFF;
	vm3 =	vgt.s32 v4, $0x7BFFF;
	v1 =	vsel vm2, $0x1, v0  }
0x2e: {  	v3 =	vsel vm1, $0x1, v0;
	v6 =	vsel vm0, $0x1, v0;
	v7 =	vsel vm5, $0x1, v0  }
0x2f: {  	v8 =	vsel vm6, $0x1, v0;
	v9 =	vsel vm3, $0x1, v0;
	v10 =	vsel vm6, $0xFFFC2000, v0  }
0x30: {  	v11 =	vsel vm2, $0xFFFC2000, v0;
	vm2 =	vgt.s32 v4, $0xB6FFF;
	v1 =	vadd.s32 v3, v1  }
0x31: {  	v3 =	vsel vm4, $0x1, v0;
	v4 =	vadd.s32 v4, v10;
	v5 =	vadd.s32 v5, v11  }
0x32: {  	v1 =	vadd.s32 v6, v1;
	v3 =	vadd.s32 v7, v3;
	v7 =	vsel vm5, $0xFFFC2000, v0  }
0x33: {  	v6 =	vshll.u32 v1, $0x5;
	v1 =	vsel vm4, $0xFFFC2000, v0;
	vm4 =	vgt.s32 v2, $0xB6FFF  }
0x34: {  	s1 =	simm.s32 $0x10;
	s14 =	simm.s32 $0x80;
	v1 =	vadd.s32 v2, v1;
	v2 =	vadd.s32 v9, v8;
	[tilespmem:s0+$0x1200] =	vst v6;
	v6 =	vsel vm4, $0x1, v0  }
.LBB2_2:
0x35: {  	p0 =	sne.s32 s14, $0x7C0;
	v8 =	vld [tilespmem:s1+$0x600];
	v9 =	vsel vm2, $0x1, v0;
	v10 =	vsel vm3, $0xFFFC2000, v0;
	v11 =	vsel vm1, $0xFFFC2000, v0  }
0x36: {  	v1 =	vadd.s32 v7, v1;
	v3 =	vadd.s32 v6, v3;
	v12 =	vld [tilespmem:s1+$0x0];
	v4 =	vadd.s32 v10, v4  }
0x37: {  	v7 =	vsel vm4, $0xFFFC5000, v0;
	v2 =	vadd.s32 v9, v2;
	v5 =	vadd.s32 v11, v5;
	v6 =	vld [tilespmem:s1+$0x400]  }
0x38: {  	v1 =	vadd.s32 v7, v1;
	v7 =	vsel vm2, $0xFFFC5000, v0;
	v9 =	vsel vm0, $0xFFFC5000, v0  }
0x39: {  	v3 =	vshll.u32 v3, $0x5;
	v2 =	vshll.u32 v2, $0x5;
	[tilespmem:s0+$0x800] =	vst v1;
	v1 =	vadd.s32 v7, v4  }
0x3a: {  	vm2 =	vgt.s32 v8, $0x3DFFF;
	vm1 =	vgt.s32 v8, $0x7BFFF;
	[tilespmem:s0+$0xE00] =	vst v3;
	v3 =	vadd.s32 v9, v5  }
0x3b: {  	vm0 =	vgt.s32 v8, $0xB6FFF;
	v4 =	vsel vm2, $0x1, v0;
	v5 =	vsel vm1, $0x1, v0;
	[tilespmem:s0+$0xA00] =	vst v1  }
0x3c: {  	vm4 =	vgt.s32 v12, $0x3DFFF;
	v1 =	vsel vm0, $0x1, v0;
	v4 =	vadd.s32 v5, v4;
	[tilespmem:s0+$0x1000] =	vst v2  }
0x3d: {  	vm5 =	vgt.s32 v12, $0x7BFFF;
	vm6 =	vgt.s32 v6, $0x3DFFF;
	v1 =	vadd.s32 v1, v4;
	[tilespmem:s0+$0xC00] =	vst v3;
	s0 =	smov.u32 s1  }
0x3e: {  	v2 =	vsel vm4, $0x1, v0;
	vm3 =	vgt.s32 v6, $0x7BFFF;
	v1 =	vshll.u32 v1, $0x5  }
.Ltmp0:
0x3f: {  	v3 =	vsel vm5, $0x1, v0;
	v4 =	vsel vm4, $0xFFFC2000, v0;
	v5 =	vsel vm6, $0x1, v0;
	[tilespmem:s0+$0x1200] =	vst v1;
	(pc) =	sbr.rel @p0 .LBB2_2-.Ltmp0, $4  }
0x40: {  	v10 =	vsel vm2, $0xFFFC2000, v0;
	v7 =	vsel vm3, $0x1, v0;
	v9 =	vsel vm6, $0xFFFC2000, v0  }
0x41: {  	vm2 =	vgt.s32 v6, $0xB6FFF;
	vm4 =	vgt.s32 v12, $0xB6FFF;
	v1 =	vadd.s32 v12, v4  }
0x42: {  	v3 =	vadd.s32 v3, v2;
	v2 =	vadd.s32 v7, v5;
	v4 =	vadd.s32 v6, v9  }
0x43: {  	s1 =	sshra.s32 s14, $0x2;
	s14 =	sadd.s32 $0x40, s14;
	v7 =	vsel vm5, $0xFFFC2000, v0;
	v5 =	vadd.s32 v8, v10;
	v6 =	vsel vm4, $0x1, v0  }
0x44: {  	v8 =	vld [tilespmem:s1+$0x600];
	v9 =	vsel vm2, $0x1, v0;
	v10 =	vsel vm3, $0xFFFC2000, v0;
	v11 =	vsel vm1, $0xFFFC2000, v0  }
0x45: {  	v12 =	vld [tilespmem:s1+$0x0];
	v1 =	vadd.s32 v7, v1;
	v3 =	vadd.s32 v6, v3;
	v7 =	vsel vm4, $0xFFFC5000, v0  }
0x46: {  	v6 =	vld [tilespmem:s1+$0x400];
	v56 =	vsel vm0, $0xFFFC5000, v0;
	v4 =	vadd.s32 v10, v4;
	v2 =	vadd.s32 v9, v2  }
0x47: {  	v5 =	vadd.s32 v11, v5;
	v1 =	vadd.s32 v7, v1;
	v7 =	vsel vm2, $0xFFFC5000, v0  }
0x48: {  	v3 =	vshll.u32 v3, $0x5;
	v4 =	vadd.s32 v7, v4;
	v5 =	vadd.s32 v56, v5  }
0x49: {  	[tilespmem:s0+$0x800] =	vst v1;
	v1 =	vshll.u32 v2, $0x5;
	vm9 =	vgt.s32 v8, $0x3DFFF;
	vm10 =	vgt.s32 v8, $0x7BFFF  }
0x4a: {  	vm11 =	vgt.s32 v8, $0xB6FFF;
	vm12 =	vgt.s32 v12, $0x3DFFF;
	vm13 =	vgt.s32 v12, $0x7BFFF  }
0x4b: {  	vm5 =	vgt.s32 v6, $0x3DFFF;
	vm6 =	vgt.s32 v6, $0x7BFFF;
	vm14 =	vgt.s32 v12, $0xB6FFF  }
0x4c: {  	vm15 =	vgt.s32 v6, $0xB6FFF;
	v7 =	vsel vm9, $0x1, v0;
	v57 =	vsel vm10, $0x1, v0  }
0x4d: {  	[tilespmem:s0+$0xE00] =	vst v3;
	v58 =	vsel vm11, $0x1, v0;
	v59 =	vsel vm12, $0x1, v0;
	v60 =	vsel vm13, $0x1, v0  }
0x4e: {  	[tilespmem:s0+$0xA00] =	vst v4;
	v61 =	vsel vm5, $0x1, v0;
	v13 =	vsel vm6, $0x1, v0;
	v3 =	vsel vm5, $0xFFFC2000, v0  }
0x4f: {  	[tilespmem:s0+$0x1000] =	vst v1;
	v63 =	vsel vm9, $0xFFFC2000, v0;
	v1 =	vsel vm14, $0x1, v0;
	v4 =	vsel vm13, $0xFFFC2000, v0  }
0x50: {  	[tilespmem:s0+$0xC00] =	vst v5;
	v5 =	vsel vm15, $0x1, v0;
	v7 =	vadd.s32 v57, v7;
	v9 =	vadd.s32 v60, v59  }
0x51: {  	v62 =	vadd.s32 v13, v61;
	v3 =	vadd.s32 v6, v3;
	v7 =	vadd.s32 v58, v7  }
0x52: {  	v1 =	vadd.s32 v1, v9;
	v2 =	vshll.u32 v7, $0x5;
	v7 =	vsel vm12, $0xFFFC2000, v0  }
0x53: {  	v6 =	vadd.s32 v8, v63;
	v1 =	vshll.u32 v1, $0x5;
	v7 =	vadd.s32 v12, v7  }
0x54: {  	[tilespmem:s1+$0x1200] =	vst v2;
	v2 =	vsel vm6, $0xFFFC2000, v0;
	v4 =	vadd.s32 v4, v7;
	v7 =	vsel vm14, $0xFFFC5000, v0  }
0x55: {  	[tilespmem:s1+$0xE00] =	vst v1;
	v2 =	vadd.s32 v2, v3;
	v3 =	vsel vm15, $0xFFFC5000, v0;
	v4 =	vadd.s32 v7, v4  }
0x56: {  	v5 =	vadd.s32 v5, v62;
	v2 =	vadd.s32 v3, v2;
	[tilespmem:s1+$0x800] =	vst v4;
	v4 =	vsel vm10, $0xFFFC2000, v0  }
0x57: {  	v3 =	vsel vm11, $0xFFFC5000, v0;
	[tilespmem:s1+$0xA00] =	vst v2;
	v1 =	vadd.s32 v4, v6;
	v4 =	vshll.u32 v5, $0x5  }
0x58: {  	v1 =	vadd.s32 v3, v1;
	[tilespmem:s1+$0x1000] =	vst v4  }
0x59: {  	s0 =	simm.s32 $0x0;
	v4 =	vimm.f32 $0.0e+00;
	[tilespmem:s1+$0xC00] =	vst v1  }
.LBB2_4:
0x5a: {  	s1 =	sshll.u32 s0, $0x6  }
0x5b: {  	s14 =	sadd.s32 $0x800, s1  }
0x5c: {  	[tilespmem:s19], [sflag:$0x1] =	stream.indirect.gather [hbm4b:s3+s18], $0x80, s14, s18, $0xb8;
	[tilespmem:$0x10410] =	vst v63  }
0x5d: {  	_ = 	snop  }
0x5e: {  	[tilespmem:s20], [sflag:$0x1] =	stream.indirect.gather [hbm4b:s4+s18], $0x80, s14, s18, $0xb8;
	[tilespmem:$0x10410] =	vst v63  }
0x5f: {  	s16 =	sadd.s32 $0x200, s1  }
0x60: {  	[tilespmem:s21], [sflag:$0x1] =	stream.indirect.gather [hbm4b:s5+s18], $0x20, s16, s18, $0xb8;
	[tilespmem:$0x10410] =	vst v63  }
0x61: {  	_ = 	snop  }
0x62: {  	[tilespmem:s22], [sflag:$0x1] =	stream.indirect.gather [hbm4b:s6+s18], $0x20, s16, s18, $0xb8;
	[tilespmem:$0x10410] =	vst v63  }
0x63: {  	s28 =	sadd.s32 $0xA00, s1  }
0x64: {  	[tilespmem:s23], [sflag:$0x1] =	stream.indirect.gather [hbm4b:s3+s18], $0x80, s28, s18, $0xb8;
	[tilespmem:$0x10410] =	vst v63  }
0x65: {  	_ = 	snop  }
0x66: {  	[tilespmem:s24], [sflag:$0x1] =	stream.indirect.gather [hbm4b:s4+s18], $0x80, s28, s18, $0xb8;
	[tilespmem:$0x10410] =	vst v63  }
0x67: {  	s30 =	sadd.s32 $0xC00, s1  }
0x68: {  	[tilespmem:s25], [sflag:$0x1] =	stream.indirect.gather [hbm4b:s3+s18], $0x80, s30, s18, $0xb8;
	[tilespmem:$0x10410] =	vst v63  }
0x69: {  	_ = 	snop  }
0x6a: {  	[tilespmem:s26], [sflag:$0x1] =	stream.indirect.gather [hbm4b:s4+s18], $0x80, s30, s18, $0xb8;
	[tilespmem:$0x10410] =	vst v63  }
0x6b: {  	_ =	swait.ge [sflag:s17], $0x2000  }
0x6c: {  	[sflag:s17] =	ssyncset.done $0x0  }
0x6d: {  	[sflag:s17] =	ssyncadd.s32 $0xFFFFE000  }
0x6e: {  	_ =	swait.ge [sflag:s17], $0x2000  }
0x6f: {  	[sflag:s17] =	ssyncset.done $0x0  }
0x70: {  	[sflag:s17] =	ssyncadd.s32 $0xFFFFE000  }
0x71: {  	_ =	swait.ge [sflag:s17], $0x800  }
0x72: {  	[sflag:s17] =	ssyncset.done $0x0  }
0x73: {  	[sflag:s17] =	ssyncadd.s32 $0xFFFFF800  }
0x74: {  	_ =	swait.ge [sflag:s17], $0x800  }
0x75: {  	[sflag:s17] =	ssyncset.done $0x0  }
0x76: {  	[sflag:s17] =	ssyncadd.s32 $0xFFFFF800  }
0x77: {  	_ =	swait.ge [sflag:s17], $0x2000  }
0x78: {  	[sflag:s17] =	ssyncset.done $0x0  }
0x79: {  	[sflag:s17] =	ssyncadd.s32 $0xFFFFE000  }
0x7a: {  	_ =	swait.ge [sflag:s17], $0x2000  }
0x7b: {  	[sflag:s17] =	ssyncset.done $0x0  }
0x7c: {  	[sflag:s17] =	ssyncadd.s32 $0xFFFFE000  }
0x7d: {  	_ =	swait.ge [sflag:s17], $0x2000  }
0x7e: {  	[sflag:s17] =	ssyncset.done $0x0  }
0x7f: {  	[sflag:s17] =	ssyncadd.s32 $0xFFFFE000  }
0x80: {  	_ =	swait.ge [sflag:s17], $0x2000  }
0x81: {  	[sflag:s17] =	ssyncset.done $0x0  }
0x82: {  	s14 =	simm.s32 $0x0;
	[sflag:s17] =	ssyncadd.s32 $0xFFFFE000  }
.LBB2_5:
0x83: {  	s15 =	sshll.u32 s14, $0x4  }
0x84: {  	s28 =	sor.u32 s1, s15  }
0x85: {  	v3 =	vld [tilespmem:s28+$0xE00];
	_ =	sdelay $0x4  }
0x86: {  	(v2sf) =	vpush v3, $0x0;
	_ =	sdelay $0x6  }
0x87: {  	v2 =	vld [tilespmem:s28+$0x1000];
	_ =	sdelay $0x1  }
0x88: {  	v1 =	vld [tilespmem:s28+$0x1200];
	_ =	sdelay $0x2  }
0x89: {  	(v2sf) =	vpush v2, $0x0;
	_ =	sdelay $0x1  }
0x8a: {  	(v2sf) =	vpush v1, $0x0  }
0x8b: {  	s16 =	spop (v2sf)  }
0x8c: {  	s7 =	sshll.u32 s14, $0xB;
	s30 =	sand.u32 $0xFFFFFFF8, s16  }
0x8d: {  	s16 =	sand.u32 $0x7, s16;
	s8 =	sadd.s32 s7, s30  }
0x8e: {  	s9 =	sor.u32 $0x10, s7;
	s8 =	sor.u32 s16, s8  }
0x8f: {  	s30 =	sadd.s32 s30, s9;
	v5 =	vld [tilespmem:s8+$0x1400]  }
0x90: {  	s16 =	sor.u32 s16, s30  }
0x91: {  	v6 =	vld [tilespmem:s16+$0x1400];
	_ =	sdelay $0x1  }
0x92: {  	v7 =	vld [tilespmem:s8+$0x3400]  }
0x93: {  	v8 =	vmul.f32 v5, v5  }
0x94: {  	v9 =	vld [tilespmem:s16+$0x3400]  }
0x95: {  	s8 =	sshll.u32 s14, $0x9;
	v31 =	vmul.f32 v6, v6;
	v4 =	vadd.f32 v8, v4  }
0x96: {  	s11 =	spop (v2sf);
	v10 =	vld [tilespmem:s8+$0xD400]  }
0x97: {  	s30 =	sand.u32 $0xFFFFFFF8, s11;
	v11 =	vld [tilespmem:s8+$0xDC00];
	v32 =	vmul.f32 v7, v7;
	v4 =	vadd.f32 v31, v4  }
0x98: {  	s10 =	spop (v2sf);
	s16 =	sand.u32 $0x7, s11;
	s11 =	sadd.s32 s7, s30;
	v12 =	vld [tilespmem:s8+$0xD410]  }
0x99: {  	v13 =	vld [tilespmem:s8+$0xDC10];
	s8 =	sor.u32 s16, s11;
	s11 =	sand.u32 $0xFFFFFFF8, s10;
	v33 =	vmul.f32 v9, v9;
	v4 =	vadd.f32 v32, v4  }
0x9a: {  	s10 =	sand.u32 $0x7, s10;
	v14 =	vld [tilespmem:s8+$0x5400];
	s7 =	sadd.s32 s7, s11  }
0x9b: {  	(v2sf) =	vpush v3, $0x1;
	v15 =	vld [tilespmem:s8+$0x7400];
	s7 =	sor.u32 s10, s7;
	v34 =	vmul.f32 v10, v10;
	v4 =	vadd.f32 v33, v4  }
0x9c: {  	v16 =	vld [tilespmem:s7+$0x9400]  }
0x9d: {  	s30 =	sadd.s32 s30, s9;
	v19 =	vld [tilespmem:s7+$0xB400];
	v17 =	vmul.f32 v10, v5;
	v35 =	vmul.f32 v12, v12;
	v4 =	vadd.f32 v34, v4  }
0x9e: {  	(v2sf) =	vpush v2, $0x1;
	s8 =	sor.u32 s16, s30;
	s9 =	sadd.s32 s11, s9;
	v18 =	vmul.f32 v11, v7;
	v7 =	vmul.f32 v10, v7  }
0x9f: {  	v36 =	vld [tilespmem:s8+$0x5400];
	s10 =	sor.u32 s10, s9;
	v5 =	vmul.f32 v11, v5;
	v37 =	vmul.f32 v11, v11;
	v4 =	vadd.f32 v35, v4  }
0xa0: {  	v21 =	vld [tilespmem:s10+$0x9400];
	v20 =	vmul.f32 v12, v6;
	v22 =	vmul.f32 v13, v9;
	v17 =	vsub.f32 v17, v18  }
0xa1: {  	v38 =	vld [tilespmem:s8+$0x7400];
	v40 =	vmul.f32 v13, v13;
	v5 =	vadd.f32 v5, v7;
	v4 =	vadd.f32 v37, v4  }
0xa2: {  	v9 =	vmul.f32 v12, v9;
	v7 =	vld [tilespmem:s10+$0xB400];
	v41 =	vsub.f32 v16, v14;
	v42 =	vsub.f32 v19, v15  }
0xa3: {  	v6 =	vmul.f32 v13, v6;
	v43 =	vmul.f32 v14, v14;
	v4 =	vadd.f32 v40, v4  }
0xa4: {  	v39 =	vsub.f32 v20, v22;
	v12 =	vmul.f32 v41, v17;
	v5 =	vmul.f32 v42, v5  }
0xa5: {  	v45 =	vmul.f32 v36, v36;
	v44 =	vsub.f32 v21, v36;
	v4 =	vadd.f32 v43, v4  }
0xa6: {  	v48 =	vmul.f32 v15, v15;
	v6 =	vadd.f32 v6, v9;
	v5 =	vadd.f32 v5, v12  }
0xa7: {  	v46 =	vmul.f32 v44, v39;
	v47 =	vsub.f32 v7, v38;
	v4 =	vadd.f32 v45, v4  }
0xa8: {  	(v2sf) =	vpush v1, $0x1;
	v49 =	vmul.f32 v38, v38  }
0xa9: {  	v5 =	vadd.f32 v5, v46;
	v6 =	vmul.f32 v47, v6;
	v4 =	vadd.f32 v48, v4  }
0xaa: {  	s16 =	sor.u32 $0x1, s15;
	s11 =	spop (v2sf)  }
0xab: {  	s28 =	sshll.u32 s28, $0x4;
	s10 =	sshll.u32 s16, $0x7;
	s9 =	sand.u32 $0xFFFFFFF8, s11;
	v5 =	vadd.f32 v5, v6;
	v6 =	vmul.f32 v16, v16;
	v4 =	vadd.f32 v49, v4  }
0xac: {  	s8 =	sand.u32 $0x3FFFFFF0, s28;
	s7 =	sand.u32 $0x7, s11;
	s30 =	sadd.s32 s10, s9  }
0xad: {  	s11 =	sor.u32 $0x10, s10;
	s28 =	sor.u32 s7, s30;
	[tilespmem:s8+$0xE400] =	vst v5;
	v5 =	vmul.f32 v21, v21;
	v4 =	vadd.f32 v6, v4  }
0xae: {  	s9 =	sadd.s32 s9, s11;
	v6 =	vld [tilespmem:s28+$0x1400]  }
0xaf: {  	s7 =	sor.u32 s7, s9;
	v4 =	vadd.f32 v5, v4;
	v5 =	vmul.f32 v19, v19  }
0xb0: {  	v50 =	vld [tilespmem:s7+$0x1400]  }
0xb1: {  	v4 =	vadd.f32 v5, v4;
	v5 =	vmul.f32 v7, v7  }
0xb2: {  	v7 =	vld [tilespmem:s28+$0x3400]  }
0xb3: {  	v4 =	vadd.f32 v5, v4;
	v5 =	vmul.f32 v6, v6  }
0xb4: {  	v51 =	vld [tilespmem:s7+$0x3400]  }
0xb5: {  	s7 =	sshll.u32 s16, $0x5;
	v4 =	vadd.f32 v5, v4;
	v5 =	vmul.f32 v50, v50  }
0xb6: {  	s30 =	spop (v2sf);
	v52 =	vld [tilespmem:s7+$0xD400]  }
0xb7: {  	s9 =	sand.u32 $0xFFFFFFF8, s30;
	v54 =	vld [tilespmem:s7+$0xD410];
	v4 =	vadd.f32 v5, v4;
	v5 =	vmul.f32 v7, v7  }
0xb8: {  	s8 =	sand.u32 $0x7, s30;
	s30 =	sadd.s32 s10, s9;
	v53 =	vld [tilespmem:s7+$0xDC00];
	s28 =	spop (v2sf)  }
0xb9: {  	v55 =	vld [tilespmem:s7+$0xDC10];
	s7 =	sor.u32 s8, s30;
	s30 =	sand.u32 $0xFFFFFFF8, s28;
	v4 =	vadd.f32 v5, v4;
	v5 =	vmul.f32 v51, v51  }
0xba: {  	v56 =	vld [tilespmem:s7+$0x5400];
	s28 =	sand.u32 $0x7, s28;
	s10 =	sadd.s32 s10, s30  }
0xbb: {  	(v2sf) =	vpush v3, $0x2;
	v57 =	vld [tilespmem:s7+$0x7400];
	s10 =	sor.u32 s28, s10;
	v4 =	vadd.f32 v5, v4;
	v5 =	vmul.f32 v52, v52  }
0xbc: {  	s9 =	sadd.s32 s9, s11;
	v63 =	vmul.f32 v54, v50;
	v58 =	vld [tilespmem:s10+$0x9400]  }
0xbd: {  	s8 =	sor.u32 s8, s9;
	v59 =	vmul.f32 v52, v6;
	s30 =	sadd.s32 s30, s11;
	v61 =	vld [tilespmem:s10+$0xB400];
	v4 =	vadd.f32 v5, v4;
	v5 =	vmul.f32 v54, v54  }
0xbe: {  	v62 =	vld [tilespmem:s8+$0x5400];
	v6 =	vmul.f32 v53, v6;
	s10 =	sor.u32 s28, s30;
	v60 =	vmul.f32 v53, v7  }
0xbf: {  	v24 =	vld [tilespmem:s10+$0x9400];
	v7 =	vmul.f32 v52, v7;
	v4 =	vadd.f32 v5, v4;
	v5 =	vmul.f32 v53, v53  }
0xc0: {  	v25 =	vmul.f32 v55, v51;
	v9 =	vmul.f32 v54, v51;
	v17 =	vsub.f32 v59, v60  }
0xc1: {  	v26 =	vld [tilespmem:s8+$0x7400];
	v6 =	vadd.f32 v6, v7;
	v4 =	vadd.f32 v5, v4;
	v5 =	vmul.f32 v55, v55  }
0xc2: {  	v8 =	vmul.f32 v55, v50;
	v7 =	vld [tilespmem:s10+$0xB400];
	v28 =	vsub.f32 v58, v56;
	v29 =	vsub.f32 v61, v57  }
0xc3: {  	v27 =	vsub.f32 v63, v25;
	v4 =	vadd.f32 v5, v4;
	v5 =	vmul.f32 v56, v56  }
0xc4: {  	v30 =	vsub.f32 v24, v62;
	v12 =	vmul.f32 v28, v17;
	v6 =	vmul.f32 v29, v6  }
0xc5: {  	(v2sf) =	vpush v2, $0x2;
	v4 =	vadd.f32 v5, v4;
	v5 =	vmul.f32 v62, v62  }
0xc6: {  	v8 =	vadd.f32 v8, v9;
	v31 =	vmul.f32 v30, v27;
	v6 =	vadd.f32 v6, v12  }
0xc7: {  	v32 =	vsub.f32 v7, v26;
	v4 =	vadd.f32 v5, v4;
	v5 =	vmul.f32 v57, v57  }
0xc8: {  	(v2sf) =	vpush v1, $0x2;
	v6 =	vadd.f32 v6, v31  }
0xc9: {  	v8 =	vmul.f32 v32, v8;
	v4 =	vadd.f32 v5, v4;
	v5 =	vmul.f32 v26, v26  }
0xca: {  	s11 =	sadd.s32 s1, s16;
	s16 =	sor.u32 $0x2, s15;
	s28 =	spop (v2sf)  }
0xcb: {  	s7 =	sshll.u32 s11, $0x4;
	s9 =	sand.u32 $0xFFFFFFF8, s28;
	s10 =	sshll.u32 s16, $0x7;
	v6 =	vadd.f32 v6, v8;
	v4 =	vadd.f32 v5, v4;
	v5 =	vmul.f32 v58, v58  }
0xcc: {  	s7 =	sand.u32 $0x3FFFFFF0, s7;
	s8 =	sand.u32 $0x7, s28;
	s30 =	sadd.s32 s10, s9  }
0xcd: {  	s11 =	sor.u32 $0x10, s10;
	s28 =	sor.u32 s8, s30;
	[tilespmem:s7+$0xE400] =	vst v6;
	v4 =	vadd.f32 v5, v4;
	v5 =	vmul.f32 v24, v24  }
0xce: {  	s9 =	sadd.s32 s9, s11;
	v6 =	vld [tilespmem:s28+$0x1400]  }
0xcf: {  	s8 =	sor.u32 s8, s9;
	v4 =	vadd.f32 v5, v4;
	v5 =	vmul.f32 v61, v61  }
0xd0: {  	v33 =	vld [tilespmem:s8+$0x1400]  }
0xd1: {  	v4 =	vadd.f32 v5, v4;
	v5 =	vmul.f32 v7, v7  }
0xd2: {  	v7 =	vld [tilespmem:s28+$0x3400]  }
0xd3: {  	v4 =	vadd.f32 v5, v4;
	v5 =	vmul.f32 v6, v6  }
0xd4: {  	v34 =	vld [tilespmem:s8+$0x3400]  }
0xd5: {  	s7 =	sshll.u32 s16, $0x5;
	v4 =	vadd.f32 v5, v4;
	v5 =	vmul.f32 v33, v33  }
0xd6: {  	s30 =	spop (v2sf);
	v35 =	vld [tilespmem:s7+$0xD400]  }
0xd7: {  	s9 =	sand.u32 $0xFFFFFFF8, s30;
	v36 =	vld [tilespmem:s7+$0xDC00];
	v4 =	vadd.f32 v5, v4;
	v5 =	vmul.f32 v7, v7  }
0xd8: {  	v37 =	vld [tilespmem:s7+$0xD410];
	s8 =	sand.u32 $0x7, s30;
	s30 =	sadd.s32 s10, s9;
	s28 =	spop (v2sf)  }
0xd9: {  	v38 =	vld [tilespmem:s7+$0xDC10];
	s7 =	sor.u32 s8, s30;
	s30 =	sand.u32 $0xFFFFFFF8, s28;
	v4 =	vadd.f32 v5, v4;
	v5 =	vmul.f32 v34, v34  }
0xda: {  	v39 =	vld [tilespmem:s7+$0x5400];
	s28 =	sand.u32 $0x7, s28;
	s10 =	sadd.s32 s10, s30  }
0xdb: {  	(v2sf) =	vpush v3, $0x3;
	v40 =	vld [tilespmem:s7+$0x7400];
	s10 =	sor.u32 s28, s10;
	v4 =	vadd.f32 v5, v4;
	v5 =	vmul.f32 v35, v35  }
0xdc: {  	s9 =	sadd.s32 s9, s11;
	v42 =	vmul.f32 v35, v6;
	v41 =	vld [tilespmem:s10+$0x9400]  }
0xdd: {  	s8 =	sor.u32 s8, s9;
	v46 =	vmul.f32 v37, v33;
	s30 =	sadd.s32 s30, s11;
	v44 =	vld [tilespmem:s10+$0xB400];
	v4 =	vadd.f32 v5, v4;
	v5 =	vmul.f32 v37, v37  }
0xde: {  	v45 =	vld [tilespmem:s8+$0x5400];
	v6 =	vmul.f32 v36, v6;
	s10 =	sor.u32 s28, s30;
	v43 =	vmul.f32 v36, v7  }
0xdf: {  	v47 =	vld [tilespmem:s10+$0x9400];
	v7 =	vmul.f32 v35, v7;
	v4 =	vadd.f32 v5, v4;
	v5 =	vmul.f32 v36, v36  }
0xe0: {  	v48 =	vmul.f32 v38, v34;
	v9 =	vmul.f32 v37, v34;
	v17 =	vsub.f32 v42, v43  }
0xe1: {  	v49 =	vld [tilespmem:s8+$0x7400];
	v6 =	vadd.f32 v6, v7;
	v4 =	vadd.f32 v5, v4;
	v5 =	vmul.f32 v38, v38  }
0xe2: {  	v8 =	vmul.f32 v38, v33;
	v7 =	vld [tilespmem:s10+$0xB400];
	v51 =	vsub.f32 v41, v39;
	v52 =	vsub.f32 v44, v40  }
0xe3: {  	v50 =	vsub.f32 v46, v48;
	v4 =	vadd.f32 v5, v4;
	v5 =	vmul.f32 v39, v39  }
0xe4: {  	v53 =	vsub.f32 v47, v45;
	v12 =	vmul.f32 v51, v17;
	v6 =	vmul.f32 v52, v6  }
0xe5: {  	(v2sf) =	vpush v2, $0x3;
	v4 =	vadd.f32 v5, v4;
	v5 =	vmul.f32 v45, v45  }
0xe6: {  	v8 =	vadd.f32 v8, v9;
	v54 =	vmul.f32 v53, v50;
	v6 =	vadd.f32 v6, v12  }
0xe7: {  	v55 =	vsub.f32 v7, v49;
	v4 =	vadd.f32 v5, v4;
	v5 =	vmul.f32 v40, v40  }
0xe8: {  	(v2sf) =	vpush v1, $0x3;
	v6 =	vadd.f32 v6, v54  }
0xe9: {  	v8 =	vmul.f32 v55, v8;
	v4 =	vadd.f32 v5, v4;
	v5 =	vmul.f32 v49, v49  }
0xea: {  	s11 =	sadd.s32 s1, s16;
	s16 =	sor.u32 $0x3, s15;
	s28 =	spop (v2sf)  }
0xeb: {  	s7 =	sshll.u32 s11, $0x4;
	s9 =	sand.u32 $0xFFFFFFF8, s28;
	s10 =	sshll.u32 s16, $0x7;
	v6 =	vadd.f32 v6, v8;
	v4 =	vadd.f32 v5, v4;
	v5 =	vmul.f32 v41, v41  }
0xec: {  	s7 =	sand.u32 $0x3FFFFFF0, s7;
	s8 =	sand.u32 $0x7, s28;
	s30 =	sadd.s32 s10, s9  }
0xed: {  	s11 =	sor.u32 $0x10, s10;
	s28 =	sor.u32 s8, s30;
	[tilespmem:s7+$0xE400] =	vst v6;
	v4 =	vadd.f32 v5, v4;
	v5 =	vmul.f32 v47, v47  }
0xee: {  	s9 =	sadd.s32 s9, s11;
	v6 =	vld [tilespmem:s28+$0x1400]  }
0xef: {  	s8 =	sor.u32 s8, s9;
	v4 =	vadd.f32 v5, v4;
	v5 =	vmul.f32 v44, v44  }
0xf0: {  	v56 =	vld [tilespmem:s8+$0x1400]  }
0xf1: {  	v4 =	vadd.f32 v5, v4;
	v5 =	vmul.f32 v7, v7  }
0xf2: {  	v7 =	vld [tilespmem:s28+$0x3400]  }
0xf3: {  	v4 =	vadd.f32 v5, v4;
	v5 =	vmul.f32 v6, v6  }
0xf4: {  	v57 =	vld [tilespmem:s8+$0x3400]  }
0xf5: {  	s7 =	sshll.u32 s16, $0x5;
	v4 =	vadd.f32 v5, v4;
	v5 =	vmul.f32 v56, v56  }
0xf6: {  	s30 =	spop (v2sf);
	v58 =	vld [tilespmem:s7+$0xD400]  }
0xf7: {  	s9 =	sand.u32 $0xFFFFFFF8, s30;
	v59 =	vld [tilespmem:s7+$0xDC00];
	v4 =	vadd.f32 v5, v4;
	v5 =	vmul.f32 v7, v7  }
0xf8: {  	v60 =	vld [tilespmem:s7+$0xD410];
	s8 =	sand.u32 $0x7, s30;
	s30 =	sadd.s32 s10, s9;
	s28 =	spop (v2sf)  }
0xf9: {  	v61 =	vld [tilespmem:s7+$0xDC10];
	s7 =	sor.u32 s8, s30;
	s30 =	sand.u32 $0xFFFFFFF8, s28;
	v4 =	vadd.f32 v5, v4;
	v5 =	vmul.f32 v57, v57  }
0xfa: {  	v62 =	vld [tilespmem:s7+$0x5400];
	s28 =	sand.u32 $0x7, s28;
	s10 =	sadd.s32 s10, s30  }
0xfb: {  	(v2sf) =	vpush v3, $0x4;
	v63 =	vld [tilespmem:s7+$0x7400];
	s10 =	sor.u32 s28, s10;
	v4 =	vadd.f32 v5, v4;
	v5 =	vmul.f32 v58, v58  }
0xfc: {  	s9 =	sadd.s32 s9, s11;
	v25 =	vmul.f32 v58, v6;
	v24 =	vld [tilespmem:s10+$0x9400]  }
0xfd: {  	s8 =	sor.u32 s8, s9;
	v29 =	vmul.f32 v60, v56;
	s30 =	sadd.s32 s30, s11;
	v27 =	vld [tilespmem:s10+$0xB400];
	v4 =	vadd.f32 v5, v4;
	v5 =	vmul.f32 v60, v60  }
0xfe: {  	v28 =	vld [tilespmem:s8+$0x5400];
	v6 =	vmul.f32 v59, v6;
	s10 =	sor.u32 s28, s30;
	v26 =	vmul.f32 v59, v7  }
0xff: {  	v30 =	vld [tilespmem:s10+$0x9400];
	v7 =	vmul.f32 v58, v7;
	v4 =	vadd.f32 v5, v4;
	v5 =	vmul.f32 v59, v59  }
0x100: {  	v31 =	vmul.f32 v61, v57;
	v9 =	vmul.f32 v60, v57;
	v17 =	vsub.f32 v25, v26  }
0x101: {  	v32 =	vld [tilespmem:s8+$0x7400];
	v6 =	vadd.f32 v6, v7;
	v4 =	vadd.f32 v5, v4;
	v5 =	vmul.f32 v61, v61  }
0x102: {  	v8 =	vmul.f32 v61, v56;
	v7 =	vld [tilespmem:s10+$0xB400];
	v34 =	vsub.f32 v24, v62;
	v35 =	vsub.f32 v27, v63  }
0x103: {  	v33 =	vsub.f32 v29, v31;
	v4 =	vadd.f32 v5, v4;
	v5 =	vmul.f32 v62, v62  }
0x104: {  	v36 =	vsub.f32 v30, v28;
	v12 =	vmul.f32 v34, v17;
	v6 =	vmul.f32 v35, v6  }
0x105: {  	(v2sf) =	vpush v2, $0x4;
	v4 =	vadd.f32 v5, v4;
	v5 =	vmul.f32 v28, v28  }
0x106: {  	v8 =	vadd.f32 v8, v9;
	v37 =	vmul.f32 v36, v33;
	v6 =	vadd.f32 v6, v12  }
0x107: {  	v38 =	vsub.f32 v7, v32;
	v4 =	vadd.f32 v5, v4;
	v5 =	vmul.f32 v63, v63  }
0x108: {  	(v2sf) =	vpush v1, $0x4;
	v6 =	vadd.f32 v6, v37  }
0x109: {  	v8 =	vmul.f32 v38, v8;
	v4 =	vadd.f32 v5, v4;
	v5 =	vmul.f32 v32, v32  }
0x10a: {  	s11 =	sadd.s32 s1, s16;
	s16 =	sor.u32 $0x4, s15;
	s28 =	spop (v2sf)  }
0x10b: {  	s7 =	sshll.u32 s11, $0x4;
	s9 =	sand.u32 $0xFFFFFFF8, s28;
	s10 =	sshll.u32 s16, $0x7;
	v6 =	vadd.f32 v6, v8;
	v4 =	vadd.f32 v5, v4;
	v5 =	vmul.f32 v24, v24  }
0x10c: {  	s7 =	sand.u32 $0x3FFFFFF0, s7;
	s8 =	sand.u32 $0x7, s28;
	s30 =	sadd.s32 s10, s9  }
0x10d: {  	s11 =	sor.u32 $0x10, s10;
	s28 =	sor.u32 s8, s30;
	[tilespmem:s7+$0xE400] =	vst v6;
	v4 =	vadd.f32 v5, v4;
	v5 =	vmul.f32 v30, v30  }
0x10e: {  	s9 =	sadd.s32 s9, s11;
	v6 =	vld [tilespmem:s28+$0x1400]  }
0x10f: {  	s8 =	sor.u32 s8, s9;
	v4 =	vadd.f32 v5, v4;
	v5 =	vmul.f32 v27, v27  }
0x110: {  	v39 =	vld [tilespmem:s8+$0x1400]  }
0x111: {  	v4 =	vadd.f32 v5, v4;
	v5 =	vmul.f32 v7, v7  }
0x112: {  	v7 =	vld [tilespmem:s28+$0x3400]  }
0x113: {  	v4 =	vadd.f32 v5, v4;
	v5 =	vmul.f32 v6, v6  }
0x114: {  	v40 =	vld [tilespmem:s8+$0x3400]  }
0x115: {  	s7 =	sshll.u32 s16, $0x5;
	v4 =	vadd.f32 v5, v4;
	v5 =	vmul.f32 v39, v39  }
0x116: {  	s30 =	spop (v2sf);
	v41 =	vld [tilespmem:s7+$0xD400]  }
0x117: {  	s9 =	sand.u32 $0xFFFFFFF8, s30;
	v42 =	vld [tilespmem:s7+$0xDC00];
	v4 =	vadd.f32 v5, v4;
	v5 =	vmul.f32 v7, v7  }
0x118: {  	v43 =	vld [tilespmem:s7+$0xD410];
	s8 =	sand.u32 $0x7, s30;
	s30 =	sadd.s32 s10, s9;
	s28 =	spop (v2sf)  }
0x119: {  	v44 =	vld [tilespmem:s7+$0xDC10];
	s7 =	sor.u32 s8, s30;
	s30 =	sand.u32 $0xFFFFFFF8, s28;
	v4 =	vadd.f32 v5, v4;
	v5 =	vmul.f32 v40, v40  }
0x11a: {  	v45 =	vld [tilespmem:s7+$0x5400];
	s28 =	sand.u32 $0x7, s28;
	s10 =	sadd.s32 s10, s30  }
0x11b: {  	(v2sf) =	vpush v3, $0x5;
	v46 =	vld [tilespmem:s7+$0x7400];
	s10 =	sor.u32 s28, s10;
	v4 =	vadd.f32 v5, v4;
	v5 =	vmul.f32 v41, v41  }
0x11c: {  	s9 =	sadd.s32 s9, s11;
	v48 =	vmul.f32 v41, v6;
	v47 =	vld [tilespmem:s10+$0x9400]  }
0x11d: {  	s8 =	sor.u32 s8, s9;
	v52 =	vmul.f32 v43, v39;
	s30 =	sadd.s32 s30, s11;
	v50 =	vld [tilespmem:s10+$0xB400];
	v4 =	vadd.f32 v5, v4;
	v5 =	vmul.f32 v43, v43  }
0x11e: {  	v51 =	vld [tilespmem:s8+$0x5400];
	v6 =	vmul.f32 v42, v6;
	s10 =	sor.u32 s28, s30;
	v49 =	vmul.f32 v42, v7  }
0x11f: {  	v53 =	vld [tilespmem:s10+$0x9400];
	v7 =	vmul.f32 v41, v7;
	v4 =	vadd.f32 v5, v4;
	v5 =	vmul.f32 v42, v42  }
0x120: {  	v54 =	vmul.f32 v44, v40;
	v9 =	vmul.f32 v43, v40;
	v17 =	vsub.f32 v48, v49  }
0x121: {  	v55 =	vld [tilespmem:s8+$0x7400];
	v6 =	vadd.f32 v6, v7;
	v4 =	vadd.f32 v5, v4;
	v5 =	vmul.f32 v44, v44  }
0x122: {  	v8 =	vmul.f32 v44, v39;
	v7 =	vld [tilespmem:s10+$0xB400];
	v57 =	vsub.f32 v47, v45;
	v58 =	vsub.f32 v50, v46  }
0x123: {  	v56 =	vsub.f32 v52, v54;
	v4 =	vadd.f32 v5, v4;
	v5 =	vmul.f32 v45, v45  }
0x124: {  	v59 =	vsub.f32 v53, v51;
	v12 =	vmul.f32 v57, v17;
	v6 =	vmul.f32 v58, v6  }
0x125: {  	(v2sf) =	vpush v2, $0x5;
	v4 =	vadd.f32 v5, v4;
	v5 =	vmul.f32 v51, v51  }
0x126: {  	v8 =	vadd.f32 v8, v9;
	v60 =	vmul.f32 v59, v56;
	v6 =	vadd.f32 v6, v12  }
0x127: {  	v61 =	vsub.f32 v7, v55;
	v4 =	vadd.f32 v5, v4;
	v5 =	vmul.f32 v46, v46  }
0x128: {  	(v2sf) =	vpush v1, $0x5;
	v6 =	vadd.f32 v6, v60  }
0x129: {  	v8 =	vmul.f32 v61, v8;
	v4 =	vadd.f32 v5, v4;
	v5 =	vmul.f32 v55, v55  }
0x12a: {  	s11 =	sadd.s32 s1, s16;
	s16 =	sor.u32 $0x5, s15;
	s28 =	spop (v2sf)  }
0x12b: {  	s7 =	sshll.u32 s11, $0x4;
	s9 =	sand.u32 $0xFFFFFFF8, s28;
	s10 =	sshll.u32 s16, $0x7;
	v6 =	vadd.f32 v6, v8;
	v4 =	vadd.f32 v5, v4;
	v5 =	vmul.f32 v47, v47  }
0x12c: {  	s7 =	sand.u32 $0x3FFFFFF0, s7;
	s8 =	sand.u32 $0x7, s28;
	s30 =	sadd.s32 s10, s9  }
0x12d: {  	s11 =	sor.u32 $0x10, s10;
	s28 =	sor.u32 s8, s30;
	[tilespmem:s7+$0xE400] =	vst v6;
	v4 =	vadd.f32 v5, v4;
	v5 =	vmul.f32 v53, v53  }
0x12e: {  	s9 =	sadd.s32 s9, s11;
	v6 =	vld [tilespmem:s28+$0x1400]  }
0x12f: {  	s8 =	sor.u32 s8, s9;
	v4 =	vadd.f32 v5, v4;
	v5 =	vmul.f32 v50, v50  }
0x130: {  	v62 =	vld [tilespmem:s8+$0x1400]  }
0x131: {  	v4 =	vadd.f32 v5, v4;
	v5 =	vmul.f32 v7, v7  }
0x132: {  	v7 =	vld [tilespmem:s28+$0x3400]  }
0x133: {  	v4 =	vadd.f32 v5, v4;
	v5 =	vmul.f32 v6, v6  }
0x134: {  	v63 =	vld [tilespmem:s8+$0x3400]  }
0x135: {  	s7 =	sshll.u32 s16, $0x5;
	v4 =	vadd.f32 v5, v4;
	v5 =	vmul.f32 v62, v62  }
0x136: {  	s30 =	spop (v2sf);
	v23 =	vld [tilespmem:s7+$0xD400]  }
0x137: {  	s9 =	sand.u32 $0xFFFFFFF8, s30;
	v24 =	vld [tilespmem:s7+$0xDC00];
	v4 =	vadd.f32 v5, v4;
	v5 =	vmul.f32 v7, v7  }
0x138: {  	v25 =	vld [tilespmem:s7+$0xD410];
	s8 =	sand.u32 $0x7, s30;
	s30 =	sadd.s32 s10, s9;
	s28 =	spop (v2sf)  }
0x139: {  	v26 =	vld [tilespmem:s7+$0xDC10];
	s7 =	sor.u32 s8, s30;
	s30 =	sand.u32 $0xFFFFFFF8, s28;
	v4 =	vadd.f32 v5, v4;
	v5 =	vmul.f32 v63, v63  }
0x13a: {  	v27 =	vld [tilespmem:s7+$0x5400];
	s28 =	sand.u32 $0x7, s28;
	s10 =	sadd.s32 s10, s30  }
0x13b: {  	(v2sf) =	vpush v3, $0x6;
	v28 =	vld [tilespmem:s7+$0x7400];
	s10 =	sor.u32 s28, s10;
	v4 =	vadd.f32 v5, v4;
	v5 =	vmul.f32 v23, v23  }
0x13c: {  	s9 =	sadd.s32 s9, s11;
	v30 =	vmul.f32 v23, v6;
	v29 =	vld [tilespmem:s10+$0x9400]  }
0x13d: {  	s8 =	sor.u32 s8, s9;
	v34 =	vmul.f32 v25, v62;
	s30 =	sadd.s32 s30, s11;
	v32 =	vld [tilespmem:s10+$0xB400];
	v4 =	vadd.f32 v5, v4;
	v5 =	vmul.f32 v25, v25  }
0x13e: {  	v33 =	vld [tilespmem:s8+$0x5400];
	v6 =	vmul.f32 v24, v6;
	s10 =	sor.u32 s28, s30;
	v31 =	vmul.f32 v24, v7  }
0x13f: {  	v35 =	vld [tilespmem:s10+$0x9400];
	v7 =	vmul.f32 v23, v7;
	v4 =	vadd.f32 v5, v4;
	v5 =	vmul.f32 v24, v24  }
0x140: {  	v36 =	vmul.f32 v26, v63;
	v9 =	vmul.f32 v25, v63;
	v17 =	vsub.f32 v30, v31  }
0x141: {  	v37 =	vld [tilespmem:s8+$0x7400];
	v6 =	vadd.f32 v6, v7;
	v4 =	vadd.f32 v5, v4;
	v5 =	vmul.f32 v26, v26  }
0x142: {  	v8 =	vmul.f32 v26, v62;
	v7 =	vld [tilespmem:s10+$0xB400];
	v39 =	vsub.f32 v29, v27;
	v40 =	vsub.f32 v32, v28  }
0x143: {  	v38 =	vsub.f32 v34, v36;
	v4 =	vadd.f32 v5, v4;
	v5 =	vmul.f32 v27, v27  }
0x144: {  	v41 =	vsub.f32 v35, v33;
	v12 =	vmul.f32 v39, v17;
	v6 =	vmul.f32 v40, v6  }
0x145: {  	(v2sf) =	vpush v2, $0x6;
	v4 =	vadd.f32 v5, v4;
	v5 =	vmul.f32 v33, v33  }
0x146: {  	v8 =	vadd.f32 v8, v9;
	v42 =	vmul.f32 v41, v38;
	v6 =	vadd.f32 v6, v12  }
0x147: {  	v43 =	vsub.f32 v7, v37;
	v4 =	vadd.f32 v5, v4;
	v5 =	vmul.f32 v28, v28  }
0x148: {  	(v2sf) =	vpush v1, $0x6;
	v6 =	vadd.f32 v6, v42  }
0x149: {  	v8 =	vmul.f32 v43, v8;
	v4 =	vadd.f32 v5, v4;
	v5 =	vmul.f32 v37, v37  }
0x14a: {  	s11 =	sadd.s32 s1, s16;
	s16 =	sor.u32 $0x6, s15;
	s28 =	spop (v2sf)  }
0x14b: {  	s7 =	sshll.u32 s11, $0x4;
	s9 =	sand.u32 $0xFFFFFFF8, s28;
	s10 =	sshll.u32 s16, $0x7;
	v6 =	vadd.f32 v6, v8;
	v4 =	vadd.f32 v5, v4;
	v5 =	vmul.f32 v29, v29  }
0x14c: {  	s7 =	sand.u32 $0x3FFFFFF0, s7;
	s8 =	sand.u32 $0x7, s28;
	s30 =	sadd.s32 s10, s9  }
0x14d: {  	s11 =	sor.u32 $0x10, s10;
	s28 =	sor.u32 s8, s30;
	[tilespmem:s7+$0xE400] =	vst v6;
	v4 =	vadd.f32 v5, v4;
	v5 =	vmul.f32 v35, v35  }
0x14e: {  	s9 =	sadd.s32 s9, s11;
	v6 =	vld [tilespmem:s28+$0x1400]  }
0x14f: {  	s8 =	sor.u32 s8, s9;
	v4 =	vadd.f32 v5, v4;
	v5 =	vmul.f32 v32, v32  }
0x150: {  	v44 =	vld [tilespmem:s8+$0x1400]  }
0x151: {  	v4 =	vadd.f32 v5, v4;
	v5 =	vmul.f32 v7, v7  }
0x152: {  	v7 =	vld [tilespmem:s28+$0x3400]  }
0x153: {  	v4 =	vadd.f32 v5, v4;
	v5 =	vmul.f32 v6, v6  }
0x154: {  	v45 =	vld [tilespmem:s8+$0x3400]  }
0x155: {  	s7 =	sshll.u32 s16, $0x5;
	v4 =	vadd.f32 v5, v4;
	v5 =	vmul.f32 v44, v44  }
0x156: {  	s30 =	spop (v2sf);
	v46 =	vld [tilespmem:s7+$0xD400]  }
0x157: {  	s9 =	sand.u32 $0xFFFFFFF8, s30;
	v47 =	vld [tilespmem:s7+$0xDC00];
	v4 =	vadd.f32 v5, v4;
	v5 =	vmul.f32 v7, v7  }
0x158: {  	v48 =	vld [tilespmem:s7+$0xD410];
	s8 =	sand.u32 $0x7, s30;
	s30 =	sadd.s32 s10, s9;
	s28 =	spop (v2sf)  }
0x159: {  	v49 =	vld [tilespmem:s7+$0xDC10];
	s7 =	sor.u32 s8, s30;
	s30 =	sand.u32 $0xFFFFFFF8, s28;
	v4 =	vadd.f32 v5, v4;
	v5 =	vmul.f32 v45, v45  }
0x15a: {  	v50 =	vld [tilespmem:s7+$0x5400];
	s28 =	sand.u32 $0x7, s28;
	s10 =	sadd.s32 s10, s30  }
0x15b: {  	(v2sf) =	vpush v3, $0x7;
	v51 =	vld [tilespmem:s7+$0x7400];
	s10 =	sor.u32 s28, s10;
	v4 =	vadd.f32 v5, v4;
	v5 =	vmul.f32 v46, v46  }
0x15c: {  	s9 =	sadd.s32 s9, s11;
	v53 =	vmul.f32 v46, v6;
	v52 =	vld [tilespmem:s10+$0x9400]  }
0x15d: {  	s8 =	sor.u32 s8, s9;
	v57 =	vmul.f32 v48, v44;
	s30 =	sadd.s32 s30, s11;
	v55 =	vld [tilespmem:s10+$0xB400];
	v4 =	vadd.f32 v5, v4;
	v5 =	vmul.f32 v48, v48  }
0x15e: {  	v56 =	vld [tilespmem:s8+$0x5400];
	v6 =	vmul.f32 v47, v6;
	s10 =	sor.u32 s28, s30;
	v54 =	vmul.f32 v47, v7  }
0x15f: {  	v58 =	vld [tilespmem:s10+$0x9400];
	v7 =	vmul.f32 v46, v7;
	v4 =	vadd.f32 v5, v4;
	v5 =	vmul.f32 v47, v47  }
0x160: {  	v59 =	vmul.f32 v49, v45;
	v9 =	vmul.f32 v48, v45;
	v17 =	vsub.f32 v53, v54  }
0x161: {  	v60 =	vld [tilespmem:s8+$0x7400];
	v6 =	vadd.f32 v6, v7;
	v4 =	vadd.f32 v5, v4;
	v5 =	vmul.f32 v49, v49  }
0x162: {  	v8 =	vmul.f32 v49, v44;
	v7 =	vld [tilespmem:s10+$0xB400];
	v62 =	vsub.f32 v52, v50;
	v63 =	vsub.f32 v55, v51  }
0x163: {  	v61 =	vsub.f32 v57, v59;
	v4 =	vadd.f32 v5, v4;
	v5 =	vmul.f32 v50, v50  }
0x164: {  	v24 =	vsub.f32 v58, v56;
	v12 =	vmul.f32 v62, v17;
	v6 =	vmul.f32 v63, v6  }
0x165: {  	(v2sf) =	vpush v2, $0x7;
	v4 =	vadd.f32 v5, v4;
	v5 =	vmul.f32 v56, v56  }
0x166: {  	v8 =	vadd.f32 v8, v9;
	v25 =	vmul.f32 v24, v61;
	v6 =	vadd.f32 v6, v12  }
0x167: {  	v26 =	vsub.f32 v7, v60;
	v4 =	vadd.f32 v5, v4;
	v5 =	vmul.f32 v51, v51  }
0x168: {  	(v2sf) =	vpush v1, $0x7;
	v6 =	vadd.f32 v6, v25  }
0x169: {  	v8 =	vmul.f32 v26, v8;
	v4 =	vadd.f32 v5, v4;
	v5 =	vmul.f32 v60, v60  }
0x16a: {  	s11 =	sadd.s32 s1, s16;
	s16 =	sor.u32 $0x7, s15;
	s28 =	spop (v2sf)  }
0x16b: {  	s7 =	sshll.u32 s11, $0x4;
	s9 =	sand.u32 $0xFFFFFFF8, s28;
	s10 =	sshll.u32 s16, $0x7;
	v6 =	vadd.f32 v6, v8;
	v4 =	vadd.f32 v5, v4;
	v5 =	vmul.f32 v52, v52  }
0x16c: {  	s7 =	sand.u32 $0x3FFFFFF0, s7;
	s8 =	sand.u32 $0x7, s28;
	s30 =	sadd.s32 s10, s9  }
0x16d: {  	s11 =	sor.u32 $0x10, s10;
	s28 =	sor.u32 s8, s30;
	[tilespmem:s7+$0xE400] =	vst v6;
	v4 =	vadd.f32 v5, v4;
	v5 =	vmul.f32 v58, v58  }
0x16e: {  	s9 =	sadd.s32 s9, s11;
	v6 =	vld [tilespmem:s28+$0x1400]  }
0x16f: {  	s8 =	sor.u32 s8, s9;
	v4 =	vadd.f32 v5, v4;
	v5 =	vmul.f32 v55, v55  }
0x170: {  	v27 =	vld [tilespmem:s8+$0x1400]  }
0x171: {  	v4 =	vadd.f32 v5, v4;
	v5 =	vmul.f32 v7, v7  }
0x172: {  	v7 =	vld [tilespmem:s28+$0x3400]  }
0x173: {  	v4 =	vadd.f32 v5, v4;
	v5 =	vmul.f32 v6, v6  }
0x174: {  	v28 =	vld [tilespmem:s8+$0x3400]  }
0x175: {  	s7 =	sshll.u32 s16, $0x5;
	v4 =	vadd.f32 v5, v4;
	v5 =	vmul.f32 v27, v27  }
0x176: {  	s30 =	spop (v2sf);
	v29 =	vld [tilespmem:s7+$0xD400]  }
0x177: {  	s9 =	sand.u32 $0xFFFFFFF8, s30;
	v30 =	vld [tilespmem:s7+$0xDC00];
	v4 =	vadd.f32 v5, v4;
	v5 =	vmul.f32 v7, v7  }
0x178: {  	v31 =	vld [tilespmem:s7+$0xD410];
	s8 =	sand.u32 $0x7, s30;
	s30 =	sadd.s32 s10, s9;
	s28 =	spop (v2sf)  }
0x179: {  	v32 =	vld [tilespmem:s7+$0xDC10];
	s7 =	sor.u32 s8, s30;
	s30 =	sand.u32 $0xFFFFFFF8, s28;
	v4 =	vadd.f32 v5, v4;
	v5 =	vmul.f32 v28, v28  }
0x17a: {  	v33 =	vld [tilespmem:s7+$0x5400];
	s28 =	sand.u32 $0x7, s28;
	s10 =	sadd.s32 s10, s30  }
0x17b: {  	(v2sf) =	vpush v3, $0x8;
	v34 =	vld [tilespmem:s7+$0x7400];
	s10 =	sor.u32 s28, s10;
	v4 =	vadd.f32 v5, v4;
	v5 =	vmul.f32 v29, v29  }
0x17c: {  	s9 =	sadd.s32 s9, s11;
	v36 =	vmul.f32 v29, v6;
	v35 =	vld [tilespmem:s10+$0x9400]  }
0x17d: {  	s8 =	sor.u32 s8, s9;
	v40 =	vmul.f32 v31, v27;
	s30 =	sadd.s32 s30, s11;
	v38 =	vld [tilespmem:s10+$0xB400];
	v4 =	vadd.f32 v5, v4;
	v5 =	vmul.f32 v31, v31  }
0x17e: {  	v39 =	vld [tilespmem:s8+$0x5400];
	v6 =	vmul.f32 v30, v6;
	s10 =	sor.u32 s28, s30;
	v37 =	vmul.f32 v30, v7  }
0x17f: {  	v41 =	vld [tilespmem:s10+$0x9400];
	v7 =	vmul.f32 v29, v7;
	v4 =	vadd.f32 v5, v4;
	v5 =	vmul.f32 v30, v30  }
0x180: {  	v42 =	vmul.f32 v32, v28;
	v9 =	vmul.f32 v31, v28;
	v17 =	vsub.f32 v36, v37  }
0x181: {  	v43 =	vld [tilespmem:s8+$0x7400];
	v6 =	vadd.f32 v6, v7;
	v4 =	vadd.f32 v5, v4;
	v5 =	vmul.f32 v32, v32  }
0x182: {  	v8 =	vmul.f32 v32, v27;
	v7 =	vld [tilespmem:s10+$0xB400];
	v45 =	vsub.f32 v35, v33;
	v46 =	vsub.f32 v38, v34  }
0x183: {  	v44 =	vsub.f32 v40, v42;
	v4 =	vadd.f32 v5, v4;
	v5 =	vmul.f32 v33, v33  }
0x184: {  	v47 =	vsub.f32 v41, v39;
	v12 =	vmul.f32 v45, v17;
	v6 =	vmul.f32 v46, v6  }
0x185: {  	(v2sf) =	vpush v2, $0x8;
	v4 =	vadd.f32 v5, v4;
	v5 =	vmul.f32 v39, v39  }
0x186: {  	v8 =	vadd.f32 v8, v9;
	v48 =	vmul.f32 v47, v44;
	v6 =	vadd.f32 v6, v12  }
0x187: {  	v49 =	vsub.f32 v7, v43;
	v4 =	vadd.f32 v5, v4;
	v5 =	vmul.f32 v34, v34  }
0x188: {  	(v2sf) =	vpush v1, $0x8;
	v6 =	vadd.f32 v6, v48  }
0x189: {  	v8 =	vmul.f32 v49, v8;
	v4 =	vadd.f32 v5, v4;
	v5 =	vmul.f32 v43, v43  }
0x18a: {  	s11 =	sadd.s32 s1, s16;
	s16 =	sor.u32 $0x8, s15;
	s28 =	spop (v2sf)  }
0x18b: {  	s7 =	sshll.u32 s11, $0x4;
	s9 =	sand.u32 $0xFFFFFFF8, s28;
	s10 =	sshll.u32 s16, $0x7;
	v6 =	vadd.f32 v6, v8;
	v4 =	vadd.f32 v5, v4;
	v5 =	vmul.f32 v35, v35  }
0x18c: {  	s7 =	sand.u32 $0x3FFFFFF0, s7;
	s8 =	sand.u32 $0x7, s28;
	s30 =	sadd.s32 s10, s9  }
0x18d: {  	s11 =	sor.u32 $0x10, s10;
	s28 =	sor.u32 s8, s30;
	[tilespmem:s7+$0xE400] =	vst v6;
	v4 =	vadd.f32 v5, v4;
	v5 =	vmul.f32 v41, v41  }
0x18e: {  	s9 =	sadd.s32 s9, s11;
	v6 =	vld [tilespmem:s28+$0x1400]  }
0x18f: {  	s8 =	sor.u32 s8, s9;
	v4 =	vadd.f32 v5, v4;
	v5 =	vmul.f32 v38, v38  }
0x190: {  	v50 =	vld [tilespmem:s8+$0x1400]  }
0x191: {  	v4 =	vadd.f32 v5, v4;
	v5 =	vmul.f32 v7, v7  }
0x192: {  	v7 =	vld [tilespmem:s28+$0x3400]  }
0x193: {  	v4 =	vadd.f32 v5, v4;
	v5 =	vmul.f32 v6, v6  }
0x194: {  	v51 =	vld [tilespmem:s8+$0x3400]  }
0x195: {  	s7 =	sshll.u32 s16, $0x5;
	v4 =	vadd.f32 v5, v4;
	v5 =	vmul.f32 v50, v50  }
0x196: {  	s30 =	spop (v2sf);
	v52 =	vld [tilespmem:s7+$0xD400]  }
0x197: {  	s9 =	sand.u32 $0xFFFFFFF8, s30;
	v53 =	vld [tilespmem:s7+$0xDC00];
	v4 =	vadd.f32 v5, v4;
	v5 =	vmul.f32 v7, v7  }
0x198: {  	v54 =	vld [tilespmem:s7+$0xD410];
	s8 =	sand.u32 $0x7, s30;
	s30 =	sadd.s32 s10, s9;
	s28 =	spop (v2sf)  }
0x199: {  	v55 =	vld [tilespmem:s7+$0xDC10];
	s7 =	sor.u32 s8, s30;
	s30 =	sand.u32 $0xFFFFFFF8, s28;
	v4 =	vadd.f32 v5, v4;
	v5 =	vmul.f32 v51, v51  }
0x19a: {  	v56 =	vld [tilespmem:s7+$0x5400];
	s28 =	sand.u32 $0x7, s28;
	s10 =	sadd.s32 s10, s30  }
0x19b: {  	(v2sf) =	vpush v3, $0x9;
	v57 =	vld [tilespmem:s7+$0x7400];
	s10 =	sor.u32 s28, s10;
	v4 =	vadd.f32 v5, v4;
	v5 =	vmul.f32 v52, v52  }
0x19c: {  	s9 =	sadd.s32 s9, s11;
	v59 =	vmul.f32 v52, v6;
	v58 =	vld [tilespmem:s10+$0x9400]  }
0x19d: {  	s8 =	sor.u32 s8, s9;
	v63 =	vmul.f32 v54, v50;
	s30 =	sadd.s32 s30, s11;
	v61 =	vld [tilespmem:s10+$0xB400];
	v4 =	vadd.f32 v5, v4;
	v5 =	vmul.f32 v54, v54  }
0x19e: {  	v62 =	vld [tilespmem:s8+$0x5400];
	v6 =	vmul.f32 v53, v6;
	s10 =	sor.u32 s28, s30;
	v60 =	vmul.f32 v53, v7  }
0x19f: {  	v24 =	vld [tilespmem:s10+$0x9400];
	v7 =	vmul.f32 v52, v7;
	v4 =	vadd.f32 v5, v4;
	v5 =	vmul.f32 v53, v53  }
0x1a0: {  	v25 =	vmul.f32 v55, v51;
	v9 =	vmul.f32 v54, v51;
	v17 =	vsub.f32 v59, v60  }
0x1a1: {  	v26 =	vld [tilespmem:s8+$0x7400];
	v6 =	vadd.f32 v6, v7;
	v4 =	vadd.f32 v5, v4;
	v5 =	vmul.f32 v55, v55  }
0x1a2: {  	v8 =	vmul.f32 v55, v50;
	v7 =	vld [tilespmem:s10+$0xB400];
	v28 =	vsub.f32 v58, v56;
	v29 =	vsub.f32 v61, v57  }
0x1a3: {  	v27 =	vsub.f32 v63, v25;
	v4 =	vadd.f32 v5, v4;
	v5 =	vmul.f32 v56, v56  }
0x1a4: {  	v30 =	vsub.f32 v24, v62;
	v12 =	vmul.f32 v28, v17;
	v6 =	vmul.f32 v29, v6  }
0x1a5: {  	(v2sf) =	vpush v2, $0x9;
	v4 =	vadd.f32 v5, v4;
	v5 =	vmul.f32 v62, v62  }
0x1a6: {  	v8 =	vadd.f32 v8, v9;
	v31 =	vmul.f32 v30, v27;
	v6 =	vadd.f32 v6, v12  }
0x1a7: {  	v32 =	vsub.f32 v7, v26;
	v4 =	vadd.f32 v5, v4;
	v5 =	vmul.f32 v57, v57  }
0x1a8: {  	(v2sf) =	vpush v1, $0x9;
	v6 =	vadd.f32 v6, v31  }
0x1a9: {  	v8 =	vmul.f32 v32, v8;
	v4 =	vadd.f32 v5, v4;
	v5 =	vmul.f32 v26, v26  }
0x1aa: {  	s11 =	sadd.s32 s1, s16;
	s16 =	sor.u32 $0x9, s15;
	s28 =	spop (v2sf)  }
0x1ab: {  	s7 =	sshll.u32 s11, $0x4;
	s9 =	sand.u32 $0xFFFFFFF8, s28;
	s10 =	sshll.u32 s16, $0x7;
	v6 =	vadd.f32 v6, v8;
	v4 =	vadd.f32 v5, v4;
	v5 =	vmul.f32 v58, v58  }
0x1ac: {  	s7 =	sand.u32 $0x3FFFFFF0, s7;
	s8 =	sand.u32 $0x7, s28;
	s30 =	sadd.s32 s10, s9  }
0x1ad: {  	s11 =	sor.u32 $0x10, s10;
	s28 =	sor.u32 s8, s30;
	[tilespmem:s7+$0xE400] =	vst v6;
	v4 =	vadd.f32 v5, v4;
	v5 =	vmul.f32 v24, v24  }
0x1ae: {  	s9 =	sadd.s32 s9, s11;
	v6 =	vld [tilespmem:s28+$0x1400]  }
0x1af: {  	s8 =	sor.u32 s8, s9;
	v4 =	vadd.f32 v5, v4;
	v5 =	vmul.f32 v61, v61  }
0x1b0: {  	v33 =	vld [tilespmem:s8+$0x1400]  }
0x1b1: {  	v4 =	vadd.f32 v5, v4;
	v5 =	vmul.f32 v7, v7  }
0x1b2: {  	v7 =	vld [tilespmem:s28+$0x3400]  }
0x1b3: {  	v4 =	vadd.f32 v5, v4;
	v5 =	vmul.f32 v6, v6  }
0x1b4: {  	v34 =	vld [tilespmem:s8+$0x3400]  }
0x1b5: {  	s7 =	sshll.u32 s16, $0x5;
	v4 =	vadd.f32 v5, v4;
	v5 =	vmul.f32 v33, v33  }
0x1b6: {  	s30 =	spop (v2sf);
	v35 =	vld [tilespmem:s7+$0xD400]  }
0x1b7: {  	s9 =	sand.u32 $0xFFFFFFF8, s30;
	v36 =	vld [tilespmem:s7+$0xDC00];
	v4 =	vadd.f32 v5, v4;
	v5 =	vmul.f32 v7, v7  }
0x1b8: {  	v37 =	vld [tilespmem:s7+$0xD410];
	s8 =	sand.u32 $0x7, s30;
	s30 =	sadd.s32 s10, s9;
	s28 =	spop (v2sf)  }
0x1b9: {  	v38 =	vld [tilespmem:s7+$0xDC10];
	s7 =	sor.u32 s8, s30;
	s30 =	sand.u32 $0xFFFFFFF8, s28;
	v4 =	vadd.f32 v5, v4;
	v5 =	vmul.f32 v34, v34  }
0x1ba: {  	v39 =	vld [tilespmem:s7+$0x5400];
	s28 =	sand.u32 $0x7, s28;
	s10 =	sadd.s32 s10, s30  }
0x1bb: {  	(v2sf) =	vpush v3, $0xA;
	v40 =	vld [tilespmem:s7+$0x7400];
	s10 =	sor.u32 s28, s10;
	v4 =	vadd.f32 v5, v4;
	v5 =	vmul.f32 v35, v35  }
0x1bc: {  	s9 =	sadd.s32 s9, s11;
	v42 =	vmul.f32 v35, v6;
	v41 =	vld [tilespmem:s10+$0x9400]  }
0x1bd: {  	s8 =	sor.u32 s8, s9;
	v46 =	vmul.f32 v37, v33;
	s30 =	sadd.s32 s30, s11;
	v44 =	vld [tilespmem:s10+$0xB400];
	v4 =	vadd.f32 v5, v4;
	v5 =	vmul.f32 v37, v37  }
0x1be: {  	v45 =	vld [tilespmem:s8+$0x5400];
	v6 =	vmul.f32 v36, v6;
	s10 =	sor.u32 s28, s30;
	v43 =	vmul.f32 v36, v7  }
0x1bf: {  	v47 =	vld [tilespmem:s10+$0x9400];
	v7 =	vmul.f32 v35, v7;
	v4 =	vadd.f32 v5, v4;
	v5 =	vmul.f32 v36, v36  }
0x1c0: {  	v48 =	vmul.f32 v38, v34;
	v9 =	vmul.f32 v37, v34;
	v17 =	vsub.f32 v42, v43  }
0x1c1: {  	v49 =	vld [tilespmem:s8+$0x7400];
	v6 =	vadd.f32 v6, v7;
	v4 =	vadd.f32 v5, v4;
	v5 =	vmul.f32 v38, v38  }
0x1c2: {  	v8 =	vmul.f32 v38, v33;
	v7 =	vld [tilespmem:s10+$0xB400];
	v51 =	vsub.f32 v41, v39;
	v52 =	vsub.f32 v44, v40  }
0x1c3: {  	v50 =	vsub.f32 v46, v48;
	v4 =	vadd.f32 v5, v4;
	v5 =	vmul.f32 v39, v39  }
0x1c4: {  	v53 =	vsub.f32 v47, v45;
	v12 =	vmul.f32 v51, v17;
	v6 =	vmul.f32 v52, v6  }
0x1c5: {  	(v2sf) =	vpush v2, $0xA;
	v4 =	vadd.f32 v5, v4;
	v5 =	vmul.f32 v45, v45  }
0x1c6: {  	v8 =	vadd.f32 v8, v9;
	v54 =	vmul.f32 v53, v50;
	v6 =	vadd.f32 v6, v12  }
0x1c7: {  	v55 =	vsub.f32 v7, v49;
	v4 =	vadd.f32 v5, v4;
	v5 =	vmul.f32 v40, v40  }
0x1c8: {  	(v2sf) =	vpush v1, $0xA;
	v6 =	vadd.f32 v6, v54  }
0x1c9: {  	v8 =	vmul.f32 v55, v8;
	v4 =	vadd.f32 v5, v4;
	v5 =	vmul.f32 v49, v49  }
0x1ca: {  	s11 =	sadd.s32 s1, s16;
	s16 =	sor.u32 $0xA, s15;
	s28 =	spop (v2sf)  }
0x1cb: {  	s7 =	sshll.u32 s11, $0x4;
	s9 =	sand.u32 $0xFFFFFFF8, s28;
	s10 =	sshll.u32 s16, $0x7;
	v6 =	vadd.f32 v6, v8;
	v4 =	vadd.f32 v5, v4;
	v5 =	vmul.f32 v41, v41  }
0x1cc: {  	s7 =	sand.u32 $0x3FFFFFF0, s7;
	s8 =	sand.u32 $0x7, s28;
	s30 =	sadd.s32 s10, s9  }
0x1cd: {  	s11 =	sor.u32 $0x10, s10;
	s28 =	sor.u32 s8, s30;
	[tilespmem:s7+$0xE400] =	vst v6;
	v4 =	vadd.f32 v5, v4;
	v5 =	vmul.f32 v47, v47  }
0x1ce: {  	s9 =	sadd.s32 s9, s11;
	v6 =	vld [tilespmem:s28+$0x1400]  }
0x1cf: {  	s8 =	sor.u32 s8, s9;
	v4 =	vadd.f32 v5, v4;
	v5 =	vmul.f32 v44, v44  }
0x1d0: {  	v56 =	vld [tilespmem:s8+$0x1400]  }
0x1d1: {  	v4 =	vadd.f32 v5, v4;
	v5 =	vmul.f32 v7, v7  }
0x1d2: {  	v7 =	vld [tilespmem:s28+$0x3400]  }
0x1d3: {  	v4 =	vadd.f32 v5, v4;
	v5 =	vmul.f32 v6, v6  }
0x1d4: {  	v57 =	vld [tilespmem:s8+$0x3400]  }
0x1d5: {  	s7 =	sshll.u32 s16, $0x5;
	v4 =	vadd.f32 v5, v4;
	v5 =	vmul.f32 v56, v56  }
0x1d6: {  	s30 =	spop (v2sf);
	v58 =	vld [tilespmem:s7+$0xD400]  }
0x1d7: {  	s9 =	sand.u32 $0xFFFFFFF8, s30;
	v59 =	vld [tilespmem:s7+$0xDC00];
	v4 =	vadd.f32 v5, v4;
	v5 =	vmul.f32 v7, v7  }
0x1d8: {  	v60 =	vld [tilespmem:s7+$0xD410];
	s8 =	sand.u32 $0x7, s30;
	s30 =	sadd.s32 s10, s9;
	s28 =	spop (v2sf)  }
0x1d9: {  	v61 =	vld [tilespmem:s7+$0xDC10];
	s7 =	sor.u32 s8, s30;
	s30 =	sand.u32 $0xFFFFFFF8, s28;
	v4 =	vadd.f32 v5, v4;
	v5 =	vmul.f32 v57, v57  }
0x1da: {  	v62 =	vld [tilespmem:s7+$0x5400];
	s28 =	sand.u32 $0x7, s28;
	s10 =	sadd.s32 s10, s30  }
0x1db: {  	(v2sf) =	vpush v3, $0xB;
	v63 =	vld [tilespmem:s7+$0x7400];
	s10 =	sor.u32 s28, s10;
	v4 =	vadd.f32 v5, v4;
	v5 =	vmul.f32 v58, v58  }
0x1dc: {  	s9 =	sadd.s32 s9, s11;
	v25 =	vmul.f32 v58, v6;
	v24 =	vld [tilespmem:s10+$0x9400]  }
0x1dd: {  	s8 =	sor.u32 s8, s9;
	v29 =	vmul.f32 v60, v56;
	s30 =	sadd.s32 s30, s11;
	v27 =	vld [tilespmem:s10+$0xB400];
	v4 =	vadd.f32 v5, v4;
	v5 =	vmul.f32 v60, v60  }
0x1de: {  	v28 =	vld [tilespmem:s8+$0x5400];
	v6 =	vmul.f32 v59, v6;
	s10 =	sor.u32 s28, s30;
	v26 =	vmul.f32 v59, v7  }
0x1df: {  	v30 =	vld [tilespmem:s10+$0x9400];
	v7 =	vmul.f32 v58, v7;
	v4 =	vadd.f32 v5, v4;
	v5 =	vmul.f32 v59, v59  }
0x1e0: {  	v31 =	vmul.f32 v61, v57;
	v9 =	vmul.f32 v60, v57;
	v17 =	vsub.f32 v25, v26  }
0x1e1: {  	v32 =	vld [tilespmem:s8+$0x7400];
	v6 =	vadd.f32 v6, v7;
	v4 =	vadd.f32 v5, v4;
	v5 =	vmul.f32 v61, v61  }
0x1e2: {  	v8 =	vmul.f32 v61, v56;
	v7 =	vld [tilespmem:s10+$0xB400];
	v34 =	vsub.f32 v24, v62;
	v35 =	vsub.f32 v27, v63  }
0x1e3: {  	v33 =	vsub.f32 v29, v31;
	v4 =	vadd.f32 v5, v4;
	v5 =	vmul.f32 v62, v62  }
0x1e4: {  	v36 =	vsub.f32 v30, v28;
	v12 =	vmul.f32 v34, v17;
	v6 =	vmul.f32 v35, v6  }
0x1e5: {  	(v2sf) =	vpush v2, $0xB;
	v4 =	vadd.f32 v5, v4;
	v5 =	vmul.f32 v28, v28  }
0x1e6: {  	v8 =	vadd.f32 v8, v9;
	v37 =	vmul.f32 v36, v33;
	v6 =	vadd.f32 v6, v12  }
0x1e7: {  	v38 =	vsub.f32 v7, v32;
	v4 =	vadd.f32 v5, v4;
	v5 =	vmul.f32 v63, v63  }
0x1e8: {  	(v2sf) =	vpush v1, $0xB;
	v6 =	vadd.f32 v6, v37  }
0x1e9: {  	v8 =	vmul.f32 v38, v8;
	v4 =	vadd.f32 v5, v4;
	v5 =	vmul.f32 v32, v32  }
0x1ea: {  	s11 =	sadd.s32 s1, s16;
	s16 =	sor.u32 $0xB, s15;
	s28 =	spop (v2sf)  }
0x1eb: {  	s7 =	sshll.u32 s11, $0x4;
	s9 =	sand.u32 $0xFFFFFFF8, s28;
	s10 =	sshll.u32 s16, $0x7;
	v6 =	vadd.f32 v6, v8;
	v4 =	vadd.f32 v5, v4;
	v5 =	vmul.f32 v24, v24  }
0x1ec: {  	s7 =	sand.u32 $0x3FFFFFF0, s7;
	s8 =	sand.u32 $0x7, s28;
	s30 =	sadd.s32 s10, s9  }
0x1ed: {  	s11 =	sor.u32 $0x10, s10;
	s28 =	sor.u32 s8, s30;
	[tilespmem:s7+$0xE400] =	vst v6;
	v4 =	vadd.f32 v5, v4;
	v5 =	vmul.f32 v30, v30  }
0x1ee: {  	s9 =	sadd.s32 s9, s11;
	v6 =	vld [tilespmem:s28+$0x1400]  }
0x1ef: {  	s8 =	sor.u32 s8, s9;
	v4 =	vadd.f32 v5, v4;
	v5 =	vmul.f32 v27, v27  }
0x1f0: {  	v39 =	vld [tilespmem:s8+$0x1400]  }
0x1f1: {  	v4 =	vadd.f32 v5, v4;
	v5 =	vmul.f32 v7, v7  }
0x1f2: {  	v7 =	vld [tilespmem:s28+$0x3400]  }
0x1f3: {  	v4 =	vadd.f32 v5, v4;
	v5 =	vmul.f32 v6, v6  }
0x1f4: {  	v40 =	vld [tilespmem:s8+$0x3400]  }
0x1f5: {  	s7 =	sshll.u32 s16, $0x5;
	v4 =	vadd.f32 v5, v4;
	v5 =	vmul.f32 v39, v39  }
0x1f6: {  	s30 =	spop (v2sf);
	v41 =	vld [tilespmem:s7+$0xD400]  }
0x1f7: {  	s9 =	sand.u32 $0xFFFFFFF8, s30;
	v42 =	vld [tilespmem:s7+$0xDC00];
	v4 =	vadd.f32 v5, v4;
	v5 =	vmul.f32 v7, v7  }
0x1f8: {  	v43 =	vld [tilespmem:s7+$0xD410];
	s8 =	sand.u32 $0x7, s30;
	s30 =	sadd.s32 s10, s9;
	s28 =	spop (v2sf)  }
0x1f9: {  	v44 =	vld [tilespmem:s7+$0xDC10];
	s7 =	sor.u32 s8, s30;
	s30 =	sand.u32 $0xFFFFFFF8, s28;
	v4 =	vadd.f32 v5, v4;
	v5 =	vmul.f32 v40, v40  }
0x1fa: {  	v45 =	vld [tilespmem:s7+$0x5400];
	s28 =	sand.u32 $0x7, s28;
	s10 =	sadd.s32 s10, s30  }
0x1fb: {  	(v2sf) =	vpush v3, $0xC;
	v46 =	vld [tilespmem:s7+$0x7400];
	s10 =	sor.u32 s28, s10;
	v4 =	vadd.f32 v5, v4;
	v5 =	vmul.f32 v41, v41  }
0x1fc: {  	s9 =	sadd.s32 s9, s11;
	v48 =	vmul.f32 v41, v6;
	v47 =	vld [tilespmem:s10+$0x9400]  }
0x1fd: {  	s8 =	sor.u32 s8, s9;
	v52 =	vmul.f32 v43, v39;
	s30 =	sadd.s32 s30, s11;
	v50 =	vld [tilespmem:s10+$0xB400];
	v4 =	vadd.f32 v5, v4;
	v5 =	vmul.f32 v43, v43  }
0x1fe: {  	v51 =	vld [tilespmem:s8+$0x5400];
	v6 =	vmul.f32 v42, v6;
	s10 =	sor.u32 s28, s30;
	v49 =	vmul.f32 v42, v7  }
0x1ff: {  	v53 =	vld [tilespmem:s10+$0x9400];
	v7 =	vmul.f32 v41, v7;
	v4 =	vadd.f32 v5, v4;
	v5 =	vmul.f32 v42, v42  }
0x200: {  	v54 =	vmul.f32 v44, v40;
	v9 =	vmul.f32 v43, v40;
	v17 =	vsub.f32 v48, v49  }
0x201: {  	v55 =	vld [tilespmem:s8+$0x7400];
	v6 =	vadd.f32 v6, v7;
	v4 =	vadd.f32 v5, v4;
	v5 =	vmul.f32 v44, v44  }
0x202: {  	v8 =	vmul.f32 v44, v39;
	v7 =	vld [tilespmem:s10+$0xB400];
	v57 =	vsub.f32 v47, v45;
	v58 =	vsub.f32 v50, v46  }
0x203: {  	v56 =	vsub.f32 v52, v54;
	v4 =	vadd.f32 v5, v4;
	v5 =	vmul.f32 v45, v45  }
0x204: {  	v59 =	vsub.f32 v53, v51;
	v12 =	vmul.f32 v57, v17;
	v6 =	vmul.f32 v58, v6  }
0x205: {  	(v2sf) =	vpush v2, $0xC;
	v4 =	vadd.f32 v5, v4;
	v5 =	vmul.f32 v51, v51  }
0x206: {  	v8 =	vadd.f32 v8, v9;
	v60 =	vmul.f32 v59, v56;
	v6 =	vadd.f32 v6, v12  }
0x207: {  	v61 =	vsub.f32 v7, v55;
	v4 =	vadd.f32 v5, v4;
	v5 =	vmul.f32 v46, v46  }
0x208: {  	(v2sf) =	vpush v1, $0xC;
	v6 =	vadd.f32 v6, v60  }
0x209: {  	v8 =	vmul.f32 v61, v8;
	v4 =	vadd.f32 v5, v4;
	v5 =	vmul.f32 v55, v55  }
0x20a: {  	s11 =	sadd.s32 s1, s16;
	s16 =	sor.u32 $0xC, s15;
	s28 =	spop (v2sf)  }
0x20b: {  	s7 =	sshll.u32 s11, $0x4;
	s9 =	sand.u32 $0xFFFFFFF8, s28;
	s10 =	sshll.u32 s16, $0x7;
	v6 =	vadd.f32 v6, v8;
	v4 =	vadd.f32 v5, v4;
	v5 =	vmul.f32 v47, v47  }
0x20c: {  	s7 =	sand.u32 $0x3FFFFFF0, s7;
	s8 =	sand.u32 $0x7, s28;
	s30 =	sadd.s32 s10, s9  }
0x20d: {  	s11 =	sor.u32 $0x10, s10;
	s28 =	sor.u32 s8, s30;
	[tilespmem:s7+$0xE400] =	vst v6;
	v4 =	vadd.f32 v5, v4;
	v5 =	vmul.f32 v53, v53  }
0x20e: {  	s9 =	sadd.s32 s9, s11;
	v6 =	vld [tilespmem:s28+$0x1400]  }
0x20f: {  	s8 =	sor.u32 s8, s9;
	v4 =	vadd.f32 v5, v4;
	v5 =	vmul.f32 v50, v50  }
0x210: {  	v62 =	vld [tilespmem:s8+$0x1400]  }
0x211: {  	v4 =	vadd.f32 v5, v4;
	v5 =	vmul.f32 v7, v7  }
0x212: {  	v7 =	vld [tilespmem:s28+$0x3400]  }
0x213: {  	v4 =	vadd.f32 v5, v4;
	v5 =	vmul.f32 v6, v6  }
0x214: {  	v63 =	vld [tilespmem:s8+$0x3400]  }
0x215: {  	s7 =	sshll.u32 s16, $0x5;
	v4 =	vadd.f32 v5, v4;
	v5 =	vmul.f32 v62, v62  }
0x216: {  	s30 =	spop (v2sf);
	v23 =	vld [tilespmem:s7+$0xD400]  }
0x217: {  	s9 =	sand.u32 $0xFFFFFFF8, s30;
	v24 =	vld [tilespmem:s7+$0xDC00];
	v4 =	vadd.f32 v5, v4;
	v5 =	vmul.f32 v7, v7  }
0x218: {  	v25 =	vld [tilespmem:s7+$0xD410];
	s8 =	sand.u32 $0x7, s30;
	s30 =	sadd.s32 s10, s9;
	s28 =	spop (v2sf)  }
0x219: {  	v26 =	vld [tilespmem:s7+$0xDC10];
	s7 =	sor.u32 s8, s30;
	s30 =	sand.u32 $0xFFFFFFF8, s28;
	v4 =	vadd.f32 v5, v4;
	v5 =	vmul.f32 v63, v63  }
0x21a: {  	v27 =	vld [tilespmem:s7+$0x5400];
	s28 =	sand.u32 $0x7, s28;
	s10 =	sadd.s32 s10, s30  }
0x21b: {  	(v2sf) =	vpush v3, $0xD;
	v28 =	vld [tilespmem:s7+$0x7400];
	s10 =	sor.u32 s28, s10;
	v4 =	vadd.f32 v5, v4;
	v5 =	vmul.f32 v23, v23  }
0x21c: {  	s9 =	sadd.s32 s9, s11;
	v30 =	vmul.f32 v23, v6;
	v29 =	vld [tilespmem:s10+$0x9400]  }
0x21d: {  	s8 =	sor.u32 s8, s9;
	v34 =	vmul.f32 v25, v62;
	s30 =	sadd.s32 s30, s11;
	v32 =	vld [tilespmem:s10+$0xB400];
	v4 =	vadd.f32 v5, v4;
	v5 =	vmul.f32 v25, v25  }
0x21e: {  	v33 =	vld [tilespmem:s8+$0x5400];
	v6 =	vmul.f32 v24, v6;
	s10 =	sor.u32 s28, s30;
	v31 =	vmul.f32 v24, v7  }
0x21f: {  	v35 =	vld [tilespmem:s10+$0x9400];
	v7 =	vmul.f32 v23, v7;
	v4 =	vadd.f32 v5, v4;
	v5 =	vmul.f32 v24, v24  }
0x220: {  	v36 =	vmul.f32 v26, v63;
	v9 =	vmul.f32 v25, v63;
	v17 =	vsub.f32 v30, v31  }
0x221: {  	v37 =	vld [tilespmem:s8+$0x7400];
	v6 =	vadd.f32 v6, v7;
	v4 =	vadd.f32 v5, v4;
	v5 =	vmul.f32 v26, v26  }
0x222: {  	v8 =	vmul.f32 v26, v62;
	v7 =	vld [tilespmem:s10+$0xB400];
	v39 =	vsub.f32 v29, v27;
	v40 =	vsub.f32 v32, v28  }
0x223: {  	v38 =	vsub.f32 v34, v36;
	v4 =	vadd.f32 v5, v4;
	v5 =	vmul.f32 v27, v27  }
0x224: {  	v41 =	vsub.f32 v35, v33;
	v12 =	vmul.f32 v39, v17;
	v6 =	vmul.f32 v40, v6  }
0x225: {  	(v2sf) =	vpush v2, $0xD;
	v4 =	vadd.f32 v5, v4;
	v5 =	vmul.f32 v33, v33  }
0x226: {  	v8 =	vadd.f32 v8, v9;
	v42 =	vmul.f32 v41, v38;
	v6 =	vadd.f32 v6, v12  }
0x227: {  	v43 =	vsub.f32 v7, v37;
	v4 =	vadd.f32 v5, v4;
	v5 =	vmul.f32 v28, v28  }
0x228: {  	(v2sf) =	vpush v1, $0xD;
	v6 =	vadd.f32 v6, v42  }
0x229: {  	v8 =	vmul.f32 v43, v8;
	v4 =	vadd.f32 v5, v4;
	v5 =	vmul.f32 v37, v37  }
0x22a: {  	s11 =	sadd.s32 s1, s16;
	s16 =	sor.u32 $0xD, s15;
	s28 =	spop (v2sf)  }
0x22b: {  	s7 =	sshll.u32 s11, $0x4;
	s9 =	sand.u32 $0xFFFFFFF8, s28;
	s10 =	sshll.u32 s16, $0x7;
	v6 =	vadd.f32 v6, v8;
	v4 =	vadd.f32 v5, v4;
	v5 =	vmul.f32 v29, v29  }
0x22c: {  	s7 =	sand.u32 $0x3FFFFFF0, s7;
	s8 =	sand.u32 $0x7, s28;
	s30 =	sadd.s32 s10, s9  }
0x22d: {  	s11 =	sor.u32 $0x10, s10;
	s28 =	sor.u32 s8, s30;
	[tilespmem:s7+$0xE400] =	vst v6;
	v4 =	vadd.f32 v5, v4;
	v5 =	vmul.f32 v35, v35  }
0x22e: {  	s9 =	sadd.s32 s9, s11;
	v6 =	vld [tilespmem:s28+$0x1400]  }
0x22f: {  	s8 =	sor.u32 s8, s9;
	v4 =	vadd.f32 v5, v4;
	v5 =	vmul.f32 v32, v32  }
0x230: {  	v44 =	vld [tilespmem:s8+$0x1400]  }
0x231: {  	v4 =	vadd.f32 v5, v4;
	v5 =	vmul.f32 v7, v7  }
0x232: {  	v7 =	vld [tilespmem:s28+$0x3400]  }
0x233: {  	v4 =	vadd.f32 v5, v4;
	v5 =	vmul.f32 v6, v6  }
0x234: {  	v45 =	vld [tilespmem:s8+$0x3400]  }
0x235: {  	s7 =	sshll.u32 s16, $0x5;
	v4 =	vadd.f32 v5, v4;
	v5 =	vmul.f32 v44, v44  }
0x236: {  	s30 =	spop (v2sf);
	v46 =	vld [tilespmem:s7+$0xD400]  }
0x237: {  	s9 =	sand.u32 $0xFFFFFFF8, s30;
	v47 =	vld [tilespmem:s7+$0xDC00];
	v4 =	vadd.f32 v5, v4;
	v5 =	vmul.f32 v7, v7  }
0x238: {  	v48 =	vld [tilespmem:s7+$0xD410];
	s8 =	sand.u32 $0x7, s30;
	s30 =	sadd.s32 s10, s9;
	s28 =	spop (v2sf)  }
0x239: {  	v49 =	vld [tilespmem:s7+$0xDC10];
	s7 =	sor.u32 s8, s30;
	s30 =	sand.u32 $0xFFFFFFF8, s28;
	v4 =	vadd.f32 v5, v4;
	v5 =	vmul.f32 v45, v45  }
0x23a: {  	v50 =	vld [tilespmem:s7+$0x5400];
	s28 =	sand.u32 $0x7, s28;
	s10 =	sadd.s32 s10, s30  }
0x23b: {  	(v2sf) =	vpush v3, $0xE;
	v51 =	vld [tilespmem:s7+$0x7400];
	s10 =	sor.u32 s28, s10;
	v4 =	vadd.f32 v5, v4;
	v5 =	vmul.f32 v46, v46  }
0x23c: {  	s9 =	sadd.s32 s9, s11;
	v53 =	vmul.f32 v46, v6;
	v52 =	vld [tilespmem:s10+$0x9400]  }
0x23d: {  	s8 =	sor.u32 s8, s9;
	v57 =	vmul.f32 v48, v44;
	s30 =	sadd.s32 s30, s11;
	v55 =	vld [tilespmem:s10+$0xB400];
	v4 =	vadd.f32 v5, v4;
	v5 =	vmul.f32 v48, v48  }
0x23e: {  	v56 =	vld [tilespmem:s8+$0x5400];
	v6 =	vmul.f32 v47, v6;
	s10 =	sor.u32 s28, s30;
	v54 =	vmul.f32 v47, v7  }
0x23f: {  	v58 =	vld [tilespmem:s10+$0x9400];
	v7 =	vmul.f32 v46, v7;
	v4 =	vadd.f32 v5, v4;
	v5 =	vmul.f32 v47, v47  }
0x240: {  	v59 =	vmul.f32 v49, v45;
	v9 =	vmul.f32 v48, v45;
	v17 =	vsub.f32 v53, v54  }
0x241: {  	v60 =	vld [tilespmem:s8+$0x7400];
	v6 =	vadd.f32 v6, v7;
	v4 =	vadd.f32 v5, v4;
	v5 =	vmul.f32 v49, v49  }
0x242: {  	v8 =	vmul.f32 v49, v44;
	v7 =	vld [tilespmem:s10+$0xB400];
	v62 =	vsub.f32 v52, v50;
	v63 =	vsub.f32 v55, v51  }
0x243: {  	v61 =	vsub.f32 v57, v59;
	v4 =	vadd.f32 v5, v4;
	v5 =	vmul.f32 v50, v50  }
0x244: {  	v22 =	vsub.f32 v58, v56;
	v12 =	vmul.f32 v62, v17;
	v6 =	vmul.f32 v63, v6  }
0x245: {  	(v2sf) =	vpush v2, $0xE;
	v4 =	vadd.f32 v5, v4;
	v5 =	vmul.f32 v56, v56  }
0x246: {  	v8 =	vadd.f32 v8, v9;
	v23 =	vmul.f32 v22, v61;
	v6 =	vadd.f32 v6, v12  }
0x247: {  	v24 =	vsub.f32 v7, v60;
	v4 =	vadd.f32 v5, v4;
	v5 =	vmul.f32 v51, v51  }
0x248: {  	(v2sf) =	vpush v1, $0xE;
	v6 =	vadd.f32 v6, v23  }
0x249: {  	v8 =	vmul.f32 v24, v8;
	v4 =	vadd.f32 v5, v4;
	v5 =	vmul.f32 v60, v60  }
0x24a: {  	s15 =	sor.u32 $0xE, s15;
	s16 =	sadd.s32 s1, s16;
	s11 =	spop (v2sf)  }
0x24b: {  	s8 =	sshll.u32 s16, $0x4;
	s28 =	sand.u32 $0xFFFFFFF8, s11;
	s10 =	sshll.u32 s15, $0x7;
	v6 =	vadd.f32 v6, v8;
	v4 =	vadd.f32 v5, v4;
	v5 =	vmul.f32 v52, v52  }
0x24c: {  	s8 =	sand.u32 $0x3FFFFFF0, s8;
	s7 =	sand.u32 $0x7, s11;
	s30 =	sadd.s32 s10, s28  }
0x24d: {  	s11 =	sor.u32 $0x10, s10;
	s16 =	sor.u32 s7, s30;
	[tilespmem:s8+$0xE400] =	vst v6;
	v4 =	vadd.f32 v5, v4;
	v5 =	vmul.f32 v58, v58  }
0x24e: {  	s9 =	sadd.s32 s28, s11;
	v6 =	vld [tilespmem:s16+$0x1400]  }
0x24f: {  	s7 =	sor.u32 s7, s9;
	v4 =	vadd.f32 v5, v4;
	v5 =	vmul.f32 v55, v55  }
0x250: {  	v25 =	vld [tilespmem:s7+$0x1400]  }
0x251: {  	v4 =	vadd.f32 v5, v4;
	v5 =	vmul.f32 v7, v7  }
0x252: {  	v7 =	vld [tilespmem:s16+$0x3400]  }
0x253: {  	v4 =	vadd.f32 v5, v4;
	v5 =	vmul.f32 v6, v6  }
0x254: {  	v26 =	vld [tilespmem:s7+$0x3400]  }
0x255: {  	s7 =	sshll.u32 s15, $0x5;
	v4 =	vadd.f32 v5, v4;
	v5 =	vmul.f32 v25, v25  }
0x256: {  	s28 =	spop (v2sf);
	v27 =	vld [tilespmem:s7+$0xD400]  }
0x257: {  	s9 =	sand.u32 $0xFFFFFFF8, s28;
	v28 =	vld [tilespmem:s7+$0xDC00];
	v4 =	vadd.f32 v5, v4;
	v5 =	vmul.f32 v7, v7  }
0x258: {  	s30 =	sadd.s32 s10, s9;
	s8 =	sand.u32 $0x7, s28;
	v29 =	vld [tilespmem:s7+$0xD410];
	s16 =	spop (v2sf)  }
0x259: {  	v30 =	vld [tilespmem:s7+$0xDC10];
	s7 =	sor.u32 s8, s30;
	s30 =	sand.u32 $0xFFFFFFF8, s16;
	v4 =	vadd.f32 v5, v4;
	v5 =	vmul.f32 v26, v26  }
0x25a: {  	v31 =	vld [tilespmem:s7+$0x5400];
	s16 =	sand.u32 $0x7, s16;
	s10 =	sadd.s32 s10, s30  }
0x25b: {  	(v2sf) =	vpush v3, $0xF;
	v32 =	vld [tilespmem:s7+$0x7400];
	s10 =	sor.u32 s16, s10;
	v4 =	vadd.f32 v5, v4;
	v5 =	vmul.f32 v27, v27  }
0x25c: {  	s9 =	sadd.s32 s9, s11;
	v33 =	vmul.f32 v27, v6;
	v3 =	vld [tilespmem:s10+$0x9400]  }
0x25d: {  	s8 =	sor.u32 s8, s9;
	v37 =	vmul.f32 v29, v25;
	s30 =	sadd.s32 s30, s11;
	v35 =	vld [tilespmem:s10+$0xB400];
	v4 =	vadd.f32 v5, v4;
	v5 =	vmul.f32 v29, v29  }
0x25e: {  	v36 =	vld [tilespmem:s8+$0x5400];
	v6 =	vmul.f32 v28, v6;
	s9 =	sor.u32 s16, s30;
	v34 =	vmul.f32 v28, v7  }
0x25f: {  	v38 =	vld [tilespmem:s9+$0x9400];
	v7 =	vmul.f32 v27, v7;
	v4 =	vadd.f32 v5, v4;
	v5 =	vmul.f32 v28, v28  }
0x260: {  	v39 =	vmul.f32 v30, v26;
	v9 =	vmul.f32 v29, v26;
	v16 =	vsub.f32 v33, v34  }
0x261: {  	v40 =	vld [tilespmem:s8+$0x7400];
	v6 =	vadd.f32 v6, v7;
	v4 =	vadd.f32 v5, v4;
	v5 =	vmul.f32 v30, v30  }
0x262: {  	v8 =	vmul.f32 v30, v25;
	v7 =	vld [tilespmem:s9+$0xB400];
	v42 =	vsub.f32 v3, v31;
	v43 =	vsub.f32 v35, v32  }
0x263: {  	v41 =	vsub.f32 v37, v39;
	v4 =	vadd.f32 v5, v4;
	v5 =	vmul.f32 v31, v31  }
0x264: {  	v44 =	vsub.f32 v38, v36;
	v12 =	vmul.f32 v42, v16;
	v6 =	vmul.f32 v43, v6  }
0x265: {  	v4 =	vadd.f32 v5, v4;
	v5 =	vmul.f32 v36, v36  }
0x266: {  	v8 =	vadd.f32 v8, v9;
	v45 =	vmul.f32 v44, v41;
	v6 =	vadd.f32 v6, v12  }
0x267: {  	v46 =	vsub.f32 v7, v40;
	v4 =	vadd.f32 v5, v4;
	v5 =	vmul.f32 v32, v32  }
0x268: {  	v6 =	vadd.f32 v6, v45  }
0x269: {  	v8 =	vmul.f32 v46, v8;
	v4 =	vadd.f32 v5, v4;
	v5 =	vmul.f32 v40, v40  }
0x26a: {  	(v2sf) =	vpush v2, $0xF;
	s11 =	spop (v2sf);
	s10 =	sadd.s32 s1, s15;
	s15 =	sshllo.u32 s14, $0x4  }
0x26b: {  	s16 =	sand.u32 $0xFFFFFFF8, s11;
	s7 =	sshll.u32 s10, $0x4;
	s10 =	sshll.u32 s15, $0x7;
	v3 =	vmul.f32 v3, v3;
	v6 =	vadd.f32 v6, v8;
	v4 =	vadd.f32 v5, v4  }
0x26c: {  	s8 =	sand.u32 $0x7, s11;
	s7 =	sand.u32 $0x3FFFFFF0, s7;
	s28 =	sadd.s32 s10, s16  }
0x26d: {  	s11 =	sor.u32 $0x10, s10;
	s30 =	sor.u32 s8, s28;
	[tilespmem:s7+$0xE400] =	vst v6;
	v2 =	vadd.f32 v3, v4;
	v3 =	vmul.f32 v38, v38  }
0x26e: {  	s9 =	sadd.s32 s16, s11;
	v4 =	vld [tilespmem:s30+$0x1400]  }
0x26f: {  	(v2sf) =	vpush v1, $0xF;
	s8 =	sor.u32 s8, s9;
	v2 =	vadd.f32 v3, v2;
	v3 =	vmul.f32 v35, v35  }
0x270: {  	v1 =	vld [tilespmem:s8+$0x1400]  }
0x271: {  	v2 =	vadd.f32 v3, v2;
	v3 =	vmul.f32 v7, v7  }
0x272: {  	v5 =	vld [tilespmem:s30+$0x3400]  }
0x273: {  	v2 =	vadd.f32 v3, v2;
	v3 =	vmul.f32 v4, v4  }
0x274: {  	v6 =	vld [tilespmem:s8+$0x3400]  }
0x275: {  	s16 =	sshll.u32 s15, $0x5;
	v2 =	vadd.f32 v3, v2;
	v3 =	vmul.f32 v1, v1  }
0x276: {  	v7 =	vld [tilespmem:s16+$0xD400]  }
0x277: {  	v2 =	vadd.f32 v3, v2;
	v3 =	vmul.f32 v5, v5  }
0x278: {  	v47 =	vld [tilespmem:s16+$0xD410]  }
0x279: {  	v2 =	vadd.f32 v3, v2;
	v3 =	vmul.f32 v6, v6  }
0x27a: {  	s28 =	spop (v2sf);
	v48 =	vld [tilespmem:s16+$0xDC00]  }
0x27b: {  	s9 =	sand.u32 $0xFFFFFFF8, s28;
	v2 =	vadd.f32 v3, v2;
	v3 =	vmul.f32 v7, v7  }
0x27c: {  	v49 =	vld [tilespmem:s16+$0xDC10];
	s30 =	sand.u32 $0x7, s28;
	s16 =	sadd.s32 s10, s9  }
0x27d: {  	s8 =	sor.u32 s30, s16;
	v2 =	vadd.f32 v3, v2;
	v3 =	vmul.f32 v47, v47  }
0x27e: {  	s28 =	spop (v2sf);
	s9 =	sadd.s32 s9, s11;
	v50 =	vld [tilespmem:s8+$0x5400]  }
0x27f: {  	s7 =	sor.u32 s30, s9;
	s30 =	sand.u32 $0xFFFFFFF8, s28;
	v2 =	vadd.f32 v3, v2;
	v3 =	vmul.f32 v48, v48  }
0x280: {  	s16 =	sand.u32 $0x7, s28;
	v51 =	vld [tilespmem:s7+$0x5400];
	s10 =	sadd.s32 s10, s30  }
0x281: {  	v52 =	vld [tilespmem:s8+$0x7400];
	s10 =	sor.u32 s16, s10;
	v2 =	vadd.f32 v3, v2;
	v3 =	vmul.f32 v49, v49  }
0x282: {  	v57 =	vmul.f32 v47, v1;
	v55 =	vmul.f32 v48, v5;
	v53 =	vld [tilespmem:s10+$0x9400]  }
0x283: {  	s9 =	sadd.s32 s30, s11;
	v56 =	vld [tilespmem:s10+$0xB400];
	v54 =	vmul.f32 v7, v4;
	v2 =	vadd.f32 v3, v2;
	v3 =	vmul.f32 v50, v50  }
0x284: {  	s28 =	sor.u32 s16, s9;
	v4 =	vmul.f32 v48, v4;
	v5 =	vmul.f32 v7, v5;
	v7 =	vld [tilespmem:s7+$0x7400]  }
0x285: {  	v59 =	vmul.f32 v49, v6;
	v58 =	vld [tilespmem:s28+$0x9400];
	v2 =	vadd.f32 v3, v2;
	v3 =	vmul.f32 v51, v51  }
0x286: {  	v15 =	vsub.f32 v54, v55;
	v4 =	vadd.f32 v4, v5  }
0x287: {  	v5 =	vsub.f32 v57, v59;
	v2 =	vadd.f32 v3, v2;
	v3 =	vmul.f32 v52, v52  }
0x288: {  	v60 =	vld [tilespmem:s28+$0xB400];
	v1 =	vmul.f32 v49, v1;
	v61 =	vsub.f32 v53, v50;
	v62 =	vsub.f32 v56, v52  }
0x289: {  	v6 =	vmul.f32 v47, v6;
	v2 =	vadd.f32 v3, v2;
	v3 =	vmul.f32 v7, v7  }
0x28a: {  	v63 =	vsub.f32 v58, v51;
	v8 =	vmul.f32 v61, v15;
	v4 =	vmul.f32 v62, v4  }
0x28b: {  	v2 =	vadd.f32 v3, v2;
	v3 =	vmul.f32 v53, v53  }
0x28c: {  	v1 =	vadd.f32 v1, v6;
	v5 =	vmul.f32 v63, v5;
	v4 =	vadd.f32 v4, v8  }
0x28d: {  	v6 =	vsub.f32 v60, v7;
	v2 =	vadd.f32 v3, v2;
	v3 =	vmul.f32 v58, v58  }
0x28e: {  	p0 =	sne.s32 s14, $0x3;
	v4 =	vadd.f32 v4, v5  }
.Ltmp1:
0x28f: {  	v1 =	vmul.f32 v6, v1;
	v2 =	vadd.f32 v3, v2;
	v3 =	vmul.f32 v56, v56;
	(pc) =	sbr.rel @p0 .LBB2_5-.Ltmp1, $4  }
0x290: {  	s30 =	sadd.s32 s1, s15  }
0x291: {  	s7 =	sshll.u32 s30, $0x4;
	v1 =	vadd.f32 v4, v1;
	v2 =	vadd.f32 v3, v2;
	v3 =	vmul.f32 v60, v60  }
0x292: {  	s7 =	sand.u32 $0x3FFFFFF0, s7  }
0x293: {  	s14 =	sadd.s32 $0x1, s14;
	[tilespmem:s7+$0xE400] =	vst v1;
	v4 =	vadd.f32 v3, v2  }
0x294: {  	s0 =	sadd.s32 $0x1, s0  }
0x295: {  	p0 =	sne.s32 s0, $0x8  }
.Ltmp2:
0x296: {  	_ = 	snop;
	(pc) =	sbr.rel @p0 .LBB2_4-.Ltmp2, $1  }
0x297: {  	_ =	sdelay $0x3  }
0x298: {  	[tilespmem:$0x10400] =	vst v4;
	s0 =	rddreg [dreg:$0xa];
	s1 =	simm.s32 $0xE400  }
0x299: {  	[hbm4b:s0+s2] =	stream.linear.scatter [tilespmem:s1], [sflag:$0x2], $0x2000, $0x38;
	[tilespmem:$0x10410] =	vst v63  }
0x29a: {  	s31 =	sadd.s32 $0x1, s31;
	_ =	swait.ge [sflag:s29], $0x2000  }
0x29b: {  	p0 =	sne.s32 s31, s13;
	[sflag:s29] =	ssyncset.done $0x0  }
.Ltmp3:
0x29c: {  	s30 =	simm.s32 $0x10400;
	[sflag:s29] =	ssyncadd.s32 $0xFFFFE000;
	(pc) =	sbr.rel @p0 .LBB2_1-.Ltmp3, $4  }
0x29d: {  	[hbm4b:s12+s2] =	stream.linear.scatter [tilespmem:s30], [sflag:$0x2], $0x10, $0x38;
	[tilespmem:$0x10410] =	vst v63  }
0x29e: {  	_ =	swait.ge [sflag:s29], $0x10  }
0x29f: {  	[sflag:s29] =	ssyncset.done $0x0  }
0x2a0: {  	[sflag:s29] =	ssyncadd.s32 $0xFFFFFFF0  }
0x2a1: {  	_ =	sfence.sel $0x180000  }
0x2a2: {  	[bflag:$0x0] =	sbarrier.arrive $0xFFFF  }
0x2a3: {  	_ =	strace $0x90000047  }
0x2a4: {  	s0 =	stileid.u32;
	[bflag:$0x2] =	sbarrier.arrive $0xFFFF  }
0x2a5: {  	p0 =	sne.s32 s0, $0x0;
	s0 =	rddreg [dreg:$0x5]  }
0x2a6: {  	s0 =	sadd.s32 @!p0 $0x100000, s0  }
0x2a7: {  	[sflag:s0] =	ssyncadd.tile.s32 @!p0 $0x1;
	_ =	shalt  }
.Lfunc_end2:
_tile_overlayer_lowered:
.L_overlay_start_2:
0x2a8: {  	(tag) =	ssettag $0x2  }
0x2a9: {  	s0 =	rddreg [dreg:$0x0];
	s2 =	stileid.u32  }
0x2aa: {  	s1 =	rddreg [dreg:$0x1];
	p0 =	sne.s32 s2, $0x0  }
0x2ab: {  	s3 =	rddreg [dreg:$0x2];
	[bflag:$0x3] =	sbarrier.arrive $0xFFFF;
	s2 =	simm.s32 @!p0 $0x1C02  }
0x2ac: {  	[timem:s3], [sflag:s2] =	dma.local @!p0 [hbm:s0], s1  }
0x2ad: {  	s0 =	simm.s32 @!p0 $0x2  }
0x2ae: {  	_ =	swait.ge @!p0 [sflag:s0], s1  }
0x2af: {  	s1 =	ssub.s32 @!p0 $0x0, s1;
	[sflag:s0] =	ssyncset.done @!p0 $0x0  }
0x2b0: {  	[sflag:s0] =	ssyncadd.s32 @!p0 s1  }
0x2b1: {  	[bflag:$0x3] =	sbarrier.arrive $0xFFFF  }
0x2b2: {  	_ =	shalt  }

</sc_bundles>
